<compile_context>
chip_gen: v7x
topology: tpu7x:2x2x1
jax: 0.10.2.dev20260603
libtpu: 0.0.44.dev20260713+nightly
codegen_flags: <defaults>
</compile_context>

<pallas_src>
import functools

import jax
import jax.numpy as jnp
from jax import lax
from jax.experimental import pallas as pl
from jax.experimental.pallas import tpu as pltpu
from jax.experimental.pallas import tpu_sc as plsc

N, E, B = 10000, 320000, 16
EBLK = 512
NBE = E // EBLK
NP = 10240
NBN = NP // 128
NW = 32
EPW = E // NW
GCH = 80
NCH_G = EPW // GCH
DCH = 8000
NCH_D = E // DCH
NODES_PW = NP // NW

NEG_INF = float("-inf")

_sc_mesh = lambda: plsc.VectorSubcoreMesh(
    core_axis_name="c", subcore_axis_name="s")


def _wid():
    return lax.axis_index("s") * 2 + lax.axis_index("c")


def _sc_rel_body(pos_hbm, src_hbm, dst_hbm, rel_hbm, postbl, sidx, didx, rbuf):
    base = _wid() * EPW
    pltpu.sync_copy(pos_hbm, postbl)

    def zgrp(gi, _):
        rbuf[pl.ds(gi * 16, 16)] = jnp.zeros((16,), jnp.float32)
        return 0

    lax.fori_loop(0, (GCH * 8) // 16, zgrp, 0)

    def chunk(ci, _):
        off = base + ci * GCH
        pltpu.sync_copy(src_hbm.at[pl.ds(off, GCH)], sidx)
        pltpu.sync_copy(dst_hbm.at[pl.ds(off, GCH)], didx)

        def grp(gi, _):
            ls = sidx[pl.ds(gi * 16, 16)] * 8
            ld = didx[pl.ds(gi * 16, 16)] * 8
            for k in range(3):
                sv = plsc.load_gather(postbl, [ls + k])
                dv = plsc.load_gather(postbl, [ld + k])
                fidx = jnp.arange(16, dtype=jnp.int32) * 8 + (gi * 128 + k)
                plsc.store_scatter(rbuf, [fidx], sv - dv)
            return 0

        lax.fori_loop(0, GCH // 16, grp, 0)
        pltpu.sync_copy(rbuf, rel_hbm.at[pl.ds(off * 8, GCH * 8)])
        return 0

    lax.fori_loop(0, NCH_G, chunk, 0)


def _sc_rel(posp, src, dst):
    f = functools.partial(
        pl.kernel,
        out_type=jax.ShapeDtypeStruct((E * 8,), jnp.float32),
        mesh=_sc_mesh(),
        compiler_params=pltpu.CompilerParams(needs_layout_passes=False),
        scratch_types=[
            pltpu.VMEM((N * 8,), jnp.float32),
            pltpu.VMEM((GCH,), jnp.int32),
            pltpu.VMEM((GCH,), jnp.int32),
            pltpu.VMEM((GCH * 8,), jnp.float32),
        ],
    )(_sc_rel_body)
    return f(posp, src, dst)


KMASK = (1 << 19) - 1


def _sc_segment_max_body(h_hbm, dst_hbm, x_hbm, iso_hbm,
                         dbuf0, dbuf1, cidx, gidx, hrows0, hrows1, acc,
                         ibuf, dsem0, dsem1, gsem0, gsem1):
    wid = _wid()
    lo = wid * NODES_PW
    hi = lo + NODES_PW

    def initrow(r, _):
        for k in range(8):
            acc[r, pl.ds(k * 16, 16)] = jnp.full((16,), NEG_INF, jnp.float32)
        return 0

    lax.fori_loop(0, NODES_PW, initrow, 0)

    def initcidx(gi, _):
        cidx[pl.ds(gi * 16, 16)] = jnp.zeros((16,), jnp.int32)
        return 0

    lax.fori_loop(0, (DCH + 128) // 16, initcidx, 0)

    dbufs = (dbuf0, dbuf1)
    dsems = (dsem0, dsem1)
    pltpu.async_copy(dst_hbm.at[pl.ds(0, DCH)], dbuf0, dsem0)
    pltpu.async_copy(dst_hbm.at[pl.ds(DCH, DCH)], dbuf1, dsem1)

    def pair(cj, _):
        for b in range(2):
            ci = cj * 2 + b
            eoff = ci * DCH
            dbufb = dbufs[b]
            pltpu.make_async_copy(
                dst_hbm.at[pl.ds(eoff, DCH)], dbufb, dsems[b]).wait()

            def grp(gi, cnt):
                d = dbufb[pl.ds(gi * 16, 16)]
                dl = d - lo
                m = dl.astype(jnp.uint32) < jnp.uint32(NODES_PW)
                eid = jnp.arange(16, dtype=jnp.int32) + (eoff + gi * 16)
                key = (dl << 19) | eid
                plsc.store_compressed(cidx.at[pl.ds(cnt, 16)], key, mask=m)
                return cnt + plsc.all_reduce_population_count(m)[0]

            cnt = lax.fori_loop(0, DCH // 16, grp, 0, unroll=8)

            @pl.when(ci + 2 < NCH_D)
            def _prefetch():
                pltpu.async_copy(
                    dst_hbm.at[pl.ds(eoff + 2 * DCH, DCH)], dbufb, dsems[b])

            npieces = (cnt + 127) // 128

            def conv(gi):
                kv = cidx[pl.ds(gi * 16, 16)]
                gidx[pl.ds(gi * 16, 16)] = kv & KMASK

            plsc.parallel_loop(0, npieces * 8, unroll=8)(conv)

            hbufs = (hrows0, hrows1)
            gsems = (gsem0, gsem1)

            @pl.when(npieces > 0)
            def _fire0():
                pltpu.async_copy(
                    h_hbm.at[gidx.at[pl.ds(0, 128)]], hrows0, gsem0)

            def _rmw_from(pi, hb):
                mj = jnp.minimum(cnt - pi * 128, 128)

                def rmw(j, _):
                    key = cidx[pl.ds(pi * 128 + j, 16)][0]
                    nrow = key >> 19
                    for k in range(8):
                        sl = pl.ds(k * 16, 16)
                        acc[nrow, sl] = jnp.maximum(acc[nrow, sl],
                                                    hb[j, sl])
                    return 0

                lax.fori_loop(0, mj, rmw, 0)

            def piece(pi, _):
                even = (pi & 1) == 0
                for par in range(2):
                    nb = 1 - par

                    @pl.when((pi + 1 < npieces) & (even == (par == 0)))
                    def _fire_next():
                        pltpu.async_copy(
                            h_hbm.at[gidx.at[pl.ds((pi + 1) * 128, 128)]],
                            hbufs[nb], gsems[nb])

                for par in range(2):
                    @pl.when(even == (par == 0))
                    def _drain_rmw():
                        pltpu.make_async_copy(
                            h_hbm.at[gidx.at[pl.ds(pi * 128, 128)]],
                            hbufs[par], gsems[par]).wait()
                        _rmw_from(pi, hbufs[par])

                return 0

            lax.fori_loop(0, npieces, piece, 0)
        return 0

    lax.fori_loop(0, NCH_D // 2, pair, 0)

    def fingrp(gi, _):
        rvec = jnp.arange(16, dtype=jnp.int32) + gi * 16
        vals = plsc.load_gather(acc, [rvec, jnp.zeros((16,), jnp.int32)])
        flags = jnp.where(vals == NEG_INF, 1, 0).astype(jnp.int32)
        ibuf[pl.ds(gi * 16, 16)] = flags
        return 0

    lax.fori_loop(0, NODES_PW // 16, fingrp, 0)

    def finrow(r, _):
        for k in range(8):
            sl = pl.ds(k * 16, 16)
            w = acc[r, sl]
            acc[r, sl] = jnp.where(w == NEG_INF, 0.0, w)
        return 0

    lax.fori_loop(0, NODES_PW, finrow, 0)
    pltpu.sync_copy(acc, x_hbm.at[pl.ds(lo, NODES_PW)])
    pltpu.sync_copy(ibuf, iso_hbm.at[pl.ds(lo, NODES_PW)])


def _sc_segment_max(h, dst):
    f = functools.partial(
        pl.kernel,
        out_type=[jax.ShapeDtypeStruct((NP, 128), jnp.float32),
                  jax.ShapeDtypeStruct((NP,), jnp.int32)],
        mesh=_sc_mesh(),
        compiler_params=pltpu.CompilerParams(needs_layout_passes=False),
        scratch_types=[
            pltpu.VMEM((DCH,), jnp.int32),
            pltpu.VMEM((DCH,), jnp.int32),
            pltpu.VMEM((DCH + 128,), jnp.int32),
            pltpu.VMEM((DCH + 128,), jnp.int32),
            pltpu.VMEM((128, 128), jnp.float32),
            pltpu.VMEM((128, 128), jnp.float32),
            pltpu.VMEM((NODES_PW, 128), jnp.float32),
            pltpu.VMEM((NODES_PW,), jnp.int32),
            pltpu.SemaphoreType.DMA,
            pltpu.SemaphoreType.DMA,
            pltpu.SemaphoreType.DMA,
            pltpu.SemaphoreType.DMA,
        ],
    )(_sc_segment_max_body)
    return f(h, dst)


def _sc_gather_u2_body(u2_hbm, src_hbm, us_hbm, sidx, ubuf, sem):
    base = _wid() * EPW

    def chunk(ci, _):
        off = base + ci * GCH
        pltpu.sync_copy(src_hbm.at[pl.ds(off, GCH)], sidx)
        pltpu.async_copy(u2_hbm.at[sidx], ubuf, sem).wait()
        pltpu.sync_copy(ubuf, us_hbm.at[pl.ds(off, GCH)])
        return 0

    lax.fori_loop(0, NCH_G, chunk, 0)


def _sc_gather_u2(u2, src):
    f = functools.partial(
        pl.kernel,
        out_type=jax.ShapeDtypeStruct((E, 256), jnp.float32),
        mesh=_sc_mesh(),
        compiler_params=pltpu.CompilerParams(needs_layout_passes=False),
        scratch_types=[
            pltpu.VMEM((GCH,), jnp.int32),
            pltpu.VMEM((GCH, 256), jnp.float32),
            pltpu.SemaphoreType.DMA,
        ],
    )(_sc_gather_u2_body)
    return f(u2, src)


def _mlp1_body(rel_ref, w1a_ref, b1a_ref, w1b_ref, b1b_ref, out_ref):
    relb = rel_ref[...]
    t = jnp.dot(relb, w1a_ref[...], preferred_element_type=jnp.float32)
    t = jnp.maximum(t + b1a_ref[...], 0.0)
    h = jnp.dot(t, w1b_ref[...], preferred_element_type=jnp.float32)
    out_ref[...] = h + b1b_ref[...]


def _mlp1(rel, w1a8, b1a, w1b, b1b):
    return pl.pallas_call(
        _mlp1_body,
        grid=(NBE,),
        in_specs=[
            pl.BlockSpec((EBLK, 8), lambda i: (i, 0)),
            pl.BlockSpec((8, 64), lambda i: (0, 0)),
            pl.BlockSpec((1, 64), lambda i: (0, 0)),
            pl.BlockSpec((64, 128), lambda i: (0, 0)),
            pl.BlockSpec((1, 128), lambda i: (0, 0)),
        ],
        out_specs=pl.BlockSpec((EBLK, 128), lambda i: (i, 0)),
        out_shape=jax.ShapeDtypeStruct((E, 128), jnp.float32),
    )(rel, w1a8, b1a, w1b, b1b)


def _tables_body(x_ref, w2ax_ref, b2a_ref, u_ref):
    ub = jnp.dot(x_ref[...], w2ax_ref[...], preferred_element_type=jnp.float32)
    u_ref[...] = ub + b2a_ref[...]


def _tables(xp, w2ax, b2a):
    return pl.pallas_call(
        _tables_body,
        grid=(NBN,),
        in_specs=[
            pl.BlockSpec((128, 128), lambda i: (i, 0)),
            pl.BlockSpec((128, 256), lambda i: (0, 0)),
            pl.BlockSpec((1, 256), lambda i: (0, 0)),
        ],
        out_specs=pl.BlockSpec((128, 256), lambda i: (i, 0)),
        out_shape=jax.ShapeDtypeStruct((NP, 256), jnp.float32),
    )(xp, w2ax, b2a)


def _mlp2_body(us_ref, rel_ref, dst_ref, batch_ref, iso_ref,
               w2ar_ref, w2b_ref, b2b_ref, g_ref):
    i = pl.program_id(0)

    @pl.when(i == 0)
    def _init():
        g_ref[...] = jnp.full((B, 512), NEG_INF, jnp.float32)

    relb = rel_ref[...]
    a = us_ref[...] + jnp.dot(relb, w2ar_ref[...],
                              preferred_element_type=jnp.float32)
    v = jnp.maximum(a, 0.0).astype(jnp.bfloat16)
    h2 = jnp.dot(v, w2b_ref[...].astype(jnp.bfloat16),
                 preferred_element_type=jnp.float32)
    h2 = h2 + b2b_ref[...]
    dst = dst_ref[0]
    batch = batch_ref[...]

    lbl = jnp.zeros_like(dst)
    for b in range(1, B):
        start_b = jnp.sum((batch < b).astype(jnp.int32))
        lbl = lbl + (dst >= start_b).astype(jnp.int32)

    h2b = h2.astype(jnp.bfloat16)
    ninf_b = jnp.asarray(NEG_INF, jnp.bfloat16)
    acc = g_ref[...]
    rows = []
    for b in range(B):
        mb = jnp.max(jnp.where(lbl == b, h2b, ninf_b), axis=0, keepdims=True)
        rows.append(mb.astype(jnp.float32))
    g_ref[...] = jnp.maximum(acc, jnp.concatenate(rows, axis=0))

    @pl.when(i == NBE - 1)
    def _fin():
        iso = iso_ref[...]
        g = g_ref[...]
        floors = []
        for b in range(B):
            has_iso = jnp.sum(iso * (batch == b).astype(jnp.int32)) > 0
            floors.append(jnp.where(has_iso, 0.0, NEG_INF).reshape(1, 1))
        g = jnp.maximum(g, jnp.concatenate(floors, axis=0))
        g_ref[...] = jnp.where(jnp.isfinite(g), g, 0.0)


def _mlp2_pool(us, rel, dst3, batchp, isop, w2ar8, w2b, b2b):
    return pl.pallas_call(
        _mlp2_body,
        grid=(NBE,),
        in_specs=[
            pl.BlockSpec((EBLK, 256), lambda i: (i, 0)),
            pl.BlockSpec((EBLK, 8), lambda i: (i, 0)),
            pl.BlockSpec((1, EBLK, 1), lambda i: (i, 0, 0)),
            pl.BlockSpec((80, 128), lambda i: (0, 0)),
            pl.BlockSpec((80, 128), lambda i: (0, 0)),
            pl.BlockSpec((8, 256), lambda i: (0, 0)),
            pl.BlockSpec((256, 512), lambda i: (0, 0)),
            pl.BlockSpec((1, 512), lambda i: (0, 0)),
        ],
        out_specs=pl.BlockSpec((B, 512), lambda i: (0, 0)),
        out_shape=jax.ShapeDtypeStruct((B, 512), jnp.float32),
    )(us, rel, dst3, batchp, isop, w2ar8, w2b, b2b)


def kernel(pos, edge_index, batch, W1a, b1a, W1b, b1b, W2a, b2a, W2b, b2b):
    src = edge_index[0]
    dst = edge_index[1]

    posp = jnp.zeros((N, 8), jnp.float32).at[:, :3].set(pos).reshape(N * 8)
    w1a8 = jnp.zeros((8, 64), jnp.float32).at[:3].set(W1a)
    w2ar8 = jnp.zeros((8, 256), jnp.float32).at[:3].set(W2a[128:131])

    rel = _sc_rel(posp, src, dst).reshape(E, 8)

    h = _mlp1(rel, w1a8, b1a.reshape(1, 64), W1b, b1b.reshape(1, 128))

    xp, iso = _sc_segment_max(h, dst)

    u2 = _tables(xp, W2a[:128], b2a.reshape(1, 256))

    us = _sc_gather_u2(u2, src)

    batchp = jnp.full((NP,), B, jnp.int32).at[:N].set(batch).reshape(80, 128)
    isop = iso.reshape(80, 128)
    dst3 = dst.reshape(NBE, EBLK, 1)

    return _mlp2_pool(us, rel, dst3, batchp, isop, w2ar8, W2b,
                      b2b.reshape(1, 512))

# --- scband reference (transcript-rebuilt; emitter-appended) ---
"""Pipeline reference for scband-point-net2-encoder-31215822307857 (READ-ONLY COPY).

The authoritative reference and input builder live on the scoring server;
editing this copy changes nothing except your own understanding.
"""

import jax, jax.numpy as jnp
import numpy as np

N, E, B = 10000, 320000, 16

def _lin(k, fan_in, fan_out):
    return jax.random.normal(k, (fan_in, fan_out), dtype=jnp.float32) * (1.0 / np.sqrt(fan_in))

def setup_inputs(seed: int = 0):
    key = jax.random.key(seed)
    ks = jax.random.split(key, 12)
    pos = jax.random.normal(ks[0], (N, 3), dtype=jnp.float32)
    edge_index = jax.random.randint(ks[1], (2, E), 0, N, dtype=jnp.int32)
    batch = jnp.sort(jax.random.randint(ks[2], (N,), 0, B, dtype=jnp.int32))
    W1a = _lin(ks[3], 3, 64)
    b1a = jax.random.normal(ks[4], (64,), dtype=jnp.float32) * 0.01
    W1b = _lin(ks[5], 64, 128)
    b1b = jax.random.normal(ks[6], (128,), dtype=jnp.float32) * 0.01
    W2a = _lin(ks[7], 131, 256)
    b2a = jax.random.normal(ks[8], (256,), dtype=jnp.float32) * 0.01
    W2b = _lin(ks[9], 256, 512)
    b2b = jax.random.normal(ks[10], (512,), dtype=jnp.float32) * 0.01
    return {"pos": pos, "edge_index": edge_index, "batch": batch,
            "W1a": W1a, "b1a": b1a, "W1b": W1b, "b1b": b1b,
            "W2a": W2a, "b2a": b2a, "W2b": W2b, "b2b": b2b}

def reference(pos, edge_index, batch, W1a, b1a, W1b, b1b, W2a, b2a, W2b, b2b):
    src = edge_index[0]
    dst = edge_index[1]
    # sa1: PointNetConv with x=None -> message = local_nn(pos_j - pos_i), max-aggregated per dst node
    rel = pos[src] - pos[dst]
    h = jnp.maximum(rel @ W1a + b1a, 0.0) @ W1b + b1b
    x = jax.ops.segment_max(h, dst, num_segments=N)
    x = jnp.where(jnp.isfinite(x), x, 0.0)
    # sa2: message = local_nn(concat([x_j, pos_j - pos_i])), max-aggregated
    m = jnp.concatenate([x[src], rel], axis=1)
    h2 = jnp.maximum(m @ W2a + b2a, 0.0) @ W2b + b2b
    x2 = jax.ops.segment_max(h2, dst, num_segments=N)
    x2 = jnp.where(jnp.isfinite(x2), x2, 0.0)
    # global_max_pool over batch assignment
    g = jax.ops.segment_max(x2, batch, num_segments=B)
    g = jnp.where(jnp.isfinite(g), g, 0.0)
    return g

if __name__ == "__main__":
    import jax
    _d = setup_inputs()
    print(jax.jit(kernel)(*tuple(_d.values())))

</pallas_src>

<mosaic_0001>
#map = affine_map<(d0, d1) -> (0, 0)>
#map1 = affine_map<(d0, d1) -> (0)>
module attributes {stable_mosaic.version = 14 : i64} {
  func.func @_sc_gather_u2_body(%arg0: i32, %arg1: i32, %arg2: memref<10240x256xf32, #tpu.memory_space<hbm>>, %arg3: memref<320000xi32, #tpu.memory_space<hbm>>, %arg4: memref<320000x256xf32, #tpu.memory_space<hbm>>, %arg5: memref<80xi32, #tpu.memory_space<vmem>>, %arg6: memref<80x256xf32, #tpu.memory_space<vmem>>, %arg7: memref<!tpu.dma_semaphore, #tpu.memory_space<semaphore_mem>>) attributes {dimension_semantics = [#tpu.dimension_semantics<core_parallel>, #tpu.dimension_semantics<subcore_parallel>], iteration_bounds = array<i64: 2, 16>, scalar_prefetch = 0 : i64, scratch_operands = 3 : i64, tpu.core_type = #tpu.core_type<sc_vector_subcore>, window_params = [{transform_indices = #map}, {transform_indices = #map1}, {transform_indices = #map}]} {
    %mul3A = arith.constant 2 : i32
    %mul3A_0 = arith.muli %arg1, %mul3A : i32
    %add3A = arith.addi %mul3A_0, %arg0 : i32
    %mul3A_1 = arith.constant 10000 : i32
    %mul3A_2 = arith.muli %add3A, %mul3A_1 : i32
    %scan3A = arith.constant 0 : i32
    %scan3A_3 = arith.constant 0 : i32
    %scan3A_4 = arith.constant 125 : i32
    %scan3A_5 = arith.addi %scan3A_3, %scan3A_4 : i32
    %scan3A_6 = arith.constant 1 : i32
    %scan3A_7 = scf.for %scan3A_9 = %scan3A_3 to %scan3A_5 step %scan3A_6 iter_args(%scan3A_10 = %scan3A) -> (i32)  : i32 {
      %mul3A_11 = arith.constant 80 : i32
      %mul3A_12 = arith.muli %scan3A_9, %mul3A_11 : i32
      %add3A_13 = arith.addi %mul3A_2, %mul3A_12 : i32
      "tpu.region"() ({
        %run_scoped3A = tpu.sem_alloc : memref<!tpu.dma_semaphore, #tpu.memory_space<semaphore_mem>>
        %dma_start3A_19 = tpu.memref_slice %arg3[%add3A_13] : memref<320000xi32, #tpu.memory_space<hbm>> -> memref<80xi32, #tpu.memory_space<hbm>>
        %dma_start3A_20 = tpu.memref_slice %arg3[%add3A_13] : memref<320000xi32, #tpu.memory_space<hbm>> -> memref<80xi32, #tpu.memory_space<hbm>>
        tpu.enqueue_dma source(%dma_start3A_20 : memref<80xi32, #tpu.memory_space<hbm>>) target(%arg5 : memref<80xi32, #tpu.memory_space<vmem>>) target_semaphore(%run_scoped3A : memref<!tpu.dma_semaphore, #tpu.memory_space<semaphore_mem>>)
        %dma_wait3A_21 = tpu.memref_slice %arg3[%add3A_13] : memref<320000xi32, #tpu.memory_space<hbm>> -> memref<80xi32, #tpu.memory_space<hbm>>
        %dma_wait3A_22 = tpu.memref_slice %arg3[%add3A_13] : memref<320000xi32, #tpu.memory_space<hbm>> -> memref<80xi32, #tpu.memory_space<hbm>>
        tpu.wait_dma2 semaphore(%run_scoped3A : memref<!tpu.dma_semaphore, #tpu.memory_space<semaphore_mem>>) src(%dma_wait3A_22 : memref<80xi32, #tpu.memory_space<hbm>>) dst(%arg5 : memref<80xi32, #tpu.memory_space<vmem>>)
        tpu.yield
      }) : () -> ()
      %dma_start3A = arith.constant 0 : i32
      %dma_start3A_14 = arith.constant 0 : i32
      %dma_start3A_15 = tpu.memref_slice %arg2[%dma_start3A, %dma_start3A_14] : memref<10240x256xf32, #tpu.memory_space<hbm>> -> memref<10240x256xf32, #tpu.memory_space<hbm>>
      tpu.enqueue_indirect_dma source(%dma_start3A_15 : memref<10240x256xf32, #tpu.memory_space<hbm>>) target(%arg6 : memref<80x256xf32, #tpu.memory_space<vmem>>) offsets(%arg5 : memref<80xi32, #tpu.memory_space<vmem>>) semaphore(%arg7 : memref<!tpu.dma_semaphore, #tpu.memory_space<semaphore_mem>>)
      %dma_wait3A = arith.constant 0 : i32
      %dma_wait3A_16 = arith.constant 0 : i32
      %dma_wait3A_17 = tpu.memref_slice %arg2[%dma_wait3A, %dma_wait3A_16] : memref<10240x256xf32, #tpu.memory_space<hbm>> -> memref<10240x256xf32, #tpu.memory_space<hbm>>
      tpu.wait_indirect_dma semaphore(%arg7 : memref<!tpu.dma_semaphore, #tpu.memory_space<semaphore_mem>>) src(%dma_wait3A_17 : memref<10240x256xf32, #tpu.memory_space<hbm>>) dst(%arg6 : memref<80x256xf32, #tpu.memory_space<vmem>>)
      "tpu.region"() ({
        %run_scoped3A = tpu.sem_alloc : memref<!tpu.dma_semaphore, #tpu.memory_space<semaphore_mem>>
        %dma_start3A_19 = arith.constant 0 : i32
        %dma_start3A_20 = tpu.memref_slice %arg4[%add3A_13, %dma_start3A_19] : memref<320000x256xf32, #tpu.memory_space<hbm>> -> memref<80x256xf32, #tpu.memory_space<hbm>>
        %dma_start3A_21 = arith.constant 0 : i32
        %dma_start3A_22 = tpu.memref_slice %arg4[%add3A_13, %dma_start3A_21] : memref<320000x256xf32, #tpu.memory_space<hbm>> -> memref<80x256xf32, #tpu.memory_space<hbm>>
        tpu.enqueue_dma source(%arg6 : memref<80x256xf32, #tpu.memory_space<vmem>>) target(%dma_start3A_22 : memref<80x256xf32, #tpu.memory_space<hbm>>) target_semaphore(%run_scoped3A : memref<!tpu.dma_semaphore, #tpu.memory_space<semaphore_mem>>)
        %dma_wait3A_23 = arith.constant 0 : i32
        %dma_wait3A_24 = tpu.memref_slice %arg4[%add3A_13, %dma_wait3A_23] : memref<320000x256xf32, #tpu.memory_space<hbm>> -> memref<80x256xf32, #tpu.memory_space<hbm>>
        %dma_wait3A_25 = arith.constant 0 : i32
        %dma_wait3A_26 = tpu.memref_slice %arg4[%add3A_13, %dma_wait3A_25] : memref<320000x256xf32, #tpu.memory_space<hbm>> -> memref<80x256xf32, #tpu.memory_space<hbm>>
        tpu.wait_dma2 semaphore(%run_scoped3A : memref<!tpu.dma_semaphore, #tpu.memory_space<semaphore_mem>>) src(%arg6 : memref<80x256xf32, #tpu.memory_space<vmem>>) dst(%dma_wait3A_26 : memref<80x256xf32, #tpu.memory_space<hbm>>)
        tpu.yield
      }) : () -> ()
      %scan3A_18 = arith.constant 0 : i32
      scf.yield %scan3A_18 : i32
    }
    %scan3A_8 = arith.constant 125 : i32
    return
  }
}

#map = affine_map<(d0, d1) -> (0)>
module attributes {stable_mosaic.version = 14 : i64} {
  func.func @_sc_rel_body(%arg0: i32, %arg1: i32, %arg2: memref<80000xf32, #tpu.memory_space<hbm>>, %arg3: memref<320000xi32, #tpu.memory_space<hbm>>, %arg4: memref<320000xi32, #tpu.memory_space<hbm>>, %arg5: memref<2560000xf32, #tpu.memory_space<hbm>>, %arg6: memref<80000xf32, #tpu.memory_space<vmem>>, %arg7: memref<80xi32, #tpu.memory_space<vmem>>, %arg8: memref<80xi32, #tpu.memory_space<vmem>>, %arg9: memref<640xf32, #tpu.memory_space<vmem>>) attributes {dimension_semantics = [#tpu.dimension_semantics<core_parallel>, #tpu.dimension_semantics<subcore_parallel>], iteration_bounds = array<i64: 2, 16>, scalar_prefetch = 0 : i64, scratch_operands = 4 : i64, tpu.core_type = #tpu.core_type<sc_vector_subcore>, window_params = [{transform_indices = #map}, {transform_indices = #map}, {transform_indices = #map}, {transform_indices = #map}]} {
    %mul3A = arith.constant 2 : i32
    %mul3A_0 = arith.muli %arg1, %mul3A : i32
    %add3A = arith.addi %mul3A_0, %arg0 : i32
    %mul3A_1 = arith.constant 10000 : i32
    %mul3A_2 = arith.muli %add3A, %mul3A_1 : i32
    "tpu.region"() ({
      %run_scoped3A = tpu.sem_alloc : memref<!tpu.dma_semaphore, #tpu.memory_space<semaphore_mem>>
      tpu.enqueue_dma source(%arg2 : memref<80000xf32, #tpu.memory_space<hbm>>) target(%arg6 : memref<80000xf32, #tpu.memory_space<vmem>>) target_semaphore(%run_scoped3A : memref<!tpu.dma_semaphore, #tpu.memory_space<semaphore_mem>>)
      tpu.wait_dma2 semaphore(%run_scoped3A : memref<!tpu.dma_semaphore, #tpu.memory_space<semaphore_mem>>) src(%arg2 : memref<80000xf32, #tpu.memory_space<hbm>>) dst(%arg6 : memref<80000xf32, #tpu.memory_space<vmem>>)
      tpu.yield
    }) : () -> ()
    %scan3A = arith.constant 0 : i32
    %scan3A_3 = arith.constant 0 : i32
    %scan3A_4 = arith.constant 40 : i32
    %scan3A_5 = arith.addi %scan3A_3, %scan3A_4 : i32
    %scan3A_6 = arith.constant 1 : i32
    %scan3A_7 = scf.for %scan3A_16 = %scan3A_3 to %scan3A_5 step %scan3A_6 iter_args(%scan3A_17 = %scan3A) -> (i32)  : i32 {
      %broadcast_in_dim3A = arith.constant 0.000000e+00 : f32
      %broadcast_in_dim3A_18 = vector.broadcast %broadcast_in_dim3A : f32 to vector<16xf32>
      %mul3A_19 = arith.constant 16 : i32
      %mul3A_20 = arith.muli %scan3A_16, %mul3A_19 : i32
      %swap3A = arith.index_cast %mul3A_20 : i32 to index
      %swap3A_21 = tpu.vector_load %arg9[%swap3A] {strides = array<i32>} : memref<640xf32, #tpu.memory_space<vmem>>, vector<16xf32>,
      tpu.vector_store %arg9[%swap3A], %broadcast_in_dim3A_18 {strides = array<i32>} : memref<640xf32, #tpu.memory_space<vmem>>, vector<16xf32>,
      %scan3A_22 = arith.constant 0 : i32
      scf.yield %scan3A_22 : i32
    }
    %scan3A_8 = arith.constant 40 : i32
    %scan3A_9 = arith.constant 0 : i32
    %scan3A_10 = arith.constant 0 : i32
    %scan3A_11 = arith.constant 125 : i32
    %scan3A_12 = arith.addi %scan3A_10, %scan3A_11 : i32
    %scan3A_13 = arith.constant 1 : i32
    %scan3A_14 = scf.for %scan3A_16 = %scan3A_10 to %scan3A_12 step %scan3A_13 iter_args(%scan3A_17 = %scan3A_9) -> (i32)  : i32 {
      %mul3A_18 = arith.constant 80 : i32
      %mul3A_19 = arith.muli %scan3A_16, %mul3A_18 : i32
      %add3A_20 = arith.addi %mul3A_2, %mul3A_19 : i32
      "tpu.region"() ({
        %run_scoped3A = tpu.sem_alloc : memref<!tpu.dma_semaphore, #tpu.memory_space<semaphore_mem>>
        %dma_start3A = tpu.memref_slice %arg3[%add3A_20] : memref<320000xi32, #tpu.memory_space<hbm>> -> memref<80xi32, #tpu.memory_space<hbm>>
        %dma_start3A_31 = tpu.memref_slice %arg3[%add3A_20] : memref<320000xi32, #tpu.memory_space<hbm>> -> memref<80xi32, #tpu.memory_space<hbm>>
        tpu.enqueue_dma source(%dma_start3A_31 : memref<80xi32, #tpu.memory_space<hbm>>) target(%arg7 : memref<80xi32, #tpu.memory_space<vmem>>) target_semaphore(%run_scoped3A : memref<!tpu.dma_semaphore, #tpu.memory_space<semaphore_mem>>)
        %dma_wait3A = tpu.memref_slice %arg3[%add3A_20] : memref<320000xi32, #tpu.memory_space<hbm>> -> memref<80xi32, #tpu.memory_space<hbm>>
        %dma_wait3A_32 = tpu.memref_slice %arg3[%add3A_20] : memref<320000xi32, #tpu.memory_space<hbm>> -> memref<80xi32, #tpu.memory_space<hbm>>
        tpu.wait_dma2 semaphore(%run_scoped3A : memref<!tpu.dma_semaphore, #tpu.memory_space<semaphore_mem>>) src(%dma_wait3A_32 : memref<80xi32, #tpu.memory_space<hbm>>) dst(%arg7 : memref<80xi32, #tpu.memory_space<vmem>>)
        tpu.yield
      }) : () -> ()
      "tpu.region"() ({
        %run_scoped3A = tpu.sem_alloc : memref<!tpu.dma_semaphore, #tpu.memory_space<semaphore_mem>>
        %dma_start3A = tpu.memref_slice %arg4[%add3A_20] : memref<320000xi32, #tpu.memory_space<hbm>> -> memref<80xi32, #tpu.memory_space<hbm>>
        %dma_start3A_31 = tpu.memref_slice %arg4[%add3A_20] : memref<320000xi32, #tpu.memory_space<hbm>> -> memref<80xi32, #tpu.memory_space<hbm>>
        tpu.enqueue_dma source(%dma_start3A_31 : memref<80xi32, #tpu.memory_space<hbm>>) target(%arg8 : memref<80xi32, #tpu.memory_space<vmem>>) target_semaphore(%run_scoped3A : memref<!tpu.dma_semaphore, #tpu.memory_space<semaphore_mem>>)
        %dma_wait3A = tpu.memref_slice %arg4[%add3A_20] : memref<320000xi32, #tpu.memory_space<hbm>> -> memref<80xi32, #tpu.memory_space<hbm>>
        %dma_wait3A_32 = tpu.memref_slice %arg4[%add3A_20] : memref<320000xi32, #tpu.memory_space<hbm>> -> memref<80xi32, #tpu.memory_space<hbm>>
        tpu.wait_dma2 semaphore(%run_scoped3A : memref<!tpu.dma_semaphore, #tpu.memory_space<semaphore_mem>>) src(%dma_wait3A_32 : memref<80xi32, #tpu.memory_space<hbm>>) dst(%arg8 : memref<80xi32, #tpu.memory_space<vmem>>)
        tpu.yield
      }) : () -> ()
      %scan3A_21 = arith.constant 0 : i32
      %scan3A_22 = arith.constant 0 : i32
      %scan3A_23 = arith.constant 5 : i32
      %scan3A_24 = arith.addi %scan3A_22, %scan3A_23 : i32
      %scan3A_25 = arith.constant 1 : i32
      %scan3A_26 = scf.for %scan3A_31 = %scan3A_22 to %scan3A_24 step %scan3A_25 iter_args(%scan3A_32 = %scan3A_21) -> (i32)  : i32 {
        %mul3A_33 = arith.constant 16 : i32
        %mul3A_34 = arith.muli %scan3A_31, %mul3A_33 : i32
        %get3A = arith.index_cast %mul3A_34 : i32 to index
        %get3A_35 = tpu.vector_load %arg7[%get3A] {strides = array<i32>} : memref<80xi32, #tpu.memory_space<vmem>>, vector<16xi32>,
        %mul3A_36 = arith.constant 8 : i32
        %mul3A_37 = vector.broadcast %mul3A_36 : i32 to vector<16xi32>
        %mul3A_38 = arith.muli %get3A_35, %mul3A_37 : vector<16xi32>
        %mul3A_39 = arith.constant 16 : i32
        %mul3A_40 = arith.muli %scan3A_31, %mul3A_39 : i32
        %get3A_41 = arith.index_cast %mul3A_40 : i32 to index
        %get3A_42 = tpu.vector_load %arg8[%get3A_41] {strides = array<i32>} : memref<80xi32, #tpu.memory_space<vmem>>, vector<16xi32>,
        %mul3A_43 = arith.constant 8 : i32
        %mul3A_44 = vector.broadcast %mul3A_43 : i32 to vector<16xi32>
        %mul3A_45 = arith.muli %get3A_42, %mul3A_44 : vector<16xi32>
        %add3A_46 = arith.constant 0 : i32
        %add3A_47 = vector.broadcast %add3A_46 : i32 to vector<16xi32>
        %add3A_48 = arith.addi %mul3A_38, %add3A_47 : vector<16xi32>
        %gather3A = tpu.vector_load_idx %arg6[%add3A_48] : memref<80000xf32, #tpu.memory_space<vmem>>[vector<16xi32>], vector<16xf32>,
        %add3A_49 = arith.constant 0 : i32
        %add3A_50 = vector.broadcast %add3A_49 : i32 to vector<16xi32>
        %add3A_51 = arith.addi %mul3A_45, %add3A_50 : vector<16xi32>
        %gather3A_52 = tpu.vector_load_idx %arg6[%add3A_51] : memref<80000xf32, #tpu.memory_space<vmem>>[vector<16xi32>], vector<16xf32>,
        %iota3A = tpu.iota {dimensions = array<i32: 0>} : vector<16xi32>
        %mul3A_53 = arith.constant 8 : i32
        %mul3A_54 = vector.broadcast %mul3A_53 : i32 to vector<16xi32>
        %mul3A_55 = arith.muli %iota3A, %mul3A_54 : vector<16xi32>
        %mul3A_56 = arith.constant 128 : i32
        %mul3A_57 = arith.muli %scan3A_31, %mul3A_56 : i32
        %add3A_58 = arith.constant 0 : i32
        %add3A_59 = arith.addi %mul3A_57, %add3A_58 : i32
        %add3A_60 = vector.broadcast %add3A_59 : i32 to vector<16xi32>
        %add3A_61 = arith.addi %mul3A_55, %add3A_60 : vector<16xi32>
        %sub3A = arith.subf %gather3A, %gather3A_52 : vector<16xf32>
        tpu.vector_store_idx %arg9[%add3A_61], %sub3A : memref<640xf32, #tpu.memory_space<vmem>>[vector<16xi32>], vector<16xf32>,
        %add3A_62 = arith.constant 1 : i32
        %add3A_63 = vector.broadcast %add3A_62 : i32 to vector<16xi32>
        %add3A_64 = arith.addi %mul3A_38, %add3A_63 : vector<16xi32>
        %gather3A_65 = tpu.vector_load_idx %arg6[%add3A_64] : memref<80000xf32, #tpu.memory_space<vmem>>[vector<16xi32>], vector<16xf32>,
        %add3A_66 = arith.constant 1 : i32
        %add3A_67 = vector.broadcast %add3A_66 : i32 to vector<16xi32>
        %add3A_68 = arith.addi %mul3A_45, %add3A_67 : vector<16xi32>
        %gather3A_69 = tpu.vector_load_idx %arg6[%add3A_68] : memref<80000xf32, #tpu.memory_space<vmem>>[vector<16xi32>], vector<16xf32>,
        %iota3A_70 = tpu.iota {dimensions = array<i32: 0>} : vector<16xi32>
        %mul3A_71 = arith.constant 8 : i32
        %mul3A_72 = vector.broadcast %mul3A_71 : i32 to vector<16xi32>
        %mul3A_73 = arith.muli %iota3A_70, %mul3A_72 : vector<16xi32>
        %mul3A_74 = arith.constant 128 : i32
        %mul3A_75 = arith.muli %scan3A_31, %mul3A_74 : i32
        %add3A_76 = arith.constant 1 : i32
        %add3A_77 = arith.addi %mul3A_75, %add3A_76 : i32
        %add3A_78 = vector.broadcast %add3A_77 : i32 to vector<16xi32>
        %add3A_79 = arith.addi %mul3A_73, %add3A_78 : vector<16xi32>
        %sub3A_80 = arith.subf %gather3A_65, %gather3A_69 : vector<16xf32>
        tpu.vector_store_idx %arg9[%add3A_79], %sub3A_80 : memref<640xf32, #tpu.memory_space<vmem>>[vector<16xi32>], vector<16xf32>,
        %add3A_81 = arith.constant 2 : i32
        %add3A_82 = vector.broadcast %add3A_81 : i32 to vector<16xi32>
        %add3A_83 = arith.addi %mul3A_38, %add3A_82 : vector<16xi32>
        %gather3A_84 = tpu.vector_load_idx %arg6[%add3A_83] : memref<80000xf32, #tpu.memory_space<vmem>>[vector<16xi32>], vector<16xf32>,
        %add3A_85 = arith.constant 2 : i32
        %add3A_86 = vector.broadcast %add3A_85 : i32 to vector<16xi32>
        %add3A_87 = arith.addi %mul3A_45, %add3A_86 : vector<16xi32>
        %gather3A_88 = tpu.vector_load_idx %arg6[%add3A_87] : memref<80000xf32, #tpu.memory_space<vmem>>[vector<16xi32>], vector<16xf32>,
        %iota3A_89 = tpu.iota {dimensions = array<i32: 0>} : vector<16xi32>
        %mul3A_90 = arith.constant 8 : i32
        %mul3A_91 = vector.broadcast %mul3A_90 : i32 to vector<16xi32>
        %mul3A_92 = arith.muli %iota3A_89, %mul3A_91 : vector<16xi32>
        %mul3A_93 = arith.constant 128 : i32
        %mul3A_94 = arith.muli %scan3A_31, %mul3A_93 : i32
        %add3A_95 = arith.constant 2 : i32
        %add3A_96 = arith.addi %mul3A_94, %add3A_95 : i32
        %add3A_97 = vector.broadcast %add3A_96 : i32 to vector<16xi32>
        %add3A_98 = arith.addi %mul3A_92, %add3A_97 : vector<16xi32>
        %sub3A_99 = arith.subf %gather3A_84, %gather3A_88 : vector<16xf32>
        tpu.vector_store_idx %arg9[%add3A_98], %sub3A_99 : memref<640xf32, #tpu.memory_space<vmem>>[vector<16xi32>], vector<16xf32>,
        %scan3A_100 = arith.constant 0 : i32
        scf.yield %scan3A_100 : i32
      }
      %scan3A_27 = arith.constant 5 : i32
      %mul3A_28 = arith.constant 8 : i32
      %mul3A_29 = arith.muli %add3A_20, %mul3A_28 : i32
      "tpu.region"() ({
        %run_scoped3A = tpu.sem_alloc : memref<!tpu.dma_semaphore, #tpu.memory_space<semaphore_mem>>
        %dma_start3A = tpu.memref_slice %arg5[%mul3A_29] : memref<2560000xf32, #tpu.memory_space<hbm>> -> memref<640xf32, #tpu.memory_space<hbm>>
        %dma_start3A_31 = tpu.memref_slice %arg5[%mul3A_29] : memref<2560000xf32, #tpu.memory_space<hbm>> -> memref<640xf32, #tpu.memory_space<hbm>>
        tpu.enqueue_dma source(%arg9 : memref<640xf32, #tpu.memory_space<vmem>>) target(%dma_start3A_31 : memref<640xf32, #tpu.memory_space<hbm>>) target_semaphore(%run_scoped3A : memref<!tpu.dma_semaphore, #tpu.memory_space<semaphore_mem>>)
        %dma_wait3A = tpu.memref_slice %arg5[%mul3A_29] : memref<2560000xf32, #tpu.memory_space<hbm>> -> memref<640xf32, #tpu.memory_space<hbm>>
        %dma_wait3A_32 = tpu.memref_slice %arg5[%mul3A_29] : memref<2560000xf32, #tpu.memory_space<hbm>> -> memref<640xf32, #tpu.memory_space<hbm>>
        tpu.wait_dma2 semaphore(%run_scoped3A : memref<!tpu.dma_semaphore, #tpu.memory_space<semaphore_mem>>) src(%arg9 : memref<640xf32, #tpu.memory_space<vmem>>) dst(%dma_wait3A_32 : memref<640xf32, #tpu.memory_space<hbm>>)
        tpu.yield
      }) : () -> ()
      %scan3A_30 = arith.constant 0 : i32
      scf.yield %scan3A_30 : i32
    }
    %scan3A_15 = arith.constant 125 : i32
    return
  }
}

#map = affine_map<(d0, d1) -> (0, 0)>
#map1 = affine_map<(d0, d1) -> (0)>
module attributes {stable_mosaic.version = 14 : i64} {
  func.func @_sc_segment_max_body(%arg0: i32, %arg1: i32, %arg2: memref<320000x128xf32, #tpu.memory_space<hbm>>, %arg3: memref<320000xi32, #tpu.memory_space<hbm>>, %arg4: memref<10240x128xf32, #tpu.memory_space<hbm>>, %arg5: memref<10240xi32, #tpu.memory_space<hbm>>, %arg6: memref<8000xi32, #tpu.memory_space<vmem>>, %arg7: memref<8000xi32, #tpu.memory_space<vmem>>, %arg8: memref<8128xi32, #tpu.memory_space<vmem>>, %arg9: memref<8128xi32, #tpu.memory_space<vmem>>, %arg10: memref<128x128xf32, #tpu.memory_space<vmem>>, %arg11: memref<128x128xf32, #tpu.memory_space<vmem>>, %arg12: memref<320x128xf32, #tpu.memory_space<vmem>>, %arg13: memref<320xi32, #tpu.memory_space<vmem>>, %arg14: memref<!tpu.dma_semaphore, #tpu.memory_space<semaphore_mem>>, %arg15: memref<!tpu.dma_semaphore, #tpu.memory_space<semaphore_mem>>, %arg16: memref<!tpu.dma_semaphore, #tpu.memory_space<semaphore_mem>>, %arg17: memref<!tpu.dma_semaphore, #tpu.memory_space<semaphore_mem>>) attributes {dimension_semantics = [#tpu.dimension_semantics<core_parallel>, #tpu.dimension_semantics<subcore_parallel>], iteration_bounds = array<i64: 2, 16>, scalar_prefetch = 0 : i64, scratch_operands = 12 : i64, tpu.core_type = #tpu.core_type<sc_vector_subcore>, window_params = [{transform_indices = #map}, {transform_indices = #map1}, {transform_indices = #map}, {transform_indices = #map1}]} {
    %mul3A = arith.constant 2 : i32
    %mul3A_0 = arith.muli %arg1, %mul3A : i32
    %add3A = arith.addi %mul3A_0, %arg0 : i32
    %mul3A_1 = arith.constant 320 : i32
    %mul3A_2 = arith.muli %add3A, %mul3A_1 : i32
    %add3A_3 = arith.constant 320 : i32
    %add3A_4 = arith.addi %mul3A_2, %add3A_3 : i32
    %scan3A = arith.constant 0 : i32
    %scan3A_5 = arith.constant 0 : i32
    %scan3A_6 = arith.constant 320 : i32
    %scan3A_7 = arith.addi %scan3A_5, %scan3A_6 : i32
    %scan3A_8 = arith.constant 1 : i32
    %scan3A_9 = scf.for %scan3A_46 = %scan3A_5 to %scan3A_7 step %scan3A_8 iter_args(%scan3A_47 = %scan3A) -> (i32)  : i32 {
      %broadcast_in_dim3A = arith.constant 0xFF800000 : f32
      %broadcast_in_dim3A_48 = vector.broadcast %broadcast_in_dim3A : f32 to vector<16xf32>
      %swap3A = arith.index_cast %scan3A_46 : i32 to index
      %swap3A_49 = arith.constant 0 : index
      %swap3A_50 = tpu.vector_load %arg12[%swap3A, %swap3A_49] {strides = array<i32>} : memref<320x128xf32, #tpu.memory_space<vmem>>, vector<16xf32>,
      tpu.vector_store %arg12[%swap3A, %swap3A_49], %broadcast_in_dim3A_48 {strides = array<i32>} : memref<320x128xf32, #tpu.memory_space<vmem>>, vector<16xf32>,
      %broadcast_in_dim3A_51 = arith.constant 0xFF800000 : f32
      %broadcast_in_dim3A_52 = vector.broadcast %broadcast_in_dim3A_51 : f32 to vector<16xf32>
      %swap3A_53 = arith.index_cast %scan3A_46 : i32 to index
      %swap3A_54 = arith.constant 16 : index
      %swap3A_55 = tpu.vector_load %arg12[%swap3A_53, %swap3A_54] {strides = array<i32>} : memref<320x128xf32, #tpu.memory_space<vmem>>, vector<16xf32>,
      tpu.vector_store %arg12[%swap3A_53, %swap3A_54], %broadcast_in_dim3A_52 {strides = array<i32>} : memref<320x128xf32, #tpu.memory_space<vmem>>, vector<16xf32>,
      %broadcast_in_dim3A_56 = arith.constant 0xFF800000 : f32
      %broadcast_in_dim3A_57 = vector.broadcast %broadcast_in_dim3A_56 : f32 to vector<16xf32>
      %swap3A_58 = arith.index_cast %scan3A_46 : i32 to index
      %swap3A_59 = arith.constant 32 : index
      %swap3A_60 = tpu.vector_load %arg12[%swap3A_58, %swap3A_59] {strides = array<i32>} : memref<320x128xf32, #tpu.memory_space<vmem>>, vector<16xf32>,
      tpu.vector_store %arg12[%swap3A_58, %swap3A_59], %broadcast_in_dim3A_57 {strides = array<i32>} : memref<320x128xf32, #tpu.memory_space<vmem>>, vector<16xf32>,
      %broadcast_in_dim3A_61 = arith.constant 0xFF800000 : f32
      %broadcast_in_dim3A_62 = vector.broadcast %broadcast_in_dim3A_61 : f32 to vector<16xf32>
      %swap3A_63 = arith.index_cast %scan3A_46 : i32 to index
      %swap3A_64 = arith.constant 48 : index
      %swap3A_65 = tpu.vector_load %arg12[%swap3A_63, %swap3A_64] {strides = array<i32>} : memref<320x128xf32, #tpu.memory_space<vmem>>, vector<16xf32>,
      tpu.vector_store %arg12[%swap3A_63, %swap3A_64], %broadcast_in_dim3A_62 {strides = array<i32>} : memref<320x128xf32, #tpu.memory_space<vmem>>, vector<16xf32>,
      %broadcast_in_dim3A_66 = arith.constant 0xFF800000 : f32
      %broadcast_in_dim3A_67 = vector.broadcast %broadcast_in_dim3A_66 : f32 to vector<16xf32>
      %swap3A_68 = arith.index_cast %scan3A_46 : i32 to index
      %swap3A_69 = arith.constant 64 : index
      %swap3A_70 = tpu.vector_load %arg12[%swap3A_68, %swap3A_69] {strides = array<i32>} : memref<320x128xf32, #tpu.memory_space<vmem>>, vector<16xf32>,
      tpu.vector_store %arg12[%swap3A_68, %swap3A_69], %broadcast_in_dim3A_67 {strides = array<i32>} : memref<320x128xf32, #tpu.memory_space<vmem>>, vector<16xf32>,
      %broadcast_in_dim3A_71 = arith.constant 0xFF800000 : f32
      %broadcast_in_dim3A_72 = vector.broadcast %broadcast_in_dim3A_71 : f32 to vector<16xf32>
      %swap3A_73 = arith.index_cast %scan3A_46 : i32 to index
      %swap3A_74 = arith.constant 80 : index
      %swap3A_75 = tpu.vector_load %arg12[%swap3A_73, %swap3A_74] {strides = array<i32>} : memref<320x128xf32, #tpu.memory_space<vmem>>, vector<16xf32>,
      tpu.vector_store %arg12[%swap3A_73, %swap3A_74], %broadcast_in_dim3A_72 {strides = array<i32>} : memref<320x128xf32, #tpu.memory_space<vmem>>, vector<16xf32>,
      %broadcast_in_dim3A_76 = arith.constant 0xFF800000 : f32
      %broadcast_in_dim3A_77 = vector.broadcast %broadcast_in_dim3A_76 : f32 to vector<16xf32>
      %swap3A_78 = arith.index_cast %scan3A_46 : i32 to index
      %swap3A_79 = arith.constant 96 : index
      %swap3A_80 = tpu.vector_load %arg12[%swap3A_78, %swap3A_79] {strides = array<i32>} : memref<320x128xf32, #tpu.memory_space<vmem>>, vector<16xf32>,
      tpu.vector_store %arg12[%swap3A_78, %swap3A_79], %broadcast_in_dim3A_77 {strides = array<i32>} : memref<320x128xf32, #tpu.memory_space<vmem>>, vector<16xf32>,
      %broadcast_in_dim3A_81 = arith.constant 0xFF800000 : f32
      %broadcast_in_dim3A_82 = vector.broadcast %broadcast_in_dim3A_81 : f32 to vector<16xf32>
      %swap3A_83 = arith.index_cast %scan3A_46 : i32 to index
      %swap3A_84 = arith.constant 112 : index
      %swap3A_85 = tpu.vector_load %arg12[%swap3A_83, %swap3A_84] {strides = array<i32>} : memref<320x128xf32, #tpu.memory_space<vmem>>, vector<16xf32>,
      tpu.vector_store %arg12[%swap3A_83, %swap3A_84], %broadcast_in_dim3A_82 {strides = array<i32>} : memref<320x128xf32, #tpu.memory_space<vmem>>, vector<16xf32>,
      %scan3A_86 = arith.constant 0 : i32
      scf.yield %scan3A_86 : i32
    }
    %scan3A_10 = arith.constant 320 : i32
    %scan3A_11 = arith.constant 0 : i32
    %scan3A_12 = arith.constant 0 : i32
    %scan3A_13 = arith.constant 508 : i32
    %scan3A_14 = arith.addi %scan3A_12, %scan3A_13 : i32
    %scan3A_15 = arith.constant 1 : i32
    %scan3A_16 = scf.for %scan3A_46 = %scan3A_12 to %scan3A_14 step %scan3A_15 iter_args(%scan3A_47 = %scan3A_11) -> (i32)  : i32 {
      %broadcast_in_dim3A = arith.constant 0 : i32
      %broadcast_in_dim3A_48 = vector.broadcast %broadcast_in_dim3A : i32 to vector<16xi32>
      %mul3A_49 = arith.constant 16 : i32
      %mul3A_50 = arith.muli %scan3A_46, %mul3A_49 : i32
      %swap3A = arith.index_cast %mul3A_50 : i32 to index
      %swap3A_51 = tpu.vector_load %arg8[%swap3A] {strides = array<i32>} : memref<8128xi32, #tpu.memory_space<vmem>>, vector<16xi32>,
      tpu.vector_store %arg8[%swap3A], %broadcast_in_dim3A_48 {strides = array<i32>} : memref<8128xi32, #tpu.memory_space<vmem>>, vector<16xi32>,
      %scan3A_52 = arith.constant 0 : i32
      scf.yield %scan3A_52 : i32
    }
    %scan3A_17 = arith.constant 508 : i32
    %dma_start3A = arith.constant 0 : i32
    %dma_start3A_18 = tpu.memref_slice %arg3[%dma_start3A] : memref<320000xi32, #tpu.memory_space<hbm>> -> memref<8000xi32, #tpu.memory_space<hbm>>
    %dma_start3A_19 = arith.constant 0 : i32
    %dma_start3A_20 = tpu.memref_slice %arg3[%dma_start3A_19] : memref<320000xi32, #tpu.memory_space<hbm>> -> memref<8000xi32, #tpu.memory_space<hbm>>
    tpu.enqueue_dma source(%dma_start3A_20 : memref<8000xi32, #tpu.memory_space<hbm>>) target(%arg6 : memref<8000xi32, #tpu.memory_space<vmem>>) target_semaphore(%arg14 : memref<!tpu.dma_semaphore, #tpu.memory_space<semaphore_mem>>)
    %dma_start3A_21 = arith.constant 8000 : i32
    %dma_start3A_22 = tpu.memref_slice %arg3[%dma_start3A_21] : memref<320000xi32, #tpu.memory_space<hbm>> -> memref<8000xi32, #tpu.memory_space<hbm>>
    %dma_start3A_23 = arith.constant 8000 : i32
    %dma_start3A_24 = tpu.memref_slice %arg3[%dma_start3A_23] : memref<320000xi32, #tpu.memory_space<hbm>> -> memref<8000xi32, #tpu.memory_space<hbm>>
    tpu.enqueue_dma source(%dma_start3A_24 : memref<8000xi32, #tpu.memory_space<hbm>>) target(%arg7 : memref<8000xi32, #tpu.memory_space<vmem>>) target_semaphore(%arg15 : memref<!tpu.dma_semaphore, #tpu.memory_space<semaphore_mem>>)
    %scan3A_25 = arith.constant 0 : i32
    %scan3A_26 = arith.constant 0 : i32
    %scan3A_27 = arith.constant 20 : i32
    %scan3A_28 = arith.addi %scan3A_26, %scan3A_27 : i32
    %scan3A_29 = arith.constant 1 : i32
    %scan3A_30 = scf.for %scan3A_46 = %scan3A_26 to %scan3A_28 step %scan3A_29 iter_args(%scan3A_47 = %scan3A_25) -> (i32)  : i32 {
      %mul3A_48 = arith.constant 2 : i32
      %mul3A_49 = arith.muli %scan3A_46, %mul3A_48 : i32
      %add3A_50 = arith.constant 0 : i32
      %add3A_51 = arith.addi %mul3A_49, %add3A_50 : i32
      %mul3A_52 = arith.constant 8000 : i32
      %mul3A_53 = arith.muli %add3A_51, %mul3A_52 : i32
      %dma_wait3A = tpu.memref_slice %arg3[%mul3A_53] : memref<320000xi32, #tpu.memory_space<hbm>> -> memref<8000xi32, #tpu.memory_space<hbm>>
      %dma_wait3A_54 = tpu.memref_slice %arg3[%mul3A_53] : memref<320000xi32, #tpu.memory_space<hbm>> -> memref<8000xi32, #tpu.memory_space<hbm>>
      tpu.wait_dma2 semaphore(%arg14 : memref<!tpu.dma_semaphore, #tpu.memory_space<semaphore_mem>>) src(%dma_wait3A_54 : memref<8000xi32, #tpu.memory_space<hbm>>) dst(%arg6 : memref<8000xi32, #tpu.memory_space<vmem>>)
      %scan3A_55 = arith.constant 0 : i32
      %scan3A_56 = arith.constant 0 : i32
      %scan3A_57 = arith.constant 496 : i32
      %scan3A_58 = arith.addi %scan3A_56, %scan3A_57 : i32
      %scan3A_59 = arith.constant 8 : i32
      %scan3A_60 = scf.for %scan3A_380 = %scan3A_56 to %scan3A_58 step %scan3A_59 iter_args(%scan3A_381 = %scan3A_55) -> (i32)  : i32 {
        %mul3A_382 = arith.constant 16 : i32
        %mul3A_383 = arith.muli %scan3A_380, %mul3A_382 : i32
        %get3A_384 = arith.index_cast %mul3A_383 : i32 to index
        %get3A_385 = tpu.vector_load %arg6[%get3A_384] {strides = array<i32>} : memref<8000xi32, #tpu.memory_space<vmem>>, vector<16xi32>,
        %sub3A_386 = vector.broadcast %mul3A_2 : i32 to vector<16xi32>
        %sub3A_387 = arith.subi %get3A_385, %sub3A_386 : vector<16xi32>
        %lt3A_388 = arith.constant 320 : i32
        %lt3A_389 = vector.broadcast %lt3A_388 : i32 to vector<16xi32>
        %lt3A_390 = arith.cmpi ult, %sub3A_387, %lt3A_389 : vector<16xi32>
        %iota3A_391 = tpu.iota {dimensions = array<i32: 0>} : vector<16xi32>
        %mul3A_392 = arith.constant 16 : i32
        %mul3A_393 = arith.muli %scan3A_380, %mul3A_392 : i32
        %add3A_394 = arith.addi %mul3A_53, %mul3A_393 : i32
        %add3A_395 = vector.broadcast %add3A_394 : i32 to vector<16xi32>
        %add3A_396 = arith.addi %iota3A_391, %add3A_395 : vector<16xi32>
        %shift_left3A_397 = arith.constant 19 : i32
        %shift_left3A_398 = vector.broadcast %shift_left3A_397 : i32 to vector<16xi32>
        %shift_left3A_399 = arith.shli %sub3A_387, %shift_left3A_398 : vector<16xi32>
        %or3A_400 = arith.ori %shift_left3A_399, %add3A_396 : vector<16xi32>
        %swap3A_401 = arith.index_cast %scan3A_381 : i32 to index
        %swap3A_402 = tpu.vector_load %arg8[%swap3A_401] masked %lt3A_390 {strides = array<i32>} : memref<8128xi32, #tpu.memory_space<vmem>>, vector<16xi32>, vector<16xi1>
        tpu.vector_store %arg8[%swap3A_401], %or3A_400 masked %lt3A_390 {strides = array<i32>} : memref<8128xi32, #tpu.memory_space<vmem>>, vector<16xi32>, vector<16xi1>
        %all_reduce_population_count3A_403 = tpu.all_reduce %lt3A_390 {dim = 0 : i64, kind = #tpu.reduction_kind<sum>} : vector<16xi1> -> vector<16xi32>
        %slice3A_404 = vector.extract_strided_slice %all_reduce_population_count3A_403 {offsets = [0], sizes = [1], strides = [1]} : vector<16xi32> to vector<1xi32>
        %squeeze3A_405 = vector.extract %slice3A_404[0] : i32 from vector<1xi32>
        %add3A_406 = arith.addi %scan3A_381, %squeeze3A_405 : i32
        %scan3A_407 = arith.constant 1 : i32
        %scan3A_408 = arith.addi %scan3A_380, %scan3A_407 : i32
        %mul3A_409 = arith.constant 16 : i32
        %mul3A_410 = arith.muli %scan3A_408, %mul3A_409 : i32
        %get3A_411 = arith.index_cast %mul3A_410 : i32 to index
        %get3A_412 = tpu.vector_load %arg6[%get3A_411] {strides = array<i32>} : memref<8000xi32, #tpu.memory_space<vmem>>, vector<16xi32>,
        %sub3A_413 = vector.broadcast %mul3A_2 : i32 to vector<16xi32>
        %sub3A_414 = arith.subi %get3A_412, %sub3A_413 : vector<16xi32>
        %lt3A_415 = arith.constant 320 : i32
        %lt3A_416 = vector.broadcast %lt3A_415 : i32 to vector<16xi32>
        %lt3A_417 = arith.cmpi ult, %sub3A_414, %lt3A_416 : vector<16xi32>
        %iota3A_418 = tpu.iota {dimensions = array<i32: 0>} : vector<16xi32>
        %mul3A_419 = arith.constant 16 : i32
        %mul3A_420 = arith.muli %scan3A_408, %mul3A_419 : i32
        %add3A_421 = arith.addi %mul3A_53, %mul3A_420 : i32
        %add3A_422 = vector.broadcast %add3A_421 : i32 to vector<16xi32>
        %add3A_423 = arith.addi %iota3A_418, %add3A_422 : vector<16xi32>
        %shift_left3A_424 = arith.constant 19 : i32
        %shift_left3A_425 = vector.broadcast %shift_left3A_424 : i32 to vector<16xi32>
        %shift_left3A_426 = arith.shli %sub3A_414, %shift_left3A_425 : vector<16xi32>
        %or3A_427 = arith.ori %shift_left3A_426, %add3A_423 : vector<16xi32>
        %swap3A_428 = arith.index_cast %add3A_406 : i32 to index
        %swap3A_429 = tpu.vector_load %arg8[%swap3A_428] masked %lt3A_417 {strides = array<i32>} : memref<8128xi32, #tpu.memory_space<vmem>>, vector<16xi32>, vector<16xi1>
        tpu.vector_store %arg8[%swap3A_428], %or3A_427 masked %lt3A_417 {strides = array<i32>} : memref<8128xi32, #tpu.memory_space<vmem>>, vector<16xi32>, vector<16xi1>
        %all_reduce_population_count3A_430 = tpu.all_reduce %lt3A_417 {dim = 0 : i64, kind = #tpu.reduction_kind<sum>} : vector<16xi1> -> vector<16xi32>
        %slice3A_431 = vector.extract_strided_slice %all_reduce_population_count3A_430 {offsets = [0], sizes = [1], strides = [1]} : vector<16xi32> to vector<1xi32>
        %squeeze3A_432 = vector.extract %slice3A_431[0] : i32 from vector<1xi32>
        %add3A_433 = arith.addi %add3A_406, %squeeze3A_432 : i32
        %scan3A_434 = arith.constant 2 : i32
        %scan3A_435 = arith.addi %scan3A_380, %scan3A_434 : i32
        %mul3A_436 = arith.constant 16 : i32
        %mul3A_437 = arith.muli %scan3A_435, %mul3A_436 : i32
        %get3A_438 = arith.index_cast %mul3A_437 : i32 to index
        %get3A_439 = tpu.vector_load %arg6[%get3A_438] {strides = array<i32>} : memref<8000xi32, #tpu.memory_space<vmem>>, vector<16xi32>,
        %sub3A_440 = vector.broadcast %mul3A_2 : i32 to vector<16xi32>
        %sub3A_441 = arith.subi %get3A_439, %sub3A_440 : vector<16xi32>
        %lt3A_442 = arith.constant 320 : i32
        %lt3A_443 = vector.broadcast %lt3A_442 : i32 to vector<16xi32>
        %lt3A_444 = arith.cmpi ult, %sub3A_441, %lt3A_443 : vector<16xi32>
        %iota3A_445 = tpu.iota {dimensions = array<i32: 0>} : vector<16xi32>
        %mul3A_446 = arith.constant 16 : i32
        %mul3A_447 = arith.muli %scan3A_435, %mul3A_446 : i32
        %add3A_448 = arith.addi %mul3A_53, %mul3A_447 : i32
        %add3A_449 = vector.broadcast %add3A_448 : i32 to vector<16xi32>
        %add3A_450 = arith.addi %iota3A_445, %add3A_449 : vector<16xi32>
        %shift_left3A_451 = arith.constant 19 : i32
        %shift_left3A_452 = vector.broadcast %shift_left3A_451 : i32 to vector<16xi32>
        %shift_left3A_453 = arith.shli %sub3A_441, %shift_left3A_452 : vector<16xi32>
        %or3A_454 = arith.ori %shift_left3A_453, %add3A_450 : vector<16xi32>
        %swap3A_455 = arith.index_cast %add3A_433 : i32 to index
        %swap3A_456 = tpu.vector_load %arg8[%swap3A_455] masked %lt3A_444 {strides = array<i32>} : memref<8128xi32, #tpu.memory_space<vmem>>, vector<16xi32>, vector<16xi1>
        tpu.vector_store %arg8[%swap3A_455], %or3A_454 masked %lt3A_444 {strides = array<i32>} : memref<8128xi32, #tpu.memory_space<vmem>>, vector<16xi32>, vector<16xi1>
        %all_reduce_population_count3A_457 = tpu.all_reduce %lt3A_444 {dim = 0 : i64, kind = #tpu.reduction_kind<sum>} : vector<16xi1> -> vector<16xi32>
        %slice3A_458 = vector.extract_strided_slice %all_reduce_population_count3A_457 {offsets = [0], sizes = [1], strides = [1]} : vector<16xi32> to vector<1xi32>
        %squeeze3A_459 = vector.extract %slice3A_458[0] : i32 from vector<1xi32>
        %add3A_460 = arith.addi %add3A_433, %squeeze3A_459 : i32
        %scan3A_461 = arith.constant 3 : i32
        %scan3A_462 = arith.addi %scan3A_380, %scan3A_461 : i32
        %mul3A_463 = arith.constant 16 : i32
        %mul3A_464 = arith.muli %scan3A_462, %mul3A_463 : i32
        %get3A_465 = arith.index_cast %mul3A_464 : i32 to index
        %get3A_466 = tpu.vector_load %arg6[%get3A_465] {strides = array<i32>} : memref<8000xi32, #tpu.memory_space<vmem>>, vector<16xi32>,
        %sub3A_467 = vector.broadcast %mul3A_2 : i32 to vector<16xi32>
        %sub3A_468 = arith.subi %get3A_466, %sub3A_467 : vector<16xi32>
        %lt3A_469 = arith.constant 320 : i32
        %lt3A_470 = vector.broadcast %lt3A_469 : i32 to vector<16xi32>
        %lt3A_471 = arith.cmpi ult, %sub3A_468, %lt3A_470 : vector<16xi32>
        %iota3A_472 = tpu.iota {dimensions = array<i32: 0>} : vector<16xi32>
        %mul3A_473 = arith.constant 16 : i32
        %mul3A_474 = arith.muli %scan3A_462, %mul3A_473 : i32
        %add3A_475 = arith.addi %mul3A_53, %mul3A_474 : i32
        %add3A_476 = vector.broadcast %add3A_475 : i32 to vector<16xi32>
        %add3A_477 = arith.addi %iota3A_472, %add3A_476 : vector<16xi32>
        %shift_left3A_478 = arith.constant 19 : i32
        %shift_left3A_479 = vector.broadcast %shift_left3A_478 : i32 to vector<16xi32>
        %shift_left3A_480 = arith.shli %sub3A_468, %shift_left3A_479 : vector<16xi32>
        %or3A_481 = arith.ori %shift_left3A_480, %add3A_477 : vector<16xi32>
        %swap3A_482 = arith.index_cast %add3A_460 : i32 to index
        %swap3A_483 = tpu.vector_load %arg8[%swap3A_482] masked %lt3A_471 {strides = array<i32>} : memref<8128xi32, #tpu.memory_space<vmem>>, vector<16xi32>, vector<16xi1>
        tpu.vector_store %arg8[%swap3A_482], %or3A_481 masked %lt3A_471 {strides = array<i32>} : memref<8128xi32, #tpu.memory_space<vmem>>, vector<16xi32>, vector<16xi1>
        %all_reduce_population_count3A_484 = tpu.all_reduce %lt3A_471 {dim = 0 : i64, kind = #tpu.reduction_kind<sum>} : vector<16xi1> -> vector<16xi32>
        %slice3A_485 = vector.extract_strided_slice %all_reduce_population_count3A_484 {offsets = [0], sizes = [1], strides = [1]} : vector<16xi32> to vector<1xi32>
        %squeeze3A_486 = vector.extract %slice3A_485[0] : i32 from vector<1xi32>
        %add3A_487 = arith.addi %add3A_460, %squeeze3A_486 : i32
        %scan3A_488 = arith.constant 4 : i32
        %scan3A_489 = arith.addi %scan3A_380, %scan3A_488 : i32
        %mul3A_490 = arith.constant 16 : i32
        %mul3A_491 = arith.muli %scan3A_489, %mul3A_490 : i32
        %get3A_492 = arith.index_cast %mul3A_491 : i32 to index
        %get3A_493 = tpu.vector_load %arg6[%get3A_492] {strides = array<i32>} : memref<8000xi32, #tpu.memory_space<vmem>>, vector<16xi32>,
        %sub3A_494 = vector.broadcast %mul3A_2 : i32 to vector<16xi32>
        %sub3A_495 = arith.subi %get3A_493, %sub3A_494 : vector<16xi32>
        %lt3A_496 = arith.constant 320 : i32
        %lt3A_497 = vector.broadcast %lt3A_496 : i32 to vector<16xi32>
        %lt3A_498 = arith.cmpi ult, %sub3A_495, %lt3A_497 : vector<16xi32>
        %iota3A_499 = tpu.iota {dimensions = array<i32: 0>} : vector<16xi32>
        %mul3A_500 = arith.constant 16 : i32
        %mul3A_501 = arith.muli %scan3A_489, %mul3A_500 : i32
        %add3A_502 = arith.addi %mul3A_53, %mul3A_501 : i32
        %add3A_503 = vector.broadcast %add3A_502 : i32 to vector<16xi32>
        %add3A_504 = arith.addi %iota3A_499, %add3A_503 : vector<16xi32>
        %shift_left3A_505 = arith.constant 19 : i32
        %shift_left3A_506 = vector.broadcast %shift_left3A_505 : i32 to vector<16xi32>
        %shift_left3A_507 = arith.shli %sub3A_495, %shift_left3A_506 : vector<16xi32>
        %or3A_508 = arith.ori %shift_left3A_507, %add3A_504 : vector<16xi32>
        %swap3A_509 = arith.index_cast %add3A_487 : i32 to index
        %swap3A_510 = tpu.vector_load %arg8[%swap3A_509] masked %lt3A_498 {strides = array<i32>} : memref<8128xi32, #tpu.memory_space<vmem>>, vector<16xi32>, vector<16xi1>
        tpu.vector_store %arg8[%swap3A_509], %or3A_508 masked %lt3A_498 {strides = array<i32>} : memref<8128xi32, #tpu.memory_space<vmem>>, vector<16xi32>, vector<16xi1>
        %all_reduce_population_count3A_511 = tpu.all_reduce %lt3A_498 {dim = 0 : i64, kind = #tpu.reduction_kind<sum>} : vector<16xi1> -> vector<16xi32>
        %slice3A_512 = vector.extract_strided_slice %all_reduce_population_count3A_511 {offsets = [0], sizes = [1], strides = [1]} : vector<16xi32> to vector<1xi32>
        %squeeze3A_513 = vector.extract %slice3A_512[0] : i32 from vector<1xi32>
        %add3A_514 = arith.addi %add3A_487, %squeeze3A_513 : i32
        %scan3A_515 = arith.constant 5 : i32
        %scan3A_516 = arith.addi %scan3A_380, %scan3A_515 : i32
        %mul3A_517 = arith.constant 16 : i32
        %mul3A_518 = arith.muli %scan3A_516, %mul3A_517 : i32
        %get3A_519 = arith.index_cast %mul3A_518 : i32 to index
        %get3A_520 = tpu.vector_load %arg6[%get3A_519] {strides = array<i32>} : memref<8000xi32, #tpu.memory_space<vmem>>, vector<16xi32>,
        %sub3A_521 = vector.broadcast %mul3A_2 : i32 to vector<16xi32>
        %sub3A_522 = arith.subi %get3A_520, %sub3A_521 : vector<16xi32>
        %lt3A_523 = arith.constant 320 : i32
        %lt3A_524 = vector.broadcast %lt3A_523 : i32 to vector<16xi32>
        %lt3A_525 = arith.cmpi ult, %sub3A_522, %lt3A_524 : vector<16xi32>
        %iota3A_526 = tpu.iota {dimensions = array<i32: 0>} : vector<16xi32>
        %mul3A_527 = arith.constant 16 : i32
        %mul3A_528 = arith.muli %scan3A_516, %mul3A_527 : i32
        %add3A_529 = arith.addi %mul3A_53, %mul3A_528 : i32
        %add3A_530 = vector.broadcast %add3A_529 : i32 to vector<16xi32>
        %add3A_531 = arith.addi %iota3A_526, %add3A_530 : vector<16xi32>
        %shift_left3A_532 = arith.constant 19 : i32
        %shift_left3A_533 = vector.broadcast %shift_left3A_532 : i32 to vector<16xi32>
        %shift_left3A_534 = arith.shli %sub3A_522, %shift_left3A_533 : vector<16xi32>
        %or3A_535 = arith.ori %shift_left3A_534, %add3A_531 : vector<16xi32>
        %swap3A_536 = arith.index_cast %add3A_514 : i32 to index
        %swap3A_537 = tpu.vector_load %arg8[%swap3A_536] masked %lt3A_525 {strides = array<i32>} : memref<8128xi32, #tpu.memory_space<vmem>>, vector<16xi32>, vector<16xi1>
        tpu.vector_store %arg8[%swap3A_536], %or3A_535 masked %lt3A_525 {strides = array<i32>} : memref<8128xi32, #tpu.memory_space<vmem>>, vector<16xi32>, vector<16xi1>
        %all_reduce_population_count3A_538 = tpu.all_reduce %lt3A_525 {dim = 0 : i64, kind = #tpu.reduction_kind<sum>} : vector<16xi1> -> vector<16xi32>
        %slice3A_539 = vector.extract_strided_slice %all_reduce_population_count3A_538 {offsets = [0], sizes = [1], strides = [1]} : vector<16xi32> to vector<1xi32>
        %squeeze3A_540 = vector.extract %slice3A_539[0] : i32 from vector<1xi32>
        %add3A_541 = arith.addi %add3A_514, %squeeze3A_540 : i32
        %scan3A_542 = arith.constant 6 : i32
        %scan3A_543 = arith.addi %scan3A_380, %scan3A_542 : i32
        %mul3A_544 = arith.constant 16 : i32
        %mul3A_545 = arith.muli %scan3A_543, %mul3A_544 : i32
        %get3A_546 = arith.index_cast %mul3A_545 : i32 to index
        %get3A_547 = tpu.vector_load %arg6[%get3A_546] {strides = array<i32>} : memref<8000xi32, #tpu.memory_space<vmem>>, vector<16xi32>,
        %sub3A_548 = vector.broadcast %mul3A_2 : i32 to vector<16xi32>
        %sub3A_549 = arith.subi %get3A_547, %sub3A_548 : vector<16xi32>
        %lt3A_550 = arith.constant 320 : i32
        %lt3A_551 = vector.broadcast %lt3A_550 : i32 to vector<16xi32>
        %lt3A_552 = arith.cmpi ult, %sub3A_549, %lt3A_551 : vector<16xi32>
        %iota3A_553 = tpu.iota {dimensions = array<i32: 0>} : vector<16xi32>
        %mul3A_554 = arith.constant 16 : i32
        %mul3A_555 = arith.muli %scan3A_543, %mul3A_554 : i32
        %add3A_556 = arith.addi %mul3A_53, %mul3A_555 : i32
        %add3A_557 = vector.broadcast %add3A_556 : i32 to vector<16xi32>
        %add3A_558 = arith.addi %iota3A_553, %add3A_557 : vector<16xi32>
        %shift_left3A_559 = arith.constant 19 : i32
        %shift_left3A_560 = vector.broadcast %shift_left3A_559 : i32 to vector<16xi32>
        %shift_left3A_561 = arith.shli %sub3A_549, %shift_left3A_560 : vector<16xi32>
        %or3A_562 = arith.ori %shift_left3A_561, %add3A_558 : vector<16xi32>
        %swap3A_563 = arith.index_cast %add3A_541 : i32 to index
        %swap3A_564 = tpu.vector_load %arg8[%swap3A_563] masked %lt3A_552 {strides = array<i32>} : memref<8128xi32, #tpu.memory_space<vmem>>, vector<16xi32>, vector<16xi1>
        tpu.vector_store %arg8[%swap3A_563], %or3A_562 masked %lt3A_552 {strides = array<i32>} : memref<8128xi32, #tpu.memory_space<vmem>>, vector<16xi32>, vector<16xi1>
        %all_reduce_population_count3A_565 = tpu.all_reduce %lt3A_552 {dim = 0 : i64, kind = #tpu.reduction_kind<sum>} : vector<16xi1> -> vector<16xi32>
        %slice3A_566 = vector.extract_strided_slice %all_reduce_population_count3A_565 {offsets = [0], sizes = [1], strides = [1]} : vector<16xi32> to vector<1xi32>
        %squeeze3A_567 = vector.extract %slice3A_566[0] : i32 from vector<1xi32>
        %add3A_568 = arith.addi %add3A_541, %squeeze3A_567 : i32
        %scan3A_569 = arith.constant 7 : i32
        %scan3A_570 = arith.addi %scan3A_380, %scan3A_569 : i32
        %mul3A_571 = arith.constant 16 : i32
        %mul3A_572 = arith.muli %scan3A_570, %mul3A_571 : i32
        %get3A_573 = arith.index_cast %mul3A_572 : i32 to index
        %get3A_574 = tpu.vector_load %arg6[%get3A_573] {strides = array<i32>} : memref<8000xi32, #tpu.memory_space<vmem>>, vector<16xi32>,
        %sub3A_575 = vector.broadcast %mul3A_2 : i32 to vector<16xi32>
        %sub3A_576 = arith.subi %get3A_574, %sub3A_575 : vector<16xi32>
        %lt3A_577 = arith.constant 320 : i32
        %lt3A_578 = vector.broadcast %lt3A_577 : i32 to vector<16xi32>
        %lt3A_579 = arith.cmpi ult, %sub3A_576, %lt3A_578 : vector<16xi32>
        %iota3A_580 = tpu.iota {dimensions = array<i32: 0>} : vector<16xi32>
        %mul3A_581 = arith.constant 16 : i32
        %mul3A_582 = arith.muli %scan3A_570, %mul3A_581 : i32
        %add3A_583 = arith.addi %mul3A_53, %mul3A_582 : i32
        %add3A_584 = vector.broadcast %add3A_583 : i32 to vector<16xi32>
        %add3A_585 = arith.addi %iota3A_580, %add3A_584 : vector<16xi32>
        %shift_left3A_586 = arith.constant 19 : i32
        %shift_left3A_587 = vector.broadcast %shift_left3A_586 : i32 to vector<16xi32>
        %shift_left3A_588 = arith.shli %sub3A_576, %shift_left3A_587 : vector<16xi32>
        %or3A_589 = arith.ori %shift_left3A_588, %add3A_585 : vector<16xi32>
        %swap3A_590 = arith.index_cast %add3A_568 : i32 to index
        %swap3A_591 = tpu.vector_load %arg8[%swap3A_590] masked %lt3A_579 {strides = array<i32>} : memref<8128xi32, #tpu.memory_space<vmem>>, vector<16xi32>, vector<16xi1>
        tpu.vector_store %arg8[%swap3A_590], %or3A_589 masked %lt3A_579 {strides = array<i32>} : memref<8128xi32, #tpu.memory_space<vmem>>, vector<16xi32>, vector<16xi1>
        %all_reduce_population_count3A_592 = tpu.all_reduce %lt3A_579 {dim = 0 : i64, kind = #tpu.reduction_kind<sum>} : vector<16xi1> -> vector<16xi32>
        %slice3A_593 = vector.extract_strided_slice %all_reduce_population_count3A_592 {offsets = [0], sizes = [1], strides = [1]} : vector<16xi32> to vector<1xi32>
        %squeeze3A_594 = vector.extract %slice3A_593[0] : i32 from vector<1xi32>
        %add3A_595 = arith.addi %add3A_568, %squeeze3A_594 : i32
        scf.yield %add3A_595 : i32
      }
      %scan3A_61 = arith.constant 496 : i32
      %scan3A_62 = arith.addi %scan3A_56, %scan3A_61 : i32
      %mul3A_63 = arith.constant 16 : i32
      %mul3A_64 = arith.muli %scan3A_62, %mul3A_63 : i32
      %get3A = arith.index_cast %mul3A_64 : i32 to index
      %get3A_65 = tpu.vector_load %arg6[%get3A] {strides = array<i32>} : memref<8000xi32, #tpu.memory_space<vmem>>, vector<16xi32>,
      %sub3A = vector.broadcast %mul3A_2 : i32 to vector<16xi32>
      %sub3A_66 = arith.subi %get3A_65, %sub3A : vector<16xi32>
      %lt3A = arith.constant 320 : i32
      %lt3A_67 = vector.broadcast %lt3A : i32 to vector<16xi32>
      %lt3A_68 = arith.cmpi ult, %sub3A_66, %lt3A_67 : vector<16xi32>
      %iota3A = tpu.iota {dimensions = array<i32: 0>} : vector<16xi32>
      %mul3A_69 = arith.constant 16 : i32
      %mul3A_70 = arith.muli %scan3A_62, %mul3A_69 : i32
      %add3A_71 = arith.addi %mul3A_53, %mul3A_70 : i32
      %add3A_72 = vector.broadcast %add3A_71 : i32 to vector<16xi32>
      %add3A_73 = arith.addi %iota3A, %add3A_72 : vector<16xi32>
      %shift_left3A = arith.constant 19 : i32
      %shift_left3A_74 = vector.broadcast %shift_left3A : i32 to vector<16xi32>
      %shift_left3A_75 = arith.shli %sub3A_66, %shift_left3A_74 : vector<16xi32>
      %or3A = arith.ori %shift_left3A_75, %add3A_73 : vector<16xi32>
      %swap3A = arith.index_cast %scan3A_60 : i32 to index
      %swap3A_76 = tpu.vector_load %arg8[%swap3A] masked %lt3A_68 {strides = array<i32>} : memref<8128xi32, #tpu.memory_space<vmem>>, vector<16xi32>, vector<16xi1>
      tpu.vector_store %arg8[%swap3A], %or3A masked %lt3A_68 {strides = array<i32>} : memref<8128xi32, #tpu.memory_space<vmem>>, vector<16xi32>, vector<16xi1>
      %all_reduce_population_count3A = tpu.all_reduce %lt3A_68 {dim = 0 : i64, kind = #tpu.reduction_kind<sum>} : vector<16xi1> -> vector<16xi32>
      %slice3A = vector.extract_strided_slice %all_reduce_population_count3A {offsets = [0], sizes = [1], strides = [1]} : vector<16xi32> to vector<1xi32>
      %squeeze3A = vector.extract %slice3A[0] : i32 from vector<1xi32>
      %add3A_77 = arith.addi %scan3A_60, %squeeze3A : i32
      %scan3A_78 = arith.constant 497 : i32
      %scan3A_79 = arith.addi %scan3A_56, %scan3A_78 : i32
      %mul3A_80 = arith.constant 16 : i32
      %mul3A_81 = arith.muli %scan3A_79, %mul3A_80 : i32
      %get3A_82 = arith.index_cast %mul3A_81 : i32 to index
      %get3A_83 = tpu.vector_load %arg6[%get3A_82] {strides = array<i32>} : memref<8000xi32, #tpu.memory_space<vmem>>, vector<16xi32>,
      %sub3A_84 = vector.broadcast %mul3A_2 : i32 to vector<16xi32>
      %sub3A_85 = arith.subi %get3A_83, %sub3A_84 : vector<16xi32>
      %lt3A_86 = arith.constant 320 : i32
      %lt3A_87 = vector.broadcast %lt3A_86 : i32 to vector<16xi32>
      %lt3A_88 = arith.cmpi ult, %sub3A_85, %lt3A_87 : vector<16xi32>
      %iota3A_89 = tpu.iota {dimensions = array<i32: 0>} : vector<16xi32>
      %mul3A_90 = arith.constant 16 : i32
      %mul3A_91 = arith.muli %scan3A_79, %mul3A_90 : i32
      %add3A_92 = arith.addi %mul3A_53, %mul3A_91 : i32
      %add3A_93 = vector.broadcast %add3A_92 : i32 to vector<16xi32>
      %add3A_94 = arith.addi %iota3A_89, %add3A_93 : vector<16xi32>
      %shift_left3A_95 = arith.constant 19 : i32
      %shift_left3A_96 = vector.broadcast %shift_left3A_95 : i32 to vector<16xi32>
      %shift_left3A_97 = arith.shli %sub3A_85, %shift_left3A_96 : vector<16xi32>
      %or3A_98 = arith.ori %shift_left3A_97, %add3A_94 : vector<16xi32>
      %swap3A_99 = arith.index_cast %add3A_77 : i32 to index
      %swap3A_100 = tpu.vector_load %arg8[%swap3A_99] masked %lt3A_88 {strides = array<i32>} : memref<8128xi32, #tpu.memory_space<vmem>>, vector<16xi32>, vector<16xi1>
      tpu.vector_store %arg8[%swap3A_99], %or3A_98 masked %lt3A_88 {strides = array<i32>} : memref<8128xi32, #tpu.memory_space<vmem>>, vector<16xi32>, vector<16xi1>
      %all_reduce_population_count3A_101 = tpu.all_reduce %lt3A_88 {dim = 0 : i64, kind = #tpu.reduction_kind<sum>} : vector<16xi1> -> vector<16xi32>
      %slice3A_102 = vector.extract_strided_slice %all_reduce_population_count3A_101 {offsets = [0], sizes = [1], strides = [1]} : vector<16xi32> to vector<1xi32>
      %squeeze3A_103 = vector.extract %slice3A_102[0] : i32 from vector<1xi32>
      %add3A_104 = arith.addi %add3A_77, %squeeze3A_103 : i32
      %scan3A_105 = arith.constant 498 : i32
      %scan3A_106 = arith.addi %scan3A_56, %scan3A_105 : i32
      %mul3A_107 = arith.constant 16 : i32
      %mul3A_108 = arith.muli %scan3A_106, %mul3A_107 : i32
      %get3A_109 = arith.index_cast %mul3A_108 : i32 to index
      %get3A_110 = tpu.vector_load %arg6[%get3A_109] {strides = array<i32>} : memref<8000xi32, #tpu.memory_space<vmem>>, vector<16xi32>,
      %sub3A_111 = vector.broadcast %mul3A_2 : i32 to vector<16xi32>
      %sub3A_112 = arith.subi %get3A_110, %sub3A_111 : vector<16xi32>
      %lt3A_113 = arith.constant 320 : i32
      %lt3A_114 = vector.broadcast %lt3A_113 : i32 to vector<16xi32>
      %lt3A_115 = arith.cmpi ult, %sub3A_112, %lt3A_114 : vector<16xi32>
      %iota3A_116 = tpu.iota {dimensions = array<i32: 0>} : vector<16xi32>
      %mul3A_117 = arith.constant 16 : i32
      %mul3A_118 = arith.muli %scan3A_106, %mul3A_117 : i32
      %add3A_119 = arith.addi %mul3A_53, %mul3A_118 : i32
      %add3A_120 = vector.broadcast %add3A_119 : i32 to vector<16xi32>
      %add3A_121 = arith.addi %iota3A_116, %add3A_120 : vector<16xi32>
      %shift_left3A_122 = arith.constant 19 : i32
      %shift_left3A_123 = vector.broadcast %shift_left3A_122 : i32 to vector<16xi32>
      %shift_left3A_124 = arith.shli %sub3A_112, %shift_left3A_123 : vector<16xi32>
      %or3A_125 = arith.ori %shift_left3A_124, %add3A_121 : vector<16xi32>
      %swap3A_126 = arith.index_cast %add3A_104 : i32 to index
      %swap3A_127 = tpu.vector_load %arg8[%swap3A_126] masked %lt3A_115 {strides = array<i32>} : memref<8128xi32, #tpu.memory_space<vmem>>, vector<16xi32>, vector<16xi1>
      tpu.vector_store %arg8[%swap3A_126], %or3A_125 masked %lt3A_115 {strides = array<i32>} : memref<8128xi32, #tpu.memory_space<vmem>>, vector<16xi32>, vector<16xi1>
      %all_reduce_population_count3A_128 = tpu.all_reduce %lt3A_115 {dim = 0 : i64, kind = #tpu.reduction_kind<sum>} : vector<16xi1> -> vector<16xi32>
      %slice3A_129 = vector.extract_strided_slice %all_reduce_population_count3A_128 {offsets = [0], sizes = [1], strides = [1]} : vector<16xi32> to vector<1xi32>
      %squeeze3A_130 = vector.extract %slice3A_129[0] : i32 from vector<1xi32>
      %add3A_131 = arith.addi %add3A_104, %squeeze3A_130 : i32
      %scan3A_132 = arith.constant 499 : i32
      %scan3A_133 = arith.addi %scan3A_56, %scan3A_132 : i32
      %mul3A_134 = arith.constant 16 : i32
      %mul3A_135 = arith.muli %scan3A_133, %mul3A_134 : i32
      %get3A_136 = arith.index_cast %mul3A_135 : i32 to index
      %get3A_137 = tpu.vector_load %arg6[%get3A_136] {strides = array<i32>} : memref<8000xi32, #tpu.memory_space<vmem>>, vector<16xi32>,
      %sub3A_138 = vector.broadcast %mul3A_2 : i32 to vector<16xi32>
      %sub3A_139 = arith.subi %get3A_137, %sub3A_138 : vector<16xi32>
      %lt3A_140 = arith.constant 320 : i32
      %lt3A_141 = vector.broadcast %lt3A_140 : i32 to vector<16xi32>
      %lt3A_142 = arith.cmpi ult, %sub3A_139, %lt3A_141 : vector<16xi32>
      %iota3A_143 = tpu.iota {dimensions = array<i32: 0>} : vector<16xi32>
      %mul3A_144 = arith.constant 16 : i32
      %mul3A_145 = arith.muli %scan3A_133, %mul3A_144 : i32
      %add3A_146 = arith.addi %mul3A_53, %mul3A_145 : i32
      %add3A_147 = vector.broadcast %add3A_146 : i32 to vector<16xi32>
      %add3A_148 = arith.addi %iota3A_143, %add3A_147 : vector<16xi32>
      %shift_left3A_149 = arith.constant 19 : i32
      %shift_left3A_150 = vector.broadcast %shift_left3A_149 : i32 to vector<16xi32>
      %shift_left3A_151 = arith.shli %sub3A_139, %shift_left3A_150 : vector<16xi32>
      %or3A_152 = arith.ori %shift_left3A_151, %add3A_148 : vector<16xi32>
      %swap3A_153 = arith.index_cast %add3A_131 : i32 to index
      %swap3A_154 = tpu.vector_load %arg8[%swap3A_153] masked %lt3A_142 {strides = array<i32>} : memref<8128xi32, #tpu.memory_space<vmem>>, vector<16xi32>, vector<16xi1>
      tpu.vector_store %arg8[%swap3A_153], %or3A_152 masked %lt3A_142 {strides = array<i32>} : memref<8128xi32, #tpu.memory_space<vmem>>, vector<16xi32>, vector<16xi1>
      %all_reduce_population_count3A_155 = tpu.all_reduce %lt3A_142 {dim = 0 : i64, kind = #tpu.reduction_kind<sum>} : vector<16xi1> -> vector<16xi32>
      %slice3A_156 = vector.extract_strided_slice %all_reduce_population_count3A_155 {offsets = [0], sizes = [1], strides = [1]} : vector<16xi32> to vector<1xi32>
      %squeeze3A_157 = vector.extract %slice3A_156[0] : i32 from vector<1xi32>
      %add3A_158 = arith.addi %add3A_131, %squeeze3A_157 : i32
      %scan3A_159 = arith.constant 500 : i32
      %add3A_160 = arith.constant 2 : i32
      %add3A_161 = arith.addi %add3A_51, %add3A_160 : i32
      %lt3A_162 = arith.constant 40 : i32
      %lt3A_163 = arith.cmpi slt, %add3A_161, %lt3A_162 : i32
      %convert_element_type3A = arith.extui %lt3A_163 : i1 to i32
      %cond3A = arith.constant 0 : i32
      %cond3A_164 = arith.cmpi ne, %convert_element_type3A, %cond3A : i32
      scf.if %cond3A_164 {
        %add3A_380 = arith.constant 16000 : i32
        %add3A_381 = arith.addi %mul3A_53, %add3A_380 : i32
        %dma_start3A_382 = tpu.memref_slice %arg3[%add3A_381] : memref<320000xi32, #tpu.memory_space<hbm>> -> memref<8000xi32, #tpu.memory_space<hbm>>
        %dma_start3A_383 = tpu.memref_slice %arg3[%add3A_381] : memref<320000xi32, #tpu.memory_space<hbm>> -> memref<8000xi32, #tpu.memory_space<hbm>>
        tpu.enqueue_dma source(%dma_start3A_383 : memref<8000xi32, #tpu.memory_space<hbm>>) target(%arg6 : memref<8000xi32, #tpu.memory_space<vmem>>) target_semaphore(%arg14 : memref<!tpu.dma_semaphore, #tpu.memory_space<semaphore_mem>>)
      } else {
      }
      %add3A_165 = arith.constant 127 : i32
      %add3A_166 = arith.addi %add3A_158, %add3A_165 : i32
      %jit3A = arith.constant 128 : i32
      %div3A = arith.divsi %add3A_166, %jit3A : i32
      %sign3A = arith.constant 0 : i32
      %sign3A_167 = arith.cmpi sgt, %add3A_166, %sign3A : i32
      %sign3A_168 = arith.extui %sign3A_167 : i1 to i32
      %sign3A_169 = arith.constant 0 : i32
      %sign3A_170 = arith.cmpi slt, %add3A_166, %sign3A_169 : i32
      %sign3A_171 = arith.extui %sign3A_170 : i1 to i32
      %sign3A_172 = arith.subi %sign3A_168, %sign3A_171 : i32
      %sign3A_173 = arith.constant 0 : i32
      %sign3A_174 = arith.cmpi sgt, %jit3A, %sign3A_173 : i32
      %sign3A_175 = arith.extui %sign3A_174 : i1 to i32
      %sign3A_176 = arith.constant 0 : i32
      %sign3A_177 = arith.cmpi slt, %jit3A, %sign3A_176 : i32
      %sign3A_178 = arith.extui %sign3A_177 : i1 to i32
      %sign3A_179 = arith.subi %sign3A_175, %sign3A_178 : i32
      %ne3A = arith.cmpi ne, %sign3A_172, %sign3A_179 : i32
      %rem3A = arith.remsi %add3A_166, %jit3A : i32
      %ne3A_180 = arith.constant 0 : i32
      %ne3A_181 = arith.cmpi ne, %rem3A, %ne3A_180 : i32
      %and3A = arith.andi %ne3A, %ne3A_181 : i1
      %sub3A_182 = arith.constant 1 : i32
      %sub3A_183 = arith.subi %div3A, %sub3A_182 : i32
      %select_n3A = arith.select %and3A, %sub3A_183, %div3A : i32
      %mul3A_184 = arith.constant 8 : i32
      %mul3A_185 = arith.muli %select_n3A, %mul3A_184 : i32
      %parallel_loop3A = arith.constant 0 : i32
      %parallel_loop3A_186 = arith.constant 1 : i32
      scf.for %parallel_loop3A_380 = %parallel_loop3A to %mul3A_185 step %parallel_loop3A_186  : i32 {
        %parallel_loop3A_381 = arith.constant 16 : i32
        %parallel_loop3A_382 = arith.muli %parallel_loop3A_380, %parallel_loop3A_381 : i32
        %parallel_loop3A_383 = arith.index_cast %parallel_loop3A_382 : i32 to index
        %parallel_loop3A_384 = tpu.vector_load %arg8[%parallel_loop3A_383] {strides = array<i32>} : memref<8128xi32, #tpu.memory_space<vmem>>, vector<16xi32>,
        %parallel_loop3A_385 = arith.constant 524287 : i32
        %parallel_loop3A_386 = vector.broadcast %parallel_loop3A_385 : i32 to vector<16xi32>
        %parallel_loop3A_387 = arith.andi %parallel_loop3A_384, %parallel_loop3A_386 : vector<16xi32>
        %parallel_loop3A_388 = arith.constant 16 : i32
        %parallel_loop3A_389 = arith.muli %parallel_loop3A_380, %parallel_loop3A_388 : i32
        %parallel_loop3A_390 = arith.index_cast %parallel_loop3A_389 : i32 to index
        %parallel_loop3A_391 = tpu.vector_load %arg9[%parallel_loop3A_390] {strides = array<i32>} : memref<8128xi32, #tpu.memory_space<vmem>>, vector<16xi32>,
        tpu.vector_store %arg9[%parallel_loop3A_390], %parallel_loop3A_387 {strides = array<i32>} : memref<8128xi32, #tpu.memory_space<vmem>>, vector<16xi32>,
      } {sc.loop_unroll_factor = 8 : i64, sc.parallel_access}
      %gt3A = arith.constant 0 : i32
      %gt3A_187 = arith.cmpi sgt, %select_n3A, %gt3A : i32
      %convert_element_type3A_188 = arith.extui %gt3A_187 : i1 to i32
      %cond3A_189 = arith.constant 0 : i32
      %cond3A_190 = arith.cmpi ne, %convert_element_type3A_188, %cond3A_189 : i32
      scf.if %cond3A_190 {
        %dma_start3A_380 = arith.constant 0 : i32
        %dma_start3A_381 = tpu.memref_slice %arg9[%dma_start3A_380] : memref<8128xi32, #tpu.memory_space<vmem>> -> memref<128xi32, #tpu.memory_space<vmem>>
        %dma_start3A_382 = arith.constant 0 : i32
        %dma_start3A_383 = arith.constant 0 : i32
        %dma_start3A_384 = tpu.memref_slice %arg2[%dma_start3A_382, %dma_start3A_383] : memref<320000x128xf32, #tpu.memory_space<hbm>> -> memref<320000x128xf32, #tpu.memory_space<hbm>>
        tpu.enqueue_indirect_dma source(%dma_start3A_384 : memref<320000x128xf32, #tpu.memory_space<hbm>>) target(%arg10 : memref<128x128xf32, #tpu.memory_space<vmem>>) offsets(%dma_start3A_381 : memref<128xi32, #tpu.memory_space<vmem>>) semaphore(%arg16 : memref<!tpu.dma_semaphore, #tpu.memory_space<semaphore_mem>>)
      } else {
      }
      %while3A = arith.constant 0 : i32
      %while3A_191 = arith.constant 0 : i32
      %while3A_192 = arith.subi %select_n3A, %while3A : i32
      %while3A_193 = arith.addi %while3A, %while3A_192 : i32
      %while3A_194 = arith.constant 1 : i32
      %while3A_195 = arith.divsi %while3A_192, %while3A_194 : i32
      %while3A_196 = arith.muli %while3A_195, %while3A_194 : i32
      %while3A_197 = arith.addi %while3A, %while3A_196 : i32
      %while3A_198 = arith.constant 1 : i32
      %while3A_199 = scf.for %while3A_380 = %while3A to %while3A_197 step %while3A_198 iter_args(%while3A_381 = %while3A_191) -> (i32)  : i32 {
        %and3A_382 = arith.constant 1 : i32
        %and3A_383 = arith.andi %while3A_380, %and3A_382 : i32
        %eq3A = arith.constant 0 : i32
        %eq3A_384 = arith.cmpi eq, %and3A_383, %eq3A : i32
        %add3A_385 = arith.constant 1 : i32
        %add3A_386 = arith.addi %while3A_380, %add3A_385 : i32
        %lt3A_387 = arith.cmpi slt, %add3A_386, %select_n3A : i32
        %eq3A_388 = arith.constant true
        %eq3A_389 = arith.xori %eq3A_384, %eq3A_388 : i1
        %eq3A_390 = arith.constant true
        %eq3A_391 = arith.xori %eq3A_389, %eq3A_390 : i1
        %and3A_392 = arith.andi %lt3A_387, %eq3A_391 : i1
        %convert_element_type3A_393 = arith.extui %and3A_392 : i1 to i32
        %cond3A_394 = arith.constant 0 : i32
        %cond3A_395 = arith.cmpi ne, %convert_element_type3A_393, %cond3A_394 : i32
        scf.if %cond3A_395 {
          %add3A_422 = arith.constant 1 : i32
          %add3A_423 = arith.addi %while3A_380, %add3A_422 : i32
          %mul3A_424 = arith.constant 128 : i32
          %mul3A_425 = arith.muli %add3A_423, %mul3A_424 : i32
          %dma_start3A_426 = tpu.memref_slice %arg9[%mul3A_425] : memref<8128xi32, #tpu.memory_space<vmem>> -> memref<128xi32, #tpu.memory_space<vmem>>
          %dma_start3A_427 = arith.constant 0 : i32
          %dma_start3A_428 = arith.constant 0 : i32
          %dma_start3A_429 = tpu.memref_slice %arg2[%dma_start3A_427, %dma_start3A_428] : memref<320000x128xf32, #tpu.memory_space<hbm>> -> memref<320000x128xf32, #tpu.memory_space<hbm>>
          tpu.enqueue_indirect_dma source(%dma_start3A_429 : memref<320000x128xf32, #tpu.memory_space<hbm>>) target(%arg11 : memref<128x128xf32, #tpu.memory_space<vmem>>) offsets(%dma_start3A_426 : memref<128xi32, #tpu.memory_space<vmem>>) semaphore(%arg17 : memref<!tpu.dma_semaphore, #tpu.memory_space<semaphore_mem>>)
        } else {
        }
        %add3A_396 = arith.constant 1 : i32
        %add3A_397 = arith.addi %while3A_380, %add3A_396 : i32
        %lt3A_398 = arith.cmpi slt, %add3A_397, %select_n3A : i32
        %eq3A_399 = arith.constant false
        %eq3A_400 = arith.xori %eq3A_384, %eq3A_399 : i1
        %eq3A_401 = arith.constant true
        %eq3A_402 = arith.xori %eq3A_400, %eq3A_401 : i1
        %and3A_403 = arith.andi %lt3A_398, %eq3A_402 : i1
        %convert_element_type3A_404 = arith.extui %and3A_403 : i1 to i32
        %cond3A_405 = arith.constant 0 : i32
        %cond3A_406 = arith.cmpi ne, %convert_element_type3A_404, %cond3A_405 : i32
        scf.if %cond3A_406 {
          %add3A_422 = arith.constant 1 : i32
          %add3A_423 = arith.addi %while3A_380, %add3A_422 : i32
          %mul3A_424 = arith.constant 128 : i32
          %mul3A_425 = arith.muli %add3A_423, %mul3A_424 : i32
          %dma_start3A_426 = tpu.memref_slice %arg9[%mul3A_425] : memref<8128xi32, #tpu.memory_space<vmem>> -> memref<128xi32, #tpu.memory_space<vmem>>
          %dma_start3A_427 = arith.constant 0 : i32
          %dma_start3A_428 = arith.constant 0 : i32
          %dma_start3A_429 = tpu.memref_slice %arg2[%dma_start3A_427, %dma_start3A_428] : memref<320000x128xf32, #tpu.memory_space<hbm>> -> memref<320000x128xf32, #tpu.memory_space<hbm>>
          tpu.enqueue_indirect_dma source(%dma_start3A_429 : memref<320000x128xf32, #tpu.memory_space<hbm>>) target(%arg10 : memref<128x128xf32, #tpu.memory_space<vmem>>) offsets(%dma_start3A_426 : memref<128xi32, #tpu.memory_space<vmem>>) semaphore(%arg16 : memref<!tpu.dma_semaphore, #tpu.memory_space<semaphore_mem>>)
        } else {
        }
        %eq3A_407 = arith.constant true
        %eq3A_408 = arith.xori %eq3A_384, %eq3A_407 : i1
        %eq3A_409 = arith.constant true
        %eq3A_410 = arith.xori %eq3A_408, %eq3A_409 : i1
        %convert_element_type3A_411 = arith.extui %eq3A_410 : i1 to i32
        %cond3A_412 = arith.constant 0 : i32
        %cond3A_413 = arith.cmpi ne, %convert_element_type3A_411, %cond3A_412 : i32
        scf.if %cond3A_413 {
          %mul3A_422 = arith.constant 128 : i32
          %mul3A_423 = arith.muli %while3A_380, %mul3A_422 : i32
          %dma_wait3A_424 = tpu.memref_slice %arg9[%mul3A_423] : memref<8128xi32, #tpu.memory_space<vmem>> -> memref<128xi32, #tpu.memory_space<vmem>>
          %dma_wait3A_425 = arith.constant 0 : i32
          %dma_wait3A_426 = arith.constant 0 : i32
          %dma_wait3A_427 = tpu.memref_slice %arg2[%dma_wait3A_425, %dma_wait3A_426] : memref<320000x128xf32, #tpu.memory_space<hbm>> -> memref<320000x128xf32, #tpu.memory_space<hbm>>
          tpu.wait_indirect_dma semaphore(%arg16 : memref<!tpu.dma_semaphore, #tpu.memory_space<semaphore_mem>>) src(%dma_wait3A_427 : memref<320000x128xf32, #tpu.memory_space<hbm>>) dst(%arg10 : memref<128x128xf32, #tpu.memory_space<vmem>>)
          %mul3A_428 = arith.constant 128 : i32
          %mul3A_429 = arith.muli %while3A_380, %mul3A_428 : i32
          %sub3A_430 = arith.subi %add3A_158, %mul3A_429 : i32
          %min3A = arith.constant 128 : i32
          %min3A_431 = arith.minsi %sub3A_430, %min3A : i32
          %while3A_432 = arith.constant 0 : i32
          %while3A_433 = arith.constant 0 : i32
          %while3A_434 = arith.subi %min3A_431, %while3A_432 : i32
          %while3A_435 = arith.addi %while3A_432, %while3A_434 : i32
          %while3A_436 = arith.constant 1 : i32
          %while3A_437 = arith.divsi %while3A_434, %while3A_436 : i32
          %while3A_438 = arith.muli %while3A_437, %while3A_436 : i32
          %while3A_439 = arith.addi %while3A_432, %while3A_438 : i32
          %while3A_440 = arith.constant 1 : i32
          %while3A_441 = scf.for %while3A_444 = %while3A_432 to %while3A_439 step %while3A_440 iter_args(%while3A_445 = %while3A_433) -> (i32)  : i32 {
            %mul3A_446 = arith.constant 128 : i32
            %mul3A_447 = arith.muli %while3A_380, %mul3A_446 : i32
            %add3A_448 = arith.addi %mul3A_447, %while3A_444 : i32
            %get3A_449 = arith.index_cast %add3A_448 : i32 to index
            %get3A_450 = tpu.vector_load %arg8[%get3A_449] {strides = array<i32>} : memref<8128xi32, #tpu.memory_space<vmem>>, vector<16xi32>,
            %slice3A_451 = vector.extract_strided_slice %get3A_450 {offsets = [0], sizes = [1], strides = [1]} : vector<16xi32> to vector<1xi32>
            %squeeze3A_452 = vector.extract %slice3A_451[0] : i32 from vector<1xi32>
            %shift_right_arithmetic3A = arith.constant 19 : i32
            %shift_right_arithmetic3A_453 = arith.shrsi %squeeze3A_452, %shift_right_arithmetic3A : i32
            %get3A_454 = arith.index_cast %shift_right_arithmetic3A_453 : i32 to index
            %get3A_455 = arith.constant 0 : index
            %get3A_456 = tpu.vector_load %arg12[%get3A_454, %get3A_455] {strides = array<i32>} : memref<320x128xf32, #tpu.memory_space<vmem>>, vector<16xf32>,
            %get3A_457 = arith.index_cast %while3A_444 : i32 to index
            %get3A_458 = arith.constant 0 : index
            %get3A_459 = tpu.vector_load %arg10[%get3A_457, %get3A_458] {strides = array<i32>} : memref<128x128xf32, #tpu.memory_space<vmem>>, vector<16xf32>,
            %max3A = arith.maximumf %get3A_456, %get3A_459 : vector<16xf32>
            %swap3A_460 = arith.index_cast %shift_right_arithmetic3A_453 : i32 to index
            %swap3A_461 = arith.constant 0 : index
            %swap3A_462 = tpu.vector_load %arg12[%swap3A_460, %swap3A_461] {strides = array<i32>} : memref<320x128xf32, #tpu.memory_space<vmem>>, vector<16xf32>,
            tpu.vector_store %arg12[%swap3A_460, %swap3A_461], %max3A {strides = array<i32>} : memref<320x128xf32, #tpu.memory_space<vmem>>, vector<16xf32>,
            %get3A_463 = arith.index_cast %shift_right_arithmetic3A_453 : i32 to index
            %get3A_464 = arith.constant 16 : index
            %get3A_465 = tpu.vector_load %arg12[%get3A_463, %get3A_464] {strides = array<i32>} : memref<320x128xf32, #tpu.memory_space<vmem>>, vector<16xf32>,
            %get3A_466 = arith.index_cast %while3A_444 : i32 to index
            %get3A_467 = arith.constant 16 : index
            %get3A_468 = tpu.vector_load %arg10[%get3A_466, %get3A_467] {strides = array<i32>} : memref<128x128xf32, #tpu.memory_space<vmem>>, vector<16xf32>,
            %max3A_469 = arith.maximumf %get3A_465, %get3A_468 : vector<16xf32>
            %swap3A_470 = arith.index_cast %shift_right_arithmetic3A_453 : i32 to index
            %swap3A_471 = arith.constant 16 : index
            %swap3A_472 = tpu.vector_load %arg12[%swap3A_470, %swap3A_471] {strides = array<i32>} : memref<320x128xf32, #tpu.memory_space<vmem>>, vector<16xf32>,
            tpu.vector_store %arg12[%swap3A_470, %swap3A_471], %max3A_469 {strides = array<i32>} : memref<320x128xf32, #tpu.memory_space<vmem>>, vector<16xf32>,
            %get3A_473 = arith.index_cast %shift_right_arithmetic3A_453 : i32 to index
            %get3A_474 = arith.constant 32 : index
            %get3A_475 = tpu.vector_load %arg12[%get3A_473, %get3A_474] {strides = array<i32>} : memref<320x128xf32, #tpu.memory_space<vmem>>, vector<16xf32>,
            %get3A_476 = arith.index_cast %while3A_444 : i32 to index
            %get3A_477 = arith.constant 32 : index
            %get3A_478 = tpu.vector_load %arg10[%get3A_476, %get3A_477] {strides = array<i32>} : memref<128x128xf32, #tpu.memory_space<vmem>>, vector<16xf32>,
            %max3A_479 = arith.maximumf %get3A_475, %get3A_478 : vector<16xf32>
            %swap3A_480 = arith.index_cast %shift_right_arithmetic3A_453 : i32 to index
            %swap3A_481 = arith.constant 32 : index
            %swap3A_482 = tpu.vector_load %arg12[%swap3A_480, %swap3A_481] {strides = array<i32>} : memref<320x128xf32, #tpu.memory_space<vmem>>, vector<16xf32>,
            tpu.vector_store %arg12[%swap3A_480, %swap3A_481], %max3A_479 {strides = array<i32>} : memref<320x128xf32, #tpu.memory_space<vmem>>, vector<16xf32>,
            %get3A_483 = arith.index_cast %shift_right_arithmetic3A_453 : i32 to index
            %get3A_484 = arith.constant 48 : index
            %get3A_485 = tpu.vector_load %arg12[%get3A_483, %get3A_484] {strides = array<i32>} : memref<320x128xf32, #tpu.memory_space<vmem>>, vector<16xf32>,
            %get3A_486 = arith.index_cast %while3A_444 : i32 to index
            %get3A_487 = arith.constant 48 : index
            %get3A_488 = tpu.vector_load %arg10[%get3A_486, %get3A_487] {strides = array<i32>} : memref<128x128xf32, #tpu.memory_space<vmem>>, vector<16xf32>,
            %max3A_489 = arith.maximumf %get3A_485, %get3A_488 : vector<16xf32>
            %swap3A_490 = arith.index_cast %shift_right_arithmetic3A_453 : i32 to index
            %swap3A_491 = arith.constant 48 : index
            %swap3A_492 = tpu.vector_load %arg12[%swap3A_490, %swap3A_491] {strides = array<i32>} : memref<320x128xf32, #tpu.memory_space<vmem>>, vector<16xf32>,
            tpu.vector_store %arg12[%swap3A_490, %swap3A_491], %max3A_489 {strides = array<i32>} : memref<320x128xf32, #tpu.memory_space<vmem>>, vector<16xf32>,
            %get3A_493 = arith.index_cast %shift_right_arithmetic3A_453 : i32 to index
            %get3A_494 = arith.constant 64 : index
            %get3A_495 = tpu.vector_load %arg12[%get3A_493, %get3A_494] {strides = array<i32>} : memref<320x128xf32, #tpu.memory_space<vmem>>, vector<16xf32>,
            %get3A_496 = arith.index_cast %while3A_444 : i32 to index
            %get3A_497 = arith.constant 64 : index
            %get3A_498 = tpu.vector_load %arg10[%get3A_496, %get3A_497] {strides = array<i32>} : memref<128x128xf32, #tpu.memory_space<vmem>>, vector<16xf32>,
            %max3A_499 = arith.maximumf %get3A_495, %get3A_498 : vector<16xf32>
            %swap3A_500 = arith.index_cast %shift_right_arithmetic3A_453 : i32 to index
            %swap3A_501 = arith.constant 64 : index
            %swap3A_502 = tpu.vector_load %arg12[%swap3A_500, %swap3A_501] {strides = array<i32>} : memref<320x128xf32, #tpu.memory_space<vmem>>, vector<16xf32>,
            tpu.vector_store %arg12[%swap3A_500, %swap3A_501], %max3A_499 {strides = array<i32>} : memref<320x128xf32, #tpu.memory_space<vmem>>, vector<16xf32>,
            %get3A_503 = arith.index_cast %shift_right_arithmetic3A_453 : i32 to index
            %get3A_504 = arith.constant 80 : index
            %get3A_505 = tpu.vector_load %arg12[%get3A_503, %get3A_504] {strides = array<i32>} : memref<320x128xf32, #tpu.memory_space<vmem>>, vector<16xf32>,
            %get3A_506 = arith.index_cast %while3A_444 : i32 to index
            %get3A_507 = arith.constant 80 : index
            %get3A_508 = tpu.vector_load %arg10[%get3A_506, %get3A_507] {strides = array<i32>} : memref<128x128xf32, #tpu.memory_space<vmem>>, vector<16xf32>,
            %max3A_509 = arith.maximumf %get3A_505, %get3A_508 : vector<16xf32>
            %swap3A_510 = arith.index_cast %shift_right_arithmetic3A_453 : i32 to index
            %swap3A_511 = arith.constant 80 : index
            %swap3A_512 = tpu.vector_load %arg12[%swap3A_510, %swap3A_511] {strides = array<i32>} : memref<320x128xf32, #tpu.memory_space<vmem>>, vector<16xf32>,
            tpu.vector_store %arg12[%swap3A_510, %swap3A_511], %max3A_509 {strides = array<i32>} : memref<320x128xf32, #tpu.memory_space<vmem>>, vector<16xf32>,
            %get3A_513 = arith.index_cast %shift_right_arithmetic3A_453 : i32 to index
            %get3A_514 = arith.constant 96 : index
            %get3A_515 = tpu.vector_load %arg12[%get3A_513, %get3A_514] {strides = array<i32>} : memref<320x128xf32, #tpu.memory_space<vmem>>, vector<16xf32>,
            %get3A_516 = arith.index_cast %while3A_444 : i32 to index
            %get3A_517 = arith.constant 96 : index
            %get3A_518 = tpu.vector_load %arg10[%get3A_516, %get3A_517] {strides = array<i32>} : memref<128x128xf32, #tpu.memory_space<vmem>>, vector<16xf32>,
            %max3A_519 = arith.maximumf %get3A_515, %get3A_518 : vector<16xf32>
            %swap3A_520 = arith.index_cast %shift_right_arithmetic3A_453 : i32 to index
            %swap3A_521 = arith.constant 96 : index
            %swap3A_522 = tpu.vector_load %arg12[%swap3A_520, %swap3A_521] {strides = array<i32>} : memref<320x128xf32, #tpu.memory_space<vmem>>, vector<16xf32>,
            tpu.vector_store %arg12[%swap3A_520, %swap3A_521], %max3A_519 {strides = array<i32>} : memref<320x128xf32, #tpu.memory_space<vmem>>, vector<16xf32>,
            %get3A_523 = arith.index_cast %shift_right_arithmetic3A_453 : i32 to index
            %get3A_524 = arith.constant 112 : index
            %get3A_525 = tpu.vector_load %arg12[%get3A_523, %get3A_524] {strides = array<i32>} : memref<320x128xf32, #tpu.memory_space<vmem>>, vector<16xf32>,
            %get3A_526 = arith.index_cast %while3A_444 : i32 to index
            %get3A_527 = arith.constant 112 : index
            %get3A_528 = tpu.vector_load %arg10[%get3A_526, %get3A_527] {strides = array<i32>} : memref<128x128xf32, #tpu.memory_space<vmem>>, vector<16xf32>,
            %max3A_529 = arith.maximumf %get3A_525, %get3A_528 : vector<16xf32>
            %swap3A_530 = arith.index_cast %shift_right_arithmetic3A_453 : i32 to index
            %swap3A_531 = arith.constant 112 : index
            %swap3A_532 = tpu.vector_load %arg12[%swap3A_530, %swap3A_531] {strides = array<i32>} : memref<320x128xf32, #tpu.memory_space<vmem>>, vector<16xf32>,
            tpu.vector_store %arg12[%swap3A_530, %swap3A_531], %max3A_529 {strides = array<i32>} : memref<320x128xf32, #tpu.memory_space<vmem>>, vector<16xf32>,
            %while3A_533 = arith.constant 0 : i32
            scf.yield %while3A_533 : i32
          }
          %while3A_442 = arith.constant 1 : i32
          %while3A_443 = scf.for %while3A_444 = %while3A_439 to %while3A_435 step %while3A_442 iter_args(%while3A_445 = %while3A_441) -> (i32)  : i32 {
            %mul3A_446 = arith.constant 128 : i32
            %mul3A_447 = arith.muli %while3A_380, %mul3A_446 : i32
            %add3A_448 = arith.addi %mul3A_447, %while3A_444 : i32
            %get3A_449 = arith.index_cast %add3A_448 : i32 to index
            %get3A_450 = tpu.vector_load %arg8[%get3A_449] {strides = array<i32>} : memref<8128xi32, #tpu.memory_space<vmem>>, vector<16xi32>,
            %slice3A_451 = vector.extract_strided_slice %get3A_450 {offsets = [0], sizes = [1], strides = [1]} : vector<16xi32> to vector<1xi32>
            %squeeze3A_452 = vector.extract %slice3A_451[0] : i32 from vector<1xi32>
            %shift_right_arithmetic3A = arith.constant 19 : i32
            %shift_right_arithmetic3A_453 = arith.shrsi %squeeze3A_452, %shift_right_arithmetic3A : i32
            %get3A_454 = arith.index_cast %shift_right_arithmetic3A_453 : i32 to index
            %get3A_455 = arith.constant 0 : index
            %get3A_456 = tpu.vector_load %arg12[%get3A_454, %get3A_455] {strides = array<i32>} : memref<320x128xf32, #tpu.memory_space<vmem>>, vector<16xf32>,
            %get3A_457 = arith.index_cast %while3A_444 : i32 to index
            %get3A_458 = arith.constant 0 : index
            %get3A_459 = tpu.vector_load %arg10[%get3A_457, %get3A_458] {strides = array<i32>} : memref<128x128xf32, #tpu.memory_space<vmem>>, vector<16xf32>,
            %max3A = arith.maximumf %get3A_456, %get3A_459 : vector<16xf32>
            %swap3A_460 = arith.index_cast %shift_right_arithmetic3A_453 : i32 to index
            %swap3A_461 = arith.constant 0 : index
            %swap3A_462 = tpu.vector_load %arg12[%swap3A_460, %swap3A_461] {strides = array<i32>} : memref<320x128xf32, #tpu.memory_space<vmem>>, vector<16xf32>,
            tpu.vector_store %arg12[%swap3A_460, %swap3A_461], %max3A {strides = array<i32>} : memref<320x128xf32, #tpu.memory_space<vmem>>, vector<16xf32>,
            %get3A_463 = arith.index_cast %shift_right_arithmetic3A_453 : i32 to index
            %get3A_464 = arith.constant 16 : index
            %get3A_465 = tpu.vector_load %arg12[%get3A_463, %get3A_464] {strides = array<i32>} : memref<320x128xf32, #tpu.memory_space<vmem>>, vector<16xf32>,
            %get3A_466 = arith.index_cast %while3A_444 : i32 to index
            %get3A_467 = arith.constant 16 : index
            %get3A_468 = tpu.vector_load %arg10[%get3A_466, %get3A_467] {strides = array<i32>} : memref<128x128xf32, #tpu.memory_space<vmem>>, vector<16xf32>,
            %max3A_469 = arith.maximumf %get3A_465, %get3A_468 : vector<16xf32>
            %swap3A_470 = arith.index_cast %shift_right_arithmetic3A_453 : i32 to index
            %swap3A_471 = arith.constant 16 : index
            %swap3A_472 = tpu.vector_load %arg12[%swap3A_470, %swap3A_471] {strides = array<i32>} : memref<320x128xf32, #tpu.memory_space<vmem>>, vector<16xf32>,
            tpu.vector_store %arg12[%swap3A_470, %swap3A_471], %max3A_469 {strides = array<i32>} : memref<320x128xf32, #tpu.memory_space<vmem>>, vector<16xf32>,
            %get3A_473 = arith.index_cast %shift_right_arithmetic3A_453 : i32 to index
            %get3A_474 = arith.constant 32 : index
            %get3A_475 = tpu.vector_load %arg12[%get3A_473, %get3A_474] {strides = array<i32>} : memref<320x128xf32, #tpu.memory_space<vmem>>, vector<16xf32>,
            %get3A_476 = arith.index_cast %while3A_444 : i32 to index
            %get3A_477 = arith.constant 32 : index
            %get3A_478 = tpu.vector_load %arg10[%get3A_476, %get3A_477] {strides = array<i32>} : memref<128x128xf32, #tpu.memory_space<vmem>>, vector<16xf32>,
            %max3A_479 = arith.maximumf %get3A_475, %get3A_478 : vector<16xf32>
            %swap3A_480 = arith.index_cast %shift_right_arithmetic3A_453 : i32 to index
            %swap3A_481 = arith.constant 32 : index
            %swap3A_482 = tpu.vector_load %arg12[%swap3A_480, %swap3A_481] {strides = array<i32>} : memref<320x128xf32, #tpu.memory_space<vmem>>, vector<16xf32>,
            tpu.vector_store %arg12[%swap3A_480, %swap3A_481], %max3A_479 {strides = array<i32>} : memref<320x128xf32, #tpu.memory_space<vmem>>, vector<16xf32>,
            %get3A_483 = arith.index_cast %shift_right_arithmetic3A_453 : i32 to index
            %get3A_484 = arith.constant 48 : index
            %get3A_485 = tpu.vector_load %arg12[%get3A_483, %get3A_484] {strides = array<i32>} : memref<320x128xf32, #tpu.memory_space<vmem>>, vector<16xf32>,
            %get3A_486 = arith.index_cast %while3A_444 : i32 to index
            %get3A_487 = arith.constant 48 : index
            %get3A_488 = tpu.vector_load %arg10[%get3A_486, %get3A_487] {strides = array<i32>} : memref<128x128xf32, #tpu.memory_space<vmem>>, vector<16xf32>,
            %max3A_489 = arith.maximumf %get3A_485, %get3A_488 : vector<16xf32>
            %swap3A_490 = arith.index_cast %shift_right_arithmetic3A_453 : i32 to index
            %swap3A_491 = arith.constant 48 : index
            %swap3A_492 = tpu.vector_load %arg12[%swap3A_490, %swap3A_491] {strides = array<i32>} : memref<320x128xf32, #tpu.memory_space<vmem>>, vector<16xf32>,
            tpu.vector_store %arg12[%swap3A_490, %swap3A_491], %max3A_489 {strides = array<i32>} : memref<320x128xf32, #tpu.memory_space<vmem>>, vector<16xf32>,
            %get3A_493 = arith.index_cast %shift_right_arithmetic3A_453 : i32 to index
            %get3A_494 = arith.constant 64 : index
            %get3A_495 = tpu.vector_load %arg12[%get3A_493, %get3A_494] {strides = array<i32>} : memref<320x128xf32, #tpu.memory_space<vmem>>, vector<16xf32>,
            %get3A_496 = arith.index_cast %while3A_444 : i32 to index
            %get3A_497 = arith.constant 64 : index
            %get3A_498 = tpu.vector_load %arg10[%get3A_496, %get3A_497] {strides = array<i32>} : memref<128x128xf32, #tpu.memory_space<vmem>>, vector<16xf32>,
            %max3A_499 = arith.maximumf %get3A_495, %get3A_498 : vector<16xf32>
            %swap3A_500 = arith.index_cast %shift_right_arithmetic3A_453 : i32 to index
            %swap3A_501 = arith.constant 64 : index
            %swap3A_502 = tpu.vector_load %arg12[%swap3A_500, %swap3A_501] {strides = array<i32>} : memref<320x128xf32, #tpu.memory_space<vmem>>, vector<16xf32>,
            tpu.vector_store %arg12[%swap3A_500, %swap3A_501], %max3A_499 {strides = array<i32>} : memref<320x128xf32, #tpu.memory_space<vmem>>, vector<16xf32>,
            %get3A_503 = arith.index_cast %shift_right_arithmetic3A_453 : i32 to index
            %get3A_504 = arith.constant 80 : index
            %get3A_505 = tpu.vector_load %arg12[%get3A_503, %get3A_504] {strides = array<i32>} : memref<320x128xf32, #tpu.memory_space<vmem>>, vector<16xf32>,
            %get3A_506 = arith.index_cast %while3A_444 : i32 to index
            %get3A_507 = arith.constant 80 : index
            %get3A_508 = tpu.vector_load %arg10[%get3A_506, %get3A_507] {strides = array<i32>} : memref<128x128xf32, #tpu.memory_space<vmem>>, vector<16xf32>,
            %max3A_509 = arith.maximumf %get3A_505, %get3A_508 : vector<16xf32>
            %swap3A_510 = arith.index_cast %shift_right_arithmetic3A_453 : i32 to index
            %swap3A_511 = arith.constant 80 : index
            %swap3A_512 = tpu.vector_load %arg12[%swap3A_510, %swap3A_511] {strides = array<i32>} : memref<320x128xf32, #tpu.memory_space<vmem>>, vector<16xf32>,
            tpu.vector_store %arg12[%swap3A_510, %swap3A_511], %max3A_509 {strides = array<i32>} : memref<320x128xf32, #tpu.memory_space<vmem>>, vector<16xf32>,
            %get3A_513 = arith.index_cast %shift_right_arithmetic3A_453 : i32 to index
            %get3A_514 = arith.constant 96 : index
            %get3A_515 = tpu.vector_load %arg12[%get3A_513, %get3A_514] {strides = array<i32>} : memref<320x128xf32, #tpu.memory_space<vmem>>, vector<16xf32>,
            %get3A_516 = arith.index_cast %while3A_444 : i32 to index
            %get3A_517 = arith.constant 96 : index
            %get3A_518 = tpu.vector_load %arg10[%get3A_516, %get3A_517] {strides = array<i32>} : memref<128x128xf32, #tpu.memory_space<vmem>>, vector<16xf32>,
            %max3A_519 = arith.maximumf %get3A_515, %get3A_518 : vector<16xf32>
            %swap3A_520 = arith.index_cast %shift_right_arithmetic3A_453 : i32 to index
            %swap3A_521 = arith.constant 96 : index
            %swap3A_522 = tpu.vector_load %arg12[%swap3A_520, %swap3A_521] {strides = array<i32>} : memref<320x128xf32, #tpu.memory_space<vmem>>, vector<16xf32>,
            tpu.vector_store %arg12[%swap3A_520, %swap3A_521], %max3A_519 {strides = array<i32>} : memref<320x128xf32, #tpu.memory_space<vmem>>, vector<16xf32>,
            %get3A_523 = arith.index_cast %shift_right_arithmetic3A_453 : i32 to index
            %get3A_524 = arith.constant 112 : index
            %get3A_525 = tpu.vector_load %arg12[%get3A_523, %get3A_524] {strides = array<i32>} : memref<320x128xf32, #tpu.memory_space<vmem>>, vector<16xf32>,
            %get3A_526 = arith.index_cast %while3A_444 : i32 to index
            %get3A_527 = arith.constant 112 : index
            %get3A_528 = tpu.vector_load %arg10[%get3A_526, %get3A_527] {strides = array<i32>} : memref<128x128xf32, #tpu.memory_space<vmem>>, vector<16xf32>,
            %max3A_529 = arith.maximumf %get3A_525, %get3A_528 : vector<16xf32>
            %swap3A_530 = arith.index_cast %shift_right_arithmetic3A_453 : i32 to index
            %swap3A_531 = arith.constant 112 : index
            %swap3A_532 = tpu.vector_load %arg12[%swap3A_530, %swap3A_531] {strides = array<i32>} : memref<320x128xf32, #tpu.memory_space<vmem>>, vector<16xf32>,
            tpu.vector_store %arg12[%swap3A_530, %swap3A_531], %max3A_529 {strides = array<i32>} : memref<320x128xf32, #tpu.memory_space<vmem>>, vector<16xf32>,
            %while3A_533 = arith.constant 0 : i32
            scf.yield %while3A_533 : i32
          }
        } else {
        }
        %eq3A_414 = arith.constant false
        %eq3A_415 = arith.xori %eq3A_384, %eq3A_414 : i1
        %eq3A_416 = arith.constant true
        %eq3A_417 = arith.xori %eq3A_415, %eq3A_416 : i1
        %convert_element_type3A_418 = arith.extui %eq3A_417 : i1 to i32
        %cond3A_419 = arith.constant 0 : i32
        %cond3A_420 = arith.cmpi ne, %convert_element_type3A_418, %cond3A_419 : i32
        scf.if %cond3A_420 {
          %mul3A_422 = arith.constant 128 : i32
          %mul3A_423 = arith.muli %while3A_380, %mul3A_422 : i32
          %dma_wait3A_424 = tpu.memref_slice %arg9[%mul3A_423] : memref<8128xi32, #tpu.memory_space<vmem>> -> memref<128xi32, #tpu.memory_space<vmem>>
          %dma_wait3A_425 = arith.constant 0 : i32
          %dma_wait3A_426 = arith.constant 0 : i32
          %dma_wait3A_427 = tpu.memref_slice %arg2[%dma_wait3A_425, %dma_wait3A_426] : memref<320000x128xf32, #tpu.memory_space<hbm>> -> memref<320000x128xf32, #tpu.memory_space<hbm>>
          tpu.wait_indirect_dma semaphore(%arg17 : memref<!tpu.dma_semaphore, #tpu.memory_space<semaphore_mem>>) src(%dma_wait3A_427 : memref<320000x128xf32, #tpu.memory_space<hbm>>) dst(%arg11 : memref<128x128xf32, #tpu.memory_space<vmem>>)
          %mul3A_428 = arith.constant 128 : i32
          %mul3A_429 = arith.muli %while3A_380, %mul3A_428 : i32
          %sub3A_430 = arith.subi %add3A_158, %mul3A_429 : i32
          %min3A = arith.constant 128 : i32
          %min3A_431 = arith.minsi %sub3A_430, %min3A : i32
          %while3A_432 = arith.constant 0 : i32
          %while3A_433 = arith.constant 0 : i32
          %while3A_434 = arith.subi %min3A_431, %while3A_432 : i32
          %while3A_435 = arith.addi %while3A_432, %while3A_434 : i32
          %while3A_436 = arith.constant 1 : i32
          %while3A_437 = arith.divsi %while3A_434, %while3A_436 : i32
          %while3A_438 = arith.muli %while3A_437, %while3A_436 : i32
          %while3A_439 = arith.addi %while3A_432, %while3A_438 : i32
          %while3A_440 = arith.constant 1 : i32
          %while3A_441 = scf.for %while3A_444 = %while3A_432 to %while3A_439 step %while3A_440 iter_args(%while3A_445 = %while3A_433) -> (i32)  : i32 {
            %mul3A_446 = arith.constant 128 : i32
            %mul3A_447 = arith.muli %while3A_380, %mul3A_446 : i32
            %add3A_448 = arith.addi %mul3A_447, %while3A_444 : i32
            %get3A_449 = arith.index_cast %add3A_448 : i32 to index
            %get3A_450 = tpu.vector_load %arg8[%get3A_449] {strides = array<i32>} : memref<8128xi32, #tpu.memory_space<vmem>>, vector<16xi32>,
            %slice3A_451 = vector.extract_strided_slice %get3A_450 {offsets = [0], sizes = [1], strides = [1]} : vector<16xi32> to vector<1xi32>
            %squeeze3A_452 = vector.extract %slice3A_451[0] : i32 from vector<1xi32>
            %shift_right_arithmetic3A = arith.constant 19 : i32
            %shift_right_arithmetic3A_453 = arith.shrsi %squeeze3A_452, %shift_right_arithmetic3A : i32
            %get3A_454 = arith.index_cast %shift_right_arithmetic3A_453 : i32 to index
            %get3A_455 = arith.constant 0 : index
            %get3A_456 = tpu.vector_load %arg12[%get3A_454, %get3A_455] {strides = array<i32>} : memref<320x128xf32, #tpu.memory_space<vmem>>, vector<16xf32>,
            %get3A_457 = arith.index_cast %while3A_444 : i32 to index
            %get3A_458 = arith.constant 0 : index
            %get3A_459 = tpu.vector_load %arg11[%get3A_457, %get3A_458] {strides = array<i32>} : memref<128x128xf32, #tpu.memory_space<vmem>>, vector<16xf32>,
            %max3A = arith.maximumf %get3A_456, %get3A_459 : vector<16xf32>
            %swap3A_460 = arith.index_cast %shift_right_arithmetic3A_453 : i32 to index
            %swap3A_461 = arith.constant 0 : index
            %swap3A_462 = tpu.vector_load %arg12[%swap3A_460, %swap3A_461] {strides = array<i32>} : memref<320x128xf32, #tpu.memory_space<vmem>>, vector<16xf32>,
            tpu.vector_store %arg12[%swap3A_460, %swap3A_461], %max3A {strides = array<i32>} : memref<320x128xf32, #tpu.memory_space<vmem>>, vector<16xf32>,
            %get3A_463 = arith.index_cast %shift_right_arithmetic3A_453 : i32 to index
            %get3A_464 = arith.constant 16 : index
            %get3A_465 = tpu.vector_load %arg12[%get3A_463, %get3A_464] {strides = array<i32>} : memref<320x128xf32, #tpu.memory_space<vmem>>, vector<16xf32>,
            %get3A_466 = arith.index_cast %while3A_444 : i32 to index
            %get3A_467 = arith.constant 16 : index
            %get3A_468 = tpu.vector_load %arg11[%get3A_466, %get3A_467] {strides = array<i32>} : memref<128x128xf32, #tpu.memory_space<vmem>>, vector<16xf32>,
            %max3A_469 = arith.maximumf %get3A_465, %get3A_468 : vector<16xf32>
            %swap3A_470 = arith.index_cast %shift_right_arithmetic3A_453 : i32 to index
            %swap3A_471 = arith.constant 16 : index
            %swap3A_472 = tpu.vector_load %arg12[%swap3A_470, %swap3A_471] {strides = array<i32>} : memref<320x128xf32, #tpu.memory_space<vmem>>, vector<16xf32>,
            tpu.vector_store %arg12[%swap3A_470, %swap3A_471], %max3A_469 {strides = array<i32>} : memref<320x128xf32, #tpu.memory_space<vmem>>, vector<16xf32>,
            %get3A_473 = arith.index_cast %shift_right_arithmetic3A_453 : i32 to index
            %get3A_474 = arith.constant 32 : index
            %get3A_475 = tpu.vector_load %arg12[%get3A_473, %get3A_474] {strides = array<i32>} : memref<320x128xf32, #tpu.memory_space<vmem>>, vector<16xf32>,
            %get3A_476 = arith.index_cast %while3A_444 : i32 to index
            %get3A_477 = arith.constant 32 : index
            %get3A_478 = tpu.vector_load %arg11[%get3A_476, %get3A_477] {strides = array<i32>} : memref<128x128xf32, #tpu.memory_space<vmem>>, vector<16xf32>,
            %max3A_479 = arith.maximumf %get3A_475, %get3A_478 : vector<16xf32>
            %swap3A_480 = arith.index_cast %shift_right_arithmetic3A_453 : i32 to index
            %swap3A_481 = arith.constant 32 : index
            %swap3A_482 = tpu.vector_load %arg12[%swap3A_480, %swap3A_481] {strides = array<i32>} : memref<320x128xf32, #tpu.memory_space<vmem>>, vector<16xf32>,
            tpu.vector_store %arg12[%swap3A_480, %swap3A_481], %max3A_479 {strides = array<i32>} : memref<320x128xf32, #tpu.memory_space<vmem>>, vector<16xf32>,
            %get3A_483 = arith.index_cast %shift_right_arithmetic3A_453 : i32 to index
            %get3A_484 = arith.constant 48 : index
            %get3A_485 = tpu.vector_load %arg12[%get3A_483, %get3A_484] {strides = array<i32>} : memref<320x128xf32, #tpu.memory_space<vmem>>, vector<16xf32>,
            %get3A_486 = arith.index_cast %while3A_444 : i32 to index
            %get3A_487 = arith.constant 48 : index
            %get3A_488 = tpu.vector_load %arg11[%get3A_486, %get3A_487] {strides = array<i32>} : memref<128x128xf32, #tpu.memory_space<vmem>>, vector<16xf32>,
            %max3A_489 = arith.maximumf %get3A_485, %get3A_488 : vector<16xf32>
            %swap3A_490 = arith.index_cast %shift_right_arithmetic3A_453 : i32 to index
            %swap3A_491 = arith.constant 48 : index
            %swap3A_492 = tpu.vector_load %arg12[%swap3A_490, %swap3A_491] {strides = array<i32>} : memref<320x128xf32, #tpu.memory_space<vmem>>, vector<16xf32>,
            tpu.vector_store %arg12[%swap3A_490, %swap3A_491], %max3A_489 {strides = array<i32>} : memref<320x128xf32, #tpu.memory_space<vmem>>, vector<16xf32>,
            %get3A_493 = arith.index_cast %shift_right_arithmetic3A_453 : i32 to index
            %get3A_494 = arith.constant 64 : index
            %get3A_495 = tpu.vector_load %arg12[%get3A_493, %get3A_494] {strides = array<i32>} : memref<320x128xf32, #tpu.memory_space<vmem>>, vector<16xf32>,
            %get3A_496 = arith.index_cast %while3A_444 : i32 to index
            %get3A_497 = arith.constant 64 : index
            %get3A_498 = tpu.vector_load %arg11[%get3A_496, %get3A_497] {strides = array<i32>} : memref<128x128xf32, #tpu.memory_space<vmem>>, vector<16xf32>,
            %max3A_499 = arith.maximumf %get3A_495, %get3A_498 : vector<16xf32>
            %swap3A_500 = arith.index_cast %shift_right_arithmetic3A_453 : i32 to index
            %swap3A_501 = arith.constant 64 : index
            %swap3A_502 = tpu.vector_load %arg12[%swap3A_500, %swap3A_501] {strides = array<i32>} : memref<320x128xf32, #tpu.memory_space<vmem>>, vector<16xf32>,
            tpu.vector_store %arg12[%swap3A_500, %swap3A_501], %max3A_499 {strides = array<i32>} : memref<320x128xf32, #tpu.memory_space<vmem>>, vector<16xf32>,
            %get3A_503 = arith.index_cast %shift_right_arithmetic3A_453 : i32 to index
            %get3A_504 = arith.constant 80 : index
            %get3A_505 = tpu.vector_load %arg12[%get3A_503, %get3A_504] {strides = array<i32>} : memref<320x128xf32, #tpu.memory_space<vmem>>, vector<16xf32>,
            %get3A_506 = arith.index_cast %while3A_444 : i32 to index
            %get3A_507 = arith.constant 80 : index
            %get3A_508 = tpu.vector_load %arg11[%get3A_506, %get3A_507] {strides = array<i32>} : memref<128x128xf32, #tpu.memory_space<vmem>>, vector<16xf32>,
            %max3A_509 = arith.maximumf %get3A_505, %get3A_508 : vector<16xf32>
            %swap3A_510 = arith.index_cast %shift_right_arithmetic3A_453 : i32 to index
            %swap3A_511 = arith.constant 80 : index
            %swap3A_512 = tpu.vector_load %arg12[%swap3A_510, %swap3A_511] {strides = array<i32>} : memref<320x128xf32, #tpu.memory_space<vmem>>, vector<16xf32>,
            tpu.vector_store %arg12[%swap3A_510, %swap3A_511], %max3A_509 {strides = array<i32>} : memref<320x128xf32, #tpu.memory_space<vmem>>, vector<16xf32>,
            %get3A_513 = arith.index_cast %shift_right_arithmetic3A_453 : i32 to index
            %get3A_514 = arith.constant 96 : index
            %get3A_515 = tpu.vector_load %arg12[%get3A_513, %get3A_514] {strides = array<i32>} : memref<320x128xf32, #tpu.memory_space<vmem>>, vector<16xf32>,
            %get3A_516 = arith.index_cast %while3A_444 : i32 to index
            %get3A_517 = arith.constant 96 : index
            %get3A_518 = tpu.vector_load %arg11[%get3A_516, %get3A_517] {strides = array<i32>} : memref<128x128xf32, #tpu.memory_space<vmem>>, vector<16xf32>,
            %max3A_519 = arith.maximumf %get3A_515, %get3A_518 : vector<16xf32>
            %swap3A_520 = arith.index_cast %shift_right_arithmetic3A_453 : i32 to index
            %swap3A_521 = arith.constant 96 : index
            %swap3A_522 = tpu.vector_load %arg12[%swap3A_520, %swap3A_521] {strides = array<i32>} : memref<320x128xf32, #tpu.memory_space<vmem>>, vector<16xf32>,
            tpu.vector_store %arg12[%swap3A_520, %swap3A_521], %max3A_519 {strides = array<i32>} : memref<320x128xf32, #tpu.memory_space<vmem>>, vector<16xf32>,
            %get3A_523 = arith.index_cast %shift_right_arithmetic3A_453 : i32 to index
            %get3A_524 = arith.constant 112 : index
            %get3A_525 = tpu.vector_load %arg12[%get3A_523, %get3A_524] {strides = array<i32>} : memref<320x128xf32, #tpu.memory_space<vmem>>, vector<16xf32>,
            %get3A_526 = arith.index_cast %while3A_444 : i32 to index
            %get3A_527 = arith.constant 112 : index
            %get3A_528 = tpu.vector_load %arg11[%get3A_526, %get3A_527] {strides = array<i32>} : memref<128x128xf32, #tpu.memory_space<vmem>>, vector<16xf32>,
            %max3A_529 = arith.maximumf %get3A_525, %get3A_528 : vector<16xf32>
            %swap3A_530 = arith.index_cast %shift_right_arithmetic3A_453 : i32 to index
            %swap3A_531 = arith.constant 112 : index
            %swap3A_532 = tpu.vector_load %arg12[%swap3A_530, %swap3A_531] {strides = array<i32>} : memref<320x128xf32, #tpu.memory_space<vmem>>, vector<16xf32>,
            tpu.vector_store %arg12[%swap3A_530, %swap3A_531], %max3A_529 {strides = array<i32>} : memref<320x128xf32, #tpu.memory_space<vmem>>, vector<16xf32>,
            %while3A_533 = arith.constant 0 : i32
            scf.yield %while3A_533 : i32
          }
          %while3A_442 = arith.constant 1 : i32
          %while3A_443 = scf.for %while3A_444 = %while3A_439 to %while3A_435 step %while3A_442 iter_args(%while3A_445 = %while3A_441) -> (i32)  : i32 {
            %mul3A_446 = arith.constant 128 : i32
            %mul3A_447 = arith.muli %while3A_380, %mul3A_446 : i32
            %add3A_448 = arith.addi %mul3A_447, %while3A_444 : i32
            %get3A_449 = arith.index_cast %add3A_448 : i32 to index
            %get3A_450 = tpu.vector_load %arg8[%get3A_449] {strides = array<i32>} : memref<8128xi32, #tpu.memory_space<vmem>>, vector<16xi32>,
            %slice3A_451 = vector.extract_strided_slice %get3A_450 {offsets = [0], sizes = [1], strides = [1]} : vector<16xi32> to vector<1xi32>
            %squeeze3A_452 = vector.extract %slice3A_451[0] : i32 from vector<1xi32>
            %shift_right_arithmetic3A = arith.constant 19 : i32
            %shift_right_arithmetic3A_453 = arith.shrsi %squeeze3A_452, %shift_right_arithmetic3A : i32
            %get3A_454 = arith.index_cast %shift_right_arithmetic3A_453 : i32 to index
            %get3A_455 = arith.constant 0 : index
            %get3A_456 = tpu.vector_load %arg12[%get3A_454, %get3A_455] {strides = array<i32>} : memref<320x128xf32, #tpu.memory_space<vmem>>, vector<16xf32>,
            %get3A_457 = arith.index_cast %while3A_444 : i32 to index
            %get3A_458 = arith.constant 0 : index
            %get3A_459 = tpu.vector_load %arg11[%get3A_457, %get3A_458] {strides = array<i32>} : memref<128x128xf32, #tpu.memory_space<vmem>>, vector<16xf32>,
            %max3A = arith.maximumf %get3A_456, %get3A_459 : vector<16xf32>
            %swap3A_460 = arith.index_cast %shift_right_arithmetic3A_453 : i32 to index
            %swap3A_461 = arith.constant 0 : index
            %swap3A_462 = tpu.vector_load %arg12[%swap3A_460, %swap3A_461] {strides = array<i32>} : memref<320x128xf32, #tpu.memory_space<vmem>>, vector<16xf32>,
            tpu.vector_store %arg12[%swap3A_460, %swap3A_461], %max3A {strides = array<i32>} : memref<320x128xf32, #tpu.memory_space<vmem>>, vector<16xf32>,
            %get3A_463 = arith.index_cast %shift_right_arithmetic3A_453 : i32 to index
            %get3A_464 = arith.constant 16 : index
            %get3A_465 = tpu.vector_load %arg12[%get3A_463, %get3A_464] {strides = array<i32>} : memref<320x128xf32, #tpu.memory_space<vmem>>, vector<16xf32>,
            %get3A_466 = arith.index_cast %while3A_444 : i32 to index
            %get3A_467 = arith.constant 16 : index
            %get3A_468 = tpu.vector_load %arg11[%get3A_466, %get3A_467] {strides = array<i32>} : memref<128x128xf32, #tpu.memory_space<vmem>>, vector<16xf32>,
            %max3A_469 = arith.maximumf %get3A_465, %get3A_468 : vector<16xf32>
            %swap3A_470 = arith.index_cast %shift_right_arithmetic3A_453 : i32 to index
            %swap3A_471 = arith.constant 16 : index
            %swap3A_472 = tpu.vector_load %arg12[%swap3A_470, %swap3A_471] {strides = array<i32>} : memref<320x128xf32, #tpu.memory_space<vmem>>, vector<16xf32>,
            tpu.vector_store %arg12[%swap3A_470, %swap3A_471], %max3A_469 {strides = array<i32>} : memref<320x128xf32, #tpu.memory_space<vmem>>, vector<16xf32>,
            %get3A_473 = arith.index_cast %shift_right_arithmetic3A_453 : i32 to index
            %get3A_474 = arith.constant 32 : index
            %get3A_475 = tpu.vector_load %arg12[%get3A_473, %get3A_474] {strides = array<i32>} : memref<320x128xf32, #tpu.memory_space<vmem>>, vector<16xf32>,
            %get3A_476 = arith.index_cast %while3A_444 : i32 to index
            %get3A_477 = arith.constant 32 : index
            %get3A_478 = tpu.vector_load %arg11[%get3A_476, %get3A_477] {strides = array<i32>} : memref<128x128xf32, #tpu.memory_space<vmem>>, vector<16xf32>,
            %max3A_479 = arith.maximumf %get3A_475, %get3A_478 : vector<16xf32>
            %swap3A_480 = arith.index_cast %shift_right_arithmetic3A_453 : i32 to index
            %swap3A_481 = arith.constant 32 : index
            %swap3A_482 = tpu.vector_load %arg12[%swap3A_480, %swap3A_481] {strides = array<i32>} : memref<320x128xf32, #tpu.memory_space<vmem>>, vector<16xf32>,
            tpu.vector_store %arg12[%swap3A_480, %swap3A_481], %max3A_479 {strides = array<i32>} : memref<320x128xf32, #tpu.memory_space<vmem>>, vector<16xf32>,
            %get3A_483 = arith.index_cast %shift_right_arithmetic3A_453 : i32 to index
            %get3A_484 = arith.constant 48 : index
            %get3A_485 = tpu.vector_load %arg12[%get3A_483, %get3A_484] {strides = array<i32>} : memref<320x128xf32, #tpu.memory_space<vmem>>, vector<16xf32>,
            %get3A_486 = arith.index_cast %while3A_444 : i32 to index
            %get3A_487 = arith.constant 48 : index
            %get3A_488 = tpu.vector_load %arg11[%get3A_486, %get3A_487] {strides = array<i32>} : memref<128x128xf32, #tpu.memory_space<vmem>>, vector<16xf32>,
            %max3A_489 = arith.maximumf %get3A_485, %get3A_488 : vector<16xf32>
            %swap3A_490 = arith.index_cast %shift_right_arithmetic3A_453 : i32 to index
            %swap3A_491 = arith.constant 48 : index
            %swap3A_492 = tpu.vector_load %arg12[%swap3A_490, %swap3A_491] {strides = array<i32>} : memref<320x128xf32, #tpu.memory_space<vmem>>, vector<16xf32>,
            tpu.vector_store %arg12[%swap3A_490, %swap3A_491], %max3A_489 {strides = array<i32>} : memref<320x128xf32, #tpu.memory_space<vmem>>, vector<16xf32>,
            %get3A_493 = arith.index_cast %shift_right_arithmetic3A_453 : i32 to index
            %get3A_494 = arith.constant 64 : index
            %get3A_495 = tpu.vector_load %arg12[%get3A_493, %get3A_494] {strides = array<i32>} : memref<320x128xf32, #tpu.memory_space<vmem>>, vector<16xf32>,
            %get3A_496 = arith.index_cast %while3A_444 : i32 to index
            %get3A_497 = arith.constant 64 : index
            %get3A_498 = tpu.vector_load %arg11[%get3A_496, %get3A_497] {strides = array<i32>} : memref<128x128xf32, #tpu.memory_space<vmem>>, vector<16xf32>,
            %max3A_499 = arith.maximumf %get3A_495, %get3A_498 : vector<16xf32>
            %swap3A_500 = arith.index_cast %shift_right_arithmetic3A_453 : i32 to index
            %swap3A_501 = arith.constant 64 : index
            %swap3A_502 = tpu.vector_load %arg12[%swap3A_500, %swap3A_501] {strides = array<i32>} : memref<320x128xf32, #tpu.memory_space<vmem>>, vector<16xf32>,
            tpu.vector_store %arg12[%swap3A_500, %swap3A_501], %max3A_499 {strides = array<i32>} : memref<320x128xf32, #tpu.memory_space<vmem>>, vector<16xf32>,
            %get3A_503 = arith.index_cast %shift_right_arithmetic3A_453 : i32 to index
            %get3A_504 = arith.constant 80 : index
            %get3A_505 = tpu.vector_load %arg12[%get3A_503, %get3A_504] {strides = array<i32>} : memref<320x128xf32, #tpu.memory_space<vmem>>, vector<16xf32>,
            %get3A_506 = arith.index_cast %while3A_444 : i32 to index
            %get3A_507 = arith.constant 80 : index
            %get3A_508 = tpu.vector_load %arg11[%get3A_506, %get3A_507] {strides = array<i32>} : memref<128x128xf32, #tpu.memory_space<vmem>>, vector<16xf32>,
            %max3A_509 = arith.maximumf %get3A_505, %get3A_508 : vector<16xf32>
            %swap3A_510 = arith.index_cast %shift_right_arithmetic3A_453 : i32 to index
            %swap3A_511 = arith.constant 80 : index
            %swap3A_512 = tpu.vector_load %arg12[%swap3A_510, %swap3A_511] {strides = array<i32>} : memref<320x128xf32, #tpu.memory_space<vmem>>, vector<16xf32>,
            tpu.vector_store %arg12[%swap3A_510, %swap3A_511], %max3A_509 {strides = array<i32>} : memref<320x128xf32, #tpu.memory_space<vmem>>, vector<16xf32>,
            %get3A_513 = arith.index_cast %shift_right_arithmetic3A_453 : i32 to index
            %get3A_514 = arith.constant 96 : index
            %get3A_515 = tpu.vector_load %arg12[%get3A_513, %get3A_514] {strides = array<i32>} : memref<320x128xf32, #tpu.memory_space<vmem>>, vector<16xf32>,
            %get3A_516 = arith.index_cast %while3A_444 : i32 to index
            %get3A_517 = arith.constant 96 : index
            %get3A_518 = tpu.vector_load %arg11[%get3A_516, %get3A_517] {strides = array<i32>} : memref<128x128xf32, #tpu.memory_space<vmem>>, vector<16xf32>,
            %max3A_519 = arith.maximumf %get3A_515, %get3A_518 : vector<16xf32>
            %swap3A_520 = arith.index_cast %shift_right_arithmetic3A_453 : i32 to index
            %swap3A_521 = arith.constant 96 : index
            %swap3A_522 = tpu.vector_load %arg12[%swap3A_520, %swap3A_521] {strides = array<i32>} : memref<320x128xf32, #tpu.memory_space<vmem>>, vector<16xf32>,
            tpu.vector_store %arg12[%swap3A_520, %swap3A_521], %max3A_519 {strides = array<i32>} : memref<320x128xf32, #tpu.memory_space<vmem>>, vector<16xf32>,
            %get3A_523 = arith.index_cast %shift_right_arithmetic3A_453 : i32 to index
            %get3A_524 = arith.constant 112 : index
            %get3A_525 = tpu.vector_load %arg12[%get3A_523, %get3A_524] {strides = array<i32>} : memref<320x128xf32, #tpu.memory_space<vmem>>, vector<16xf32>,
            %get3A_526 = arith.index_cast %while3A_444 : i32 to index
            %get3A_527 = arith.constant 112 : index
            %get3A_528 = tpu.vector_load %arg11[%get3A_526, %get3A_527] {strides = array<i32>} : memref<128x128xf32, #tpu.memory_space<vmem>>, vector<16xf32>,
            %max3A_529 = arith.maximumf %get3A_525, %get3A_528 : vector<16xf32>
            %swap3A_530 = arith.index_cast %shift_right_arithmetic3A_453 : i32 to index
            %swap3A_531 = arith.constant 112 : index
            %swap3A_532 = tpu.vector_load %arg12[%swap3A_530, %swap3A_531] {strides = array<i32>} : memref<320x128xf32, #tpu.memory_space<vmem>>, vector<16xf32>,
            tpu.vector_store %arg12[%swap3A_530, %swap3A_531], %max3A_529 {strides = array<i32>} : memref<320x128xf32, #tpu.memory_space<vmem>>, vector<16xf32>,
            %while3A_533 = arith.constant 0 : i32
            scf.yield %while3A_533 : i32
          }
        } else {
        }
        %while3A_421 = arith.constant 0 : i32
        scf.yield %while3A_421 : i32
      }
      %while3A_200 = arith.constant 1 : i32
      %while3A_201 = scf.for %while3A_380 = %while3A_197 to %while3A_193 step %while3A_200 iter_args(%while3A_381 = %while3A_199) -> (i32)  : i32 {
        %and3A_382 = arith.constant 1 : i32
        %and3A_383 = arith.andi %while3A_380, %and3A_382 : i32
        %eq3A = arith.constant 0 : i32
        %eq3A_384 = arith.cmpi eq, %and3A_383, %eq3A : i32
        %add3A_385 = arith.constant 1 : i32
        %add3A_386 = arith.addi %while3A_380, %add3A_385 : i32
        %lt3A_387 = arith.cmpi slt, %add3A_386, %select_n3A : i32
        %eq3A_388 = arith.constant true
        %eq3A_389 = arith.xori %eq3A_384, %eq3A_388 : i1
        %eq3A_390 = arith.constant true
        %eq3A_391 = arith.xori %eq3A_389, %eq3A_390 : i1
        %and3A_392 = arith.andi %lt3A_387, %eq3A_391 : i1
        %convert_element_type3A_393 = arith.extui %and3A_392 : i1 to i32
        %cond3A_394 = arith.constant 0 : i32
        %cond3A_395 = arith.cmpi ne, %convert_element_type3A_393, %cond3A_394 : i32
        scf.if %cond3A_395 {
          %add3A_422 = arith.constant 1 : i32
          %add3A_423 = arith.addi %while3A_380, %add3A_422 : i32
          %mul3A_424 = arith.constant 128 : i32
          %mul3A_425 = arith.muli %add3A_423, %mul3A_424 : i32
          %dma_start3A_426 = tpu.memref_slice %arg9[%mul3A_425] : memref<8128xi32, #tpu.memory_space<vmem>> -> memref<128xi32, #tpu.memory_space<vmem>>
          %dma_start3A_427 = arith.constant 0 : i32
          %dma_start3A_428 = arith.constant 0 : i32
          %dma_start3A_429 = tpu.memref_slice %arg2[%dma_start3A_427, %dma_start3A_428] : memref<320000x128xf32, #tpu.memory_space<hbm>> -> memref<320000x128xf32, #tpu.memory_space<hbm>>
          tpu.enqueue_indirect_dma source(%dma_start3A_429 : memref<320000x128xf32, #tpu.memory_space<hbm>>) target(%arg11 : memref<128x128xf32, #tpu.memory_space<vmem>>) offsets(%dma_start3A_426 : memref<128xi32, #tpu.memory_space<vmem>>) semaphore(%arg17 : memref<!tpu.dma_semaphore, #tpu.memory_space<semaphore_mem>>)
        } else {
        }
        %add3A_396 = arith.constant 1 : i32
        %add3A_397 = arith.addi %while3A_380, %add3A_396 : i32
        %lt3A_398 = arith.cmpi slt, %add3A_397, %select_n3A : i32
        %eq3A_399 = arith.constant false
        %eq3A_400 = arith.xori %eq3A_384, %eq3A_399 : i1
        %eq3A_401 = arith.constant true
        %eq3A_402 = arith.xori %eq3A_400, %eq3A_401 : i1
        %and3A_403 = arith.andi %lt3A_398, %eq3A_402 : i1
        %convert_element_type3A_404 = arith.extui %and3A_403 : i1 to i32
        %cond3A_405 = arith.constant 0 : i32
        %cond3A_406 = arith.cmpi ne, %convert_element_type3A_404, %cond3A_405 : i32
        scf.if %cond3A_406 {
          %add3A_422 = arith.constant 1 : i32
          %add3A_423 = arith.addi %while3A_380, %add3A_422 : i32
          %mul3A_424 = arith.constant 128 : i32
          %mul3A_425 = arith.muli %add3A_423, %mul3A_424 : i32
          %dma_start3A_426 = tpu.memref_slice %arg9[%mul3A_425] : memref<8128xi32, #tpu.memory_space<vmem>> -> memref<128xi32, #tpu.memory_space<vmem>>
          %dma_start3A_427 = arith.constant 0 : i32
          %dma_start3A_428 = arith.constant 0 : i32
          %dma_start3A_429 = tpu.memref_slice %arg2[%dma_start3A_427, %dma_start3A_428] : memref<320000x128xf32, #tpu.memory_space<hbm>> -> memref<320000x128xf32, #tpu.memory_space<hbm>>
          tpu.enqueue_indirect_dma source(%dma_start3A_429 : memref<320000x128xf32, #tpu.memory_space<hbm>>) target(%arg10 : memref<128x128xf32, #tpu.memory_space<vmem>>) offsets(%dma_start3A_426 : memref<128xi32, #tpu.memory_space<vmem>>) semaphore(%arg16 : memref<!tpu.dma_semaphore, #tpu.memory_space<semaphore_mem>>)
        } else {
        }
        %eq3A_407 = arith.constant true
        %eq3A_408 = arith.xori %eq3A_384, %eq3A_407 : i1
        %eq3A_409 = arith.constant true
        %eq3A_410 = arith.xori %eq3A_408, %eq3A_409 : i1
        %convert_element_type3A_411 = arith.extui %eq3A_410 : i1 to i32
        %cond3A_412 = arith.constant 0 : i32
        %cond3A_413 = arith.cmpi ne, %convert_element_type3A_411, %cond3A_412 : i32
        scf.if %cond3A_413 {
          %mul3A_422 = arith.constant 128 : i32
          %mul3A_423 = arith.muli %while3A_380, %mul3A_422 : i32
          %dma_wait3A_424 = tpu.memref_slice %arg9[%mul3A_423] : memref<8128xi32, #tpu.memory_space<vmem>> -> memref<128xi32, #tpu.memory_space<vmem>>
          %dma_wait3A_425 = arith.constant 0 : i32
          %dma_wait3A_426 = arith.constant 0 : i32
          %dma_wait3A_427 = tpu.memref_slice %arg2[%dma_wait3A_425, %dma_wait3A_426] : memref<320000x128xf32, #tpu.memory_space<hbm>> -> memref<320000x128xf32, #tpu.memory_space<hbm>>
          tpu.wait_indirect_dma semaphore(%arg16 : memref<!tpu.dma_semaphore, #tpu.memory_space<semaphore_mem>>) src(%dma_wait3A_427 : memref<320000x128xf32, #tpu.memory_space<hbm>>) dst(%arg10 : memref<128x128xf32, #tpu.memory_space<vmem>>)
          %mul3A_428 = arith.constant 128 : i32
          %mul3A_429 = arith.muli %while3A_380, %mul3A_428 : i32
          %sub3A_430 = arith.subi %add3A_158, %mul3A_429 : i32
          %min3A = arith.constant 128 : i32
          %min3A_431 = arith.minsi %sub3A_430, %min3A : i32
          %while3A_432 = arith.constant 0 : i32
          %while3A_433 = arith.constant 0 : i32
          %while3A_434 = arith.subi %min3A_431, %while3A_432 : i32
          %while3A_435 = arith.addi %while3A_432, %while3A_434 : i32
          %while3A_436 = arith.constant 1 : i32
          %while3A_437 = arith.divsi %while3A_434, %while3A_436 : i32
          %while3A_438 = arith.muli %while3A_437, %while3A_436 : i32
          %while3A_439 = arith.addi %while3A_432, %while3A_438 : i32
          %while3A_440 = arith.constant 1 : i32
          %while3A_441 = scf.for %while3A_444 = %while3A_432 to %while3A_439 step %while3A_440 iter_args(%while3A_445 = %while3A_433) -> (i32)  : i32 {
            %mul3A_446 = arith.constant 128 : i32
            %mul3A_447 = arith.muli %while3A_380, %mul3A_446 : i32
            %add3A_448 = arith.addi %mul3A_447, %while3A_444 : i32
            %get3A_449 = arith.index_cast %add3A_448 : i32 to index
            %get3A_450 = tpu.vector_load %arg8[%get3A_449] {strides = array<i32>} : memref<8128xi32, #tpu.memory_space<vmem>>, vector<16xi32>,
            %slice3A_451 = vector.extract_strided_slice %get3A_450 {offsets = [0], sizes = [1], strides = [1]} : vector<16xi32> to vector<1xi32>
            %squeeze3A_452 = vector.extract %slice3A_451[0] : i32 from vector<1xi32>
            %shift_right_arithmetic3A = arith.constant 19 : i32
            %shift_right_arithmetic3A_453 = arith.shrsi %squeeze3A_452, %shift_right_arithmetic3A : i32
            %get3A_454 = arith.index_cast %shift_right_arithmetic3A_453 : i32 to index
            %get3A_455 = arith.constant 0 : index
            %get3A_456 = tpu.vector_load %arg12[%get3A_454, %get3A_455] {strides = array<i32>} : memref<320x128xf32, #tpu.memory_space<vmem>>, vector<16xf32>,
            %get3A_457 = arith.index_cast %while3A_444 : i32 to index
            %get3A_458 = arith.constant 0 : index
            %get3A_459 = tpu.vector_load %arg10[%get3A_457, %get3A_458] {strides = array<i32>} : memref<128x128xf32, #tpu.memory_space<vmem>>, vector<16xf32>,
            %max3A = arith.maximumf %get3A_456, %get3A_459 : vector<16xf32>
            %swap3A_460 = arith.index_cast %shift_right_arithmetic3A_453 : i32 to index
            %swap3A_461 = arith.constant 0 : index
            %swap3A_462 = tpu.vector_load %arg12[%swap3A_460, %swap3A_461] {strides = array<i32>} : memref<320x128xf32, #tpu.memory_space<vmem>>, vector<16xf32>,
            tpu.vector_store %arg12[%swap3A_460, %swap3A_461], %max3A {strides = array<i32>} : memref<320x128xf32, #tpu.memory_space<vmem>>, vector<16xf32>,
            %get3A_463 = arith.index_cast %shift_right_arithmetic3A_453 : i32 to index
            %get3A_464 = arith.constant 16 : index
            %get3A_465 = tpu.vector_load %arg12[%get3A_463, %get3A_464] {strides = array<i32>} : memref<320x128xf32, #tpu.memory_space<vmem>>, vector<16xf32>,
            %get3A_466 = arith.index_cast %while3A_444 : i32 to index
            %get3A_467 = arith.constant 16 : index
            %get3A_468 = tpu.vector_load %arg10[%get3A_466, %get3A_467] {strides = array<i32>} : memref<128x128xf32, #tpu.memory_space<vmem>>, vector<16xf32>,
            %max3A_469 = arith.maximumf %get3A_465, %get3A_468 : vector<16xf32>
            %swap3A_470 = arith.index_cast %shift_right_arithmetic3A_453 : i32 to index
            %swap3A_471 = arith.constant 16 : index
            %swap3A_472 = tpu.vector_load %arg12[%swap3A_470, %swap3A_471] {strides = array<i32>} : memref<320x128xf32, #tpu.memory_space<vmem>>, vector<16xf32>,
            tpu.vector_store %arg12[%swap3A_470, %swap3A_471], %max3A_469 {strides = array<i32>} : memref<320x128xf32, #tpu.memory_space<vmem>>, vector<16xf32>,
            %get3A_473 = arith.index_cast %shift_right_arithmetic3A_453 : i32 to index
            %get3A_474 = arith.constant 32 : index
            %get3A_475 = tpu.vector_load %arg12[%get3A_473, %get3A_474] {strides = array<i32>} : memref<320x128xf32, #tpu.memory_space<vmem>>, vector<16xf32>,
            %get3A_476 = arith.index_cast %while3A_444 : i32 to index
            %get3A_477 = arith.constant 32 : index
            %get3A_478 = tpu.vector_load %arg10[%get3A_476, %get3A_477] {strides = array<i32>} : memref<128x128xf32, #tpu.memory_space<vmem>>, vector<16xf32>,
            %max3A_479 = arith.maximumf %get3A_475, %get3A_478 : vector<16xf32>
            %swap3A_480 = arith.index_cast %shift_right_arithmetic3A_453 : i32 to index
            %swap3A_481 = arith.constant 32 : index
            %swap3A_482 = tpu.vector_load %arg12[%swap3A_480, %swap3A_481] {strides = array<i32>} : memref<320x128xf32, #tpu.memory_space<vmem>>, vector<16xf32>,
            tpu.vector_store %arg12[%swap3A_480, %swap3A_481], %max3A_479 {strides = array<i32>} : memref<320x128xf32, #tpu.memory_space<vmem>>, vector<16xf32>,
            %get3A_483 = arith.index_cast %shift_right_arithmetic3A_453 : i32 to index
            %get3A_484 = arith.constant 48 : index
            %get3A_485 = tpu.vector_load %arg12[%get3A_483, %get3A_484] {strides = array<i32>} : memref<320x128xf32, #tpu.memory_space<vmem>>, vector<16xf32>,
            %get3A_486 = arith.index_cast %while3A_444 : i32 to index
            %get3A_487 = arith.constant 48 : index
            %get3A_488 = tpu.vector_load %arg10[%get3A_486, %get3A_487] {strides = array<i32>} : memref<128x128xf32, #tpu.memory_space<vmem>>, vector<16xf32>,
            %max3A_489 = arith.maximumf %get3A_485, %get3A_488 : vector<16xf32>
            %swap3A_490 = arith.index_cast %shift_right_arithmetic3A_453 : i32 to index
            %swap3A_491 = arith.constant 48 : index
            %swap3A_492 = tpu.vector_load %arg12[%swap3A_490, %swap3A_491] {strides = array<i32>} : memref<320x128xf32, #tpu.memory_space<vmem>>, vector<16xf32>,
            tpu.vector_store %arg12[%swap3A_490, %swap3A_491], %max3A_489 {strides = array<i32>} : memref<320x128xf32, #tpu.memory_space<vmem>>, vector<16xf32>,
            %get3A_493 = arith.index_cast %shift_right_arithmetic3A_453 : i32 to index
            %get3A_494 = arith.constant 64 : index
            %get3A_495 = tpu.vector_load %arg12[%get3A_493, %get3A_494] {strides = array<i32>} : memref<320x128xf32, #tpu.memory_space<vmem>>, vector<16xf32>,
            %get3A_496 = arith.index_cast %while3A_444 : i32 to index
            %get3A_497 = arith.constant 64 : index
            %get3A_498 = tpu.vector_load %arg10[%get3A_496, %get3A_497] {strides = array<i32>} : memref<128x128xf32, #tpu.memory_space<vmem>>, vector<16xf32>,
            %max3A_499 = arith.maximumf %get3A_495, %get3A_498 : vector<16xf32>
            %swap3A_500 = arith.index_cast %shift_right_arithmetic3A_453 : i32 to index
            %swap3A_501 = arith.constant 64 : index
            %swap3A_502 = tpu.vector_load %arg12[%swap3A_500, %swap3A_501] {strides = array<i32>} : memref<320x128xf32, #tpu.memory_space<vmem>>, vector<16xf32>,
            tpu.vector_store %arg12[%swap3A_500, %swap3A_501], %max3A_499 {strides = array<i32>} : memref<320x128xf32, #tpu.memory_space<vmem>>, vector<16xf32>,
            %get3A_503 = arith.index_cast %shift_right_arithmetic3A_453 : i32 to index
            %get3A_504 = arith.constant 80 : index
            %get3A_505 = tpu.vector_load %arg12[%get3A_503, %get3A_504] {strides = array<i32>} : memref<320x128xf32, #tpu.memory_space<vmem>>, vector<16xf32>,
            %get3A_506 = arith.index_cast %while3A_444 : i32 to index
            %get3A_507 = arith.constant 80 : index
            %get3A_508 = tpu.vector_load %arg10[%get3A_506, %get3A_507] {strides = array<i32>} : memref<128x128xf32, #tpu.memory_space<vmem>>, vector<16xf32>,
            %max3A_509 = arith.maximumf %get3A_505, %get3A_508 : vector<16xf32>
            %swap3A_510 = arith.index_cast %shift_right_arithmetic3A_453 : i32 to index
            %swap3A_511 = arith.constant 80 : index
            %swap3A_512 = tpu.vector_load %arg12[%swap3A_510, %swap3A_511] {strides = array<i32>} : memref<320x128xf32, #tpu.memory_space<vmem>>, vector<16xf32>,
            tpu.vector_store %arg12[%swap3A_510, %swap3A_511], %max3A_509 {strides = array<i32>} : memref<320x128xf32, #tpu.memory_space<vmem>>, vector<16xf32>,
            %get3A_513 = arith.index_cast %shift_right_arithmetic3A_453 : i32 to index
            %get3A_514 = arith.constant 96 : index
            %get3A_515 = tpu.vector_load %arg12[%get3A_513, %get3A_514] {strides = array<i32>} : memref<320x128xf32, #tpu.memory_space<vmem>>, vector<16xf32>,
            %get3A_516 = arith.index_cast %while3A_444 : i32 to index
            %get3A_517 = arith.constant 96 : index
            %get3A_518 = tpu.vector_load %arg10[%get3A_516, %get3A_517] {strides = array<i32>} : memref<128x128xf32, #tpu.memory_space<vmem>>, vector<16xf32>,
            %max3A_519 = arith.maximumf %get3A_515, %get3A_518 : vector<16xf32>
            %swap3A_520 = arith.index_cast %shift_right_arithmetic3A_453 : i32 to index
            %swap3A_521 = arith.constant 96 : index
            %swap3A_522 = tpu.vector_load %arg12[%swap3A_520, %swap3A_521] {strides = array<i32>} : memref<320x128xf32, #tpu.memory_space<vmem>>, vector<16xf32>,
            tpu.vector_store %arg12[%swap3A_520, %swap3A_521], %max3A_519 {strides = array<i32>} : memref<320x128xf32, #tpu.memory_space<vmem>>, vector<16xf32>,
            %get3A_523 = arith.index_cast %shift_right_arithmetic3A_453 : i32 to index
            %get3A_524 = arith.constant 112 : index
            %get3A_525 = tpu.vector_load %arg12[%get3A_523, %get3A_524] {strides = array<i32>} : memref<320x128xf32, #tpu.memory_space<vmem>>, vector<16xf32>,
            %get3A_526 = arith.index_cast %while3A_444 : i32 to index
            %get3A_527 = arith.constant 112 : index
            %get3A_528 = tpu.vector_load %arg10[%get3A_526, %get3A_527] {strides = array<i32>} : memref<128x128xf32, #tpu.memory_space<vmem>>, vector<16xf32>,
            %max3A_529 = arith.maximumf %get3A_525, %get3A_528 : vector<16xf32>
            %swap3A_530 = arith.index_cast %shift_right_arithmetic3A_453 : i32 to index
            %swap3A_531 = arith.constant 112 : index
            %swap3A_532 = tpu.vector_load %arg12[%swap3A_530, %swap3A_531] {strides = array<i32>} : memref<320x128xf32, #tpu.memory_space<vmem>>, vector<16xf32>,
            tpu.vector_store %arg12[%swap3A_530, %swap3A_531], %max3A_529 {strides = array<i32>} : memref<320x128xf32, #tpu.memory_space<vmem>>, vector<16xf32>,
            %while3A_533 = arith.constant 0 : i32
            scf.yield %while3A_533 : i32
          }
          %while3A_442 = arith.constant 1 : i32
          %while3A_443 = scf.for %while3A_444 = %while3A_439 to %while3A_435 step %while3A_442 iter_args(%while3A_445 = %while3A_441) -> (i32)  : i32 {
            %mul3A_446 = arith.constant 128 : i32
            %mul3A_447 = arith.muli %while3A_380, %mul3A_446 : i32
            %add3A_448 = arith.addi %mul3A_447, %while3A_444 : i32
            %get3A_449 = arith.index_cast %add3A_448 : i32 to index
            %get3A_450 = tpu.vector_load %arg8[%get3A_449] {strides = array<i32>} : memref<8128xi32, #tpu.memory_space<vmem>>, vector<16xi32>,
            %slice3A_451 = vector.extract_strided_slice %get3A_450 {offsets = [0], sizes = [1], strides = [1]} : vector<16xi32> to vector<1xi32>
            %squeeze3A_452 = vector.extract %slice3A_451[0] : i32 from vector<1xi32>
            %shift_right_arithmetic3A = arith.constant 19 : i32
            %shift_right_arithmetic3A_453 = arith.shrsi %squeeze3A_452, %shift_right_arithmetic3A : i32
            %get3A_454 = arith.index_cast %shift_right_arithmetic3A_453 : i32 to index
            %get3A_455 = arith.constant 0 : index
            %get3A_456 = tpu.vector_load %arg12[%get3A_454, %get3A_455] {strides = array<i32>} : memref<320x128xf32, #tpu.memory_space<vmem>>, vector<16xf32>,
            %get3A_457 = arith.index_cast %while3A_444 : i32 to index
            %get3A_458 = arith.constant 0 : index
            %get3A_459 = tpu.vector_load %arg10[%get3A_457, %get3A_458] {strides = array<i32>} : memref<128x128xf32, #tpu.memory_space<vmem>>, vector<16xf32>,
            %max3A = arith.maximumf %get3A_456, %get3A_459 : vector<16xf32>
            %swap3A_460 = arith.index_cast %shift_right_arithmetic3A_453 : i32 to index
            %swap3A_461 = arith.constant 0 : index
            %swap3A_462 = tpu.vector_load %arg12[%swap3A_460, %swap3A_461] {strides = array<i32>} : memref<320x128xf32, #tpu.memory_space<vmem>>, vector<16xf32>,
            tpu.vector_store %arg12[%swap3A_460, %swap3A_461], %max3A {strides = array<i32>} : memref<320x128xf32, #tpu.memory_space<vmem>>, vector<16xf32>,
            %get3A_463 = arith.index_cast %shift_right_arithmetic3A_453 : i32 to index
            %get3A_464 = arith.constant 16 : index
            %get3A_465 = tpu.vector_load %arg12[%get3A_463, %get3A_464] {strides = array<i32>} : memref<320x128xf32, #tpu.memory_space<vmem>>, vector<16xf32>,
            %get3A_466 = arith.index_cast %while3A_444 : i32 to index
            %get3A_467 = arith.constant 16 : index
            %get3A_468 = tpu.vector_load %arg10[%get3A_466, %get3A_467] {strides = array<i32>} : memref<128x128xf32, #tpu.memory_space<vmem>>, vector<16xf32>,
            %max3A_469 = arith.maximumf %get3A_465, %get3A_468 : vector<16xf32>
            %swap3A_470 = arith.index_cast %shift_right_arithmetic3A_453 : i32 to index
            %swap3A_471 = arith.constant 16 : index
            %swap3A_472 = tpu.vector_load %arg12[%swap3A_470, %swap3A_471] {strides = array<i32>} : memref<320x128xf32, #tpu.memory_space<vmem>>, vector<16xf32>,
            tpu.vector_store %arg12[%swap3A_470, %swap3A_471], %max3A_469 {strides = array<i32>} : memref<320x128xf32, #tpu.memory_space<vmem>>, vector<16xf32>,
            %get3A_473 = arith.index_cast %shift_right_arithmetic3A_453 : i32 to index
            %get3A_474 = arith.constant 32 : index
            %get3A_475 = tpu.vector_load %arg12[%get3A_473, %get3A_474] {strides = array<i32>} : memref<320x128xf32, #tpu.memory_space<vmem>>, vector<16xf32>,
            %get3A_476 = arith.index_cast %while3A_444 : i32 to index
            %get3A_477 = arith.constant 32 : index
            %get3A_478 = tpu.vector_load %arg10[%get3A_476, %get3A_477] {strides = array<i32>} : memref<128x128xf32, #tpu.memory_space<vmem>>, vector<16xf32>,
            %max3A_479 = arith.maximumf %get3A_475, %get3A_478 : vector<16xf32>
            %swap3A_480 = arith.index_cast %shift_right_arithmetic3A_453 : i32 to index
            %swap3A_481 = arith.constant 32 : index
            %swap3A_482 = tpu.vector_load %arg12[%swap3A_480, %swap3A_481] {strides = array<i32>} : memref<320x128xf32, #tpu.memory_space<vmem>>, vector<16xf32>,
            tpu.vector_store %arg12[%swap3A_480, %swap3A_481], %max3A_479 {strides = array<i32>} : memref<320x128xf32, #tpu.memory_space<vmem>>, vector<16xf32>,
            %get3A_483 = arith.index_cast %shift_right_arithmetic3A_453 : i32 to index
            %get3A_484 = arith.constant 48 : index
            %get3A_485 = tpu.vector_load %arg12[%get3A_483, %get3A_484] {strides = array<i32>} : memref<320x128xf32, #tpu.memory_space<vmem>>, vector<16xf32>,
            %get3A_486 = arith.index_cast %while3A_444 : i32 to index
            %get3A_487 = arith.constant 48 : index
            %get3A_488 = tpu.vector_load %arg10[%get3A_486, %get3A_487] {strides = array<i32>} : memref<128x128xf32, #tpu.memory_space<vmem>>, vector<16xf32>,
            %max3A_489 = arith.maximumf %get3A_485, %get3A_488 : vector<16xf32>
            %swap3A_490 = arith.index_cast %shift_right_arithmetic3A_453 : i32 to index
            %swap3A_491 = arith.constant 48 : index
            %swap3A_492 = tpu.vector_load %arg12[%swap3A_490, %swap3A_491] {strides = array<i32>} : memref<320x128xf32, #tpu.memory_space<vmem>>, vector<16xf32>,
            tpu.vector_store %arg12[%swap3A_490, %swap3A_491], %max3A_489 {strides = array<i32>} : memref<320x128xf32, #tpu.memory_space<vmem>>, vector<16xf32>,
            %get3A_493 = arith.index_cast %shift_right_arithmetic3A_453 : i32 to index
            %get3A_494 = arith.constant 64 : index
            %get3A_495 = tpu.vector_load %arg12[%get3A_493, %get3A_494] {strides = array<i32>} : memref<320x128xf32, #tpu.memory_space<vmem>>, vector<16xf32>,
            %get3A_496 = arith.index_cast %while3A_444 : i32 to index
            %get3A_497 = arith.constant 64 : index
            %get3A_498 = tpu.vector_load %arg10[%get3A_496, %get3A_497] {strides = array<i32>} : memref<128x128xf32, #tpu.memory_space<vmem>>, vector<16xf32>,
            %max3A_499 = arith.maximumf %get3A_495, %get3A_498 : vector<16xf32>
            %swap3A_500 = arith.index_cast %shift_right_arithmetic3A_453 : i32 to index
            %swap3A_501 = arith.constant 64 : index
            %swap3A_502 = tpu.vector_load %arg12[%swap3A_500, %swap3A_501] {strides = array<i32>} : memref<320x128xf32, #tpu.memory_space<vmem>>, vector<16xf32>,
            tpu.vector_store %arg12[%swap3A_500, %swap3A_501], %max3A_499 {strides = array<i32>} : memref<320x128xf32, #tpu.memory_space<vmem>>, vector<16xf32>,
            %get3A_503 = arith.index_cast %shift_right_arithmetic3A_453 : i32 to index
            %get3A_504 = arith.constant 80 : index
            %get3A_505 = tpu.vector_load %arg12[%get3A_503, %get3A_504] {strides = array<i32>} : memref<320x128xf32, #tpu.memory_space<vmem>>, vector<16xf32>,
            %get3A_506 = arith.index_cast %while3A_444 : i32 to index
            %get3A_507 = arith.constant 80 : index
            %get3A_508 = tpu.vector_load %arg10[%get3A_506, %get3A_507] {strides = array<i32>} : memref<128x128xf32, #tpu.memory_space<vmem>>, vector<16xf32>,
            %max3A_509 = arith.maximumf %get3A_505, %get3A_508 : vector<16xf32>
            %swap3A_510 = arith.index_cast %shift_right_arithmetic3A_453 : i32 to index
            %swap3A_511 = arith.constant 80 : index
            %swap3A_512 = tpu.vector_load %arg12[%swap3A_510, %swap3A_511] {strides = array<i32>} : memref<320x128xf32, #tpu.memory_space<vmem>>, vector<16xf32>,
            tpu.vector_store %arg12[%swap3A_510, %swap3A_511], %max3A_509 {strides = array<i32>} : memref<320x128xf32, #tpu.memory_space<vmem>>, vector<16xf32>,
            %get3A_513 = arith.index_cast %shift_right_arithmetic3A_453 : i32 to index
            %get3A_514 = arith.constant 96 : index
            %get3A_515 = tpu.vector_load %arg12[%get3A_513, %get3A_514] {strides = array<i32>} : memref<320x128xf32, #tpu.memory_space<vmem>>, vector<16xf32>,
            %get3A_516 = arith.index_cast %while3A_444 : i32 to index
            %get3A_517 = arith.constant 96 : index
            %get3A_518 = tpu.vector_load %arg10[%get3A_516, %get3A_517] {strides = array<i32>} : memref<128x128xf32, #tpu.memory_space<vmem>>, vector<16xf32>,
            %max3A_519 = arith.maximumf %get3A_515, %get3A_518 : vector<16xf32>
            %swap3A_520 = arith.index_cast %shift_right_arithmetic3A_453 : i32 to index
            %swap3A_521 = arith.constant 96 : index
            %swap3A_522 = tpu.vector_load %arg12[%swap3A_520, %swap3A_521] {strides = array<i32>} : memref<320x128xf32, #tpu.memory_space<vmem>>, vector<16xf32>,
            tpu.vector_store %arg12[%swap3A_520, %swap3A_521], %max3A_519 {strides = array<i32>} : memref<320x128xf32, #tpu.memory_space<vmem>>, vector<16xf32>,
            %get3A_523 = arith.index_cast %shift_right_arithmetic3A_453 : i32 to index
            %get3A_524 = arith.constant 112 : index
            %get3A_525 = tpu.vector_load %arg12[%get3A_523, %get3A_524] {strides = array<i32>} : memref<320x128xf32, #tpu.memory_space<vmem>>, vector<16xf32>,
            %get3A_526 = arith.index_cast %while3A_444 : i32 to index
            %get3A_527 = arith.constant 112 : index
            %get3A_528 = tpu.vector_load %arg10[%get3A_526, %get3A_527] {strides = array<i32>} : memref<128x128xf32, #tpu.memory_space<vmem>>, vector<16xf32>,
            %max3A_529 = arith.maximumf %get3A_525, %get3A_528 : vector<16xf32>
            %swap3A_530 = arith.index_cast %shift_right_arithmetic3A_453 : i32 to index
            %swap3A_531 = arith.constant 112 : index
            %swap3A_532 = tpu.vector_load %arg12[%swap3A_530, %swap3A_531] {strides = array<i32>} : memref<320x128xf32, #tpu.memory_space<vmem>>, vector<16xf32>,
            tpu.vector_store %arg12[%swap3A_530, %swap3A_531], %max3A_529 {strides = array<i32>} : memref<320x128xf32, #tpu.memory_space<vmem>>, vector<16xf32>,
            %while3A_533 = arith.constant 0 : i32
            scf.yield %while3A_533 : i32
          }
        } else {
        }
        %eq3A_414 = arith.constant false
        %eq3A_415 = arith.xori %eq3A_384, %eq3A_414 : i1
        %eq3A_416 = arith.constant true
        %eq3A_417 = arith.xori %eq3A_415, %eq3A_416 : i1
        %convert_element_type3A_418 = arith.extui %eq3A_417 : i1 to i32
        %cond3A_419 = arith.constant 0 : i32
        %cond3A_420 = arith.cmpi ne, %convert_element_type3A_418, %cond3A_419 : i32
        scf.if %cond3A_420 {
          %mul3A_422 = arith.constant 128 : i32
          %mul3A_423 = arith.muli %while3A_380, %mul3A_422 : i32
          %dma_wait3A_424 = tpu.memref_slice %arg9[%mul3A_423] : memref<8128xi32, #tpu.memory_space<vmem>> -> memref<128xi32, #tpu.memory_space<vmem>>
          %dma_wait3A_425 = arith.constant 0 : i32
          %dma_wait3A_426 = arith.constant 0 : i32
          %dma_wait3A_427 = tpu.memref_slice %arg2[%dma_wait3A_425, %dma_wait3A_426] : memref<320000x128xf32, #tpu.memory_space<hbm>> -> memref<320000x128xf32, #tpu.memory_space<hbm>>
          tpu.wait_indirect_dma semaphore(%arg17 : memref<!tpu.dma_semaphore, #tpu.memory_space<semaphore_mem>>) src(%dma_wait3A_427 : memref<320000x128xf32, #tpu.memory_space<hbm>>) dst(%arg11 : memref<128x128xf32, #tpu.memory_space<vmem>>)
          %mul3A_428 = arith.constant 128 : i32
          %mul3A_429 = arith.muli %while3A_380, %mul3A_428 : i32
          %sub3A_430 = arith.subi %add3A_158, %mul3A_429 : i32
          %min3A = arith.constant 128 : i32
          %min3A_431 = arith.minsi %sub3A_430, %min3A : i32
          %while3A_432 = arith.constant 0 : i32
          %while3A_433 = arith.constant 0 : i32
          %while3A_434 = arith.subi %min3A_431, %while3A_432 : i32
          %while3A_435 = arith.addi %while3A_432, %while3A_434 : i32
          %while3A_436 = arith.constant 1 : i32
          %while3A_437 = arith.divsi %while3A_434, %while3A_436 : i32
          %while3A_438 = arith.muli %while3A_437, %while3A_436 : i32
          %while3A_439 = arith.addi %while3A_432, %while3A_438 : i32
          %while3A_440 = arith.constant 1 : i32
          %while3A_441 = scf.for %while3A_444 = %while3A_432 to %while3A_439 step %while3A_440 iter_args(%while3A_445 = %while3A_433) -> (i32)  : i32 {
            %mul3A_446 = arith.constant 128 : i32
            %mul3A_447 = arith.muli %while3A_380, %mul3A_446 : i32
            %add3A_448 = arith.addi %mul3A_447, %while3A_444 : i32
            %get3A_449 = arith.index_cast %add3A_448 : i32 to index
            %get3A_450 = tpu.vector_load %arg8[%get3A_449] {strides = array<i32>} : memref<8128xi32, #tpu.memory_space<vmem>>, vector<16xi32>,
            %slice3A_451 = vector.extract_strided_slice %get3A_450 {offsets = [0], sizes = [1], strides = [1]} : vector<16xi32> to vector<1xi32>
            %squeeze3A_452 = vector.extract %slice3A_451[0] : i32 from vector<1xi32>
            %shift_right_arithmetic3A = arith.constant 19 : i32
            %shift_right_arithmetic3A_453 = arith.shrsi %squeeze3A_452, %shift_right_arithmetic3A : i32
            %get3A_454 = arith.index_cast %shift_right_arithmetic3A_453 : i32 to index
            %get3A_455 = arith.constant 0 : index
            %get3A_456 = tpu.vector_load %arg12[%get3A_454, %get3A_455] {strides = array<i32>} : memref<320x128xf32, #tpu.memory_space<vmem>>, vector<16xf32>,
            %get3A_457 = arith.index_cast %while3A_444 : i32 to index
            %get3A_458 = arith.constant 0 : index
            %get3A_459 = tpu.vector_load %arg11[%get3A_457, %get3A_458] {strides = array<i32>} : memref<128x128xf32, #tpu.memory_space<vmem>>, vector<16xf32>,
            %max3A = arith.maximumf %get3A_456, %get3A_459 : vector<16xf32>
            %swap3A_460 = arith.index_cast %shift_right_arithmetic3A_453 : i32 to index
            %swap3A_461 = arith.constant 0 : index
            %swap3A_462 = tpu.vector_load %arg12[%swap3A_460, %swap3A_461] {strides = array<i32>} : memref<320x128xf32, #tpu.memory_space<vmem>>, vector<16xf32>,
            tpu.vector_store %arg12[%swap3A_460, %swap3A_461], %max3A {strides = array<i32>} : memref<320x128xf32, #tpu.memory_space<vmem>>, vector<16xf32>,
            %get3A_463 = arith.index_cast %shift_right_arithmetic3A_453 : i32 to index
            %get3A_464 = arith.constant 16 : index
            %get3A_465 = tpu.vector_load %arg12[%get3A_463, %get3A_464] {strides = array<i32>} : memref<320x128xf32, #tpu.memory_space<vmem>>, vector<16xf32>,
            %get3A_466 = arith.index_cast %while3A_444 : i32 to index
            %get3A_467 = arith.constant 16 : index
            %get3A_468 = tpu.vector_load %arg11[%get3A_466, %get3A_467] {strides = array<i32>} : memref<128x128xf32, #tpu.memory_space<vmem>>, vector<16xf32>,
            %max3A_469 = arith.maximumf %get3A_465, %get3A_468 : vector<16xf32>
            %swap3A_470 = arith.index_cast %shift_right_arithmetic3A_453 : i32 to index
            %swap3A_471 = arith.constant 16 : index
            %swap3A_472 = tpu.vector_load %arg12[%swap3A_470, %swap3A_471] {strides = array<i32>} : memref<320x128xf32, #tpu.memory_space<vmem>>, vector<16xf32>,
            tpu.vector_store %arg12[%swap3A_470, %swap3A_471], %max3A_469 {strides = array<i32>} : memref<320x128xf32, #tpu.memory_space<vmem>>, vector<16xf32>,
            %get3A_473 = arith.index_cast %shift_right_arithmetic3A_453 : i32 to index
            %get3A_474 = arith.constant 32 : index
            %get3A_475 = tpu.vector_load %arg12[%get3A_473, %get3A_474] {strides = array<i32>} : memref<320x128xf32, #tpu.memory_space<vmem>>, vector<16xf32>,
            %get3A_476 = arith.index_cast %while3A_444 : i32 to index
            %get3A_477 = arith.constant 32 : index
            %get3A_478 = tpu.vector_load %arg11[%get3A_476, %get3A_477] {strides = array<i32>} : memref<128x128xf32, #tpu.memory_space<vmem>>, vector<16xf32>,
            %max3A_479 = arith.maximumf %get3A_475, %get3A_478 : vector<16xf32>
            %swap3A_480 = arith.index_cast %shift_right_arithmetic3A_453 : i32 to index
            %swap3A_481 = arith.constant 32 : index
            %swap3A_482 = tpu.vector_load %arg12[%swap3A_480, %swap3A_481] {strides = array<i32>} : memref<320x128xf32, #tpu.memory_space<vmem>>, vector<16xf32>,
            tpu.vector_store %arg12[%swap3A_480, %swap3A_481], %max3A_479 {strides = array<i32>} : memref<320x128xf32, #tpu.memory_space<vmem>>, vector<16xf32>,
            %get3A_483 = arith.index_cast %shift_right_arithmetic3A_453 : i32 to index
            %get3A_484 = arith.constant 48 : index
            %get3A_485 = tpu.vector_load %arg12[%get3A_483, %get3A_484] {strides = array<i32>} : memref<320x128xf32, #tpu.memory_space<vmem>>, vector<16xf32>,
            %get3A_486 = arith.index_cast %while3A_444 : i32 to index
            %get3A_487 = arith.constant 48 : index
            %get3A_488 = tpu.vector_load %arg11[%get3A_486, %get3A_487] {strides = array<i32>} : memref<128x128xf32, #tpu.memory_space<vmem>>, vector<16xf32>,
            %max3A_489 = arith.maximumf %get3A_485, %get3A_488 : vector<16xf32>
            %swap3A_490 = arith.index_cast %shift_right_arithmetic3A_453 : i32 to index
            %swap3A_491 = arith.constant 48 : index
            %swap3A_492 = tpu.vector_load %arg12[%swap3A_490, %swap3A_491] {strides = array<i32>} : memref<320x128xf32, #tpu.memory_space<vmem>>, vector<16xf32>,
            tpu.vector_store %arg12[%swap3A_490, %swap3A_491], %max3A_489 {strides = array<i32>} : memref<320x128xf32, #tpu.memory_space<vmem>>, vector<16xf32>,
            %get3A_493 = arith.index_cast %shift_right_arithmetic3A_453 : i32 to index
            %get3A_494 = arith.constant 64 : index
            %get3A_495 = tpu.vector_load %arg12[%get3A_493, %get3A_494] {strides = array<i32>} : memref<320x128xf32, #tpu.memory_space<vmem>>, vector<16xf32>,
            %get3A_496 = arith.index_cast %while3A_444 : i32 to index
            %get3A_497 = arith.constant 64 : index
            %get3A_498 = tpu.vector_load %arg11[%get3A_496, %get3A_497] {strides = array<i32>} : memref<128x128xf32, #tpu.memory_space<vmem>>, vector<16xf32>,
            %max3A_499 = arith.maximumf %get3A_495, %get3A_498 : vector<16xf32>
            %swap3A_500 = arith.index_cast %shift_right_arithmetic3A_453 : i32 to index
            %swap3A_501 = arith.constant 64 : index
            %swap3A_502 = tpu.vector_load %arg12[%swap3A_500, %swap3A_501] {strides = array<i32>} : memref<320x128xf32, #tpu.memory_space<vmem>>, vector<16xf32>,
            tpu.vector_store %arg12[%swap3A_500, %swap3A_501], %max3A_499 {strides = array<i32>} : memref<320x128xf32, #tpu.memory_space<vmem>>, vector<16xf32>,
            %get3A_503 = arith.index_cast %shift_right_arithmetic3A_453 : i32 to index
            %get3A_504 = arith.constant 80 : index
            %get3A_505 = tpu.vector_load %arg12[%get3A_503, %get3A_504] {strides = array<i32>} : memref<320x128xf32, #tpu.memory_space<vmem>>, vector<16xf32>,
            %get3A_506 = arith.index_cast %while3A_444 : i32 to index
            %get3A_507 = arith.constant 80 : index
            %get3A_508 = tpu.vector_load %arg11[%get3A_506, %get3A_507] {strides = array<i32>} : memref<128x128xf32, #tpu.memory_space<vmem>>, vector<16xf32>,
            %max3A_509 = arith.maximumf %get3A_505, %get3A_508 : vector<16xf32>
            %swap3A_510 = arith.index_cast %shift_right_arithmetic3A_453 : i32 to index
            %swap3A_511 = arith.constant 80 : index
            %swap3A_512 = tpu.vector_load %arg12[%swap3A_510, %swap3A_511] {strides = array<i32>} : memref<320x128xf32, #tpu.memory_space<vmem>>, vector<16xf32>,
            tpu.vector_store %arg12[%swap3A_510, %swap3A_511], %max3A_509 {strides = array<i32>} : memref<320x128xf32, #tpu.memory_space<vmem>>, vector<16xf32>,
            %get3A_513 = arith.index_cast %shift_right_arithmetic3A_453 : i32 to index
            %get3A_514 = arith.constant 96 : index
            %get3A_515 = tpu.vector_load %arg12[%get3A_513, %get3A_514] {strides = array<i32>} : memref<320x128xf32, #tpu.memory_space<vmem>>, vector<16xf32>,
            %get3A_516 = arith.index_cast %while3A_444 : i32 to index
            %get3A_517 = arith.constant 96 : index
            %get3A_518 = tpu.vector_load %arg11[%get3A_516, %get3A_517] {strides = array<i32>} : memref<128x128xf32, #tpu.memory_space<vmem>>, vector<16xf32>,
            %max3A_519 = arith.maximumf %get3A_515, %get3A_518 : vector<16xf32>
            %swap3A_520 = arith.index_cast %shift_right_arithmetic3A_453 : i32 to index
            %swap3A_521 = arith.constant 96 : index
            %swap3A_522 = tpu.vector_load %arg12[%swap3A_520, %swap3A_521] {strides = array<i32>} : memref<320x128xf32, #tpu.memory_space<vmem>>, vector<16xf32>,
            tpu.vector_store %arg12[%swap3A_520, %swap3A_521], %max3A_519 {strides = array<i32>} : memref<320x128xf32, #tpu.memory_space<vmem>>, vector<16xf32>,
            %get3A_523 = arith.index_cast %shift_right_arithmetic3A_453 : i32 to index
            %get3A_524 = arith.constant 112 : index
            %get3A_525 = tpu.vector_load %arg12[%get3A_523, %get3A_524] {strides = array<i32>} : memref<320x128xf32, #tpu.memory_space<vmem>>, vector<16xf32>,
            %get3A_526 = arith.index_cast %while3A_444 : i32 to index
            %get3A_527 = arith.constant 112 : index
            %get3A_528 = tpu.vector_load %arg11[%get3A_526, %get3A_527] {strides = array<i32>} : memref<128x128xf32, #tpu.memory_space<vmem>>, vector<16xf32>,
            %max3A_529 = arith.maximumf %get3A_525, %get3A_528 : vector<16xf32>
            %swap3A_530 = arith.index_cast %shift_right_arithmetic3A_453 : i32 to index
            %swap3A_531 = arith.constant 112 : index
            %swap3A_532 = tpu.vector_load %arg12[%swap3A_530, %swap3A_531] {strides = array<i32>} : memref<320x128xf32, #tpu.memory_space<vmem>>, vector<16xf32>,
            tpu.vector_store %arg12[%swap3A_530, %swap3A_531], %max3A_529 {strides = array<i32>} : memref<320x128xf32, #tpu.memory_space<vmem>>, vector<16xf32>,
            %while3A_533 = arith.constant 0 : i32
            scf.yield %while3A_533 : i32
          }
          %while3A_442 = arith.constant 1 : i32
          %while3A_443 = scf.for %while3A_444 = %while3A_439 to %while3A_435 step %while3A_442 iter_args(%while3A_445 = %while3A_441) -> (i32)  : i32 {
            %mul3A_446 = arith.constant 128 : i32
            %mul3A_447 = arith.muli %while3A_380, %mul3A_446 : i32
            %add3A_448 = arith.addi %mul3A_447, %while3A_444 : i32
            %get3A_449 = arith.index_cast %add3A_448 : i32 to index
            %get3A_450 = tpu.vector_load %arg8[%get3A_449] {strides = array<i32>} : memref<8128xi32, #tpu.memory_space<vmem>>, vector<16xi32>,
            %slice3A_451 = vector.extract_strided_slice %get3A_450 {offsets = [0], sizes = [1], strides = [1]} : vector<16xi32> to vector<1xi32>
            %squeeze3A_452 = vector.extract %slice3A_451[0] : i32 from vector<1xi32>
            %shift_right_arithmetic3A = arith.constant 19 : i32
            %shift_right_arithmetic3A_453 = arith.shrsi %squeeze3A_452, %shift_right_arithmetic3A : i32
            %get3A_454 = arith.index_cast %shift_right_arithmetic3A_453 : i32 to index
            %get3A_455 = arith.constant 0 : index
            %get3A_456 = tpu.vector_load %arg12[%get3A_454, %get3A_455] {strides = array<i32>} : memref<320x128xf32, #tpu.memory_space<vmem>>, vector<16xf32>,
            %get3A_457 = arith.index_cast %while3A_444 : i32 to index
            %get3A_458 = arith.constant 0 : index
            %get3A_459 = tpu.vector_load %arg11[%get3A_457, %get3A_458] {strides = array<i32>} : memref<128x128xf32, #tpu.memory_space<vmem>>, vector<16xf32>,
            %max3A = arith.maximumf %get3A_456, %get3A_459 : vector<16xf32>
            %swap3A_460 = arith.index_cast %shift_right_arithmetic3A_453 : i32 to index
            %swap3A_461 = arith.constant 0 : index
            %swap3A_462 = tpu.vector_load %arg12[%swap3A_460, %swap3A_461] {strides = array<i32>} : memref<320x128xf32, #tpu.memory_space<vmem>>, vector<16xf32>,
            tpu.vector_store %arg12[%swap3A_460, %swap3A_461], %max3A {strides = array<i32>} : memref<320x128xf32, #tpu.memory_space<vmem>>, vector<16xf32>,
            %get3A_463 = arith.index_cast %shift_right_arithmetic3A_453 : i32 to index
            %get3A_464 = arith.constant 16 : index
            %get3A_465 = tpu.vector_load %arg12[%get3A_463, %get3A_464] {strides = array<i32>} : memref<320x128xf32, #tpu.memory_space<vmem>>, vector<16xf32>,
            %get3A_466 = arith.index_cast %while3A_444 : i32 to index
            %get3A_467 = arith.constant 16 : index
            %get3A_468 = tpu.vector_load %arg11[%get3A_466, %get3A_467] {strides = array<i32>} : memref<128x128xf32, #tpu.memory_space<vmem>>, vector<16xf32>,
            %max3A_469 = arith.maximumf %get3A_465, %get3A_468 : vector<16xf32>
            %swap3A_470 = arith.index_cast %shift_right_arithmetic3A_453 : i32 to index
            %swap3A_471 = arith.constant 16 : index
            %swap3A_472 = tpu.vector_load %arg12[%swap3A_470, %swap3A_471] {strides = array<i32>} : memref<320x128xf32, #tpu.memory_space<vmem>>, vector<16xf32>,
            tpu.vector_store %arg12[%swap3A_470, %swap3A_471], %max3A_469 {strides = array<i32>} : memref<320x128xf32, #tpu.memory_space<vmem>>, vector<16xf32>,
            %get3A_473 = arith.index_cast %shift_right_arithmetic3A_453 : i32 to index
            %get3A_474 = arith.constant 32 : index
            %get3A_475 = tpu.vector_load %arg12[%get3A_473, %get3A_474] {strides = array<i32>} : memref<320x128xf32, #tpu.memory_space<vmem>>, vector<16xf32>,
            %get3A_476 = arith.index_cast %while3A_444 : i32 to index
            %get3A_477 = arith.constant 32 : index
            %get3A_478 = tpu.vector_load %arg11[%get3A_476, %get3A_477] {strides = array<i32>} : memref<128x128xf32, #tpu.memory_space<vmem>>, vector<16xf32>,
            %max3A_479 = arith.maximumf %get3A_475, %get3A_478 : vector<16xf32>
            %swap3A_480 = arith.index_cast %shift_right_arithmetic3A_453 : i32 to index
            %swap3A_481 = arith.constant 32 : index
            %swap3A_482 = tpu.vector_load %arg12[%swap3A_480, %swap3A_481] {strides = array<i32>} : memref<320x128xf32, #tpu.memory_space<vmem>>, vector<16xf32>,
            tpu.vector_store %arg12[%swap3A_480, %swap3A_481], %max3A_479 {strides = array<i32>} : memref<320x128xf32, #tpu.memory_space<vmem>>, vector<16xf32>,
            %get3A_483 = arith.index_cast %shift_right_arithmetic3A_453 : i32 to index
            %get3A_484 = arith.constant 48 : index
            %get3A_485 = tpu.vector_load %arg12[%get3A_483, %get3A_484] {strides = array<i32>} : memref<320x128xf32, #tpu.memory_space<vmem>>, vector<16xf32>,
            %get3A_486 = arith.index_cast %while3A_444 : i32 to index
            %get3A_487 = arith.constant 48 : index
            %get3A_488 = tpu.vector_load %arg11[%get3A_486, %get3A_487] {strides = array<i32>} : memref<128x128xf32, #tpu.memory_space<vmem>>, vector<16xf32>,
            %max3A_489 = arith.maximumf %get3A_485, %get3A_488 : vector<16xf32>
            %swap3A_490 = arith.index_cast %shift_right_arithmetic3A_453 : i32 to index
            %swap3A_491 = arith.constant 48 : index
            %swap3A_492 = tpu.vector_load %arg12[%swap3A_490, %swap3A_491] {strides = array<i32>} : memref<320x128xf32, #tpu.memory_space<vmem>>, vector<16xf32>,
            tpu.vector_store %arg12[%swap3A_490, %swap3A_491], %max3A_489 {strides = array<i32>} : memref<320x128xf32, #tpu.memory_space<vmem>>, vector<16xf32>,
            %get3A_493 = arith.index_cast %shift_right_arithmetic3A_453 : i32 to index
            %get3A_494 = arith.constant 64 : index
            %get3A_495 = tpu.vector_load %arg12[%get3A_493, %get3A_494] {strides = array<i32>} : memref<320x128xf32, #tpu.memory_space<vmem>>, vector<16xf32>,
            %get3A_496 = arith.index_cast %while3A_444 : i32 to index
            %get3A_497 = arith.constant 64 : index
            %get3A_498 = tpu.vector_load %arg11[%get3A_496, %get3A_497] {strides = array<i32>} : memref<128x128xf32, #tpu.memory_space<vmem>>, vector<16xf32>,
            %max3A_499 = arith.maximumf %get3A_495, %get3A_498 : vector<16xf32>
            %swap3A_500 = arith.index_cast %shift_right_arithmetic3A_453 : i32 to index
            %swap3A_501 = arith.constant 64 : index
            %swap3A_502 = tpu.vector_load %arg12[%swap3A_500, %swap3A_501] {strides = array<i32>} : memref<320x128xf32, #tpu.memory_space<vmem>>, vector<16xf32>,
            tpu.vector_store %arg12[%swap3A_500, %swap3A_501], %max3A_499 {strides = array<i32>} : memref<320x128xf32, #tpu.memory_space<vmem>>, vector<16xf32>,
            %get3A_503 = arith.index_cast %shift_right_arithmetic3A_453 : i32 to index
            %get3A_504 = arith.constant 80 : index
            %get3A_505 = tpu.vector_load %arg12[%get3A_503, %get3A_504] {strides = array<i32>} : memref<320x128xf32, #tpu.memory_space<vmem>>, vector<16xf32>,
            %get3A_506 = arith.index_cast %while3A_444 : i32 to index
            %get3A_507 = arith.constant 80 : index
            %get3A_508 = tpu.vector_load %arg11[%get3A_506, %get3A_507] {strides = array<i32>} : memref<128x128xf32, #tpu.memory_space<vmem>>, vector<16xf32>,
            %max3A_509 = arith.maximumf %get3A_505, %get3A_508 : vector<16xf32>
            %swap3A_510 = arith.index_cast %shift_right_arithmetic3A_453 : i32 to index
            %swap3A_511 = arith.constant 80 : index
            %swap3A_512 = tpu.vector_load %arg12[%swap3A_510, %swap3A_511] {strides = array<i32>} : memref<320x128xf32, #tpu.memory_space<vmem>>, vector<16xf32>,
            tpu.vector_store %arg12[%swap3A_510, %swap3A_511], %max3A_509 {strides = array<i32>} : memref<320x128xf32, #tpu.memory_space<vmem>>, vector<16xf32>,
            %get3A_513 = arith.index_cast %shift_right_arithmetic3A_453 : i32 to index
            %get3A_514 = arith.constant 96 : index
            %get3A_515 = tpu.vector_load %arg12[%get3A_513, %get3A_514] {strides = array<i32>} : memref<320x128xf32, #tpu.memory_space<vmem>>, vector<16xf32>,
            %get3A_516 = arith.index_cast %while3A_444 : i32 to index
            %get3A_517 = arith.constant 96 : index
            %get3A_518 = tpu.vector_load %arg11[%get3A_516, %get3A_517] {strides = array<i32>} : memref<128x128xf32, #tpu.memory_space<vmem>>, vector<16xf32>,
            %max3A_519 = arith.maximumf %get3A_515, %get3A_518 : vector<16xf32>
            %swap3A_520 = arith.index_cast %shift_right_arithmetic3A_453 : i32 to index
            %swap3A_521 = arith.constant 96 : index
            %swap3A_522 = tpu.vector_load %arg12[%swap3A_520, %swap3A_521] {strides = array<i32>} : memref<320x128xf32, #tpu.memory_space<vmem>>, vector<16xf32>,
            tpu.vector_store %arg12[%swap3A_520, %swap3A_521], %max3A_519 {strides = array<i32>} : memref<320x128xf32, #tpu.memory_space<vmem>>, vector<16xf32>,
            %get3A_523 = arith.index_cast %shift_right_arithmetic3A_453 : i32 to index
            %get3A_524 = arith.constant 112 : index
            %get3A_525 = tpu.vector_load %arg12[%get3A_523, %get3A_524] {strides = array<i32>} : memref<320x128xf32, #tpu.memory_space<vmem>>, vector<16xf32>,
            %get3A_526 = arith.index_cast %while3A_444 : i32 to index
            %get3A_527 = arith.constant 112 : index
            %get3A_528 = tpu.vector_load %arg11[%get3A_526, %get3A_527] {strides = array<i32>} : memref<128x128xf32, #tpu.memory_space<vmem>>, vector<16xf32>,
            %max3A_529 = arith.maximumf %get3A_525, %get3A_528 : vector<16xf32>
            %swap3A_530 = arith.index_cast %shift_right_arithmetic3A_453 : i32 to index
            %swap3A_531 = arith.constant 112 : index
            %swap3A_532 = tpu.vector_load %arg12[%swap3A_530, %swap3A_531] {strides = array<i32>} : memref<320x128xf32, #tpu.memory_space<vmem>>, vector<16xf32>,
            tpu.vector_store %arg12[%swap3A_530, %swap3A_531], %max3A_529 {strides = array<i32>} : memref<320x128xf32, #tpu.memory_space<vmem>>, vector<16xf32>,
            %while3A_533 = arith.constant 0 : i32
            scf.yield %while3A_533 : i32
          }
        } else {
        }
        %while3A_421 = arith.constant 0 : i32
        scf.yield %while3A_421 : i32
      }
      %mul3A_202 = arith.constant 2 : i32
      %mul3A_203 = arith.muli %scan3A_46, %mul3A_202 : i32
      %add3A_204 = arith.constant 1 : i32
      %add3A_205 = arith.addi %mul3A_203, %add3A_204 : i32
      %mul3A_206 = arith.constant 8000 : i32
      %mul3A_207 = arith.muli %add3A_205, %mul3A_206 : i32
      %dma_wait3A_208 = tpu.memref_slice %arg3[%mul3A_207] : memref<320000xi32, #tpu.memory_space<hbm>> -> memref<8000xi32, #tpu.memory_space<hbm>>
      %dma_wait3A_209 = tpu.memref_slice %arg3[%mul3A_207] : memref<320000xi32, #tpu.memory_space<hbm>> -> memref<8000xi32, #tpu.memory_space<hbm>>
      tpu.wait_dma2 semaphore(%arg15 : memref<!tpu.dma_semaphore, #tpu.memory_space<semaphore_mem>>) src(%dma_wait3A_209 : memref<8000xi32, #tpu.memory_space<hbm>>) dst(%arg7 : memref<8000xi32, #tpu.memory_space<vmem>>)
      %scan3A_210 = arith.constant 0 : i32
      %scan3A_211 = arith.constant 0 : i32
      %scan3A_212 = arith.constant 496 : i32
      %scan3A_213 = arith.addi %scan3A_211, %scan3A_212 : i32
      %scan3A_214 = arith.constant 8 : i32
      %scan3A_215 = scf.for %scan3A_380 = %scan3A_211 to %scan3A_213 step %scan3A_214 iter_args(%scan3A_381 = %scan3A_210) -> (i32)  : i32 {
        %mul3A_382 = arith.constant 16 : i32
        %mul3A_383 = arith.muli %scan3A_380, %mul3A_382 : i32
        %get3A_384 = arith.index_cast %mul3A_383 : i32 to index
        %get3A_385 = tpu.vector_load %arg7[%get3A_384] {strides = array<i32>} : memref<8000xi32, #tpu.memory_space<vmem>>, vector<16xi32>,
        %sub3A_386 = vector.broadcast %mul3A_2 : i32 to vector<16xi32>
        %sub3A_387 = arith.subi %get3A_385, %sub3A_386 : vector<16xi32>
        %lt3A_388 = arith.constant 320 : i32
        %lt3A_389 = vector.broadcast %lt3A_388 : i32 to vector<16xi32>
        %lt3A_390 = arith.cmpi ult, %sub3A_387, %lt3A_389 : vector<16xi32>
        %iota3A_391 = tpu.iota {dimensions = array<i32: 0>} : vector<16xi32>
        %mul3A_392 = arith.constant 16 : i32
        %mul3A_393 = arith.muli %scan3A_380, %mul3A_392 : i32
        %add3A_394 = arith.addi %mul3A_207, %mul3A_393 : i32
        %add3A_395 = vector.broadcast %add3A_394 : i32 to vector<16xi32>
        %add3A_396 = arith.addi %iota3A_391, %add3A_395 : vector<16xi32>
        %shift_left3A_397 = arith.constant 19 : i32
        %shift_left3A_398 = vector.broadcast %shift_left3A_397 : i32 to vector<16xi32>
        %shift_left3A_399 = arith.shli %sub3A_387, %shift_left3A_398 : vector<16xi32>
        %or3A_400 = arith.ori %shift_left3A_399, %add3A_396 : vector<16xi32>
        %swap3A_401 = arith.index_cast %scan3A_381 : i32 to index
        %swap3A_402 = tpu.vector_load %arg8[%swap3A_401] masked %lt3A_390 {strides = array<i32>} : memref<8128xi32, #tpu.memory_space<vmem>>, vector<16xi32>, vector<16xi1>
        tpu.vector_store %arg8[%swap3A_401], %or3A_400 masked %lt3A_390 {strides = array<i32>} : memref<8128xi32, #tpu.memory_space<vmem>>, vector<16xi32>, vector<16xi1>
        %all_reduce_population_count3A_403 = tpu.all_reduce %lt3A_390 {dim = 0 : i64, kind = #tpu.reduction_kind<sum>} : vector<16xi1> -> vector<16xi32>
        %slice3A_404 = vector.extract_strided_slice %all_reduce_population_count3A_403 {offsets = [0], sizes = [1], strides = [1]} : vector<16xi32> to vector<1xi32>
        %squeeze3A_405 = vector.extract %slice3A_404[0] : i32 from vector<1xi32>
        %add3A_406 = arith.addi %scan3A_381, %squeeze3A_405 : i32
        %scan3A_407 = arith.constant 1 : i32
        %scan3A_408 = arith.addi %scan3A_380, %scan3A_407 : i32
        %mul3A_409 = arith.constant 16 : i32
        %mul3A_410 = arith.muli %scan3A_408, %mul3A_409 : i32
        %get3A_411 = arith.index_cast %mul3A_410 : i32 to index
        %get3A_412 = tpu.vector_load %arg7[%get3A_411] {strides = array<i32>} : memref<8000xi32, #tpu.memory_space<vmem>>, vector<16xi32>,
        %sub3A_413 = vector.broadcast %mul3A_2 : i32 to vector<16xi32>
        %sub3A_414 = arith.subi %get3A_412, %sub3A_413 : vector<16xi32>
        %lt3A_415 = arith.constant 320 : i32
        %lt3A_416 = vector.broadcast %lt3A_415 : i32 to vector<16xi32>
        %lt3A_417 = arith.cmpi ult, %sub3A_414, %lt3A_416 : vector<16xi32>
        %iota3A_418 = tpu.iota {dimensions = array<i32: 0>} : vector<16xi32>
        %mul3A_419 = arith.constant 16 : i32
        %mul3A_420 = arith.muli %scan3A_408, %mul3A_419 : i32
        %add3A_421 = arith.addi %mul3A_207, %mul3A_420 : i32
        %add3A_422 = vector.broadcast %add3A_421 : i32 to vector<16xi32>
        %add3A_423 = arith.addi %iota3A_418, %add3A_422 : vector<16xi32>
        %shift_left3A_424 = arith.constant 19 : i32
        %shift_left3A_425 = vector.broadcast %shift_left3A_424 : i32 to vector<16xi32>
        %shift_left3A_426 = arith.shli %sub3A_414, %shift_left3A_425 : vector<16xi32>
        %or3A_427 = arith.ori %shift_left3A_426, %add3A_423 : vector<16xi32>
        %swap3A_428 = arith.index_cast %add3A_406 : i32 to index
        %swap3A_429 = tpu.vector_load %arg8[%swap3A_428] masked %lt3A_417 {strides = array<i32>} : memref<8128xi32, #tpu.memory_space<vmem>>, vector<16xi32>, vector<16xi1>
        tpu.vector_store %arg8[%swap3A_428], %or3A_427 masked %lt3A_417 {strides = array<i32>} : memref<8128xi32, #tpu.memory_space<vmem>>, vector<16xi32>, vector<16xi1>
        %all_reduce_population_count3A_430 = tpu.all_reduce %lt3A_417 {dim = 0 : i64, kind = #tpu.reduction_kind<sum>} : vector<16xi1> -> vector<16xi32>
        %slice3A_431 = vector.extract_strided_slice %all_reduce_population_count3A_430 {offsets = [0], sizes = [1], strides = [1]} : vector<16xi32> to vector<1xi32>
        %squeeze3A_432 = vector.extract %slice3A_431[0] : i32 from vector<1xi32>
        %add3A_433 = arith.addi %add3A_406, %squeeze3A_432 : i32
        %scan3A_434 = arith.constant 2 : i32
        %scan3A_435 = arith.addi %scan3A_380, %scan3A_434 : i32
        %mul3A_436 = arith.constant 16 : i32
        %mul3A_437 = arith.muli %scan3A_435, %mul3A_436 : i32
        %get3A_438 = arith.index_cast %mul3A_437 : i32 to index
        %get3A_439 = tpu.vector_load %arg7[%get3A_438] {strides = array<i32>} : memref<8000xi32, #tpu.memory_space<vmem>>, vector<16xi32>,
        %sub3A_440 = vector.broadcast %mul3A_2 : i32 to vector<16xi32>
        %sub3A_441 = arith.subi %get3A_439, %sub3A_440 : vector<16xi32>
        %lt3A_442 = arith.constant 320 : i32
        %lt3A_443 = vector.broadcast %lt3A_442 : i32 to vector<16xi32>
        %lt3A_444 = arith.cmpi ult, %sub3A_441, %lt3A_443 : vector<16xi32>
        %iota3A_445 = tpu.iota {dimensions = array<i32: 0>} : vector<16xi32>
        %mul3A_446 = arith.constant 16 : i32
        %mul3A_447 = arith.muli %scan3A_435, %mul3A_446 : i32
        %add3A_448 = arith.addi %mul3A_207, %mul3A_447 : i32
        %add3A_449 = vector.broadcast %add3A_448 : i32 to vector<16xi32>
        %add3A_450 = arith.addi %iota3A_445, %add3A_449 : vector<16xi32>
        %shift_left3A_451 = arith.constant 19 : i32
        %shift_left3A_452 = vector.broadcast %shift_left3A_451 : i32 to vector<16xi32>
        %shift_left3A_453 = arith.shli %sub3A_441, %shift_left3A_452 : vector<16xi32>
        %or3A_454 = arith.ori %shift_left3A_453, %add3A_450 : vector<16xi32>
        %swap3A_455 = arith.index_cast %add3A_433 : i32 to index
        %swap3A_456 = tpu.vector_load %arg8[%swap3A_455] masked %lt3A_444 {strides = array<i32>} : memref<8128xi32, #tpu.memory_space<vmem>>, vector<16xi32>, vector<16xi1>
        tpu.vector_store %arg8[%swap3A_455], %or3A_454 masked %lt3A_444 {strides = array<i32>} : memref<8128xi32, #tpu.memory_space<vmem>>, vector<16xi32>, vector<16xi1>
        %all_reduce_population_count3A_457 = tpu.all_reduce %lt3A_444 {dim = 0 : i64, kind = #tpu.reduction_kind<sum>} : vector<16xi1> -> vector<16xi32>
        %slice3A_458 = vector.extract_strided_slice %all_reduce_population_count3A_457 {offsets = [0], sizes = [1], strides = [1]} : vector<16xi32> to vector<1xi32>
        %squeeze3A_459 = vector.extract %slice3A_458[0] : i32 from vector<1xi32>
        %add3A_460 = arith.addi %add3A_433, %squeeze3A_459 : i32
        %scan3A_461 = arith.constant 3 : i32
        %scan3A_462 = arith.addi %scan3A_380, %scan3A_461 : i32
        %mul3A_463 = arith.constant 16 : i32
        %mul3A_464 = arith.muli %scan3A_462, %mul3A_463 : i32
        %get3A_465 = arith.index_cast %mul3A_464 : i32 to index
        %get3A_466 = tpu.vector_load %arg7[%get3A_465] {strides = array<i32>} : memref<8000xi32, #tpu.memory_space<vmem>>, vector<16xi32>,
        %sub3A_467 = vector.broadcast %mul3A_2 : i32 to vector<16xi32>
        %sub3A_468 = arith.subi %get3A_466, %sub3A_467 : vector<16xi32>
        %lt3A_469 = arith.constant 320 : i32
        %lt3A_470 = vector.broadcast %lt3A_469 : i32 to vector<16xi32>
        %lt3A_471 = arith.cmpi ult, %sub3A_468, %lt3A_470 : vector<16xi32>
        %iota3A_472 = tpu.iota {dimensions = array<i32: 0>} : vector<16xi32>
        %mul3A_473 = arith.constant 16 : i32
        %mul3A_474 = arith.muli %scan3A_462, %mul3A_473 : i32
        %add3A_475 = arith.addi %mul3A_207, %mul3A_474 : i32
        %add3A_476 = vector.broadcast %add3A_475 : i32 to vector<16xi32>
        %add3A_477 = arith.addi %iota3A_472, %add3A_476 : vector<16xi32>
        %shift_left3A_478 = arith.constant 19 : i32
        %shift_left3A_479 = vector.broadcast %shift_left3A_478 : i32 to vector<16xi32>
        %shift_left3A_480 = arith.shli %sub3A_468, %shift_left3A_479 : vector<16xi32>
        %or3A_481 = arith.ori %shift_left3A_480, %add3A_477 : vector<16xi32>
        %swap3A_482 = arith.index_cast %add3A_460 : i32 to index
        %swap3A_483 = tpu.vector_load %arg8[%swap3A_482] masked %lt3A_471 {strides = array<i32>} : memref<8128xi32, #tpu.memory_space<vmem>>, vector<16xi32>, vector<16xi1>
        tpu.vector_store %arg8[%swap3A_482], %or3A_481 masked %lt3A_471 {strides = array<i32>} : memref<8128xi32, #tpu.memory_space<vmem>>, vector<16xi32>, vector<16xi1>
        %all_reduce_population_count3A_484 = tpu.all_reduce %lt3A_471 {dim = 0 : i64, kind = #tpu.reduction_kind<sum>} : vector<16xi1> -> vector<16xi32>
        %slice3A_485 = vector.extract_strided_slice %all_reduce_population_count3A_484 {offsets = [0], sizes = [1], strides = [1]} : vector<16xi32> to vector<1xi32>
        %squeeze3A_486 = vector.extract %slice3A_485[0] : i32 from vector<1xi32>
        %add3A_487 = arith.addi %add3A_460, %squeeze3A_486 : i32
        %scan3A_488 = arith.constant 4 : i32
        %scan3A_489 = arith.addi %scan3A_380, %scan3A_488 : i32
        %mul3A_490 = arith.constant 16 : i32
        %mul3A_491 = arith.muli %scan3A_489, %mul3A_490 : i32
        %get3A_492 = arith.index_cast %mul3A_491 : i32 to index
        %get3A_493 = tpu.vector_load %arg7[%get3A_492] {strides = array<i32>} : memref<8000xi32, #tpu.memory_space<vmem>>, vector<16xi32>,
        %sub3A_494 = vector.broadcast %mul3A_2 : i32 to vector<16xi32>
        %sub3A_495 = arith.subi %get3A_493, %sub3A_494 : vector<16xi32>
        %lt3A_496 = arith.constant 320 : i32
        %lt3A_497 = vector.broadcast %lt3A_496 : i32 to vector<16xi32>
        %lt3A_498 = arith.cmpi ult, %sub3A_495, %lt3A_497 : vector<16xi32>
        %iota3A_499 = tpu.iota {dimensions = array<i32: 0>} : vector<16xi32>
        %mul3A_500 = arith.constant 16 : i32
        %mul3A_501 = arith.muli %scan3A_489, %mul3A_500 : i32
        %add3A_502 = arith.addi %mul3A_207, %mul3A_501 : i32
        %add3A_503 = vector.broadcast %add3A_502 : i32 to vector<16xi32>
        %add3A_504 = arith.addi %iota3A_499, %add3A_503 : vector<16xi32>
        %shift_left3A_505 = arith.constant 19 : i32
        %shift_left3A_506 = vector.broadcast %shift_left3A_505 : i32 to vector<16xi32>
        %shift_left3A_507 = arith.shli %sub3A_495, %shift_left3A_506 : vector<16xi32>
        %or3A_508 = arith.ori %shift_left3A_507, %add3A_504 : vector<16xi32>
        %swap3A_509 = arith.index_cast %add3A_487 : i32 to index
        %swap3A_510 = tpu.vector_load %arg8[%swap3A_509] masked %lt3A_498 {strides = array<i32>} : memref<8128xi32, #tpu.memory_space<vmem>>, vector<16xi32>, vector<16xi1>
        tpu.vector_store %arg8[%swap3A_509], %or3A_508 masked %lt3A_498 {strides = array<i32>} : memref<8128xi32, #tpu.memory_space<vmem>>, vector<16xi32>, vector<16xi1>
        %all_reduce_population_count3A_511 = tpu.all_reduce %lt3A_498 {dim = 0 : i64, kind = #tpu.reduction_kind<sum>} : vector<16xi1> -> vector<16xi32>
        %slice3A_512 = vector.extract_strided_slice %all_reduce_population_count3A_511 {offsets = [0], sizes = [1], strides = [1]} : vector<16xi32> to vector<1xi32>
        %squeeze3A_513 = vector.extract %slice3A_512[0] : i32 from vector<1xi32>
        %add3A_514 = arith.addi %add3A_487, %squeeze3A_513 : i32
        %scan3A_515 = arith.constant 5 : i32
        %scan3A_516 = arith.addi %scan3A_380, %scan3A_515 : i32
        %mul3A_517 = arith.constant 16 : i32
        %mul3A_518 = arith.muli %scan3A_516, %mul3A_517 : i32
        %get3A_519 = arith.index_cast %mul3A_518 : i32 to index
        %get3A_520 = tpu.vector_load %arg7[%get3A_519] {strides = array<i32>} : memref<8000xi32, #tpu.memory_space<vmem>>, vector<16xi32>,
        %sub3A_521 = vector.broadcast %mul3A_2 : i32 to vector<16xi32>
        %sub3A_522 = arith.subi %get3A_520, %sub3A_521 : vector<16xi32>
        %lt3A_523 = arith.constant 320 : i32
        %lt3A_524 = vector.broadcast %lt3A_523 : i32 to vector<16xi32>
        %lt3A_525 = arith.cmpi ult, %sub3A_522, %lt3A_524 : vector<16xi32>
        %iota3A_526 = tpu.iota {dimensions = array<i32: 0>} : vector<16xi32>
        %mul3A_527 = arith.constant 16 : i32
        %mul3A_528 = arith.muli %scan3A_516, %mul3A_527 : i32
        %add3A_529 = arith.addi %mul3A_207, %mul3A_528 : i32
        %add3A_530 = vector.broadcast %add3A_529 : i32 to vector<16xi32>
        %add3A_531 = arith.addi %iota3A_526, %add3A_530 : vector<16xi32>
        %shift_left3A_532 = arith.constant 19 : i32
        %shift_left3A_533 = vector.broadcast %shift_left3A_532 : i32 to vector<16xi32>
        %shift_left3A_534 = arith.shli %sub3A_522, %shift_left3A_533 : vector<16xi32>
        %or3A_535 = arith.ori %shift_left3A_534, %add3A_531 : vector<16xi32>
        %swap3A_536 = arith.index_cast %add3A_514 : i32 to index
        %swap3A_537 = tpu.vector_load %arg8[%swap3A_536] masked %lt3A_525 {strides = array<i32>} : memref<8128xi32, #tpu.memory_space<vmem>>, vector<16xi32>, vector<16xi1>
        tpu.vector_store %arg8[%swap3A_536], %or3A_535 masked %lt3A_525 {strides = array<i32>} : memref<8128xi32, #tpu.memory_space<vmem>>, vector<16xi32>, vector<16xi1>
        %all_reduce_population_count3A_538 = tpu.all_reduce %lt3A_525 {dim = 0 : i64, kind = #tpu.reduction_kind<sum>} : vector<16xi1> -> vector<16xi32>
        %slice3A_539 = vector.extract_strided_slice %all_reduce_population_count3A_538 {offsets = [0], sizes = [1], strides = [1]} : vector<16xi32> to vector<1xi32>
        %squeeze3A_540 = vector.extract %slice3A_539[0] : i32 from vector<1xi32>
        %add3A_541 = arith.addi %add3A_514, %squeeze3A_540 : i32
        %scan3A_542 = arith.constant 6 : i32
        %scan3A_543 = arith.addi %scan3A_380, %scan3A_542 : i32
        %mul3A_544 = arith.constant 16 : i32
        %mul3A_545 = arith.muli %scan3A_543, %mul3A_544 : i32
        %get3A_546 = arith.index_cast %mul3A_545 : i32 to index
        %get3A_547 = tpu.vector_load %arg7[%get3A_546] {strides = array<i32>} : memref<8000xi32, #tpu.memory_space<vmem>>, vector<16xi32>,
        %sub3A_548 = vector.broadcast %mul3A_2 : i32 to vector<16xi32>
        %sub3A_549 = arith.subi %get3A_547, %sub3A_548 : vector<16xi32>
        %lt3A_550 = arith.constant 320 : i32
        %lt3A_551 = vector.broadcast %lt3A_550 : i32 to vector<16xi32>
        %lt3A_552 = arith.cmpi ult, %sub3A_549, %lt3A_551 : vector<16xi32>
        %iota3A_553 = tpu.iota {dimensions = array<i32: 0>} : vector<16xi32>
        %mul3A_554 = arith.constant 16 : i32
        %mul3A_555 = arith.muli %scan3A_543, %mul3A_554 : i32
        %add3A_556 = arith.addi %mul3A_207, %mul3A_555 : i32
        %add3A_557 = vector.broadcast %add3A_556 : i32 to vector<16xi32>
        %add3A_558 = arith.addi %iota3A_553, %add3A_557 : vector<16xi32>
        %shift_left3A_559 = arith.constant 19 : i32
        %shift_left3A_560 = vector.broadcast %shift_left3A_559 : i32 to vector<16xi32>
        %shift_left3A_561 = arith.shli %sub3A_549, %shift_left3A_560 : vector<16xi32>
        %or3A_562 = arith.ori %shift_left3A_561, %add3A_558 : vector<16xi32>
        %swap3A_563 = arith.index_cast %add3A_541 : i32 to index
        %swap3A_564 = tpu.vector_load %arg8[%swap3A_563] masked %lt3A_552 {strides = array<i32>} : memref<8128xi32, #tpu.memory_space<vmem>>, vector<16xi32>, vector<16xi1>
        tpu.vector_store %arg8[%swap3A_563], %or3A_562 masked %lt3A_552 {strides = array<i32>} : memref<8128xi32, #tpu.memory_space<vmem>>, vector<16xi32>, vector<16xi1>
        %all_reduce_population_count3A_565 = tpu.all_reduce %lt3A_552 {dim = 0 : i64, kind = #tpu.reduction_kind<sum>} : vector<16xi1> -> vector<16xi32>
        %slice3A_566 = vector.extract_strided_slice %all_reduce_population_count3A_565 {offsets = [0], sizes = [1], strides = [1]} : vector<16xi32> to vector<1xi32>
        %squeeze3A_567 = vector.extract %slice3A_566[0] : i32 from vector<1xi32>
        %add3A_568 = arith.addi %add3A_541, %squeeze3A_567 : i32
        %scan3A_569 = arith.constant 7 : i32
        %scan3A_570 = arith.addi %scan3A_380, %scan3A_569 : i32
        %mul3A_571 = arith.constant 16 : i32
        %mul3A_572 = arith.muli %scan3A_570, %mul3A_571 : i32
        %get3A_573 = arith.index_cast %mul3A_572 : i32 to index
        %get3A_574 = tpu.vector_load %arg7[%get3A_573] {strides = array<i32>} : memref<8000xi32, #tpu.memory_space<vmem>>, vector<16xi32>,
        %sub3A_575 = vector.broadcast %mul3A_2 : i32 to vector<16xi32>
        %sub3A_576 = arith.subi %get3A_574, %sub3A_575 : vector<16xi32>
        %lt3A_577 = arith.constant 320 : i32
        %lt3A_578 = vector.broadcast %lt3A_577 : i32 to vector<16xi32>
        %lt3A_579 = arith.cmpi ult, %sub3A_576, %lt3A_578 : vector<16xi32>
        %iota3A_580 = tpu.iota {dimensions = array<i32: 0>} : vector<16xi32>
        %mul3A_581 = arith.constant 16 : i32
        %mul3A_582 = arith.muli %scan3A_570, %mul3A_581 : i32
        %add3A_583 = arith.addi %mul3A_207, %mul3A_582 : i32
        %add3A_584 = vector.broadcast %add3A_583 : i32 to vector<16xi32>
        %add3A_585 = arith.addi %iota3A_580, %add3A_584 : vector<16xi32>
        %shift_left3A_586 = arith.constant 19 : i32
        %shift_left3A_587 = vector.broadcast %shift_left3A_586 : i32 to vector<16xi32>
        %shift_left3A_588 = arith.shli %sub3A_576, %shift_left3A_587 : vector<16xi32>
        %or3A_589 = arith.ori %shift_left3A_588, %add3A_585 : vector<16xi32>
        %swap3A_590 = arith.index_cast %add3A_568 : i32 to index
        %swap3A_591 = tpu.vector_load %arg8[%swap3A_590] masked %lt3A_579 {strides = array<i32>} : memref<8128xi32, #tpu.memory_space<vmem>>, vector<16xi32>, vector<16xi1>
        tpu.vector_store %arg8[%swap3A_590], %or3A_589 masked %lt3A_579 {strides = array<i32>} : memref<8128xi32, #tpu.memory_space<vmem>>, vector<16xi32>, vector<16xi1>
        %all_reduce_population_count3A_592 = tpu.all_reduce %lt3A_579 {dim = 0 : i64, kind = #tpu.reduction_kind<sum>} : vector<16xi1> -> vector<16xi32>
        %slice3A_593 = vector.extract_strided_slice %all_reduce_population_count3A_592 {offsets = [0], sizes = [1], strides = [1]} : vector<16xi32> to vector<1xi32>
        %squeeze3A_594 = vector.extract %slice3A_593[0] : i32 from vector<1xi32>
        %add3A_595 = arith.addi %add3A_568, %squeeze3A_594 : i32
        scf.yield %add3A_595 : i32
      }
      %scan3A_216 = arith.constant 496 : i32
      %scan3A_217 = arith.addi %scan3A_211, %scan3A_216 : i32
      %mul3A_218 = arith.constant 16 : i32
      %mul3A_219 = arith.muli %scan3A_217, %mul3A_218 : i32
      %get3A_220 = arith.index_cast %mul3A_219 : i32 to index
      %get3A_221 = tpu.vector_load %arg7[%get3A_220] {strides = array<i32>} : memref<8000xi32, #tpu.memory_space<vmem>>, vector<16xi32>,
      %sub3A_222 = vector.broadcast %mul3A_2 : i32 to vector<16xi32>
      %sub3A_223 = arith.subi %get3A_221, %sub3A_222 : vector<16xi32>
      %lt3A_224 = arith.constant 320 : i32
      %lt3A_225 = vector.broadcast %lt3A_224 : i32 to vector<16xi32>
      %lt3A_226 = arith.cmpi ult, %sub3A_223, %lt3A_225 : vector<16xi32>
      %iota3A_227 = tpu.iota {dimensions = array<i32: 0>} : vector<16xi32>
      %mul3A_228 = arith.constant 16 : i32
      %mul3A_229 = arith.muli %scan3A_217, %mul3A_228 : i32
      %add3A_230 = arith.addi %mul3A_207, %mul3A_229 : i32
      %add3A_231 = vector.broadcast %add3A_230 : i32 to vector<16xi32>
      %add3A_232 = arith.addi %iota3A_227, %add3A_231 : vector<16xi32>
      %shift_left3A_233 = arith.constant 19 : i32
      %shift_left3A_234 = vector.broadcast %shift_left3A_233 : i32 to vector<16xi32>
      %shift_left3A_235 = arith.shli %sub3A_223, %shift_left3A_234 : vector<16xi32>
      %or3A_236 = arith.ori %shift_left3A_235, %add3A_232 : vector<16xi32>
      %swap3A_237 = arith.index_cast %scan3A_215 : i32 to index
      %swap3A_238 = tpu.vector_load %arg8[%swap3A_237] masked %lt3A_226 {strides = array<i32>} : memref<8128xi32, #tpu.memory_space<vmem>>, vector<16xi32>, vector<16xi1>
      tpu.vector_store %arg8[%swap3A_237], %or3A_236 masked %lt3A_226 {strides = array<i32>} : memref<8128xi32, #tpu.memory_space<vmem>>, vector<16xi32>, vector<16xi1>
      %all_reduce_population_count3A_239 = tpu.all_reduce %lt3A_226 {dim = 0 : i64, kind = #tpu.reduction_kind<sum>} : vector<16xi1> -> vector<16xi32>
      %slice3A_240 = vector.extract_strided_slice %all_reduce_population_count3A_239 {offsets = [0], sizes = [1], strides = [1]} : vector<16xi32> to vector<1xi32>
      %squeeze3A_241 = vector.extract %slice3A_240[0] : i32 from vector<1xi32>
      %add3A_242 = arith.addi %scan3A_215, %squeeze3A_241 : i32
      %scan3A_243 = arith.constant 497 : i32
      %scan3A_244 = arith.addi %scan3A_211, %scan3A_243 : i32
      %mul3A_245 = arith.constant 16 : i32
      %mul3A_246 = arith.muli %scan3A_244, %mul3A_245 : i32
      %get3A_247 = arith.index_cast %mul3A_246 : i32 to index
      %get3A_248 = tpu.vector_load %arg7[%get3A_247] {strides = array<i32>} : memref<8000xi32, #tpu.memory_space<vmem>>, vector<16xi32>,
      %sub3A_249 = vector.broadcast %mul3A_2 : i32 to vector<16xi32>
      %sub3A_250 = arith.subi %get3A_248, %sub3A_249 : vector<16xi32>
      %lt3A_251 = arith.constant 320 : i32
      %lt3A_252 = vector.broadcast %lt3A_251 : i32 to vector<16xi32>
      %lt3A_253 = arith.cmpi ult, %sub3A_250, %lt3A_252 : vector<16xi32>
      %iota3A_254 = tpu.iota {dimensions = array<i32: 0>} : vector<16xi32>
      %mul3A_255 = arith.constant 16 : i32
      %mul3A_256 = arith.muli %scan3A_244, %mul3A_255 : i32
      %add3A_257 = arith.addi %mul3A_207, %mul3A_256 : i32
      %add3A_258 = vector.broadcast %add3A_257 : i32 to vector<16xi32>
      %add3A_259 = arith.addi %iota3A_254, %add3A_258 : vector<16xi32>
      %shift_left3A_260 = arith.constant 19 : i32
      %shift_left3A_261 = vector.broadcast %shift_left3A_260 : i32 to vector<16xi32>
      %shift_left3A_262 = arith.shli %sub3A_250, %shift_left3A_261 : vector<16xi32>
      %or3A_263 = arith.ori %shift_left3A_262, %add3A_259 : vector<16xi32>
      %swap3A_264 = arith.index_cast %add3A_242 : i32 to index
      %swap3A_265 = tpu.vector_load %arg8[%swap3A_264] masked %lt3A_253 {strides = array<i32>} : memref<8128xi32, #tpu.memory_space<vmem>>, vector<16xi32>, vector<16xi1>
      tpu.vector_store %arg8[%swap3A_264], %or3A_263 masked %lt3A_253 {strides = array<i32>} : memref<8128xi32, #tpu.memory_space<vmem>>, vector<16xi32>, vector<16xi1>
      %all_reduce_population_count3A_266 = tpu.all_reduce %lt3A_253 {dim = 0 : i64, kind = #tpu.reduction_kind<sum>} : vector<16xi1> -> vector<16xi32>
      %slice3A_267 = vector.extract_strided_slice %all_reduce_population_count3A_266 {offsets = [0], sizes = [1], strides = [1]} : vector<16xi32> to vector<1xi32>
      %squeeze3A_268 = vector.extract %slice3A_267[0] : i32 from vector<1xi32>
      %add3A_269 = arith.addi %add3A_242, %squeeze3A_268 : i32
      %scan3A_270 = arith.constant 498 : i32
      %scan3A_271 = arith.addi %scan3A_211, %scan3A_270 : i32
      %mul3A_272 = arith.constant 16 : i32
      %mul3A_273 = arith.muli %scan3A_271, %mul3A_272 : i32
      %get3A_274 = arith.index_cast %mul3A_273 : i32 to index
      %get3A_275 = tpu.vector_load %arg7[%get3A_274] {strides = array<i32>} : memref<8000xi32, #tpu.memory_space<vmem>>, vector<16xi32>,
      %sub3A_276 = vector.broadcast %mul3A_2 : i32 to vector<16xi32>
      %sub3A_277 = arith.subi %get3A_275, %sub3A_276 : vector<16xi32>
      %lt3A_278 = arith.constant 320 : i32
      %lt3A_279 = vector.broadcast %lt3A_278 : i32 to vector<16xi32>
      %lt3A_280 = arith.cmpi ult, %sub3A_277, %lt3A_279 : vector<16xi32>
      %iota3A_281 = tpu.iota {dimensions = array<i32: 0>} : vector<16xi32>
      %mul3A_282 = arith.constant 16 : i32
      %mul3A_283 = arith.muli %scan3A_271, %mul3A_282 : i32
      %add3A_284 = arith.addi %mul3A_207, %mul3A_283 : i32
      %add3A_285 = vector.broadcast %add3A_284 : i32 to vector<16xi32>
      %add3A_286 = arith.addi %iota3A_281, %add3A_285 : vector<16xi32>
      %shift_left3A_287 = arith.constant 19 : i32
      %shift_left3A_288 = vector.broadcast %shift_left3A_287 : i32 to vector<16xi32>
      %shift_left3A_289 = arith.shli %sub3A_277, %shift_left3A_288 : vector<16xi32>
      %or3A_290 = arith.ori %shift_left3A_289, %add3A_286 : vector<16xi32>
      %swap3A_291 = arith.index_cast %add3A_269 : i32 to index
      %swap3A_292 = tpu.vector_load %arg8[%swap3A_291] masked %lt3A_280 {strides = array<i32>} : memref<8128xi32, #tpu.memory_space<vmem>>, vector<16xi32>, vector<16xi1>
      tpu.vector_store %arg8[%swap3A_291], %or3A_290 masked %lt3A_280 {strides = array<i32>} : memref<8128xi32, #tpu.memory_space<vmem>>, vector<16xi32>, vector<16xi1>
      %all_reduce_population_count3A_293 = tpu.all_reduce %lt3A_280 {dim = 0 : i64, kind = #tpu.reduction_kind<sum>} : vector<16xi1> -> vector<16xi32>
      %slice3A_294 = vector.extract_strided_slice %all_reduce_population_count3A_293 {offsets = [0], sizes = [1], strides = [1]} : vector<16xi32> to vector<1xi32>
      %squeeze3A_295 = vector.extract %slice3A_294[0] : i32 from vector<1xi32>
      %add3A_296 = arith.addi %add3A_269, %squeeze3A_295 : i32
      %scan3A_297 = arith.constant 499 : i32
      %scan3A_298 = arith.addi %scan3A_211, %scan3A_297 : i32
      %mul3A_299 = arith.constant 16 : i32
      %mul3A_300 = arith.muli %scan3A_298, %mul3A_299 : i32
      %get3A_301 = arith.index_cast %mul3A_300 : i32 to index
      %get3A_302 = tpu.vector_load %arg7[%get3A_301] {strides = array<i32>} : memref<8000xi32, #tpu.memory_space<vmem>>, vector<16xi32>,
      %sub3A_303 = vector.broadcast %mul3A_2 : i32 to vector<16xi32>
      %sub3A_304 = arith.subi %get3A_302, %sub3A_303 : vector<16xi32>
      %lt3A_305 = arith.constant 320 : i32
      %lt3A_306 = vector.broadcast %lt3A_305 : i32 to vector<16xi32>
      %lt3A_307 = arith.cmpi ult, %sub3A_304, %lt3A_306 : vector<16xi32>
      %iota3A_308 = tpu.iota {dimensions = array<i32: 0>} : vector<16xi32>
      %mul3A_309 = arith.constant 16 : i32
      %mul3A_310 = arith.muli %scan3A_298, %mul3A_309 : i32
      %add3A_311 = arith.addi %mul3A_207, %mul3A_310 : i32
      %add3A_312 = vector.broadcast %add3A_311 : i32 to vector<16xi32>
      %add3A_313 = arith.addi %iota3A_308, %add3A_312 : vector<16xi32>
      %shift_left3A_314 = arith.constant 19 : i32
      %shift_left3A_315 = vector.broadcast %shift_left3A_314 : i32 to vector<16xi32>
      %shift_left3A_316 = arith.shli %sub3A_304, %shift_left3A_315 : vector<16xi32>
      %or3A_317 = arith.ori %shift_left3A_316, %add3A_313 : vector<16xi32>
      %swap3A_318 = arith.index_cast %add3A_296 : i32 to index
      %swap3A_319 = tpu.vector_load %arg8[%swap3A_318] masked %lt3A_307 {strides = array<i32>} : memref<8128xi32, #tpu.memory_space<vmem>>, vector<16xi32>, vector<16xi1>
      tpu.vector_store %arg8[%swap3A_318], %or3A_317 masked %lt3A_307 {strides = array<i32>} : memref<8128xi32, #tpu.memory_space<vmem>>, vector<16xi32>, vector<16xi1>
      %all_reduce_population_count3A_320 = tpu.all_reduce %lt3A_307 {dim = 0 : i64, kind = #tpu.reduction_kind<sum>} : vector<16xi1> -> vector<16xi32>
      %slice3A_321 = vector.extract_strided_slice %all_reduce_population_count3A_320 {offsets = [0], sizes = [1], strides = [1]} : vector<16xi32> to vector<1xi32>
      %squeeze3A_322 = vector.extract %slice3A_321[0] : i32 from vector<1xi32>
      %add3A_323 = arith.addi %add3A_296, %squeeze3A_322 : i32
      %scan3A_324 = arith.constant 500 : i32
      %add3A_325 = arith.constant 2 : i32
      %add3A_326 = arith.addi %add3A_205, %add3A_325 : i32
      %lt3A_327 = arith.constant 40 : i32
      %lt3A_328 = arith.cmpi slt, %add3A_326, %lt3A_327 : i32
      %convert_element_type3A_329 = arith.extui %lt3A_328 : i1 to i32
      %cond3A_330 = arith.constant 0 : i32
      %cond3A_331 = arith.cmpi ne, %convert_element_type3A_329, %cond3A_330 : i32
      scf.if %cond3A_331 {
        %add3A_380 = arith.constant 16000 : i32
        %add3A_381 = arith.addi %mul3A_207, %add3A_380 : i32
        %dma_start3A_382 = tpu.memref_slice %arg3[%add3A_381] : memref<320000xi32, #tpu.memory_space<hbm>> -> memref<8000xi32, #tpu.memory_space<hbm>>
        %dma_start3A_383 = tpu.memref_slice %arg3[%add3A_381] : memref<320000xi32, #tpu.memory_space<hbm>> -> memref<8000xi32, #tpu.memory_space<hbm>>
        tpu.enqueue_dma source(%dma_start3A_383 : memref<8000xi32, #tpu.memory_space<hbm>>) target(%arg7 : memref<8000xi32, #tpu.memory_space<vmem>>) target_semaphore(%arg15 : memref<!tpu.dma_semaphore, #tpu.memory_space<semaphore_mem>>)
      } else {
      }
      %add3A_332 = arith.constant 127 : i32
      %add3A_333 = arith.addi %add3A_323, %add3A_332 : i32
      %jit3A_334 = arith.constant 128 : i32
      %div3A_335 = arith.divsi %add3A_333, %jit3A_334 : i32
      %sign3A_336 = arith.constant 0 : i32
      %sign3A_337 = arith.cmpi sgt, %add3A_333, %sign3A_336 : i32
      %sign3A_338 = arith.extui %sign3A_337 : i1 to i32
      %sign3A_339 = arith.constant 0 : i32
      %sign3A_340 = arith.cmpi slt, %add3A_333, %sign3A_339 : i32
      %sign3A_341 = arith.extui %sign3A_340 : i1 to i32
      %sign3A_342 = arith.subi %sign3A_338, %sign3A_341 : i32
      %sign3A_343 = arith.constant 0 : i32
      %sign3A_344 = arith.cmpi sgt, %jit3A_334, %sign3A_343 : i32
      %sign3A_345 = arith.extui %sign3A_344 : i1 to i32
      %sign3A_346 = arith.constant 0 : i32
      %sign3A_347 = arith.cmpi slt, %jit3A_334, %sign3A_346 : i32
      %sign3A_348 = arith.extui %sign3A_347 : i1 to i32
      %sign3A_349 = arith.subi %sign3A_345, %sign3A_348 : i32
      %ne3A_350 = arith.cmpi ne, %sign3A_342, %sign3A_349 : i32
      %rem3A_351 = arith.remsi %add3A_333, %jit3A_334 : i32
      %ne3A_352 = arith.constant 0 : i32
      %ne3A_353 = arith.cmpi ne, %rem3A_351, %ne3A_352 : i32
      %and3A_354 = arith.andi %ne3A_350, %ne3A_353 : i1
      %sub3A_355 = arith.constant 1 : i32
      %sub3A_356 = arith.subi %div3A_335, %sub3A_355 : i32
      %select_n3A_357 = arith.select %and3A_354, %sub3A_356, %div3A_335 : i32
      %mul3A_358 = arith.constant 8 : i32
      %mul3A_359 = arith.muli %select_n3A_357, %mul3A_358 : i32
      %parallel_loop3A_360 = arith.constant 0 : i32
      %parallel_loop3A_361 = arith.constant 1 : i32
      scf.for %parallel_loop3A_380 = %parallel_loop3A_360 to %mul3A_359 step %parallel_loop3A_361  : i32 {
        %parallel_loop3A_381 = arith.constant 16 : i32
        %parallel_loop3A_382 = arith.muli %parallel_loop3A_380, %parallel_loop3A_381 : i32
        %parallel_loop3A_383 = arith.index_cast %parallel_loop3A_382 : i32 to index
        %parallel_loop3A_384 = tpu.vector_load %arg8[%parallel_loop3A_383] {strides = array<i32>} : memref<8128xi32, #tpu.memory_space<vmem>>, vector<16xi32>,
        %parallel_loop3A_385 = arith.constant 524287 : i32
        %parallel_loop3A_386 = vector.broadcast %parallel_loop3A_385 : i32 to vector<16xi32>
        %parallel_loop3A_387 = arith.andi %parallel_loop3A_384, %parallel_loop3A_386 : vector<16xi32>
        %parallel_loop3A_388 = arith.constant 16 : i32
        %parallel_loop3A_389 = arith.muli %parallel_loop3A_380, %parallel_loop3A_388 : i32
        %parallel_loop3A_390 = arith.index_cast %parallel_loop3A_389 : i32 to index
        %parallel_loop3A_391 = tpu.vector_load %arg9[%parallel_loop3A_390] {strides = array<i32>} : memref<8128xi32, #tpu.memory_space<vmem>>, vector<16xi32>,
        tpu.vector_store %arg9[%parallel_loop3A_390], %parallel_loop3A_387 {strides = array<i32>} : memref<8128xi32, #tpu.memory_space<vmem>>, vector<16xi32>,
      } {sc.loop_unroll_factor = 8 : i64, sc.parallel_access}
      %gt3A_362 = arith.constant 0 : i32
      %gt3A_363 = arith.cmpi sgt, %select_n3A_357, %gt3A_362 : i32
      %convert_element_type3A_364 = arith.extui %gt3A_363 : i1 to i32
      %cond3A_365 = arith.constant 0 : i32
      %cond3A_366 = arith.cmpi ne, %convert_element_type3A_364, %cond3A_365 : i32
      scf.if %cond3A_366 {
        %dma_start3A_380 = arith.constant 0 : i32
        %dma_start3A_381 = tpu.memref_slice %arg9[%dma_start3A_380] : memref<8128xi32, #tpu.memory_space<vmem>> -> memref<128xi32, #tpu.memory_space<vmem>>
        %dma_start3A_382 = arith.constant 0 : i32
        %dma_start3A_383 = arith.constant 0 : i32
        %dma_start3A_384 = tpu.memref_slice %arg2[%dma_start3A_382, %dma_start3A_383] : memref<320000x128xf32, #tpu.memory_space<hbm>> -> memref<320000x128xf32, #tpu.memory_space<hbm>>
        tpu.enqueue_indirect_dma source(%dma_start3A_384 : memref<320000x128xf32, #tpu.memory_space<hbm>>) target(%arg10 : memref<128x128xf32, #tpu.memory_space<vmem>>) offsets(%dma_start3A_381 : memref<128xi32, #tpu.memory_space<vmem>>) semaphore(%arg16 : memref<!tpu.dma_semaphore, #tpu.memory_space<semaphore_mem>>)
      } else {
      }
      %while3A_367 = arith.constant 0 : i32
      %while3A_368 = arith.constant 0 : i32
      %while3A_369 = arith.subi %select_n3A_357, %while3A_367 : i32
      %while3A_370 = arith.addi %while3A_367, %while3A_369 : i32
      %while3A_371 = arith.constant 1 : i32
      %while3A_372 = arith.divsi %while3A_369, %while3A_371 : i32
      %while3A_373 = arith.muli %while3A_372, %while3A_371 : i32
      %while3A_374 = arith.addi %while3A_367, %while3A_373 : i32
      %while3A_375 = arith.constant 1 : i32
      %while3A_376 = scf.for %while3A_380 = %while3A_367 to %while3A_374 step %while3A_375 iter_args(%while3A_381 = %while3A_368) -> (i32)  : i32 {
        %and3A_382 = arith.constant 1 : i32
        %and3A_383 = arith.andi %while3A_380, %and3A_382 : i32
        %eq3A = arith.constant 0 : i32
        %eq3A_384 = arith.cmpi eq, %and3A_383, %eq3A : i32
        %add3A_385 = arith.constant 1 : i32
        %add3A_386 = arith.addi %while3A_380, %add3A_385 : i32
        %lt3A_387 = arith.cmpi slt, %add3A_386, %select_n3A_357 : i32
        %eq3A_388 = arith.constant true
        %eq3A_389 = arith.xori %eq3A_384, %eq3A_388 : i1
        %eq3A_390 = arith.constant true
        %eq3A_391 = arith.xori %eq3A_389, %eq3A_390 : i1
        %and3A_392 = arith.andi %lt3A_387, %eq3A_391 : i1
        %convert_element_type3A_393 = arith.extui %and3A_392 : i1 to i32
        %cond3A_394 = arith.constant 0 : i32
        %cond3A_395 = arith.cmpi ne, %convert_element_type3A_393, %cond3A_394 : i32
        scf.if %cond3A_395 {
          %add3A_422 = arith.constant 1 : i32
          %add3A_423 = arith.addi %while3A_380, %add3A_422 : i32
          %mul3A_424 = arith.constant 128 : i32
          %mul3A_425 = arith.muli %add3A_423, %mul3A_424 : i32
          %dma_start3A_426 = tpu.memref_slice %arg9[%mul3A_425] : memref<8128xi32, #tpu.memory_space<vmem>> -> memref<128xi32, #tpu.memory_space<vmem>>
          %dma_start3A_427 = arith.constant 0 : i32
          %dma_start3A_428 = arith.constant 0 : i32
          %dma_start3A_429 = tpu.memref_slice %arg2[%dma_start3A_427, %dma_start3A_428] : memref<320000x128xf32, #tpu.memory_space<hbm>> -> memref<320000x128xf32, #tpu.memory_space<hbm>>
          tpu.enqueue_indirect_dma source(%dma_start3A_429 : memref<320000x128xf32, #tpu.memory_space<hbm>>) target(%arg11 : memref<128x128xf32, #tpu.memory_space<vmem>>) offsets(%dma_start3A_426 : memref<128xi32, #tpu.memory_space<vmem>>) semaphore(%arg17 : memref<!tpu.dma_semaphore, #tpu.memory_space<semaphore_mem>>)
        } else {
        }
        %add3A_396 = arith.constant 1 : i32
        %add3A_397 = arith.addi %while3A_380, %add3A_396 : i32
        %lt3A_398 = arith.cmpi slt, %add3A_397, %select_n3A_357 : i32
        %eq3A_399 = arith.constant false
        %eq3A_400 = arith.xori %eq3A_384, %eq3A_399 : i1
        %eq3A_401 = arith.constant true
        %eq3A_402 = arith.xori %eq3A_400, %eq3A_401 : i1
        %and3A_403 = arith.andi %lt3A_398, %eq3A_402 : i1
        %convert_element_type3A_404 = arith.extui %and3A_403 : i1 to i32
        %cond3A_405 = arith.constant 0 : i32
        %cond3A_406 = arith.cmpi ne, %convert_element_type3A_404, %cond3A_405 : i32
        scf.if %cond3A_406 {
          %add3A_422 = arith.constant 1 : i32
          %add3A_423 = arith.addi %while3A_380, %add3A_422 : i32
          %mul3A_424 = arith.constant 128 : i32
          %mul3A_425 = arith.muli %add3A_423, %mul3A_424 : i32
          %dma_start3A_426 = tpu.memref_slice %arg9[%mul3A_425] : memref<8128xi32, #tpu.memory_space<vmem>> -> memref<128xi32, #tpu.memory_space<vmem>>
          %dma_start3A_427 = arith.constant 0 : i32
          %dma_start3A_428 = arith.constant 0 : i32
          %dma_start3A_429 = tpu.memref_slice %arg2[%dma_start3A_427, %dma_start3A_428] : memref<320000x128xf32, #tpu.memory_space<hbm>> -> memref<320000x128xf32, #tpu.memory_space<hbm>>
          tpu.enqueue_indirect_dma source(%dma_start3A_429 : memref<320000x128xf32, #tpu.memory_space<hbm>>) target(%arg10 : memref<128x128xf32, #tpu.memory_space<vmem>>) offsets(%dma_start3A_426 : memref<128xi32, #tpu.memory_space<vmem>>) semaphore(%arg16 : memref<!tpu.dma_semaphore, #tpu.memory_space<semaphore_mem>>)
        } else {
        }
        %eq3A_407 = arith.constant true
        %eq3A_408 = arith.xori %eq3A_384, %eq3A_407 : i1
        %eq3A_409 = arith.constant true
        %eq3A_410 = arith.xori %eq3A_408, %eq3A_409 : i1
        %convert_element_type3A_411 = arith.extui %eq3A_410 : i1 to i32
        %cond3A_412 = arith.constant 0 : i32
        %cond3A_413 = arith.cmpi ne, %convert_element_type3A_411, %cond3A_412 : i32
        scf.if %cond3A_413 {
          %mul3A_422 = arith.constant 128 : i32
          %mul3A_423 = arith.muli %while3A_380, %mul3A_422 : i32
          %dma_wait3A_424 = tpu.memref_slice %arg9[%mul3A_423] : memref<8128xi32, #tpu.memory_space<vmem>> -> memref<128xi32, #tpu.memory_space<vmem>>
          %dma_wait3A_425 = arith.constant 0 : i32
          %dma_wait3A_426 = arith.constant 0 : i32
          %dma_wait3A_427 = tpu.memref_slice %arg2[%dma_wait3A_425, %dma_wait3A_426] : memref<320000x128xf32, #tpu.memory_space<hbm>> -> memref<320000x128xf32, #tpu.memory_space<hbm>>
          tpu.wait_indirect_dma semaphore(%arg16 : memref<!tpu.dma_semaphore, #tpu.memory_space<semaphore_mem>>) src(%dma_wait3A_427 : memref<320000x128xf32, #tpu.memory_space<hbm>>) dst(%arg10 : memref<128x128xf32, #tpu.memory_space<vmem>>)
          %mul3A_428 = arith.constant 128 : i32
          %mul3A_429 = arith.muli %while3A_380, %mul3A_428 : i32
          %sub3A_430 = arith.subi %add3A_323, %mul3A_429 : i32
          %min3A = arith.constant 128 : i32
          %min3A_431 = arith.minsi %sub3A_430, %min3A : i32
          %while3A_432 = arith.constant 0 : i32
          %while3A_433 = arith.constant 0 : i32
          %while3A_434 = arith.subi %min3A_431, %while3A_432 : i32
          %while3A_435 = arith.addi %while3A_432, %while3A_434 : i32
          %while3A_436 = arith.constant 1 : i32
          %while3A_437 = arith.divsi %while3A_434, %while3A_436 : i32
          %while3A_438 = arith.muli %while3A_437, %while3A_436 : i32
          %while3A_439 = arith.addi %while3A_432, %while3A_438 : i32
          %while3A_440 = arith.constant 1 : i32
          %while3A_441 = scf.for %while3A_444 = %while3A_432 to %while3A_439 step %while3A_440 iter_args(%while3A_445 = %while3A_433) -> (i32)  : i32 {
            %mul3A_446 = arith.constant 128 : i32
            %mul3A_447 = arith.muli %while3A_380, %mul3A_446 : i32
            %add3A_448 = arith.addi %mul3A_447, %while3A_444 : i32
            %get3A_449 = arith.index_cast %add3A_448 : i32 to index
            %get3A_450 = tpu.vector_load %arg8[%get3A_449] {strides = array<i32>} : memref<8128xi32, #tpu.memory_space<vmem>>, vector<16xi32>,
            %slice3A_451 = vector.extract_strided_slice %get3A_450 {offsets = [0], sizes = [1], strides = [1]} : vector<16xi32> to vector<1xi32>
            %squeeze3A_452 = vector.extract %slice3A_451[0] : i32 from vector<1xi32>
            %shift_right_arithmetic3A = arith.constant 19 : i32
            %shift_right_arithmetic3A_453 = arith.shrsi %squeeze3A_452, %shift_right_arithmetic3A : i32
            %get3A_454 = arith.index_cast %shift_right_arithmetic3A_453 : i32 to index
            %get3A_455 = arith.constant 0 : index
            %get3A_456 = tpu.vector_load %arg12[%get3A_454, %get3A_455] {strides = array<i32>} : memref<320x128xf32, #tpu.memory_space<vmem>>, vector<16xf32>,
            %get3A_457 = arith.index_cast %while3A_444 : i32 to index
            %get3A_458 = arith.constant 0 : index
            %get3A_459 = tpu.vector_load %arg10[%get3A_457, %get3A_458] {strides = array<i32>} : memref<128x128xf32, #tpu.memory_space<vmem>>, vector<16xf32>,
            %max3A = arith.maximumf %get3A_456, %get3A_459 : vector<16xf32>
            %swap3A_460 = arith.index_cast %shift_right_arithmetic3A_453 : i32 to index
            %swap3A_461 = arith.constant 0 : index
            %swap3A_462 = tpu.vector_load %arg12[%swap3A_460, %swap3A_461] {strides = array<i32>} : memref<320x128xf32, #tpu.memory_space<vmem>>, vector<16xf32>,
            tpu.vector_store %arg12[%swap3A_460, %swap3A_461], %max3A {strides = array<i32>} : memref<320x128xf32, #tpu.memory_space<vmem>>, vector<16xf32>,
            %get3A_463 = arith.index_cast %shift_right_arithmetic3A_453 : i32 to index
            %get3A_464 = arith.constant 16 : index
            %get3A_465 = tpu.vector_load %arg12[%get3A_463, %get3A_464] {strides = array<i32>} : memref<320x128xf32, #tpu.memory_space<vmem>>, vector<16xf32>,
            %get3A_466 = arith.index_cast %while3A_444 : i32 to index
            %get3A_467 = arith.constant 16 : index
            %get3A_468 = tpu.vector_load %arg10[%get3A_466, %get3A_467] {strides = array<i32>} : memref<128x128xf32, #tpu.memory_space<vmem>>, vector<16xf32>,
            %max3A_469 = arith.maximumf %get3A_465, %get3A_468 : vector<16xf32>
            %swap3A_470 = arith.index_cast %shift_right_arithmetic3A_453 : i32 to index
            %swap3A_471 = arith.constant 16 : index
            %swap3A_472 = tpu.vector_load %arg12[%swap3A_470, %swap3A_471] {strides = array<i32>} : memref<320x128xf32, #tpu.memory_space<vmem>>, vector<16xf32>,
            tpu.vector_store %arg12[%swap3A_470, %swap3A_471], %max3A_469 {strides = array<i32>} : memref<320x128xf32, #tpu.memory_space<vmem>>, vector<16xf32>,
            %get3A_473 = arith.index_cast %shift_right_arithmetic3A_453 : i32 to index
            %get3A_474 = arith.constant 32 : index
            %get3A_475 = tpu.vector_load %arg12[%get3A_473, %get3A_474] {strides = array<i32>} : memref<320x128xf32, #tpu.memory_space<vmem>>, vector<16xf32>,
            %get3A_476 = arith.index_cast %while3A_444 : i32 to index
            %get3A_477 = arith.constant 32 : index
            %get3A_478 = tpu.vector_load %arg10[%get3A_476, %get3A_477] {strides = array<i32>} : memref<128x128xf32, #tpu.memory_space<vmem>>, vector<16xf32>,
            %max3A_479 = arith.maximumf %get3A_475, %get3A_478 : vector<16xf32>
            %swap3A_480 = arith.index_cast %shift_right_arithmetic3A_453 : i32 to index
            %swap3A_481 = arith.constant 32 : index
            %swap3A_482 = tpu.vector_load %arg12[%swap3A_480, %swap3A_481] {strides = array<i32>} : memref<320x128xf32, #tpu.memory_space<vmem>>, vector<16xf32>,
            tpu.vector_store %arg12[%swap3A_480, %swap3A_481], %max3A_479 {strides = array<i32>} : memref<320x128xf32, #tpu.memory_space<vmem>>, vector<16xf32>,
            %get3A_483 = arith.index_cast %shift_right_arithmetic3A_453 : i32 to index
            %get3A_484 = arith.constant 48 : index
            %get3A_485 = tpu.vector_load %arg12[%get3A_483, %get3A_484] {strides = array<i32>} : memref<320x128xf32, #tpu.memory_space<vmem>>, vector<16xf32>,
            %get3A_486 = arith.index_cast %while3A_444 : i32 to index
            %get3A_487 = arith.constant 48 : index
            %get3A_488 = tpu.vector_load %arg10[%get3A_486, %get3A_487] {strides = array<i32>} : memref<128x128xf32, #tpu.memory_space<vmem>>, vector<16xf32>,
            %max3A_489 = arith.maximumf %get3A_485, %get3A_488 : vector<16xf32>
            %swap3A_490 = arith.index_cast %shift_right_arithmetic3A_453 : i32 to index
            %swap3A_491 = arith.constant 48 : index
            %swap3A_492 = tpu.vector_load %arg12[%swap3A_490, %swap3A_491] {strides = array<i32>} : memref<320x128xf32, #tpu.memory_space<vmem>>, vector<16xf32>,
            tpu.vector_store %arg12[%swap3A_490, %swap3A_491], %max3A_489 {strides = array<i32>} : memref<320x128xf32, #tpu.memory_space<vmem>>, vector<16xf32>,
            %get3A_493 = arith.index_cast %shift_right_arithmetic3A_453 : i32 to index
            %get3A_494 = arith.constant 64 : index
            %get3A_495 = tpu.vector_load %arg12[%get3A_493, %get3A_494] {strides = array<i32>} : memref<320x128xf32, #tpu.memory_space<vmem>>, vector<16xf32>,
            %get3A_496 = arith.index_cast %while3A_444 : i32 to index
            %get3A_497 = arith.constant 64 : index
            %get3A_498 = tpu.vector_load %arg10[%get3A_496, %get3A_497] {strides = array<i32>} : memref<128x128xf32, #tpu.memory_space<vmem>>, vector<16xf32>,
            %max3A_499 = arith.maximumf %get3A_495, %get3A_498 : vector<16xf32>
            %swap3A_500 = arith.index_cast %shift_right_arithmetic3A_453 : i32 to index
            %swap3A_501 = arith.constant 64 : index
            %swap3A_502 = tpu.vector_load %arg12[%swap3A_500, %swap3A_501] {strides = array<i32>} : memref<320x128xf32, #tpu.memory_space<vmem>>, vector<16xf32>,
            tpu.vector_store %arg12[%swap3A_500, %swap3A_501], %max3A_499 {strides = array<i32>} : memref<320x128xf32, #tpu.memory_space<vmem>>, vector<16xf32>,
            %get3A_503 = arith.index_cast %shift_right_arithmetic3A_453 : i32 to index
            %get3A_504 = arith.constant 80 : index
            %get3A_505 = tpu.vector_load %arg12[%get3A_503, %get3A_504] {strides = array<i32>} : memref<320x128xf32, #tpu.memory_space<vmem>>, vector<16xf32>,
            %get3A_506 = arith.index_cast %while3A_444 : i32 to index
            %get3A_507 = arith.constant 80 : index
            %get3A_508 = tpu.vector_load %arg10[%get3A_506, %get3A_507] {strides = array<i32>} : memref<128x128xf32, #tpu.memory_space<vmem>>, vector<16xf32>,
            %max3A_509 = arith.maximumf %get3A_505, %get3A_508 : vector<16xf32>
            %swap3A_510 = arith.index_cast %shift_right_arithmetic3A_453 : i32 to index
            %swap3A_511 = arith.constant 80 : index
            %swap3A_512 = tpu.vector_load %arg12[%swap3A_510, %swap3A_511] {strides = array<i32>} : memref<320x128xf32, #tpu.memory_space<vmem>>, vector<16xf32>,
            tpu.vector_store %arg12[%swap3A_510, %swap3A_511], %max3A_509 {strides = array<i32>} : memref<320x128xf32, #tpu.memory_space<vmem>>, vector<16xf32>,
            %get3A_513 = arith.index_cast %shift_right_arithmetic3A_453 : i32 to index
            %get3A_514 = arith.constant 96 : index
            %get3A_515 = tpu.vector_load %arg12[%get3A_513, %get3A_514] {strides = array<i32>} : memref<320x128xf32, #tpu.memory_space<vmem>>, vector<16xf32>,
            %get3A_516 = arith.index_cast %while3A_444 : i32 to index
            %get3A_517 = arith.constant 96 : index
            %get3A_518 = tpu.vector_load %arg10[%get3A_516, %get3A_517] {strides = array<i32>} : memref<128x128xf32, #tpu.memory_space<vmem>>, vector<16xf32>,
            %max3A_519 = arith.maximumf %get3A_515, %get3A_518 : vector<16xf32>
            %swap3A_520 = arith.index_cast %shift_right_arithmetic3A_453 : i32 to index
            %swap3A_521 = arith.constant 96 : index
            %swap3A_522 = tpu.vector_load %arg12[%swap3A_520, %swap3A_521] {strides = array<i32>} : memref<320x128xf32, #tpu.memory_space<vmem>>, vector<16xf32>,
            tpu.vector_store %arg12[%swap3A_520, %swap3A_521], %max3A_519 {strides = array<i32>} : memref<320x128xf32, #tpu.memory_space<vmem>>, vector<16xf32>,
            %get3A_523 = arith.index_cast %shift_right_arithmetic3A_453 : i32 to index
            %get3A_524 = arith.constant 112 : index
            %get3A_525 = tpu.vector_load %arg12[%get3A_523, %get3A_524] {strides = array<i32>} : memref<320x128xf32, #tpu.memory_space<vmem>>, vector<16xf32>,
            %get3A_526 = arith.index_cast %while3A_444 : i32 to index
            %get3A_527 = arith.constant 112 : index
            %get3A_528 = tpu.vector_load %arg10[%get3A_526, %get3A_527] {strides = array<i32>} : memref<128x128xf32, #tpu.memory_space<vmem>>, vector<16xf32>,
            %max3A_529 = arith.maximumf %get3A_525, %get3A_528 : vector<16xf32>
            %swap3A_530 = arith.index_cast %shift_right_arithmetic3A_453 : i32 to index
            %swap3A_531 = arith.constant 112 : index
            %swap3A_532 = tpu.vector_load %arg12[%swap3A_530, %swap3A_531] {strides = array<i32>} : memref<320x128xf32, #tpu.memory_space<vmem>>, vector<16xf32>,
            tpu.vector_store %arg12[%swap3A_530, %swap3A_531], %max3A_529 {strides = array<i32>} : memref<320x128xf32, #tpu.memory_space<vmem>>, vector<16xf32>,
            %while3A_533 = arith.constant 0 : i32
            scf.yield %while3A_533 : i32
          }
          %while3A_442 = arith.constant 1 : i32
          %while3A_443 = scf.for %while3A_444 = %while3A_439 to %while3A_435 step %while3A_442 iter_args(%while3A_445 = %while3A_441) -> (i32)  : i32 {
            %mul3A_446 = arith.constant 128 : i32
            %mul3A_447 = arith.muli %while3A_380, %mul3A_446 : i32
            %add3A_448 = arith.addi %mul3A_447, %while3A_444 : i32
            %get3A_449 = arith.index_cast %add3A_448 : i32 to index
            %get3A_450 = tpu.vector_load %arg8[%get3A_449] {strides = array<i32>} : memref<8128xi32, #tpu.memory_space<vmem>>, vector<16xi32>,
            %slice3A_451 = vector.extract_strided_slice %get3A_450 {offsets = [0], sizes = [1], strides = [1]} : vector<16xi32> to vector<1xi32>
            %squeeze3A_452 = vector.extract %slice3A_451[0] : i32 from vector<1xi32>
            %shift_right_arithmetic3A = arith.constant 19 : i32
            %shift_right_arithmetic3A_453 = arith.shrsi %squeeze3A_452, %shift_right_arithmetic3A : i32
            %get3A_454 = arith.index_cast %shift_right_arithmetic3A_453 : i32 to index
            %get3A_455 = arith.constant 0 : index
            %get3A_456 = tpu.vector_load %arg12[%get3A_454, %get3A_455] {strides = array<i32>} : memref<320x128xf32, #tpu.memory_space<vmem>>, vector<16xf32>,
            %get3A_457 = arith.index_cast %while3A_444 : i32 to index
            %get3A_458 = arith.constant 0 : index
            %get3A_459 = tpu.vector_load %arg10[%get3A_457, %get3A_458] {strides = array<i32>} : memref<128x128xf32, #tpu.memory_space<vmem>>, vector<16xf32>,
            %max3A = arith.maximumf %get3A_456, %get3A_459 : vector<16xf32>
            %swap3A_460 = arith.index_cast %shift_right_arithmetic3A_453 : i32 to index
            %swap3A_461 = arith.constant 0 : index
            %swap3A_462 = tpu.vector_load %arg12[%swap3A_460, %swap3A_461] {strides = array<i32>} : memref<320x128xf32, #tpu.memory_space<vmem>>, vector<16xf32>,
            tpu.vector_store %arg12[%swap3A_460, %swap3A_461], %max3A {strides = array<i32>} : memref<320x128xf32, #tpu.memory_space<vmem>>, vector<16xf32>,
            %get3A_463 = arith.index_cast %shift_right_arithmetic3A_453 : i32 to index
            %get3A_464 = arith.constant 16 : index
            %get3A_465 = tpu.vector_load %arg12[%get3A_463, %get3A_464] {strides = array<i32>} : memref<320x128xf32, #tpu.memory_space<vmem>>, vector<16xf32>,
            %get3A_466 = arith.index_cast %while3A_444 : i32 to index
            %get3A_467 = arith.constant 16 : index
            %get3A_468 = tpu.vector_load %arg10[%get3A_466, %get3A_467] {strides = array<i32>} : memref<128x128xf32, #tpu.memory_space<vmem>>, vector<16xf32>,
            %max3A_469 = arith.maximumf %get3A_465, %get3A_468 : vector<16xf32>
            %swap3A_470 = arith.index_cast %shift_right_arithmetic3A_453 : i32 to index
            %swap3A_471 = arith.constant 16 : index
            %swap3A_472 = tpu.vector_load %arg12[%swap3A_470, %swap3A_471] {strides = array<i32>} : memref<320x128xf32, #tpu.memory_space<vmem>>, vector<16xf32>,
            tpu.vector_store %arg12[%swap3A_470, %swap3A_471], %max3A_469 {strides = array<i32>} : memref<320x128xf32, #tpu.memory_space<vmem>>, vector<16xf32>,
            %get3A_473 = arith.index_cast %shift_right_arithmetic3A_453 : i32 to index
            %get3A_474 = arith.constant 32 : index
            %get3A_475 = tpu.vector_load %arg12[%get3A_473, %get3A_474] {strides = array<i32>} : memref<320x128xf32, #tpu.memory_space<vmem>>, vector<16xf32>,
            %get3A_476 = arith.index_cast %while3A_444 : i32 to index
            %get3A_477 = arith.constant 32 : index
            %get3A_478 = tpu.vector_load %arg10[%get3A_476, %get3A_477] {strides = array<i32>} : memref<128x128xf32, #tpu.memory_space<vmem>>, vector<16xf32>,
            %max3A_479 = arith.maximumf %get3A_475, %get3A_478 : vector<16xf32>
            %swap3A_480 = arith.index_cast %shift_right_arithmetic3A_453 : i32 to index
            %swap3A_481 = arith.constant 32 : index
            %swap3A_482 = tpu.vector_load %arg12[%swap3A_480, %swap3A_481] {strides = array<i32>} : memref<320x128xf32, #tpu.memory_space<vmem>>, vector<16xf32>,
            tpu.vector_store %arg12[%swap3A_480, %swap3A_481], %max3A_479 {strides = array<i32>} : memref<320x128xf32, #tpu.memory_space<vmem>>, vector<16xf32>,
            %get3A_483 = arith.index_cast %shift_right_arithmetic3A_453 : i32 to index
            %get3A_484 = arith.constant 48 : index
            %get3A_485 = tpu.vector_load %arg12[%get3A_483, %get3A_484] {strides = array<i32>} : memref<320x128xf32, #tpu.memory_space<vmem>>, vector<16xf32>,
            %get3A_486 = arith.index_cast %while3A_444 : i32 to index
            %get3A_487 = arith.constant 48 : index
            %get3A_488 = tpu.vector_load %arg10[%get3A_486, %get3A_487] {strides = array<i32>} : memref<128x128xf32, #tpu.memory_space<vmem>>, vector<16xf32>,
            %max3A_489 = arith.maximumf %get3A_485, %get3A_488 : vector<16xf32>
            %swap3A_490 = arith.index_cast %shift_right_arithmetic3A_453 : i32 to index
            %swap3A_491 = arith.constant 48 : index
            %swap3A_492 = tpu.vector_load %arg12[%swap3A_490, %swap3A_491] {strides = array<i32>} : memref<320x128xf32, #tpu.memory_space<vmem>>, vector<16xf32>,
            tpu.vector_store %arg12[%swap3A_490, %swap3A_491], %max3A_489 {strides = array<i32>} : memref<320x128xf32, #tpu.memory_space<vmem>>, vector<16xf32>,
            %get3A_493 = arith.index_cast %shift_right_arithmetic3A_453 : i32 to index
            %get3A_494 = arith.constant 64 : index
            %get3A_495 = tpu.vector_load %arg12[%get3A_493, %get3A_494] {strides = array<i32>} : memref<320x128xf32, #tpu.memory_space<vmem>>, vector<16xf32>,
            %get3A_496 = arith.index_cast %while3A_444 : i32 to index
            %get3A_497 = arith.constant 64 : index
            %get3A_498 = tpu.vector_load %arg10[%get3A_496, %get3A_497] {strides = array<i32>} : memref<128x128xf32, #tpu.memory_space<vmem>>, vector<16xf32>,
            %max3A_499 = arith.maximumf %get3A_495, %get3A_498 : vector<16xf32>
            %swap3A_500 = arith.index_cast %shift_right_arithmetic3A_453 : i32 to index
            %swap3A_501 = arith.constant 64 : index
            %swap3A_502 = tpu.vector_load %arg12[%swap3A_500, %swap3A_501] {strides = array<i32>} : memref<320x128xf32, #tpu.memory_space<vmem>>, vector<16xf32>,
            tpu.vector_store %arg12[%swap3A_500, %swap3A_501], %max3A_499 {strides = array<i32>} : memref<320x128xf32, #tpu.memory_space<vmem>>, vector<16xf32>,
            %get3A_503 = arith.index_cast %shift_right_arithmetic3A_453 : i32 to index
            %get3A_504 = arith.constant 80 : index
            %get3A_505 = tpu.vector_load %arg12[%get3A_503, %get3A_504] {strides = array<i32>} : memref<320x128xf32, #tpu.memory_space<vmem>>, vector<16xf32>,
            %get3A_506 = arith.index_cast %while3A_444 : i32 to index
            %get3A_507 = arith.constant 80 : index
            %get3A_508 = tpu.vector_load %arg10[%get3A_506, %get3A_507] {strides = array<i32>} : memref<128x128xf32, #tpu.memory_space<vmem>>, vector<16xf32>,
            %max3A_509 = arith.maximumf %get3A_505, %get3A_508 : vector<16xf32>
            %swap3A_510 = arith.index_cast %shift_right_arithmetic3A_453 : i32 to index
            %swap3A_511 = arith.constant 80 : index
            %swap3A_512 = tpu.vector_load %arg12[%swap3A_510, %swap3A_511] {strides = array<i32>} : memref<320x128xf32, #tpu.memory_space<vmem>>, vector<16xf32>,
            tpu.vector_store %arg12[%swap3A_510, %swap3A_511], %max3A_509 {strides = array<i32>} : memref<320x128xf32, #tpu.memory_space<vmem>>, vector<16xf32>,
            %get3A_513 = arith.index_cast %shift_right_arithmetic3A_453 : i32 to index
            %get3A_514 = arith.constant 96 : index
            %get3A_515 = tpu.vector_load %arg12[%get3A_513, %get3A_514] {strides = array<i32>} : memref<320x128xf32, #tpu.memory_space<vmem>>, vector<16xf32>,
            %get3A_516 = arith.index_cast %while3A_444 : i32 to index
            %get3A_517 = arith.constant 96 : index
            %get3A_518 = tpu.vector_load %arg10[%get3A_516, %get3A_517] {strides = array<i32>} : memref<128x128xf32, #tpu.memory_space<vmem>>, vector<16xf32>,
            %max3A_519 = arith.maximumf %get3A_515, %get3A_518 : vector<16xf32>
            %swap3A_520 = arith.index_cast %shift_right_arithmetic3A_453 : i32 to index
            %swap3A_521 = arith.constant 96 : index
            %swap3A_522 = tpu.vector_load %arg12[%swap3A_520, %swap3A_521] {strides = array<i32>} : memref<320x128xf32, #tpu.memory_space<vmem>>, vector<16xf32>,
            tpu.vector_store %arg12[%swap3A_520, %swap3A_521], %max3A_519 {strides = array<i32>} : memref<320x128xf32, #tpu.memory_space<vmem>>, vector<16xf32>,
            %get3A_523 = arith.index_cast %shift_right_arithmetic3A_453 : i32 to index
            %get3A_524 = arith.constant 112 : index
            %get3A_525 = tpu.vector_load %arg12[%get3A_523, %get3A_524] {strides = array<i32>} : memref<320x128xf32, #tpu.memory_space<vmem>>, vector<16xf32>,
            %get3A_526 = arith.index_cast %while3A_444 : i32 to index
            %get3A_527 = arith.constant 112 : index
            %get3A_528 = tpu.vector_load %arg10[%get3A_526, %get3A_527] {strides = array<i32>} : memref<128x128xf32, #tpu.memory_space<vmem>>, vector<16xf32>,
            %max3A_529 = arith.maximumf %get3A_525, %get3A_528 : vector<16xf32>
            %swap3A_530 = arith.index_cast %shift_right_arithmetic3A_453 : i32 to index
            %swap3A_531 = arith.constant 112 : index
            %swap3A_532 = tpu.vector_load %arg12[%swap3A_530, %swap3A_531] {strides = array<i32>} : memref<320x128xf32, #tpu.memory_space<vmem>>, vector<16xf32>,
            tpu.vector_store %arg12[%swap3A_530, %swap3A_531], %max3A_529 {strides = array<i32>} : memref<320x128xf32, #tpu.memory_space<vmem>>, vector<16xf32>,
            %while3A_533 = arith.constant 0 : i32
            scf.yield %while3A_533 : i32
          }
        } else {
        }
        %eq3A_414 = arith.constant false
        %eq3A_415 = arith.xori %eq3A_384, %eq3A_414 : i1
        %eq3A_416 = arith.constant true
        %eq3A_417 = arith.xori %eq3A_415, %eq3A_416 : i1
        %convert_element_type3A_418 = arith.extui %eq3A_417 : i1 to i32
        %cond3A_419 = arith.constant 0 : i32
        %cond3A_420 = arith.cmpi ne, %convert_element_type3A_418, %cond3A_419 : i32
        scf.if %cond3A_420 {
          %mul3A_422 = arith.constant 128 : i32
          %mul3A_423 = arith.muli %while3A_380, %mul3A_422 : i32
          %dma_wait3A_424 = tpu.memref_slice %arg9[%mul3A_423] : memref<8128xi32, #tpu.memory_space<vmem>> -> memref<128xi32, #tpu.memory_space<vmem>>
          %dma_wait3A_425 = arith.constant 0 : i32
          %dma_wait3A_426 = arith.constant 0 : i32
          %dma_wait3A_427 = tpu.memref_slice %arg2[%dma_wait3A_425, %dma_wait3A_426] : memref<320000x128xf32, #tpu.memory_space<hbm>> -> memref<320000x128xf32, #tpu.memory_space<hbm>>
          tpu.wait_indirect_dma semaphore(%arg17 : memref<!tpu.dma_semaphore, #tpu.memory_space<semaphore_mem>>) src(%dma_wait3A_427 : memref<320000x128xf32, #tpu.memory_space<hbm>>) dst(%arg11 : memref<128x128xf32, #tpu.memory_space<vmem>>)
          %mul3A_428 = arith.constant 128 : i32
          %mul3A_429 = arith.muli %while3A_380, %mul3A_428 : i32
          %sub3A_430 = arith.subi %add3A_323, %mul3A_429 : i32
          %min3A = arith.constant 128 : i32
          %min3A_431 = arith.minsi %sub3A_430, %min3A : i32
          %while3A_432 = arith.constant 0 : i32
          %while3A_433 = arith.constant 0 : i32
          %while3A_434 = arith.subi %min3A_431, %while3A_432 : i32
          %while3A_435 = arith.addi %while3A_432, %while3A_434 : i32
          %while3A_436 = arith.constant 1 : i32
          %while3A_437 = arith.divsi %while3A_434, %while3A_436 : i32
          %while3A_438 = arith.muli %while3A_437, %while3A_436 : i32
          %while3A_439 = arith.addi %while3A_432, %while3A_438 : i32
          %while3A_440 = arith.constant 1 : i32
          %while3A_441 = scf.for %while3A_444 = %while3A_432 to %while3A_439 step %while3A_440 iter_args(%while3A_445 = %while3A_433) -> (i32)  : i32 {
            %mul3A_446 = arith.constant 128 : i32
            %mul3A_447 = arith.muli %while3A_380, %mul3A_446 : i32
            %add3A_448 = arith.addi %mul3A_447, %while3A_444 : i32
            %get3A_449 = arith.index_cast %add3A_448 : i32 to index
            %get3A_450 = tpu.vector_load %arg8[%get3A_449] {strides = array<i32>} : memref<8128xi32, #tpu.memory_space<vmem>>, vector<16xi32>,
            %slice3A_451 = vector.extract_strided_slice %get3A_450 {offsets = [0], sizes = [1], strides = [1]} : vector<16xi32> to vector<1xi32>
            %squeeze3A_452 = vector.extract %slice3A_451[0] : i32 from vector<1xi32>
            %shift_right_arithmetic3A = arith.constant 19 : i32
            %shift_right_arithmetic3A_453 = arith.shrsi %squeeze3A_452, %shift_right_arithmetic3A : i32
            %get3A_454 = arith.index_cast %shift_right_arithmetic3A_453 : i32 to index
            %get3A_455 = arith.constant 0 : index
            %get3A_456 = tpu.vector_load %arg12[%get3A_454, %get3A_455] {strides = array<i32>} : memref<320x128xf32, #tpu.memory_space<vmem>>, vector<16xf32>,
            %get3A_457 = arith.index_cast %while3A_444 : i32 to index
            %get3A_458 = arith.constant 0 : index
            %get3A_459 = tpu.vector_load %arg11[%get3A_457, %get3A_458] {strides = array<i32>} : memref<128x128xf32, #tpu.memory_space<vmem>>, vector<16xf32>,
            %max3A = arith.maximumf %get3A_456, %get3A_459 : vector<16xf32>
            %swap3A_460 = arith.index_cast %shift_right_arithmetic3A_453 : i32 to index
            %swap3A_461 = arith.constant 0 : index
            %swap3A_462 = tpu.vector_load %arg12[%swap3A_460, %swap3A_461] {strides = array<i32>} : memref<320x128xf32, #tpu.memory_space<vmem>>, vector<16xf32>,
            tpu.vector_store %arg12[%swap3A_460, %swap3A_461], %max3A {strides = array<i32>} : memref<320x128xf32, #tpu.memory_space<vmem>>, vector<16xf32>,
            %get3A_463 = arith.index_cast %shift_right_arithmetic3A_453 : i32 to index
            %get3A_464 = arith.constant 16 : index
            %get3A_465 = tpu.vector_load %arg12[%get3A_463, %get3A_464] {strides = array<i32>} : memref<320x128xf32, #tpu.memory_space<vmem>>, vector<16xf32>,
            %get3A_466 = arith.index_cast %while3A_444 : i32 to index
            %get3A_467 = arith.constant 16 : index
            %get3A_468 = tpu.vector_load %arg11[%get3A_466, %get3A_467] {strides = array<i32>} : memref<128x128xf32, #tpu.memory_space<vmem>>, vector<16xf32>,
            %max3A_469 = arith.maximumf %get3A_465, %get3A_468 : vector<16xf32>
            %swap3A_470 = arith.index_cast %shift_right_arithmetic3A_453 : i32 to index
            %swap3A_471 = arith.constant 16 : index
            %swap3A_472 = tpu.vector_load %arg12[%swap3A_470, %swap3A_471] {strides = array<i32>} : memref<320x128xf32, #tpu.memory_space<vmem>>, vector<16xf32>,
            tpu.vector_store %arg12[%swap3A_470, %swap3A_471], %max3A_469 {strides = array<i32>} : memref<320x128xf32, #tpu.memory_space<vmem>>, vector<16xf32>,
            %get3A_473 = arith.index_cast %shift_right_arithmetic3A_453 : i32 to index
            %get3A_474 = arith.constant 32 : index
            %get3A_475 = tpu.vector_load %arg12[%get3A_473, %get3A_474] {strides = array<i32>} : memref<320x128xf32, #tpu.memory_space<vmem>>, vector<16xf32>,
            %get3A_476 = arith.index_cast %while3A_444 : i32 to index
            %get3A_477 = arith.constant 32 : index
            %get3A_478 = tpu.vector_load %arg11[%get3A_476, %get3A_477] {strides = array<i32>} : memref<128x128xf32, #tpu.memory_space<vmem>>, vector<16xf32>,
            %max3A_479 = arith.maximumf %get3A_475, %get3A_478 : vector<16xf32>
            %swap3A_480 = arith.index_cast %shift_right_arithmetic3A_453 : i32 to index
            %swap3A_481 = arith.constant 32 : index
            %swap3A_482 = tpu.vector_load %arg12[%swap3A_480, %swap3A_481] {strides = array<i32>} : memref<320x128xf32, #tpu.memory_space<vmem>>, vector<16xf32>,
            tpu.vector_store %arg12[%swap3A_480, %swap3A_481], %max3A_479 {strides = array<i32>} : memref<320x128xf32, #tpu.memory_space<vmem>>, vector<16xf32>,
            %get3A_483 = arith.index_cast %shift_right_arithmetic3A_453 : i32 to index
            %get3A_484 = arith.constant 48 : index
            %get3A_485 = tpu.vector_load %arg12[%get3A_483, %get3A_484] {strides = array<i32>} : memref<320x128xf32, #tpu.memory_space<vmem>>, vector<16xf32>,
            %get3A_486 = arith.index_cast %while3A_444 : i32 to index
            %get3A_487 = arith.constant 48 : index
            %get3A_488 = tpu.vector_load %arg11[%get3A_486, %get3A_487] {strides = array<i32>} : memref<128x128xf32, #tpu.memory_space<vmem>>, vector<16xf32>,
            %max3A_489 = arith.maximumf %get3A_485, %get3A_488 : vector<16xf32>
            %swap3A_490 = arith.index_cast %shift_right_arithmetic3A_453 : i32 to index
            %swap3A_491 = arith.constant 48 : index
            %swap3A_492 = tpu.vector_load %arg12[%swap3A_490, %swap3A_491] {strides = array<i32>} : memref<320x128xf32, #tpu.memory_space<vmem>>, vector<16xf32>,
            tpu.vector_store %arg12[%swap3A_490, %swap3A_491], %max3A_489 {strides = array<i32>} : memref<320x128xf32, #tpu.memory_space<vmem>>, vector<16xf32>,
            %get3A_493 = arith.index_cast %shift_right_arithmetic3A_453 : i32 to index
            %get3A_494 = arith.constant 64 : index
            %get3A_495 = tpu.vector_load %arg12[%get3A_493, %get3A_494] {strides = array<i32>} : memref<320x128xf32, #tpu.memory_space<vmem>>, vector<16xf32>,
            %get3A_496 = arith.index_cast %while3A_444 : i32 to index
            %get3A_497 = arith.constant 64 : index
            %get3A_498 = tpu.vector_load %arg11[%get3A_496, %get3A_497] {strides = array<i32>} : memref<128x128xf32, #tpu.memory_space<vmem>>, vector<16xf32>,
            %max3A_499 = arith.maximumf %get3A_495, %get3A_498 : vector<16xf32>
            %swap3A_500 = arith.index_cast %shift_right_arithmetic3A_453 : i32 to index
            %swap3A_501 = arith.constant 64 : index
            %swap3A_502 = tpu.vector_load %arg12[%swap3A_500, %swap3A_501] {strides = array<i32>} : memref<320x128xf32, #tpu.memory_space<vmem>>, vector<16xf32>,
            tpu.vector_store %arg12[%swap3A_500, %swap3A_501], %max3A_499 {strides = array<i32>} : memref<320x128xf32, #tpu.memory_space<vmem>>, vector<16xf32>,
            %get3A_503 = arith.index_cast %shift_right_arithmetic3A_453 : i32 to index
            %get3A_504 = arith.constant 80 : index
            %get3A_505 = tpu.vector_load %arg12[%get3A_503, %get3A_504] {strides = array<i32>} : memref<320x128xf32, #tpu.memory_space<vmem>>, vector<16xf32>,
            %get3A_506 = arith.index_cast %while3A_444 : i32 to index
            %get3A_507 = arith.constant 80 : index
            %get3A_508 = tpu.vector_load %arg11[%get3A_506, %get3A_507] {strides = array<i32>} : memref<128x128xf32, #tpu.memory_space<vmem>>, vector<16xf32>,
            %max3A_509 = arith.maximumf %get3A_505, %get3A_508 : vector<16xf32>
            %swap3A_510 = arith.index_cast %shift_right_arithmetic3A_453 : i32 to index
            %swap3A_511 = arith.constant 80 : index
            %swap3A_512 = tpu.vector_load %arg12[%swap3A_510, %swap3A_511] {strides = array<i32>} : memref<320x128xf32, #tpu.memory_space<vmem>>, vector<16xf32>,
            tpu.vector_store %arg12[%swap3A_510, %swap3A_511], %max3A_509 {strides = array<i32>} : memref<320x128xf32, #tpu.memory_space<vmem>>, vector<16xf32>,
            %get3A_513 = arith.index_cast %shift_right_arithmetic3A_453 : i32 to index
            %get3A_514 = arith.constant 96 : index
            %get3A_515 = tpu.vector_load %arg12[%get3A_513, %get3A_514] {strides = array<i32>} : memref<320x128xf32, #tpu.memory_space<vmem>>, vector<16xf32>,
            %get3A_516 = arith.index_cast %while3A_444 : i32 to index
            %get3A_517 = arith.constant 96 : index
            %get3A_518 = tpu.vector_load %arg11[%get3A_516, %get3A_517] {strides = array<i32>} : memref<128x128xf32, #tpu.memory_space<vmem>>, vector<16xf32>,
            %max3A_519 = arith.maximumf %get3A_515, %get3A_518 : vector<16xf32>
            %swap3A_520 = arith.index_cast %shift_right_arithmetic3A_453 : i32 to index
            %swap3A_521 = arith.constant 96 : index
            %swap3A_522 = tpu.vector_load %arg12[%swap3A_520, %swap3A_521] {strides = array<i32>} : memref<320x128xf32, #tpu.memory_space<vmem>>, vector<16xf32>,
            tpu.vector_store %arg12[%swap3A_520, %swap3A_521], %max3A_519 {strides = array<i32>} : memref<320x128xf32, #tpu.memory_space<vmem>>, vector<16xf32>,
            %get3A_523 = arith.index_cast %shift_right_arithmetic3A_453 : i32 to index
            %get3A_524 = arith.constant 112 : index
            %get3A_525 = tpu.vector_load %arg12[%get3A_523, %get3A_524] {strides = array<i32>} : memref<320x128xf32, #tpu.memory_space<vmem>>, vector<16xf32>,
            %get3A_526 = arith.index_cast %while3A_444 : i32 to index
            %get3A_527 = arith.constant 112 : index
            %get3A_528 = tpu.vector_load %arg11[%get3A_526, %get3A_527] {strides = array<i32>} : memref<128x128xf32, #tpu.memory_space<vmem>>, vector<16xf32>,
            %max3A_529 = arith.maximumf %get3A_525, %get3A_528 : vector<16xf32>
            %swap3A_530 = arith.index_cast %shift_right_arithmetic3A_453 : i32 to index
            %swap3A_531 = arith.constant 112 : index
            %swap3A_532 = tpu.vector_load %arg12[%swap3A_530, %swap3A_531] {strides = array<i32>} : memref<320x128xf32, #tpu.memory_space<vmem>>, vector<16xf32>,
            tpu.vector_store %arg12[%swap3A_530, %swap3A_531], %max3A_529 {strides = array<i32>} : memref<320x128xf32, #tpu.memory_space<vmem>>, vector<16xf32>,
            %while3A_533 = arith.constant 0 : i32
            scf.yield %while3A_533 : i32
          }
          %while3A_442 = arith.constant 1 : i32
          %while3A_443 = scf.for %while3A_444 = %while3A_439 to %while3A_435 step %while3A_442 iter_args(%while3A_445 = %while3A_441) -> (i32)  : i32 {
            %mul3A_446 = arith.constant 128 : i32
            %mul3A_447 = arith.muli %while3A_380, %mul3A_446 : i32
            %add3A_448 = arith.addi %mul3A_447, %while3A_444 : i32
            %get3A_449 = arith.index_cast %add3A_448 : i32 to index
            %get3A_450 = tpu.vector_load %arg8[%get3A_449] {strides = array<i32>} : memref<8128xi32, #tpu.memory_space<vmem>>, vector<16xi32>,
            %slice3A_451 = vector.extract_strided_slice %get3A_450 {offsets = [0], sizes = [1], strides = [1]} : vector<16xi32> to vector<1xi32>
            %squeeze3A_452 = vector.extract %slice3A_451[0] : i32 from vector<1xi32>
            %shift_right_arithmetic3A = arith.constant 19 : i32
            %shift_right_arithmetic3A_453 = arith.shrsi %squeeze3A_452, %shift_right_arithmetic3A : i32
            %get3A_454 = arith.index_cast %shift_right_arithmetic3A_453 : i32 to index
            %get3A_455 = arith.constant 0 : index
            %get3A_456 = tpu.vector_load %arg12[%get3A_454, %get3A_455] {strides = array<i32>} : memref<320x128xf32, #tpu.memory_space<vmem>>, vector<16xf32>,
            %get3A_457 = arith.index_cast %while3A_444 : i32 to index
            %get3A_458 = arith.constant 0 : index
            %get3A_459 = tpu.vector_load %arg11[%get3A_457, %get3A_458] {strides = array<i32>} : memref<128x128xf32, #tpu.memory_space<vmem>>, vector<16xf32>,
            %max3A = arith.maximumf %get3A_456, %get3A_459 : vector<16xf32>
            %swap3A_460 = arith.index_cast %shift_right_arithmetic3A_453 : i32 to index
            %swap3A_461 = arith.constant 0 : index
            %swap3A_462 = tpu.vector_load %arg12[%swap3A_460, %swap3A_461] {strides = array<i32>} : memref<320x128xf32, #tpu.memory_space<vmem>>, vector<16xf32>,
            tpu.vector_store %arg12[%swap3A_460, %swap3A_461], %max3A {strides = array<i32>} : memref<320x128xf32, #tpu.memory_space<vmem>>, vector<16xf32>,
            %get3A_463 = arith.index_cast %shift_right_arithmetic3A_453 : i32 to index
            %get3A_464 = arith.constant 16 : index
            %get3A_465 = tpu.vector_load %arg12[%get3A_463, %get3A_464] {strides = array<i32>} : memref<320x128xf32, #tpu.memory_space<vmem>>, vector<16xf32>,
            %get3A_466 = arith.index_cast %while3A_444 : i32 to index
            %get3A_467 = arith.constant 16 : index
            %get3A_468 = tpu.vector_load %arg11[%get3A_466, %get3A_467] {strides = array<i32>} : memref<128x128xf32, #tpu.memory_space<vmem>>, vector<16xf32>,
            %max3A_469 = arith.maximumf %get3A_465, %get3A_468 : vector<16xf32>
            %swap3A_470 = arith.index_cast %shift_right_arithmetic3A_453 : i32 to index
            %swap3A_471 = arith.constant 16 : index
            %swap3A_472 = tpu.vector_load %arg12[%swap3A_470, %swap3A_471] {strides = array<i32>} : memref<320x128xf32, #tpu.memory_space<vmem>>, vector<16xf32>,
            tpu.vector_store %arg12[%swap3A_470, %swap3A_471], %max3A_469 {strides = array<i32>} : memref<320x128xf32, #tpu.memory_space<vmem>>, vector<16xf32>,
            %get3A_473 = arith.index_cast %shift_right_arithmetic3A_453 : i32 to index
            %get3A_474 = arith.constant 32 : index
            %get3A_475 = tpu.vector_load %arg12[%get3A_473, %get3A_474] {strides = array<i32>} : memref<320x128xf32, #tpu.memory_space<vmem>>, vector<16xf32>,
            %get3A_476 = arith.index_cast %while3A_444 : i32 to index
            %get3A_477 = arith.constant 32 : index
            %get3A_478 = tpu.vector_load %arg11[%get3A_476, %get3A_477] {strides = array<i32>} : memref<128x128xf32, #tpu.memory_space<vmem>>, vector<16xf32>,
            %max3A_479 = arith.maximumf %get3A_475, %get3A_478 : vector<16xf32>
            %swap3A_480 = arith.index_cast %shift_right_arithmetic3A_453 : i32 to index
            %swap3A_481 = arith.constant 32 : index
            %swap3A_482 = tpu.vector_load %arg12[%swap3A_480, %swap3A_481] {strides = array<i32>} : memref<320x128xf32, #tpu.memory_space<vmem>>, vector<16xf32>,
            tpu.vector_store %arg12[%swap3A_480, %swap3A_481], %max3A_479 {strides = array<i32>} : memref<320x128xf32, #tpu.memory_space<vmem>>, vector<16xf32>,
            %get3A_483 = arith.index_cast %shift_right_arithmetic3A_453 : i32 to index
            %get3A_484 = arith.constant 48 : index
            %get3A_485 = tpu.vector_load %arg12[%get3A_483, %get3A_484] {strides = array<i32>} : memref<320x128xf32, #tpu.memory_space<vmem>>, vector<16xf32>,
            %get3A_486 = arith.index_cast %while3A_444 : i32 to index
            %get3A_487 = arith.constant 48 : index
            %get3A_488 = tpu.vector_load %arg11[%get3A_486, %get3A_487] {strides = array<i32>} : memref<128x128xf32, #tpu.memory_space<vmem>>, vector<16xf32>,
            %max3A_489 = arith.maximumf %get3A_485, %get3A_488 : vector<16xf32>
            %swap3A_490 = arith.index_cast %shift_right_arithmetic3A_453 : i32 to index
            %swap3A_491 = arith.constant 48 : index
            %swap3A_492 = tpu.vector_load %arg12[%swap3A_490, %swap3A_491] {strides = array<i32>} : memref<320x128xf32, #tpu.memory_space<vmem>>, vector<16xf32>,
            tpu.vector_store %arg12[%swap3A_490, %swap3A_491], %max3A_489 {strides = array<i32>} : memref<320x128xf32, #tpu.memory_space<vmem>>, vector<16xf32>,
            %get3A_493 = arith.index_cast %shift_right_arithmetic3A_453 : i32 to index
            %get3A_494 = arith.constant 64 : index
            %get3A_495 = tpu.vector_load %arg12[%get3A_493, %get3A_494] {strides = array<i32>} : memref<320x128xf32, #tpu.memory_space<vmem>>, vector<16xf32>,
            %get3A_496 = arith.index_cast %while3A_444 : i32 to index
            %get3A_497 = arith.constant 64 : index
            %get3A_498 = tpu.vector_load %arg11[%get3A_496, %get3A_497] {strides = array<i32>} : memref<128x128xf32, #tpu.memory_space<vmem>>, vector<16xf32>,
            %max3A_499 = arith.maximumf %get3A_495, %get3A_498 : vector<16xf32>
            %swap3A_500 = arith.index_cast %shift_right_arithmetic3A_453 : i32 to index
            %swap3A_501 = arith.constant 64 : index
            %swap3A_502 = tpu.vector_load %arg12[%swap3A_500, %swap3A_501] {strides = array<i32>} : memref<320x128xf32, #tpu.memory_space<vmem>>, vector<16xf32>,
            tpu.vector_store %arg12[%swap3A_500, %swap3A_501], %max3A_499 {strides = array<i32>} : memref<320x128xf32, #tpu.memory_space<vmem>>, vector<16xf32>,
            %get3A_503 = arith.index_cast %shift_right_arithmetic3A_453 : i32 to index
            %get3A_504 = arith.constant 80 : index
            %get3A_505 = tpu.vector_load %arg12[%get3A_503, %get3A_504] {strides = array<i32>} : memref<320x128xf32, #tpu.memory_space<vmem>>, vector<16xf32>,
            %get3A_506 = arith.index_cast %while3A_444 : i32 to index
            %get3A_507 = arith.constant 80 : index
            %get3A_508 = tpu.vector_load %arg11[%get3A_506, %get3A_507] {strides = array<i32>} : memref<128x128xf32, #tpu.memory_space<vmem>>, vector<16xf32>,
            %max3A_509 = arith.maximumf %get3A_505, %get3A_508 : vector<16xf32>
            %swap3A_510 = arith.index_cast %shift_right_arithmetic3A_453 : i32 to index
            %swap3A_511 = arith.constant 80 : index
            %swap3A_512 = tpu.vector_load %arg12[%swap3A_510, %swap3A_511] {strides = array<i32>} : memref<320x128xf32, #tpu.memory_space<vmem>>, vector<16xf32>,
            tpu.vector_store %arg12[%swap3A_510, %swap3A_511], %max3A_509 {strides = array<i32>} : memref<320x128xf32, #tpu.memory_space<vmem>>, vector<16xf32>,
            %get3A_513 = arith.index_cast %shift_right_arithmetic3A_453 : i32 to index
            %get3A_514 = arith.constant 96 : index
            %get3A_515 = tpu.vector_load %arg12[%get3A_513, %get3A_514] {strides = array<i32>} : memref<320x128xf32, #tpu.memory_space<vmem>>, vector<16xf32>,
            %get3A_516 = arith.index_cast %while3A_444 : i32 to index
            %get3A_517 = arith.constant 96 : index
            %get3A_518 = tpu.vector_load %arg11[%get3A_516, %get3A_517] {strides = array<i32>} : memref<128x128xf32, #tpu.memory_space<vmem>>, vector<16xf32>,
            %max3A_519 = arith.maximumf %get3A_515, %get3A_518 : vector<16xf32>
            %swap3A_520 = arith.index_cast %shift_right_arithmetic3A_453 : i32 to index
            %swap3A_521 = arith.constant 96 : index
            %swap3A_522 = tpu.vector_load %arg12[%swap3A_520, %swap3A_521] {strides = array<i32>} : memref<320x128xf32, #tpu.memory_space<vmem>>, vector<16xf32>,
            tpu.vector_store %arg12[%swap3A_520, %swap3A_521], %max3A_519 {strides = array<i32>} : memref<320x128xf32, #tpu.memory_space<vmem>>, vector<16xf32>,
            %get3A_523 = arith.index_cast %shift_right_arithmetic3A_453 : i32 to index
            %get3A_524 = arith.constant 112 : index
            %get3A_525 = tpu.vector_load %arg12[%get3A_523, %get3A_524] {strides = array<i32>} : memref<320x128xf32, #tpu.memory_space<vmem>>, vector<16xf32>,
            %get3A_526 = arith.index_cast %while3A_444 : i32 to index
            %get3A_527 = arith.constant 112 : index
            %get3A_528 = tpu.vector_load %arg11[%get3A_526, %get3A_527] {strides = array<i32>} : memref<128x128xf32, #tpu.memory_space<vmem>>, vector<16xf32>,
            %max3A_529 = arith.maximumf %get3A_525, %get3A_528 : vector<16xf32>
            %swap3A_530 = arith.index_cast %shift_right_arithmetic3A_453 : i32 to index
            %swap3A_531 = arith.constant 112 : index
            %swap3A_532 = tpu.vector_load %arg12[%swap3A_530, %swap3A_531] {strides = array<i32>} : memref<320x128xf32, #tpu.memory_space<vmem>>, vector<16xf32>,
            tpu.vector_store %arg12[%swap3A_530, %swap3A_531], %max3A_529 {strides = array<i32>} : memref<320x128xf32, #tpu.memory_space<vmem>>, vector<16xf32>,
            %while3A_533 = arith.constant 0 : i32
            scf.yield %while3A_533 : i32
          }
        } else {
        }
        %while3A_421 = arith.constant 0 : i32
        scf.yield %while3A_421 : i32
      }
      %while3A_377 = arith.constant 1 : i32
      %while3A_378 = scf.for %while3A_380 = %while3A_374 to %while3A_370 step %while3A_377 iter_args(%while3A_381 = %while3A_376) -> (i32)  : i32 {
        %and3A_382 = arith.constant 1 : i32
        %and3A_383 = arith.andi %while3A_380, %and3A_382 : i32
        %eq3A = arith.constant 0 : i32
        %eq3A_384 = arith.cmpi eq, %and3A_383, %eq3A : i32
        %add3A_385 = arith.constant 1 : i32
        %add3A_386 = arith.addi %while3A_380, %add3A_385 : i32
        %lt3A_387 = arith.cmpi slt, %add3A_386, %select_n3A_357 : i32
        %eq3A_388 = arith.constant true
        %eq3A_389 = arith.xori %eq3A_384, %eq3A_388 : i1
        %eq3A_390 = arith.constant true
        %eq3A_391 = arith.xori %eq3A_389, %eq3A_390 : i1
        %and3A_392 = arith.andi %lt3A_387, %eq3A_391 : i1
        %convert_element_type3A_393 = arith.extui %and3A_392 : i1 to i32
        %cond3A_394 = arith.constant 0 : i32
        %cond3A_395 = arith.cmpi ne, %convert_element_type3A_393, %cond3A_394 : i32
        scf.if %cond3A_395 {
          %add3A_422 = arith.constant 1 : i32
          %add3A_423 = arith.addi %while3A_380, %add3A_422 : i32
          %mul3A_424 = arith.constant 128 : i32
          %mul3A_425 = arith.muli %add3A_423, %mul3A_424 : i32
          %dma_start3A_426 = tpu.memref_slice %arg9[%mul3A_425] : memref<8128xi32, #tpu.memory_space<vmem>> -> memref<128xi32, #tpu.memory_space<vmem>>
          %dma_start3A_427 = arith.constant 0 : i32
          %dma_start3A_428 = arith.constant 0 : i32
          %dma_start3A_429 = tpu.memref_slice %arg2[%dma_start3A_427, %dma_start3A_428] : memref<320000x128xf32, #tpu.memory_space<hbm>> -> memref<320000x128xf32, #tpu.memory_space<hbm>>
          tpu.enqueue_indirect_dma source(%dma_start3A_429 : memref<320000x128xf32, #tpu.memory_space<hbm>>) target(%arg11 : memref<128x128xf32, #tpu.memory_space<vmem>>) offsets(%dma_start3A_426 : memref<128xi32, #tpu.memory_space<vmem>>) semaphore(%arg17 : memref<!tpu.dma_semaphore, #tpu.memory_space<semaphore_mem>>)
        } else {
        }
        %add3A_396 = arith.constant 1 : i32
        %add3A_397 = arith.addi %while3A_380, %add3A_396 : i32
        %lt3A_398 = arith.cmpi slt, %add3A_397, %select_n3A_357 : i32
        %eq3A_399 = arith.constant false
        %eq3A_400 = arith.xori %eq3A_384, %eq3A_399 : i1
        %eq3A_401 = arith.constant true
        %eq3A_402 = arith.xori %eq3A_400, %eq3A_401 : i1
        %and3A_403 = arith.andi %lt3A_398, %eq3A_402 : i1
        %convert_element_type3A_404 = arith.extui %and3A_403 : i1 to i32
        %cond3A_405 = arith.constant 0 : i32
        %cond3A_406 = arith.cmpi ne, %convert_element_type3A_404, %cond3A_405 : i32
        scf.if %cond3A_406 {
          %add3A_422 = arith.constant 1 : i32
          %add3A_423 = arith.addi %while3A_380, %add3A_422 : i32
          %mul3A_424 = arith.constant 128 : i32
          %mul3A_425 = arith.muli %add3A_423, %mul3A_424 : i32
          %dma_start3A_426 = tpu.memref_slice %arg9[%mul3A_425] : memref<8128xi32, #tpu.memory_space<vmem>> -> memref<128xi32, #tpu.memory_space<vmem>>
          %dma_start3A_427 = arith.constant 0 : i32
          %dma_start3A_428 = arith.constant 0 : i32
          %dma_start3A_429 = tpu.memref_slice %arg2[%dma_start3A_427, %dma_start3A_428] : memref<320000x128xf32, #tpu.memory_space<hbm>> -> memref<320000x128xf32, #tpu.memory_space<hbm>>
          tpu.enqueue_indirect_dma source(%dma_start3A_429 : memref<320000x128xf32, #tpu.memory_space<hbm>>) target(%arg10 : memref<128x128xf32, #tpu.memory_space<vmem>>) offsets(%dma_start3A_426 : memref<128xi32, #tpu.memory_space<vmem>>) semaphore(%arg16 : memref<!tpu.dma_semaphore, #tpu.memory_space<semaphore_mem>>)
        } else {
        }
        %eq3A_407 = arith.constant true
        %eq3A_408 = arith.xori %eq3A_384, %eq3A_407 : i1
        %eq3A_409 = arith.constant true
        %eq3A_410 = arith.xori %eq3A_408, %eq3A_409 : i1
        %convert_element_type3A_411 = arith.extui %eq3A_410 : i1 to i32
        %cond3A_412 = arith.constant 0 : i32
        %cond3A_413 = arith.cmpi ne, %convert_element_type3A_411, %cond3A_412 : i32
        scf.if %cond3A_413 {
          %mul3A_422 = arith.constant 128 : i32
          %mul3A_423 = arith.muli %while3A_380, %mul3A_422 : i32
          %dma_wait3A_424 = tpu.memref_slice %arg9[%mul3A_423] : memref<8128xi32, #tpu.memory_space<vmem>> -> memref<128xi32, #tpu.memory_space<vmem>>
          %dma_wait3A_425 = arith.constant 0 : i32
          %dma_wait3A_426 = arith.constant 0 : i32
          %dma_wait3A_427 = tpu.memref_slice %arg2[%dma_wait3A_425, %dma_wait3A_426] : memref<320000x128xf32, #tpu.memory_space<hbm>> -> memref<320000x128xf32, #tpu.memory_space<hbm>>
          tpu.wait_indirect_dma semaphore(%arg16 : memref<!tpu.dma_semaphore, #tpu.memory_space<semaphore_mem>>) src(%dma_wait3A_427 : memref<320000x128xf32, #tpu.memory_space<hbm>>) dst(%arg10 : memref<128x128xf32, #tpu.memory_space<vmem>>)
          %mul3A_428 = arith.constant 128 : i32
          %mul3A_429 = arith.muli %while3A_380, %mul3A_428 : i32
          %sub3A_430 = arith.subi %add3A_323, %mul3A_429 : i32
          %min3A = arith.constant 128 : i32
          %min3A_431 = arith.minsi %sub3A_430, %min3A : i32
          %while3A_432 = arith.constant 0 : i32
          %while3A_433 = arith.constant 0 : i32
          %while3A_434 = arith.subi %min3A_431, %while3A_432 : i32
          %while3A_435 = arith.addi %while3A_432, %while3A_434 : i32
          %while3A_436 = arith.constant 1 : i32
          %while3A_437 = arith.divsi %while3A_434, %while3A_436 : i32
          %while3A_438 = arith.muli %while3A_437, %while3A_436 : i32
          %while3A_439 = arith.addi %while3A_432, %while3A_438 : i32
          %while3A_440 = arith.constant 1 : i32
          %while3A_441 = scf.for %while3A_444 = %while3A_432 to %while3A_439 step %while3A_440 iter_args(%while3A_445 = %while3A_433) -> (i32)  : i32 {
            %mul3A_446 = arith.constant 128 : i32
            %mul3A_447 = arith.muli %while3A_380, %mul3A_446 : i32
            %add3A_448 = arith.addi %mul3A_447, %while3A_444 : i32
            %get3A_449 = arith.index_cast %add3A_448 : i32 to index
            %get3A_450 = tpu.vector_load %arg8[%get3A_449] {strides = array<i32>} : memref<8128xi32, #tpu.memory_space<vmem>>, vector<16xi32>,
            %slice3A_451 = vector.extract_strided_slice %get3A_450 {offsets = [0], sizes = [1], strides = [1]} : vector<16xi32> to vector<1xi32>
            %squeeze3A_452 = vector.extract %slice3A_451[0] : i32 from vector<1xi32>
            %shift_right_arithmetic3A = arith.constant 19 : i32
            %shift_right_arithmetic3A_453 = arith.shrsi %squeeze3A_452, %shift_right_arithmetic3A : i32
            %get3A_454 = arith.index_cast %shift_right_arithmetic3A_453 : i32 to index
            %get3A_455 = arith.constant 0 : index
            %get3A_456 = tpu.vector_load %arg12[%get3A_454, %get3A_455] {strides = array<i32>} : memref<320x128xf32, #tpu.memory_space<vmem>>, vector<16xf32>,
            %get3A_457 = arith.index_cast %while3A_444 : i32 to index
            %get3A_458 = arith.constant 0 : index
            %get3A_459 = tpu.vector_load %arg10[%get3A_457, %get3A_458] {strides = array<i32>} : memref<128x128xf32, #tpu.memory_space<vmem>>, vector<16xf32>,
            %max3A = arith.maximumf %get3A_456, %get3A_459 : vector<16xf32>
            %swap3A_460 = arith.index_cast %shift_right_arithmetic3A_453 : i32 to index
            %swap3A_461 = arith.constant 0 : index
            %swap3A_462 = tpu.vector_load %arg12[%swap3A_460, %swap3A_461] {strides = array<i32>} : memref<320x128xf32, #tpu.memory_space<vmem>>, vector<16xf32>,
            tpu.vector_store %arg12[%swap3A_460, %swap3A_461], %max3A {strides = array<i32>} : memref<320x128xf32, #tpu.memory_space<vmem>>, vector<16xf32>,
            %get3A_463 = arith.index_cast %shift_right_arithmetic3A_453 : i32 to index
            %get3A_464 = arith.constant 16 : index
            %get3A_465 = tpu.vector_load %arg12[%get3A_463, %get3A_464] {strides = array<i32>} : memref<320x128xf32, #tpu.memory_space<vmem>>, vector<16xf32>,
            %get3A_466 = arith.index_cast %while3A_444 : i32 to index
            %get3A_467 = arith.constant 16 : index
            %get3A_468 = tpu.vector_load %arg10[%get3A_466, %get3A_467] {strides = array<i32>} : memref<128x128xf32, #tpu.memory_space<vmem>>, vector<16xf32>,
            %max3A_469 = arith.maximumf %get3A_465, %get3A_468 : vector<16xf32>
            %swap3A_470 = arith.index_cast %shift_right_arithmetic3A_453 : i32 to index
            %swap3A_471 = arith.constant 16 : index
            %swap3A_472 = tpu.vector_load %arg12[%swap3A_470, %swap3A_471] {strides = array<i32>} : memref<320x128xf32, #tpu.memory_space<vmem>>, vector<16xf32>,
            tpu.vector_store %arg12[%swap3A_470, %swap3A_471], %max3A_469 {strides = array<i32>} : memref<320x128xf32, #tpu.memory_space<vmem>>, vector<16xf32>,
            %get3A_473 = arith.index_cast %shift_right_arithmetic3A_453 : i32 to index
            %get3A_474 = arith.constant 32 : index
            %get3A_475 = tpu.vector_load %arg12[%get3A_473, %get3A_474] {strides = array<i32>} : memref<320x128xf32, #tpu.memory_space<vmem>>, vector<16xf32>,
            %get3A_476 = arith.index_cast %while3A_444 : i32 to index
            %get3A_477 = arith.constant 32 : index
            %get3A_478 = tpu.vector_load %arg10[%get3A_476, %get3A_477] {strides = array<i32>} : memref<128x128xf32, #tpu.memory_space<vmem>>, vector<16xf32>,
            %max3A_479 = arith.maximumf %get3A_475, %get3A_478 : vector<16xf32>
            %swap3A_480 = arith.index_cast %shift_right_arithmetic3A_453 : i32 to index
            %swap3A_481 = arith.constant 32 : index
            %swap3A_482 = tpu.vector_load %arg12[%swap3A_480, %swap3A_481] {strides = array<i32>} : memref<320x128xf32, #tpu.memory_space<vmem>>, vector<16xf32>,
            tpu.vector_store %arg12[%swap3A_480, %swap3A_481], %max3A_479 {strides = array<i32>} : memref<320x128xf32, #tpu.memory_space<vmem>>, vector<16xf32>,
            %get3A_483 = arith.index_cast %shift_right_arithmetic3A_453 : i32 to index
            %get3A_484 = arith.constant 48 : index
            %get3A_485 = tpu.vector_load %arg12[%get3A_483, %get3A_484] {strides = array<i32>} : memref<320x128xf32, #tpu.memory_space<vmem>>, vector<16xf32>,
            %get3A_486 = arith.index_cast %while3A_444 : i32 to index
            %get3A_487 = arith.constant 48 : index
            %get3A_488 = tpu.vector_load %arg10[%get3A_486, %get3A_487] {strides = array<i32>} : memref<128x128xf32, #tpu.memory_space<vmem>>, vector<16xf32>,
            %max3A_489 = arith.maximumf %get3A_485, %get3A_488 : vector<16xf32>
            %swap3A_490 = arith.index_cast %shift_right_arithmetic3A_453 : i32 to index
            %swap3A_491 = arith.constant 48 : index
            %swap3A_492 = tpu.vector_load %arg12[%swap3A_490, %swap3A_491] {strides = array<i32>} : memref<320x128xf32, #tpu.memory_space<vmem>>, vector<16xf32>,
            tpu.vector_store %arg12[%swap3A_490, %swap3A_491], %max3A_489 {strides = array<i32>} : memref<320x128xf32, #tpu.memory_space<vmem>>, vector<16xf32>,
            %get3A_493 = arith.index_cast %shift_right_arithmetic3A_453 : i32 to index
            %get3A_494 = arith.constant 64 : index
            %get3A_495 = tpu.vector_load %arg12[%get3A_493, %get3A_494] {strides = array<i32>} : memref<320x128xf32, #tpu.memory_space<vmem>>, vector<16xf32>,
            %get3A_496 = arith.index_cast %while3A_444 : i32 to index
            %get3A_497 = arith.constant 64 : index
            %get3A_498 = tpu.vector_load %arg10[%get3A_496, %get3A_497] {strides = array<i32>} : memref<128x128xf32, #tpu.memory_space<vmem>>, vector<16xf32>,
            %max3A_499 = arith.maximumf %get3A_495, %get3A_498 : vector<16xf32>
            %swap3A_500 = arith.index_cast %shift_right_arithmetic3A_453 : i32 to index
            %swap3A_501 = arith.constant 64 : index
            %swap3A_502 = tpu.vector_load %arg12[%swap3A_500, %swap3A_501] {strides = array<i32>} : memref<320x128xf32, #tpu.memory_space<vmem>>, vector<16xf32>,
            tpu.vector_store %arg12[%swap3A_500, %swap3A_501], %max3A_499 {strides = array<i32>} : memref<320x128xf32, #tpu.memory_space<vmem>>, vector<16xf32>,
            %get3A_503 = arith.index_cast %shift_right_arithmetic3A_453 : i32 to index
            %get3A_504 = arith.constant 80 : index
            %get3A_505 = tpu.vector_load %arg12[%get3A_503, %get3A_504] {strides = array<i32>} : memref<320x128xf32, #tpu.memory_space<vmem>>, vector<16xf32>,
            %get3A_506 = arith.index_cast %while3A_444 : i32 to index
            %get3A_507 = arith.constant 80 : index
            %get3A_508 = tpu.vector_load %arg10[%get3A_506, %get3A_507] {strides = array<i32>} : memref<128x128xf32, #tpu.memory_space<vmem>>, vector<16xf32>,
            %max3A_509 = arith.maximumf %get3A_505, %get3A_508 : vector<16xf32>
            %swap3A_510 = arith.index_cast %shift_right_arithmetic3A_453 : i32 to index
            %swap3A_511 = arith.constant 80 : index
            %swap3A_512 = tpu.vector_load %arg12[%swap3A_510, %swap3A_511] {strides = array<i32>} : memref<320x128xf32, #tpu.memory_space<vmem>>, vector<16xf32>,
            tpu.vector_store %arg12[%swap3A_510, %swap3A_511], %max3A_509 {strides = array<i32>} : memref<320x128xf32, #tpu.memory_space<vmem>>, vector<16xf32>,
            %get3A_513 = arith.index_cast %shift_right_arithmetic3A_453 : i32 to index
            %get3A_514 = arith.constant 96 : index
            %get3A_515 = tpu.vector_load %arg12[%get3A_513, %get3A_514] {strides = array<i32>} : memref<320x128xf32, #tpu.memory_space<vmem>>, vector<16xf32>,
            %get3A_516 = arith.index_cast %while3A_444 : i32 to index
            %get3A_517 = arith.constant 96 : index
            %get3A_518 = tpu.vector_load %arg10[%get3A_516, %get3A_517] {strides = array<i32>} : memref<128x128xf32, #tpu.memory_space<vmem>>, vector<16xf32>,
            %max3A_519 = arith.maximumf %get3A_515, %get3A_518 : vector<16xf32>
            %swap3A_520 = arith.index_cast %shift_right_arithmetic3A_453 : i32 to index
            %swap3A_521 = arith.constant 96 : index
            %swap3A_522 = tpu.vector_load %arg12[%swap3A_520, %swap3A_521] {strides = array<i32>} : memref<320x128xf32, #tpu.memory_space<vmem>>, vector<16xf32>,
            tpu.vector_store %arg12[%swap3A_520, %swap3A_521], %max3A_519 {strides = array<i32>} : memref<320x128xf32, #tpu.memory_space<vmem>>, vector<16xf32>,
            %get3A_523 = arith.index_cast %shift_right_arithmetic3A_453 : i32 to index
            %get3A_524 = arith.constant 112 : index
            %get3A_525 = tpu.vector_load %arg12[%get3A_523, %get3A_524] {strides = array<i32>} : memref<320x128xf32, #tpu.memory_space<vmem>>, vector<16xf32>,
            %get3A_526 = arith.index_cast %while3A_444 : i32 to index
            %get3A_527 = arith.constant 112 : index
            %get3A_528 = tpu.vector_load %arg10[%get3A_526, %get3A_527] {strides = array<i32>} : memref<128x128xf32, #tpu.memory_space<vmem>>, vector<16xf32>,
            %max3A_529 = arith.maximumf %get3A_525, %get3A_528 : vector<16xf32>
            %swap3A_530 = arith.index_cast %shift_right_arithmetic3A_453 : i32 to index
            %swap3A_531 = arith.constant 112 : index
            %swap3A_532 = tpu.vector_load %arg12[%swap3A_530, %swap3A_531] {strides = array<i32>} : memref<320x128xf32, #tpu.memory_space<vmem>>, vector<16xf32>,
            tpu.vector_store %arg12[%swap3A_530, %swap3A_531], %max3A_529 {strides = array<i32>} : memref<320x128xf32, #tpu.memory_space<vmem>>, vector<16xf32>,
            %while3A_533 = arith.constant 0 : i32
            scf.yield %while3A_533 : i32
          }
          %while3A_442 = arith.constant 1 : i32
          %while3A_443 = scf.for %while3A_444 = %while3A_439 to %while3A_435 step %while3A_442 iter_args(%while3A_445 = %while3A_441) -> (i32)  : i32 {
            %mul3A_446 = arith.constant 128 : i32
            %mul3A_447 = arith.muli %while3A_380, %mul3A_446 : i32
            %add3A_448 = arith.addi %mul3A_447, %while3A_444 : i32
            %get3A_449 = arith.index_cast %add3A_448 : i32 to index
            %get3A_450 = tpu.vector_load %arg8[%get3A_449] {strides = array<i32>} : memref<8128xi32, #tpu.memory_space<vmem>>, vector<16xi32>,
            %slice3A_451 = vector.extract_strided_slice %get3A_450 {offsets = [0], sizes = [1], strides = [1]} : vector<16xi32> to vector<1xi32>
            %squeeze3A_452 = vector.extract %slice3A_451[0] : i32 from vector<1xi32>
            %shift_right_arithmetic3A = arith.constant 19 : i32
            %shift_right_arithmetic3A_453 = arith.shrsi %squeeze3A_452, %shift_right_arithmetic3A : i32
            %get3A_454 = arith.index_cast %shift_right_arithmetic3A_453 : i32 to index
            %get3A_455 = arith.constant 0 : index
            %get3A_456 = tpu.vector_load %arg12[%get3A_454, %get3A_455] {strides = array<i32>} : memref<320x128xf32, #tpu.memory_space<vmem>>, vector<16xf32>,
            %get3A_457 = arith.index_cast %while3A_444 : i32 to index
            %get3A_458 = arith.constant 0 : index
            %get3A_459 = tpu.vector_load %arg10[%get3A_457, %get3A_458] {strides = array<i32>} : memref<128x128xf32, #tpu.memory_space<vmem>>, vector<16xf32>,
            %max3A = arith.maximumf %get3A_456, %get3A_459 : vector<16xf32>
            %swap3A_460 = arith.index_cast %shift_right_arithmetic3A_453 : i32 to index
            %swap3A_461 = arith.constant 0 : index
            %swap3A_462 = tpu.vector_load %arg12[%swap3A_460, %swap3A_461] {strides = array<i32>} : memref<320x128xf32, #tpu.memory_space<vmem>>, vector<16xf32>,
            tpu.vector_store %arg12[%swap3A_460, %swap3A_461], %max3A {strides = array<i32>} : memref<320x128xf32, #tpu.memory_space<vmem>>, vector<16xf32>,
            %get3A_463 = arith.index_cast %shift_right_arithmetic3A_453 : i32 to index
            %get3A_464 = arith.constant 16 : index
            %get3A_465 = tpu.vector_load %arg12[%get3A_463, %get3A_464] {strides = array<i32>} : memref<320x128xf32, #tpu.memory_space<vmem>>, vector<16xf32>,
            %get3A_466 = arith.index_cast %while3A_444 : i32 to index
            %get3A_467 = arith.constant 16 : index
            %get3A_468 = tpu.vector_load %arg10[%get3A_466, %get3A_467] {strides = array<i32>} : memref<128x128xf32, #tpu.memory_space<vmem>>, vector<16xf32>,
            %max3A_469 = arith.maximumf %get3A_465, %get3A_468 : vector<16xf32>
            %swap3A_470 = arith.index_cast %shift_right_arithmetic3A_453 : i32 to index
            %swap3A_471 = arith.constant 16 : index
            %swap3A_472 = tpu.vector_load %arg12[%swap3A_470, %swap3A_471] {strides = array<i32>} : memref<320x128xf32, #tpu.memory_space<vmem>>, vector<16xf32>,
            tpu.vector_store %arg12[%swap3A_470, %swap3A_471], %max3A_469 {strides = array<i32>} : memref<320x128xf32, #tpu.memory_space<vmem>>, vector<16xf32>,
            %get3A_473 = arith.index_cast %shift_right_arithmetic3A_453 : i32 to index
            %get3A_474 = arith.constant 32 : index
            %get3A_475 = tpu.vector_load %arg12[%get3A_473, %get3A_474] {strides = array<i32>} : memref<320x128xf32, #tpu.memory_space<vmem>>, vector<16xf32>,
            %get3A_476 = arith.index_cast %while3A_444 : i32 to index
            %get3A_477 = arith.constant 32 : index
            %get3A_478 = tpu.vector_load %arg10[%get3A_476, %get3A_477] {strides = array<i32>} : memref<128x128xf32, #tpu.memory_space<vmem>>, vector<16xf32>,
            %max3A_479 = arith.maximumf %get3A_475, %get3A_478 : vector<16xf32>
            %swap3A_480 = arith.index_cast %shift_right_arithmetic3A_453 : i32 to index
            %swap3A_481 = arith.constant 32 : index
            %swap3A_482 = tpu.vector_load %arg12[%swap3A_480, %swap3A_481] {strides = array<i32>} : memref<320x128xf32, #tpu.memory_space<vmem>>, vector<16xf32>,
            tpu.vector_store %arg12[%swap3A_480, %swap3A_481], %max3A_479 {strides = array<i32>} : memref<320x128xf32, #tpu.memory_space<vmem>>, vector<16xf32>,
            %get3A_483 = arith.index_cast %shift_right_arithmetic3A_453 : i32 to index
            %get3A_484 = arith.constant 48 : index
            %get3A_485 = tpu.vector_load %arg12[%get3A_483, %get3A_484] {strides = array<i32>} : memref<320x128xf32, #tpu.memory_space<vmem>>, vector<16xf32>,
            %get3A_486 = arith.index_cast %while3A_444 : i32 to index
            %get3A_487 = arith.constant 48 : index
            %get3A_488 = tpu.vector_load %arg10[%get3A_486, %get3A_487] {strides = array<i32>} : memref<128x128xf32, #tpu.memory_space<vmem>>, vector<16xf32>,
            %max3A_489 = arith.maximumf %get3A_485, %get3A_488 : vector<16xf32>
            %swap3A_490 = arith.index_cast %shift_right_arithmetic3A_453 : i32 to index
            %swap3A_491 = arith.constant 48 : index
            %swap3A_492 = tpu.vector_load %arg12[%swap3A_490, %swap3A_491] {strides = array<i32>} : memref<320x128xf32, #tpu.memory_space<vmem>>, vector<16xf32>,
            tpu.vector_store %arg12[%swap3A_490, %swap3A_491], %max3A_489 {strides = array<i32>} : memref<320x128xf32, #tpu.memory_space<vmem>>, vector<16xf32>,
            %get3A_493 = arith.index_cast %shift_right_arithmetic3A_453 : i32 to index
            %get3A_494 = arith.constant 64 : index
            %get3A_495 = tpu.vector_load %arg12[%get3A_493, %get3A_494] {strides = array<i32>} : memref<320x128xf32, #tpu.memory_space<vmem>>, vector<16xf32>,
            %get3A_496 = arith.index_cast %while3A_444 : i32 to index
            %get3A_497 = arith.constant 64 : index
            %get3A_498 = tpu.vector_load %arg10[%get3A_496, %get3A_497] {strides = array<i32>} : memref<128x128xf32, #tpu.memory_space<vmem>>, vector<16xf32>,
            %max3A_499 = arith.maximumf %get3A_495, %get3A_498 : vector<16xf32>
            %swap3A_500 = arith.index_cast %shift_right_arithmetic3A_453 : i32 to index
            %swap3A_501 = arith.constant 64 : index
            %swap3A_502 = tpu.vector_load %arg12[%swap3A_500, %swap3A_501] {strides = array<i32>} : memref<320x128xf32, #tpu.memory_space<vmem>>, vector<16xf32>,
            tpu.vector_store %arg12[%swap3A_500, %swap3A_501], %max3A_499 {strides = array<i32>} : memref<320x128xf32, #tpu.memory_space<vmem>>, vector<16xf32>,
            %get3A_503 = arith.index_cast %shift_right_arithmetic3A_453 : i32 to index
            %get3A_504 = arith.constant 80 : index
            %get3A_505 = tpu.vector_load %arg12[%get3A_503, %get3A_504] {strides = array<i32>} : memref<320x128xf32, #tpu.memory_space<vmem>>, vector<16xf32>,
            %get3A_506 = arith.index_cast %while3A_444 : i32 to index
            %get3A_507 = arith.constant 80 : index
            %get3A_508 = tpu.vector_load %arg10[%get3A_506, %get3A_507] {strides = array<i32>} : memref<128x128xf32, #tpu.memory_space<vmem>>, vector<16xf32>,
            %max3A_509 = arith.maximumf %get3A_505, %get3A_508 : vector<16xf32>
            %swap3A_510 = arith.index_cast %shift_right_arithmetic3A_453 : i32 to index
            %swap3A_511 = arith.constant 80 : index
            %swap3A_512 = tpu.vector_load %arg12[%swap3A_510, %swap3A_511] {strides = array<i32>} : memref<320x128xf32, #tpu.memory_space<vmem>>, vector<16xf32>,
            tpu.vector_store %arg12[%swap3A_510, %swap3A_511], %max3A_509 {strides = array<i32>} : memref<320x128xf32, #tpu.memory_space<vmem>>, vector<16xf32>,
            %get3A_513 = arith.index_cast %shift_right_arithmetic3A_453 : i32 to index
            %get3A_514 = arith.constant 96 : index
            %get3A_515 = tpu.vector_load %arg12[%get3A_513, %get3A_514] {strides = array<i32>} : memref<320x128xf32, #tpu.memory_space<vmem>>, vector<16xf32>,
            %get3A_516 = arith.index_cast %while3A_444 : i32 to index
            %get3A_517 = arith.constant 96 : index
            %get3A_518 = tpu.vector_load %arg10[%get3A_516, %get3A_517] {strides = array<i32>} : memref<128x128xf32, #tpu.memory_space<vmem>>, vector<16xf32>,
            %max3A_519 = arith.maximumf %get3A_515, %get3A_518 : vector<16xf32>
            %swap3A_520 = arith.index_cast %shift_right_arithmetic3A_453 : i32 to index
            %swap3A_521 = arith.constant 96 : index
            %swap3A_522 = tpu.vector_load %arg12[%swap3A_520, %swap3A_521] {strides = array<i32>} : memref<320x128xf32, #tpu.memory_space<vmem>>, vector<16xf32>,
            tpu.vector_store %arg12[%swap3A_520, %swap3A_521], %max3A_519 {strides = array<i32>} : memref<320x128xf32, #tpu.memory_space<vmem>>, vector<16xf32>,
            %get3A_523 = arith.index_cast %shift_right_arithmetic3A_453 : i32 to index
            %get3A_524 = arith.constant 112 : index
            %get3A_525 = tpu.vector_load %arg12[%get3A_523, %get3A_524] {strides = array<i32>} : memref<320x128xf32, #tpu.memory_space<vmem>>, vector<16xf32>,
            %get3A_526 = arith.index_cast %while3A_444 : i32 to index
            %get3A_527 = arith.constant 112 : index
            %get3A_528 = tpu.vector_load %arg10[%get3A_526, %get3A_527] {strides = array<i32>} : memref<128x128xf32, #tpu.memory_space<vmem>>, vector<16xf32>,
            %max3A_529 = arith.maximumf %get3A_525, %get3A_528 : vector<16xf32>
            %swap3A_530 = arith.index_cast %shift_right_arithmetic3A_453 : i32 to index
            %swap3A_531 = arith.constant 112 : index
            %swap3A_532 = tpu.vector_load %arg12[%swap3A_530, %swap3A_531] {strides = array<i32>} : memref<320x128xf32, #tpu.memory_space<vmem>>, vector<16xf32>,
            tpu.vector_store %arg12[%swap3A_530, %swap3A_531], %max3A_529 {strides = array<i32>} : memref<320x128xf32, #tpu.memory_space<vmem>>, vector<16xf32>,
            %while3A_533 = arith.constant 0 : i32
            scf.yield %while3A_533 : i32
          }
        } else {
        }
        %eq3A_414 = arith.constant false
        %eq3A_415 = arith.xori %eq3A_384, %eq3A_414 : i1
        %eq3A_416 = arith.constant true
        %eq3A_417 = arith.xori %eq3A_415, %eq3A_416 : i1
        %convert_element_type3A_418 = arith.extui %eq3A_417 : i1 to i32
        %cond3A_419 = arith.constant 0 : i32
        %cond3A_420 = arith.cmpi ne, %convert_element_type3A_418, %cond3A_419 : i32
        scf.if %cond3A_420 {
          %mul3A_422 = arith.constant 128 : i32
          %mul3A_423 = arith.muli %while3A_380, %mul3A_422 : i32
          %dma_wait3A_424 = tpu.memref_slice %arg9[%mul3A_423] : memref<8128xi32, #tpu.memory_space<vmem>> -> memref<128xi32, #tpu.memory_space<vmem>>
          %dma_wait3A_425 = arith.constant 0 : i32
          %dma_wait3A_426 = arith.constant 0 : i32
          %dma_wait3A_427 = tpu.memref_slice %arg2[%dma_wait3A_425, %dma_wait3A_426] : memref<320000x128xf32, #tpu.memory_space<hbm>> -> memref<320000x128xf32, #tpu.memory_space<hbm>>
          tpu.wait_indirect_dma semaphore(%arg17 : memref<!tpu.dma_semaphore, #tpu.memory_space<semaphore_mem>>) src(%dma_wait3A_427 : memref<320000x128xf32, #tpu.memory_space<hbm>>) dst(%arg11 : memref<128x128xf32, #tpu.memory_space<vmem>>)
          %mul3A_428 = arith.constant 128 : i32
          %mul3A_429 = arith.muli %while3A_380, %mul3A_428 : i32
          %sub3A_430 = arith.subi %add3A_323, %mul3A_429 : i32
          %min3A = arith.constant 128 : i32
          %min3A_431 = arith.minsi %sub3A_430, %min3A : i32
          %while3A_432 = arith.constant 0 : i32
          %while3A_433 = arith.constant 0 : i32
          %while3A_434 = arith.subi %min3A_431, %while3A_432 : i32
          %while3A_435 = arith.addi %while3A_432, %while3A_434 : i32
          %while3A_436 = arith.constant 1 : i32
          %while3A_437 = arith.divsi %while3A_434, %while3A_436 : i32
          %while3A_438 = arith.muli %while3A_437, %while3A_436 : i32
          %while3A_439 = arith.addi %while3A_432, %while3A_438 : i32
          %while3A_440 = arith.constant 1 : i32
          %while3A_441 = scf.for %while3A_444 = %while3A_432 to %while3A_439 step %while3A_440 iter_args(%while3A_445 = %while3A_433) -> (i32)  : i32 {
            %mul3A_446 = arith.constant 128 : i32
            %mul3A_447 = arith.muli %while3A_380, %mul3A_446 : i32
            %add3A_448 = arith.addi %mul3A_447, %while3A_444 : i32
            %get3A_449 = arith.index_cast %add3A_448 : i32 to index
            %get3A_450 = tpu.vector_load %arg8[%get3A_449] {strides = array<i32>} : memref<8128xi32, #tpu.memory_space<vmem>>, vector<16xi32>,
            %slice3A_451 = vector.extract_strided_slice %get3A_450 {offsets = [0], sizes = [1], strides = [1]} : vector<16xi32> to vector<1xi32>
            %squeeze3A_452 = vector.extract %slice3A_451[0] : i32 from vector<1xi32>
            %shift_right_arithmetic3A = arith.constant 19 : i32
            %shift_right_arithmetic3A_453 = arith.shrsi %squeeze3A_452, %shift_right_arithmetic3A : i32
            %get3A_454 = arith.index_cast %shift_right_arithmetic3A_453 : i32 to index
            %get3A_455 = arith.constant 0 : index
            %get3A_456 = tpu.vector_load %arg12[%get3A_454, %get3A_455] {strides = array<i32>} : memref<320x128xf32, #tpu.memory_space<vmem>>, vector<16xf32>,
            %get3A_457 = arith.index_cast %while3A_444 : i32 to index
            %get3A_458 = arith.constant 0 : index
            %get3A_459 = tpu.vector_load %arg11[%get3A_457, %get3A_458] {strides = array<i32>} : memref<128x128xf32, #tpu.memory_space<vmem>>, vector<16xf32>,
            %max3A = arith.maximumf %get3A_456, %get3A_459 : vector<16xf32>
            %swap3A_460 = arith.index_cast %shift_right_arithmetic3A_453 : i32 to index
            %swap3A_461 = arith.constant 0 : index
            %swap3A_462 = tpu.vector_load %arg12[%swap3A_460, %swap3A_461] {strides = array<i32>} : memref<320x128xf32, #tpu.memory_space<vmem>>, vector<16xf32>,
            tpu.vector_store %arg12[%swap3A_460, %swap3A_461], %max3A {strides = array<i32>} : memref<320x128xf32, #tpu.memory_space<vmem>>, vector<16xf32>,
            %get3A_463 = arith.index_cast %shift_right_arithmetic3A_453 : i32 to index
            %get3A_464 = arith.constant 16 : index
            %get3A_465 = tpu.vector_load %arg12[%get3A_463, %get3A_464] {strides = array<i32>} : memref<320x128xf32, #tpu.memory_space<vmem>>, vector<16xf32>,
            %get3A_466 = arith.index_cast %while3A_444 : i32 to index
            %get3A_467 = arith.constant 16 : index
            %get3A_468 = tpu.vector_load %arg11[%get3A_466, %get3A_467] {strides = array<i32>} : memref<128x128xf32, #tpu.memory_space<vmem>>, vector<16xf32>,
            %max3A_469 = arith.maximumf %get3A_465, %get3A_468 : vector<16xf32>
            %swap3A_470 = arith.index_cast %shift_right_arithmetic3A_453 : i32 to index
            %swap3A_471 = arith.constant 16 : index
            %swap3A_472 = tpu.vector_load %arg12[%swap3A_470, %swap3A_471] {strides = array<i32>} : memref<320x128xf32, #tpu.memory_space<vmem>>, vector<16xf32>,
            tpu.vector_store %arg12[%swap3A_470, %swap3A_471], %max3A_469 {strides = array<i32>} : memref<320x128xf32, #tpu.memory_space<vmem>>, vector<16xf32>,
            %get3A_473 = arith.index_cast %shift_right_arithmetic3A_453 : i32 to index
            %get3A_474 = arith.constant 32 : index
            %get3A_475 = tpu.vector_load %arg12[%get3A_473, %get3A_474] {strides = array<i32>} : memref<320x128xf32, #tpu.memory_space<vmem>>, vector<16xf32>,
            %get3A_476 = arith.index_cast %while3A_444 : i32 to index
            %get3A_477 = arith.constant 32 : index
            %get3A_478 = tpu.vector_load %arg11[%get3A_476, %get3A_477] {strides = array<i32>} : memref<128x128xf32, #tpu.memory_space<vmem>>, vector<16xf32>,
            %max3A_479 = arith.maximumf %get3A_475, %get3A_478 : vector<16xf32>
            %swap3A_480 = arith.index_cast %shift_right_arithmetic3A_453 : i32 to index
            %swap3A_481 = arith.constant 32 : index
            %swap3A_482 = tpu.vector_load %arg12[%swap3A_480, %swap3A_481] {strides = array<i32>} : memref<320x128xf32, #tpu.memory_space<vmem>>, vector<16xf32>,
            tpu.vector_store %arg12[%swap3A_480, %swap3A_481], %max3A_479 {strides = array<i32>} : memref<320x128xf32, #tpu.memory_space<vmem>>, vector<16xf32>,
            %get3A_483 = arith.index_cast %shift_right_arithmetic3A_453 : i32 to index
            %get3A_484 = arith.constant 48 : index
            %get3A_485 = tpu.vector_load %arg12[%get3A_483, %get3A_484] {strides = array<i32>} : memref<320x128xf32, #tpu.memory_space<vmem>>, vector<16xf32>,
            %get3A_486 = arith.index_cast %while3A_444 : i32 to index
            %get3A_487 = arith.constant 48 : index
            %get3A_488 = tpu.vector_load %arg11[%get3A_486, %get3A_487] {strides = array<i32>} : memref<128x128xf32, #tpu.memory_space<vmem>>, vector<16xf32>,
            %max3A_489 = arith.maximumf %get3A_485, %get3A_488 : vector<16xf32>
            %swap3A_490 = arith.index_cast %shift_right_arithmetic3A_453 : i32 to index
            %swap3A_491 = arith.constant 48 : index
            %swap3A_492 = tpu.vector_load %arg12[%swap3A_490, %swap3A_491] {strides = array<i32>} : memref<320x128xf32, #tpu.memory_space<vmem>>, vector<16xf32>,
            tpu.vector_store %arg12[%swap3A_490, %swap3A_491], %max3A_489 {strides = array<i32>} : memref<320x128xf32, #tpu.memory_space<vmem>>, vector<16xf32>,
            %get3A_493 = arith.index_cast %shift_right_arithmetic3A_453 : i32 to index
            %get3A_494 = arith.constant 64 : index
            %get3A_495 = tpu.vector_load %arg12[%get3A_493, %get3A_494] {strides = array<i32>} : memref<320x128xf32, #tpu.memory_space<vmem>>, vector<16xf32>,
            %get3A_496 = arith.index_cast %while3A_444 : i32 to index
            %get3A_497 = arith.constant 64 : index
            %get3A_498 = tpu.vector_load %arg11[%get3A_496, %get3A_497] {strides = array<i32>} : memref<128x128xf32, #tpu.memory_space<vmem>>, vector<16xf32>,
            %max3A_499 = arith.maximumf %get3A_495, %get3A_498 : vector<16xf32>
            %swap3A_500 = arith.index_cast %shift_right_arithmetic3A_453 : i32 to index
            %swap3A_501 = arith.constant 64 : index
            %swap3A_502 = tpu.vector_load %arg12[%swap3A_500, %swap3A_501] {strides = array<i32>} : memref<320x128xf32, #tpu.memory_space<vmem>>, vector<16xf32>,
            tpu.vector_store %arg12[%swap3A_500, %swap3A_501], %max3A_499 {strides = array<i32>} : memref<320x128xf32, #tpu.memory_space<vmem>>, vector<16xf32>,
            %get3A_503 = arith.index_cast %shift_right_arithmetic3A_453 : i32 to index
            %get3A_504 = arith.constant 80 : index
            %get3A_505 = tpu.vector_load %arg12[%get3A_503, %get3A_504] {strides = array<i32>} : memref<320x128xf32, #tpu.memory_space<vmem>>, vector<16xf32>,
            %get3A_506 = arith.index_cast %while3A_444 : i32 to index
            %get3A_507 = arith.constant 80 : index
            %get3A_508 = tpu.vector_load %arg11[%get3A_506, %get3A_507] {strides = array<i32>} : memref<128x128xf32, #tpu.memory_space<vmem>>, vector<16xf32>,
            %max3A_509 = arith.maximumf %get3A_505, %get3A_508 : vector<16xf32>
            %swap3A_510 = arith.index_cast %shift_right_arithmetic3A_453 : i32 to index
            %swap3A_511 = arith.constant 80 : index
            %swap3A_512 = tpu.vector_load %arg12[%swap3A_510, %swap3A_511] {strides = array<i32>} : memref<320x128xf32, #tpu.memory_space<vmem>>, vector<16xf32>,
            tpu.vector_store %arg12[%swap3A_510, %swap3A_511], %max3A_509 {strides = array<i32>} : memref<320x128xf32, #tpu.memory_space<vmem>>, vector<16xf32>,
            %get3A_513 = arith.index_cast %shift_right_arithmetic3A_453 : i32 to index
            %get3A_514 = arith.constant 96 : index
            %get3A_515 = tpu.vector_load %arg12[%get3A_513, %get3A_514] {strides = array<i32>} : memref<320x128xf32, #tpu.memory_space<vmem>>, vector<16xf32>,
            %get3A_516 = arith.index_cast %while3A_444 : i32 to index
            %get3A_517 = arith.constant 96 : index
            %get3A_518 = tpu.vector_load %arg11[%get3A_516, %get3A_517] {strides = array<i32>} : memref<128x128xf32, #tpu.memory_space<vmem>>, vector<16xf32>,
            %max3A_519 = arith.maximumf %get3A_515, %get3A_518 : vector<16xf32>
            %swap3A_520 = arith.index_cast %shift_right_arithmetic3A_453 : i32 to index
            %swap3A_521 = arith.constant 96 : index
            %swap3A_522 = tpu.vector_load %arg12[%swap3A_520, %swap3A_521] {strides = array<i32>} : memref<320x128xf32, #tpu.memory_space<vmem>>, vector<16xf32>,
            tpu.vector_store %arg12[%swap3A_520, %swap3A_521], %max3A_519 {strides = array<i32>} : memref<320x128xf32, #tpu.memory_space<vmem>>, vector<16xf32>,
            %get3A_523 = arith.index_cast %shift_right_arithmetic3A_453 : i32 to index
            %get3A_524 = arith.constant 112 : index
            %get3A_525 = tpu.vector_load %arg12[%get3A_523, %get3A_524] {strides = array<i32>} : memref<320x128xf32, #tpu.memory_space<vmem>>, vector<16xf32>,
            %get3A_526 = arith.index_cast %while3A_444 : i32 to index
            %get3A_527 = arith.constant 112 : index
            %get3A_528 = tpu.vector_load %arg11[%get3A_526, %get3A_527] {strides = array<i32>} : memref<128x128xf32, #tpu.memory_space<vmem>>, vector<16xf32>,
            %max3A_529 = arith.maximumf %get3A_525, %get3A_528 : vector<16xf32>
            %swap3A_530 = arith.index_cast %shift_right_arithmetic3A_453 : i32 to index
            %swap3A_531 = arith.constant 112 : index
            %swap3A_532 = tpu.vector_load %arg12[%swap3A_530, %swap3A_531] {strides = array<i32>} : memref<320x128xf32, #tpu.memory_space<vmem>>, vector<16xf32>,
            tpu.vector_store %arg12[%swap3A_530, %swap3A_531], %max3A_529 {strides = array<i32>} : memref<320x128xf32, #tpu.memory_space<vmem>>, vector<16xf32>,
            %while3A_533 = arith.constant 0 : i32
            scf.yield %while3A_533 : i32
          }
          %while3A_442 = arith.constant 1 : i32
          %while3A_443 = scf.for %while3A_444 = %while3A_439 to %while3A_435 step %while3A_442 iter_args(%while3A_445 = %while3A_441) -> (i32)  : i32 {
            %mul3A_446 = arith.constant 128 : i32
            %mul3A_447 = arith.muli %while3A_380, %mul3A_446 : i32
            %add3A_448 = arith.addi %mul3A_447, %while3A_444 : i32
            %get3A_449 = arith.index_cast %add3A_448 : i32 to index
            %get3A_450 = tpu.vector_load %arg8[%get3A_449] {strides = array<i32>} : memref<8128xi32, #tpu.memory_space<vmem>>, vector<16xi32>,
            %slice3A_451 = vector.extract_strided_slice %get3A_450 {offsets = [0], sizes = [1], strides = [1]} : vector<16xi32> to vector<1xi32>
            %squeeze3A_452 = vector.extract %slice3A_451[0] : i32 from vector<1xi32>
            %shift_right_arithmetic3A = arith.constant 19 : i32
            %shift_right_arithmetic3A_453 = arith.shrsi %squeeze3A_452, %shift_right_arithmetic3A : i32
            %get3A_454 = arith.index_cast %shift_right_arithmetic3A_453 : i32 to index
            %get3A_455 = arith.constant 0 : index
            %get3A_456 = tpu.vector_load %arg12[%get3A_454, %get3A_455] {strides = array<i32>} : memref<320x128xf32, #tpu.memory_space<vmem>>, vector<16xf32>,
            %get3A_457 = arith.index_cast %while3A_444 : i32 to index
            %get3A_458 = arith.constant 0 : index
            %get3A_459 = tpu.vector_load %arg11[%get3A_457, %get3A_458] {strides = array<i32>} : memref<128x128xf32, #tpu.memory_space<vmem>>, vector<16xf32>,
            %max3A = arith.maximumf %get3A_456, %get3A_459 : vector<16xf32>
            %swap3A_460 = arith.index_cast %shift_right_arithmetic3A_453 : i32 to index
            %swap3A_461 = arith.constant 0 : index
            %swap3A_462 = tpu.vector_load %arg12[%swap3A_460, %swap3A_461] {strides = array<i32>} : memref<320x128xf32, #tpu.memory_space<vmem>>, vector<16xf32>,
            tpu.vector_store %arg12[%swap3A_460, %swap3A_461], %max3A {strides = array<i32>} : memref<320x128xf32, #tpu.memory_space<vmem>>, vector<16xf32>,
            %get3A_463 = arith.index_cast %shift_right_arithmetic3A_453 : i32 to index
            %get3A_464 = arith.constant 16 : index
            %get3A_465 = tpu.vector_load %arg12[%get3A_463, %get3A_464] {strides = array<i32>} : memref<320x128xf32, #tpu.memory_space<vmem>>, vector<16xf32>,
            %get3A_466 = arith.index_cast %while3A_444 : i32 to index
            %get3A_467 = arith.constant 16 : index
            %get3A_468 = tpu.vector_load %arg11[%get3A_466, %get3A_467] {strides = array<i32>} : memref<128x128xf32, #tpu.memory_space<vmem>>, vector<16xf32>,
            %max3A_469 = arith.maximumf %get3A_465, %get3A_468 : vector<16xf32>
            %swap3A_470 = arith.index_cast %shift_right_arithmetic3A_453 : i32 to index
            %swap3A_471 = arith.constant 16 : index
            %swap3A_472 = tpu.vector_load %arg12[%swap3A_470, %swap3A_471] {strides = array<i32>} : memref<320x128xf32, #tpu.memory_space<vmem>>, vector<16xf32>,
            tpu.vector_store %arg12[%swap3A_470, %swap3A_471], %max3A_469 {strides = array<i32>} : memref<320x128xf32, #tpu.memory_space<vmem>>, vector<16xf32>,
            %get3A_473 = arith.index_cast %shift_right_arithmetic3A_453 : i32 to index
            %get3A_474 = arith.constant 32 : index
            %get3A_475 = tpu.vector_load %arg12[%get3A_473, %get3A_474] {strides = array<i32>} : memref<320x128xf32, #tpu.memory_space<vmem>>, vector<16xf32>,
            %get3A_476 = arith.index_cast %while3A_444 : i32 to index
            %get3A_477 = arith.constant 32 : index
            %get3A_478 = tpu.vector_load %arg11[%get3A_476, %get3A_477] {strides = array<i32>} : memref<128x128xf32, #tpu.memory_space<vmem>>, vector<16xf32>,
            %max3A_479 = arith.maximumf %get3A_475, %get3A_478 : vector<16xf32>
            %swap3A_480 = arith.index_cast %shift_right_arithmetic3A_453 : i32 to index
            %swap3A_481 = arith.constant 32 : index
            %swap3A_482 = tpu.vector_load %arg12[%swap3A_480, %swap3A_481] {strides = array<i32>} : memref<320x128xf32, #tpu.memory_space<vmem>>, vector<16xf32>,
            tpu.vector_store %arg12[%swap3A_480, %swap3A_481], %max3A_479 {strides = array<i32>} : memref<320x128xf32, #tpu.memory_space<vmem>>, vector<16xf32>,
            %get3A_483 = arith.index_cast %shift_right_arithmetic3A_453 : i32 to index
            %get3A_484 = arith.constant 48 : index
            %get3A_485 = tpu.vector_load %arg12[%get3A_483, %get3A_484] {strides = array<i32>} : memref<320x128xf32, #tpu.memory_space<vmem>>, vector<16xf32>,
            %get3A_486 = arith.index_cast %while3A_444 : i32 to index
            %get3A_487 = arith.constant 48 : index
            %get3A_488 = tpu.vector_load %arg11[%get3A_486, %get3A_487] {strides = array<i32>} : memref<128x128xf32, #tpu.memory_space<vmem>>, vector<16xf32>,
            %max3A_489 = arith.maximumf %get3A_485, %get3A_488 : vector<16xf32>
            %swap3A_490 = arith.index_cast %shift_right_arithmetic3A_453 : i32 to index
            %swap3A_491 = arith.constant 48 : index
            %swap3A_492 = tpu.vector_load %arg12[%swap3A_490, %swap3A_491] {strides = array<i32>} : memref<320x128xf32, #tpu.memory_space<vmem>>, vector<16xf32>,
            tpu.vector_store %arg12[%swap3A_490, %swap3A_491], %max3A_489 {strides = array<i32>} : memref<320x128xf32, #tpu.memory_space<vmem>>, vector<16xf32>,
            %get3A_493 = arith.index_cast %shift_right_arithmetic3A_453 : i32 to index
            %get3A_494 = arith.constant 64 : index
            %get3A_495 = tpu.vector_load %arg12[%get3A_493, %get3A_494] {strides = array<i32>} : memref<320x128xf32, #tpu.memory_space<vmem>>, vector<16xf32>,
            %get3A_496 = arith.index_cast %while3A_444 : i32 to index
            %get3A_497 = arith.constant 64 : index
            %get3A_498 = tpu.vector_load %arg11[%get3A_496, %get3A_497] {strides = array<i32>} : memref<128x128xf32, #tpu.memory_space<vmem>>, vector<16xf32>,
            %max3A_499 = arith.maximumf %get3A_495, %get3A_498 : vector<16xf32>
            %swap3A_500 = arith.index_cast %shift_right_arithmetic3A_453 : i32 to index
            %swap3A_501 = arith.constant 64 : index
            %swap3A_502 = tpu.vector_load %arg12[%swap3A_500, %swap3A_501] {strides = array<i32>} : memref<320x128xf32, #tpu.memory_space<vmem>>, vector<16xf32>,
            tpu.vector_store %arg12[%swap3A_500, %swap3A_501], %max3A_499 {strides = array<i32>} : memref<320x128xf32, #tpu.memory_space<vmem>>, vector<16xf32>,
            %get3A_503 = arith.index_cast %shift_right_arithmetic3A_453 : i32 to index
            %get3A_504 = arith.constant 80 : index
            %get3A_505 = tpu.vector_load %arg12[%get3A_503, %get3A_504] {strides = array<i32>} : memref<320x128xf32, #tpu.memory_space<vmem>>, vector<16xf32>,
            %get3A_506 = arith.index_cast %while3A_444 : i32 to index
            %get3A_507 = arith.constant 80 : index
            %get3A_508 = tpu.vector_load %arg11[%get3A_506, %get3A_507] {strides = array<i32>} : memref<128x128xf32, #tpu.memory_space<vmem>>, vector<16xf32>,
            %max3A_509 = arith.maximumf %get3A_505, %get3A_508 : vector<16xf32>
            %swap3A_510 = arith.index_cast %shift_right_arithmetic3A_453 : i32 to index
            %swap3A_511 = arith.constant 80 : index
            %swap3A_512 = tpu.vector_load %arg12[%swap3A_510, %swap3A_511] {strides = array<i32>} : memref<320x128xf32, #tpu.memory_space<vmem>>, vector<16xf32>,
            tpu.vector_store %arg12[%swap3A_510, %swap3A_511], %max3A_509 {strides = array<i32>} : memref<320x128xf32, #tpu.memory_space<vmem>>, vector<16xf32>,
            %get3A_513 = arith.index_cast %shift_right_arithmetic3A_453 : i32 to index
            %get3A_514 = arith.constant 96 : index
            %get3A_515 = tpu.vector_load %arg12[%get3A_513, %get3A_514] {strides = array<i32>} : memref<320x128xf32, #tpu.memory_space<vmem>>, vector<16xf32>,
            %get3A_516 = arith.index_cast %while3A_444 : i32 to index
            %get3A_517 = arith.constant 96 : index
            %get3A_518 = tpu.vector_load %arg11[%get3A_516, %get3A_517] {strides = array<i32>} : memref<128x128xf32, #tpu.memory_space<vmem>>, vector<16xf32>,
            %max3A_519 = arith.maximumf %get3A_515, %get3A_518 : vector<16xf32>
            %swap3A_520 = arith.index_cast %shift_right_arithmetic3A_453 : i32 to index
            %swap3A_521 = arith.constant 96 : index
            %swap3A_522 = tpu.vector_load %arg12[%swap3A_520, %swap3A_521] {strides = array<i32>} : memref<320x128xf32, #tpu.memory_space<vmem>>, vector<16xf32>,
            tpu.vector_store %arg12[%swap3A_520, %swap3A_521], %max3A_519 {strides = array<i32>} : memref<320x128xf32, #tpu.memory_space<vmem>>, vector<16xf32>,
            %get3A_523 = arith.index_cast %shift_right_arithmetic3A_453 : i32 to index
            %get3A_524 = arith.constant 112 : index
            %get3A_525 = tpu.vector_load %arg12[%get3A_523, %get3A_524] {strides = array<i32>} : memref<320x128xf32, #tpu.memory_space<vmem>>, vector<16xf32>,
            %get3A_526 = arith.index_cast %while3A_444 : i32 to index
            %get3A_527 = arith.constant 112 : index
            %get3A_528 = tpu.vector_load %arg11[%get3A_526, %get3A_527] {strides = array<i32>} : memref<128x128xf32, #tpu.memory_space<vmem>>, vector<16xf32>,
            %max3A_529 = arith.maximumf %get3A_525, %get3A_528 : vector<16xf32>
            %swap3A_530 = arith.index_cast %shift_right_arithmetic3A_453 : i32 to index
            %swap3A_531 = arith.constant 112 : index
            %swap3A_532 = tpu.vector_load %arg12[%swap3A_530, %swap3A_531] {strides = array<i32>} : memref<320x128xf32, #tpu.memory_space<vmem>>, vector<16xf32>,
            tpu.vector_store %arg12[%swap3A_530, %swap3A_531], %max3A_529 {strides = array<i32>} : memref<320x128xf32, #tpu.memory_space<vmem>>, vector<16xf32>,
            %while3A_533 = arith.constant 0 : i32
            scf.yield %while3A_533 : i32
          }
        } else {
        }
        %while3A_421 = arith.constant 0 : i32
        scf.yield %while3A_421 : i32
      }
      %scan3A_379 = arith.constant 0 : i32
      scf.yield %scan3A_379 : i32
    }
    %scan3A_31 = arith.constant 20 : i32
    %scan3A_32 = arith.constant 0 : i32
    %scan3A_33 = arith.constant 0 : i32
    %scan3A_34 = arith.constant 20 : i32
    %scan3A_35 = arith.addi %scan3A_33, %scan3A_34 : i32
    %scan3A_36 = arith.constant 1 : i32
    %scan3A_37 = scf.for %scan3A_46 = %scan3A_33 to %scan3A_35 step %scan3A_36 iter_args(%scan3A_47 = %scan3A_32) -> (i32)  : i32 {
      %iota3A = tpu.iota {dimensions = array<i32: 0>} : vector<16xi32>
      %mul3A_48 = arith.constant 16 : i32
      %mul3A_49 = arith.muli %scan3A_46, %mul3A_48 : i32
      %add3A_50 = vector.broadcast %mul3A_49 : i32 to vector<16xi32>
      %add3A_51 = arith.addi %iota3A, %add3A_50 : vector<16xi32>
      %broadcast_in_dim3A = arith.constant 0 : i32
      %broadcast_in_dim3A_52 = vector.broadcast %broadcast_in_dim3A : i32 to vector<16xi32>
      %gather3A = tpu.vector_load_idx %arg12[%add3A_51, %broadcast_in_dim3A_52] : memref<320x128xf32, #tpu.memory_space<vmem>>[vector<16xi32>, vector<16xi32>], vector<16xf32>,
      %eq3A = arith.constant 0xFF800000 : f32
      %eq3A_53 = vector.broadcast %eq3A : f32 to vector<16xf32>
      %eq3A_54 = arith.cmpf oeq, %gather3A, %eq3A_53 : vector<16xf32>
      %jit3A = arith.constant 1 : i32
      %jit3A_55 = arith.constant 0 : i32
      %broadcast_in_dim3A_56 = vector.broadcast %jit3A : i32 to vector<16xi32>
      %broadcast_in_dim3A_57 = vector.broadcast %jit3A_55 : i32 to vector<16xi32>
      %select_n3A = arith.select %eq3A_54, %broadcast_in_dim3A_56, %broadcast_in_dim3A_57 : vector<16xi1>, vector<16xi32>
      %mul3A_58 = arith.constant 16 : i32
      %mul3A_59 = arith.muli %scan3A_46, %mul3A_58 : i32
      %swap3A = arith.index_cast %mul3A_59 : i32 to index
      %swap3A_60 = tpu.vector_load %arg13[%swap3A] {strides = array<i32>} : memref<320xi32, #tpu.memory_space<vmem>>, vector<16xi32>,
      tpu.vector_store %arg13[%swap3A], %select_n3A {strides = array<i32>} : memref<320xi32, #tpu.memory_space<vmem>>, vector<16xi32>,
      %scan3A_61 = arith.constant 0 : i32
      scf.yield %scan3A_61 : i32
    }
    %scan3A_38 = arith.constant 20 : i32
    %scan3A_39 = arith.constant 0 : i32
    %scan3A_40 = arith.constant 0 : i32
    %scan3A_41 = arith.constant 320 : i32
    %scan3A_42 = arith.addi %scan3A_40, %scan3A_41 : i32
    %scan3A_43 = arith.constant 1 : i32
    %scan3A_44 = scf.for %scan3A_46 = %scan3A_40 to %scan3A_42 step %scan3A_43 iter_args(%scan3A_47 = %scan3A_39) -> (i32)  : i32 {
      %get3A = arith.index_cast %scan3A_46 : i32 to index
      %get3A_48 = arith.constant 0 : index
      %get3A_49 = tpu.vector_load %arg12[%get3A, %get3A_48] {strides = array<i32>} : memref<320x128xf32, #tpu.memory_space<vmem>>, vector<16xf32>,
      %eq3A = arith.constant 0xFF800000 : f32
      %eq3A_50 = vector.broadcast %eq3A : f32 to vector<16xf32>
      %eq3A_51 = arith.cmpf oeq, %get3A_49, %eq3A_50 : vector<16xf32>
      %jit3A = arith.constant 0.000000e+00 : f32
      %broadcast_in_dim3A = vector.broadcast %jit3A : f32 to vector<16xf32>
      %select_n3A = arith.select %eq3A_51, %broadcast_in_dim3A, %get3A_49 : vector<16xi1>, vector<16xf32>
      %swap3A = arith.index_cast %scan3A_46 : i32 to index
      %swap3A_52 = arith.constant 0 : index
      %swap3A_53 = tpu.vector_load %arg12[%swap3A, %swap3A_52] {strides = array<i32>} : memref<320x128xf32, #tpu.memory_space<vmem>>, vector<16xf32>,
      tpu.vector_store %arg12[%swap3A, %swap3A_52], %select_n3A {strides = array<i32>} : memref<320x128xf32, #tpu.memory_space<vmem>>, vector<16xf32>,
      %get3A_54 = arith.index_cast %scan3A_46 : i32 to index
      %get3A_55 = arith.constant 16 : index
      %get3A_56 = tpu.vector_load %arg12[%get3A_54, %get3A_55] {strides = array<i32>} : memref<320x128xf32, #tpu.memory_space<vmem>>, vector<16xf32>,
      %eq3A_57 = arith.constant 0xFF800000 : f32
      %eq3A_58 = vector.broadcast %eq3A_57 : f32 to vector<16xf32>
      %eq3A_59 = arith.cmpf oeq, %get3A_56, %eq3A_58 : vector<16xf32>
      %jit3A_60 = arith.constant 0.000000e+00 : f32
      %broadcast_in_dim3A_61 = vector.broadcast %jit3A_60 : f32 to vector<16xf32>
      %select_n3A_62 = arith.select %eq3A_59, %broadcast_in_dim3A_61, %get3A_56 : vector<16xi1>, vector<16xf32>
      %swap3A_63 = arith.index_cast %scan3A_46 : i32 to index
      %swap3A_64 = arith.constant 16 : index
      %swap3A_65 = tpu.vector_load %arg12[%swap3A_63, %swap3A_64] {strides = array<i32>} : memref<320x128xf32, #tpu.memory_space<vmem>>, vector<16xf32>,
      tpu.vector_store %arg12[%swap3A_63, %swap3A_64], %select_n3A_62 {strides = array<i32>} : memref<320x128xf32, #tpu.memory_space<vmem>>, vector<16xf32>,
      %get3A_66 = arith.index_cast %scan3A_46 : i32 to index
      %get3A_67 = arith.constant 32 : index
      %get3A_68 = tpu.vector_load %arg12[%get3A_66, %get3A_67] {strides = array<i32>} : memref<320x128xf32, #tpu.memory_space<vmem>>, vector<16xf32>,
      %eq3A_69 = arith.constant 0xFF800000 : f32
      %eq3A_70 = vector.broadcast %eq3A_69 : f32 to vector<16xf32>
      %eq3A_71 = arith.cmpf oeq, %get3A_68, %eq3A_70 : vector<16xf32>
      %jit3A_72 = arith.constant 0.000000e+00 : f32
      %broadcast_in_dim3A_73 = vector.broadcast %jit3A_72 : f32 to vector<16xf32>
      %select_n3A_74 = arith.select %eq3A_71, %broadcast_in_dim3A_73, %get3A_68 : vector<16xi1>, vector<16xf32>
      %swap3A_75 = arith.index_cast %scan3A_46 : i32 to index
      %swap3A_76 = arith.constant 32 : index
      %swap3A_77 = tpu.vector_load %arg12[%swap3A_75, %swap3A_76] {strides = array<i32>} : memref<320x128xf32, #tpu.memory_space<vmem>>, vector<16xf32>,
      tpu.vector_store %arg12[%swap3A_75, %swap3A_76], %select_n3A_74 {strides = array<i32>} : memref<320x128xf32, #tpu.memory_space<vmem>>, vector<16xf32>,
      %get3A_78 = arith.index_cast %scan3A_46 : i32 to index
      %get3A_79 = arith.constant 48 : index
      %get3A_80 = tpu.vector_load %arg12[%get3A_78, %get3A_79] {strides = array<i32>} : memref<320x128xf32, #tpu.memory_space<vmem>>, vector<16xf32>,
      %eq3A_81 = arith.constant 0xFF800000 : f32
      %eq3A_82 = vector.broadcast %eq3A_81 : f32 to vector<16xf32>
      %eq3A_83 = arith.cmpf oeq, %get3A_80, %eq3A_82 : vector<16xf32>
      %jit3A_84 = arith.constant 0.000000e+00 : f32
      %broadcast_in_dim3A_85 = vector.broadcast %jit3A_84 : f32 to vector<16xf32>
      %select_n3A_86 = arith.select %eq3A_83, %broadcast_in_dim3A_85, %get3A_80 : vector<16xi1>, vector<16xf32>
      %swap3A_87 = arith.index_cast %scan3A_46 : i32 to index
      %swap3A_88 = arith.constant 48 : index
      %swap3A_89 = tpu.vector_load %arg12[%swap3A_87, %swap3A_88] {strides = array<i32>} : memref<320x128xf32, #tpu.memory_space<vmem>>, vector<16xf32>,
      tpu.vector_store %arg12[%swap3A_87, %swap3A_88], %select_n3A_86 {strides = array<i32>} : memref<320x128xf32, #tpu.memory_space<vmem>>, vector<16xf32>,
      %get3A_90 = arith.index_cast %scan3A_46 : i32 to index
      %get3A_91 = arith.constant 64 : index
      %get3A_92 = tpu.vector_load %arg12[%get3A_90, %get3A_91] {strides = array<i32>} : memref<320x128xf32, #tpu.memory_space<vmem>>, vector<16xf32>,
      %eq3A_93 = arith.constant 0xFF800000 : f32
      %eq3A_94 = vector.broadcast %eq3A_93 : f32 to vector<16xf32>
      %eq3A_95 = arith.cmpf oeq, %get3A_92, %eq3A_94 : vector<16xf32>
      %jit3A_96 = arith.constant 0.000000e+00 : f32
      %broadcast_in_dim3A_97 = vector.broadcast %jit3A_96 : f32 to vector<16xf32>
      %select_n3A_98 = arith.select %eq3A_95, %broadcast_in_dim3A_97, %get3A_92 : vector<16xi1>, vector<16xf32>
      %swap3A_99 = arith.index_cast %scan3A_46 : i32 to index
      %swap3A_100 = arith.constant 64 : index
      %swap3A_101 = tpu.vector_load %arg12[%swap3A_99, %swap3A_100] {strides = array<i32>} : memref<320x128xf32, #tpu.memory_space<vmem>>, vector<16xf32>,
      tpu.vector_store %arg12[%swap3A_99, %swap3A_100], %select_n3A_98 {strides = array<i32>} : memref<320x128xf32, #tpu.memory_space<vmem>>, vector<16xf32>,
      %get3A_102 = arith.index_cast %scan3A_46 : i32 to index
      %get3A_103 = arith.constant 80 : index
      %get3A_104 = tpu.vector_load %arg12[%get3A_102, %get3A_103] {strides = array<i32>} : memref<320x128xf32, #tpu.memory_space<vmem>>, vector<16xf32>,
      %eq3A_105 = arith.constant 0xFF800000 : f32
      %eq3A_106 = vector.broadcast %eq3A_105 : f32 to vector<16xf32>
      %eq3A_107 = arith.cmpf oeq, %get3A_104, %eq3A_106 : vector<16xf32>
      %jit3A_108 = arith.constant 0.000000e+00 : f32
      %broadcast_in_dim3A_109 = vector.broadcast %jit3A_108 : f32 to vector<16xf32>
      %select_n3A_110 = arith.select %eq3A_107, %broadcast_in_dim3A_109, %get3A_104 : vector<16xi1>, vector<16xf32>
      %swap3A_111 = arith.index_cast %scan3A_46 : i32 to index
      %swap3A_112 = arith.constant 80 : index
      %swap3A_113 = tpu.vector_load %arg12[%swap3A_111, %swap3A_112] {strides = array<i32>} : memref<320x128xf32, #tpu.memory_space<vmem>>, vector<16xf32>,
      tpu.vector_store %arg12[%swap3A_111, %swap3A_112], %select_n3A_110 {strides = array<i32>} : memref<320x128xf32, #tpu.memory_space<vmem>>, vector<16xf32>,
      %get3A_114 = arith.index_cast %scan3A_46 : i32 to index
      %get3A_115 = arith.constant 96 : index
      %get3A_116 = tpu.vector_load %arg12[%get3A_114, %get3A_115] {strides = array<i32>} : memref<320x128xf32, #tpu.memory_space<vmem>>, vector<16xf32>,
      %eq3A_117 = arith.constant 0xFF800000 : f32
      %eq3A_118 = vector.broadcast %eq3A_117 : f32 to vector<16xf32>
      %eq3A_119 = arith.cmpf oeq, %get3A_116, %eq3A_118 : vector<16xf32>
      %jit3A_120 = arith.constant 0.000000e+00 : f32
      %broadcast_in_dim3A_121 = vector.broadcast %jit3A_120 : f32 to vector<16xf32>
      %select_n3A_122 = arith.select %eq3A_119, %broadcast_in_dim3A_121, %get3A_116 : vector<16xi1>, vector<16xf32>
      %swap3A_123 = arith.index_cast %scan3A_46 : i32 to index
      %swap3A_124 = arith.constant 96 : index
      %swap3A_125 = tpu.vector_load %arg12[%swap3A_123, %swap3A_124] {strides = array<i32>} : memref<320x128xf32, #tpu.memory_space<vmem>>, vector<16xf32>,
      tpu.vector_store %arg12[%swap3A_123, %swap3A_124], %select_n3A_122 {strides = array<i32>} : memref<320x128xf32, #tpu.memory_space<vmem>>, vector<16xf32>,
      %get3A_126 = arith.index_cast %scan3A_46 : i32 to index
      %get3A_127 = arith.constant 112 : index
      %get3A_128 = tpu.vector_load %arg12[%get3A_126, %get3A_127] {strides = array<i32>} : memref<320x128xf32, #tpu.memory_space<vmem>>, vector<16xf32>,
      %eq3A_129 = arith.constant 0xFF800000 : f32
      %eq3A_130 = vector.broadcast %eq3A_129 : f32 to vector<16xf32>
      %eq3A_131 = arith.cmpf oeq, %get3A_128, %eq3A_130 : vector<16xf32>
      %jit3A_132 = arith.constant 0.000000e+00 : f32
      %broadcast_in_dim3A_133 = vector.broadcast %jit3A_132 : f32 to vector<16xf32>
      %select_n3A_134 = arith.select %eq3A_131, %broadcast_in_dim3A_133, %get3A_128 : vector<16xi1>, vector<16xf32>
      %swap3A_135 = arith.index_cast %scan3A_46 : i32 to index
      %swap3A_136 = arith.constant 112 : index
      %swap3A_137 = tpu.vector_load %arg12[%swap3A_135, %swap3A_136] {strides = array<i32>} : memref<320x128xf32, #tpu.memory_space<vmem>>, vector<16xf32>,
      tpu.vector_store %arg12[%swap3A_135, %swap3A_136], %select_n3A_134 {strides = array<i32>} : memref<320x128xf32, #tpu.memory_space<vmem>>, vector<16xf32>,
      %scan3A_138 = arith.constant 0 : i32
      scf.yield %scan3A_138 : i32
    }
    %scan3A_45 = arith.constant 320 : i32
    "tpu.region"() ({
      %run_scoped3A = tpu.sem_alloc : memref<!tpu.dma_semaphore, #tpu.memory_space<semaphore_mem>>
      %dma_start3A_46 = arith.constant 0 : i32
      %dma_start3A_47 = tpu.memref_slice %arg4[%mul3A_2, %dma_start3A_46] : memref<10240x128xf32, #tpu.memory_space<hbm>> -> memref<320x128xf32, #tpu.memory_space<hbm>>
      %dma_start3A_48 = arith.constant 0 : i32
      %dma_start3A_49 = tpu.memref_slice %arg4[%mul3A_2, %dma_start3A_48] : memref<10240x128xf32, #tpu.memory_space<hbm>> -> memref<320x128xf32, #tpu.memory_space<hbm>>
      tpu.enqueue_dma source(%arg12 : memref<320x128xf32, #tpu.memory_space<vmem>>) target(%dma_start3A_49 : memref<320x128xf32, #tpu.memory_space<hbm>>) target_semaphore(%run_scoped3A : memref<!tpu.dma_semaphore, #tpu.memory_space<semaphore_mem>>)
      %dma_wait3A = arith.constant 0 : i32
      %dma_wait3A_50 = tpu.memref_slice %arg4[%mul3A_2, %dma_wait3A] : memref<10240x128xf32, #tpu.memory_space<hbm>> -> memref<320x128xf32, #tpu.memory_space<hbm>>
      %dma_wait3A_51 = arith.constant 0 : i32
      %dma_wait3A_52 = tpu.memref_slice %arg4[%mul3A_2, %dma_wait3A_51] : memref<10240x128xf32, #tpu.memory_space<hbm>> -> memref<320x128xf32, #tpu.memory_space<hbm>>
      tpu.wait_dma2 semaphore(%run_scoped3A : memref<!tpu.dma_semaphore, #tpu.memory_space<semaphore_mem>>) src(%arg12 : memref<320x128xf32, #tpu.memory_space<vmem>>) dst(%dma_wait3A_52 : memref<320x128xf32, #tpu.memory_space<hbm>>)
      tpu.yield
    }) : () -> ()
    "tpu.region"() ({
      %run_scoped3A = tpu.sem_alloc : memref<!tpu.dma_semaphore, #tpu.memory_space<semaphore_mem>>
      %dma_start3A_46 = tpu.memref_slice %arg5[%mul3A_2] : memref<10240xi32, #tpu.memory_space<hbm>> -> memref<320xi32, #tpu.memory_space<hbm>>
      %dma_start3A_47 = tpu.memref_slice %arg5[%mul3A_2] : memref<10240xi32, #tpu.memory_space<hbm>> -> memref<320xi32, #tpu.memory_space<hbm>>
      tpu.enqueue_dma source(%arg13 : memref<320xi32, #tpu.memory_space<vmem>>) target(%dma_start3A_47 : memref<320xi32, #tpu.memory_space<hbm>>) target_semaphore(%run_scoped3A : memref<!tpu.dma_semaphore, #tpu.memory_space<semaphore_mem>>)
      %dma_wait3A = tpu.memref_slice %arg5[%mul3A_2] : memref<10240xi32, #tpu.memory_space<hbm>> -> memref<320xi32, #tpu.memory_space<hbm>>
      %dma_wait3A_48 = tpu.memref_slice %arg5[%mul3A_2] : memref<10240xi32, #tpu.memory_space<hbm>> -> memref<320xi32, #tpu.memory_space<hbm>>
      tpu.wait_dma2 semaphore(%run_scoped3A : memref<!tpu.dma_semaphore, #tpu.memory_space<semaphore_mem>>) src(%arg13 : memref<320xi32, #tpu.memory_space<vmem>>) dst(%dma_wait3A_48 : memref<320xi32, #tpu.memory_space<hbm>>)
      tpu.yield
    }) : () -> ()
    return
  }
}

module attributes {stable_mosaic.version = 14 : i64} {
  func.func @_mlp1_body(%arg0: i32, %arg1: memref<512x8xf32, #tpu.memory_space<vmem>>, %arg2: memref<8x64xf32, #tpu.memory_space<vmem>>, %arg3: memref<1x64xf32, #tpu.memory_space<vmem>>, %arg4: memref<64x128xf32, #tpu.memory_space<vmem>>, %arg5: memref<1x128xf32, #tpu.memory_space<vmem>>, %arg6: memref<512x128xf32, #tpu.memory_space<vmem>>) attributes {dimension_semantics = [#tpu.dimension_semantics<arbitrary>], iteration_bounds = array<i64: 625>, scalar_prefetch = 0 : i64, scratch_operands = 0 : i64, tpu.core_type = #tpu.core_type<tc>, window_params = [{transform_indices = @transform_0, window_bounds = array<i64: 512, 8>}, {pipeline_mode = #tpu.pipeline_mode<synchronous>, transform_indices = @transform_1, window_bounds = array<i64: 8, 64>}, {pipeline_mode = #tpu.pipeline_mode<synchronous>, transform_indices = @transform_2, window_bounds = array<i64: 1, 64>}, {pipeline_mode = #tpu.pipeline_mode<synchronous>, transform_indices = @transform_3, window_bounds = array<i64: 64, 128>}, {pipeline_mode = #tpu.pipeline_mode<synchronous>, transform_indices = @transform_4, window_bounds = array<i64: 1, 128>}, {transform_indices = @transform_5, window_bounds = array<i64: 512, 128>}]} {
    %get3A = arith.constant 0 : index
    %get3A_0 = arith.constant 0 : index
    %get3A_1 = vector.load %arg1[%get3A, %get3A_0] : memref<512x8xf32, #tpu.memory_space<vmem>>, vector<512x8xf32>
    %get3A_2 = arith.constant 0 : index
    %get3A_3 = arith.constant 0 : index
    %get3A_4 = vector.load %arg2[%get3A_2, %get3A_3] : memref<8x64xf32, #tpu.memory_space<vmem>>, vector<8x64xf32>
    %dot_general3A = arith.constant dense<0.000000e+00> : vector<512x64xf32>
    %dot_general3A_5 = tpu.matmul %get3A_1, %get3A_4, %dot_general3A {dimension_numbers = #tpu.dot_dimension_numbers<[1], [0], [0], [1], [0, 0, 1, 1], [], []>, transpose_lhs_hint = false} : vector<512x8xf32>, vector<8x64xf32>, vector<512x64xf32> -> vector<512x64xf32>
    %get3A_6 = arith.constant 0 : index
    %get3A_7 = arith.constant 0 : index
    %get3A_8 = vector.load %arg3[%get3A_6, %get3A_7] : memref<1x64xf32, #tpu.memory_space<vmem>>, vector<1x64xf32>
    %add3A = vector.broadcast %get3A_8 : vector<1x64xf32> to vector<512x64xf32>
    %add3A_9 = arith.addf %dot_general3A_5, %add3A : vector<512x64xf32>
    %max3A = arith.constant 0.000000e+00 : f32
    %max3A_10 = vector.broadcast %max3A : f32 to vector<512x64xf32>
    %max3A_11 = arith.maximumf %add3A_9, %max3A_10 : vector<512x64xf32>
    %get3A_12 = arith.constant 0 : index
    %get3A_13 = arith.constant 0 : index
    %get3A_14 = vector.load %arg4[%get3A_12, %get3A_13] : memref<64x128xf32, #tpu.memory_space<vmem>>, vector<64x128xf32>
    %dot_general3A_15 = arith.constant dense<0.000000e+00> : vector<512x128xf32>
    %dot_general3A_16 = tpu.matmul %max3A_11, %get3A_14, %dot_general3A_15 {dimension_numbers = #tpu.dot_dimension_numbers<[1], [0], [0], [1], [0, 0, 1, 1], [], []>, transpose_lhs_hint = false} : vector<512x64xf32>, vector<64x128xf32>, vector<512x128xf32> -> vector<512x128xf32>
    %get3A_17 = arith.constant 0 : index
    %get3A_18 = arith.constant 0 : index
    %get3A_19 = vector.load %arg5[%get3A_17, %get3A_18] : memref<1x128xf32, #tpu.memory_space<vmem>>, vector<1x128xf32>
    %add3A_20 = vector.broadcast %get3A_19 : vector<1x128xf32> to vector<512x128xf32>
    %add3A_21 = arith.addf %dot_general3A_16, %add3A_20 : vector<512x128xf32>
    %swap3A = arith.constant 0 : index
    %swap3A_22 = arith.constant 0 : index
    %swap3A_23 = vector.load %arg6[%swap3A, %swap3A_22] : memref<512x128xf32, #tpu.memory_space<vmem>>, vector<512x128xf32>
    tpu.vector_store %arg6[%swap3A, %swap3A_22], %add3A_21 {strides = array<i32>} : memref<512x128xf32, #tpu.memory_space<vmem>>, vector<512x128xf32>,
    return
  }
  func.func @transform_0(%arg0: i32) -> (i32, i32) {
    %c0_i32 = arith.constant 0 : i32
    %c0_i32_0 = arith.constant 0 : i32
    return %arg0, %c0_i32 : i32, i32
  }
  func.func @transform_1(%arg0: i32) -> (i32, i32) {
    %c0_i32 = arith.constant 0 : i32
    %c0_i32_0 = arith.constant 0 : i32
    %c0_i32_1 = arith.constant 0 : i32
    return %c0_i32, %c0_i32_0 : i32, i32
  }
  func.func @transform_2(%arg0: i32) -> (i32, i32) {
    %c0_i32 = arith.constant 0 : i32
    %c0_i32_0 = arith.constant 0 : i32
    %c0_i32_1 = arith.constant 0 : i32
    return %c0_i32, %c0_i32_0 : i32, i32
  }
  func.func @transform_3(%arg0: i32) -> (i32, i32) {
    %c0_i32 = arith.constant 0 : i32
    %c0_i32_0 = arith.constant 0 : i32
    %c0_i32_1 = arith.constant 0 : i32
    return %c0_i32, %c0_i32_0 : i32, i32
  }
  func.func @transform_4(%arg0: i32) -> (i32, i32) {
    %c0_i32 = arith.constant 0 : i32
    %c0_i32_0 = arith.constant 0 : i32
    %c0_i32_1 = arith.constant 0 : i32
    return %c0_i32, %c0_i32_0 : i32, i32
  }
  func.func @transform_5(%arg0: i32) -> (i32, i32) {
    %c0_i32 = arith.constant 0 : i32
    %c0_i32_0 = arith.constant 0 : i32
    return %arg0, %c0_i32 : i32, i32
  }
}

module attributes {stable_mosaic.version = 14 : i64} {
  func.func @_tables_body(%arg0: i32, %arg1: memref<128x128xf32, #tpu.memory_space<vmem>>, %arg2: memref<128x256xf32, #tpu.memory_space<vmem>>, %arg3: memref<1x256xf32, #tpu.memory_space<vmem>>, %arg4: memref<128x256xf32, #tpu.memory_space<vmem>>) attributes {dimension_semantics = [#tpu.dimension_semantics<arbitrary>], iteration_bounds = array<i64: 80>, scalar_prefetch = 0 : i64, scratch_operands = 0 : i64, tpu.core_type = #tpu.core_type<tc>, window_params = [{transform_indices = @transform_0, window_bounds = array<i64: 128, 128>}, {pipeline_mode = #tpu.pipeline_mode<synchronous>, transform_indices = @transform_1, window_bounds = array<i64: 128, 256>}, {pipeline_mode = #tpu.pipeline_mode<synchronous>, transform_indices = @transform_2, window_bounds = array<i64: 1, 256>}, {transform_indices = @transform_3, window_bounds = array<i64: 128, 256>}]} {
    %get3A = arith.constant 0 : index
    %get3A_0 = arith.constant 0 : index
    %get3A_1 = vector.load %arg1[%get3A, %get3A_0] : memref<128x128xf32, #tpu.memory_space<vmem>>, vector<128x128xf32>
    %get3A_2 = arith.constant 0 : index
    %get3A_3 = arith.constant 0 : index
    %get3A_4 = vector.load %arg2[%get3A_2, %get3A_3] : memref<128x256xf32, #tpu.memory_space<vmem>>, vector<128x256xf32>
    %dot_general3A = arith.constant dense<0.000000e+00> : vector<128x256xf32>
    %dot_general3A_5 = tpu.matmul %get3A_1, %get3A_4, %dot_general3A {dimension_numbers = #tpu.dot_dimension_numbers<[1], [0], [0], [1], [0, 0, 1, 1], [], []>, transpose_lhs_hint = false} : vector<128x128xf32>, vector<128x256xf32>, vector<128x256xf32> -> vector<128x256xf32>
    %get3A_6 = arith.constant 0 : index
    %get3A_7 = arith.constant 0 : index
    %get3A_8 = vector.load %arg3[%get3A_6, %get3A_7] : memref<1x256xf32, #tpu.memory_space<vmem>>, vector<1x256xf32>
    %add3A = vector.broadcast %get3A_8 : vector<1x256xf32> to vector<128x256xf32>
    %add3A_9 = arith.addf %dot_general3A_5, %add3A : vector<128x256xf32>
    %swap3A = arith.constant 0 : index
    %swap3A_10 = arith.constant 0 : index
    %swap3A_11 = vector.load %arg4[%swap3A, %swap3A_10] : memref<128x256xf32, #tpu.memory_space<vmem>>, vector<128x256xf32>
    tpu.vector_store %arg4[%swap3A, %swap3A_10], %add3A_9 {strides = array<i32>} : memref<128x256xf32, #tpu.memory_space<vmem>>, vector<128x256xf32>,
    return
  }
  func.func @transform_0(%arg0: i32) -> (i32, i32) {
    %c0_i32 = arith.constant 0 : i32
    %c0_i32_0 = arith.constant 0 : i32
    return %arg0, %c0_i32 : i32, i32
  }
  func.func @transform_1(%arg0: i32) -> (i32, i32) {
    %c0_i32 = arith.constant 0 : i32
    %c0_i32_0 = arith.constant 0 : i32
    %c0_i32_1 = arith.constant 0 : i32
    return %c0_i32, %c0_i32_0 : i32, i32
  }
  func.func @transform_2(%arg0: i32) -> (i32, i32) {
    %c0_i32 = arith.constant 0 : i32
    %c0_i32_0 = arith.constant 0 : i32
    %c0_i32_1 = arith.constant 0 : i32
    return %c0_i32, %c0_i32_0 : i32, i32
  }
  func.func @transform_3(%arg0: i32) -> (i32, i32) {
    %c0_i32 = arith.constant 0 : i32
    %c0_i32_0 = arith.constant 0 : i32
    return %arg0, %c0_i32 : i32, i32
  }
}

module attributes {stable_mosaic.version = 14 : i64} {
  func.func @_mlp2_body(%arg0: i32, %arg1: memref<512x256xf32, #tpu.memory_space<vmem>>, %arg2: memref<512x8xf32, #tpu.memory_space<vmem>>, %arg3: memref<1x512x1xi32, #tpu.memory_space<vmem>>, %arg4: memref<80x128xi32, #tpu.memory_space<vmem>>, %arg5: memref<80x128xi32, #tpu.memory_space<vmem>>, %arg6: memref<8x256xf32, #tpu.memory_space<vmem>>, %arg7: memref<256x512xf32, #tpu.memory_space<vmem>>, %arg8: memref<1x512xf32, #tpu.memory_space<vmem>>, %arg9: memref<16x512xf32, #tpu.memory_space<vmem>>) attributes {dimension_semantics = [#tpu.dimension_semantics<arbitrary>], iteration_bounds = array<i64: 625>, scalar_prefetch = 0 : i64, scratch_operands = 0 : i64, tpu.core_type = #tpu.core_type<tc>, window_params = [{transform_indices = @transform_0, window_bounds = array<i64: 512, 256>}, {transform_indices = @transform_1, window_bounds = array<i64: 512, 8>}, {transform_indices = @transform_2, window_bounds = array<i64: 1, 512, 1>}, {pipeline_mode = #tpu.pipeline_mode<synchronous>, transform_indices = @transform_3, window_bounds = array<i64: 80, 128>}, {pipeline_mode = #tpu.pipeline_mode<synchronous>, transform_indices = @transform_4, window_bounds = array<i64: 80, 128>}, {pipeline_mode = #tpu.pipeline_mode<synchronous>, transform_indices = @transform_5, window_bounds = array<i64: 8, 256>}, {pipeline_mode = #tpu.pipeline_mode<synchronous>, transform_indices = @transform_6, window_bounds = array<i64: 256, 512>}, {pipeline_mode = #tpu.pipeline_mode<synchronous>, transform_indices = @transform_7, window_bounds = array<i64: 1, 512>}, {pipeline_mode = #tpu.pipeline_mode<synchronous>, transform_indices = @transform_8, window_bounds = array<i64: 16, 512>}]} {
    %eq3A = arith.constant 0 : i32
    %eq3A_0 = arith.cmpi eq, %arg0, %eq3A : i32
    %convert_element_type3A = arith.extui %eq3A_0 : i1 to i32
    %cond3A = arith.constant 0 : i32
    %cond3A_1 = arith.cmpi ne, %convert_element_type3A, %cond3A : i32
    scf.if %cond3A_1 {
      %broadcast_in_dim3A_427 = arith.constant 0xFF800000 : f32
      %broadcast_in_dim3A_428 = vector.broadcast %broadcast_in_dim3A_427 : f32 to vector<16x512xf32>
      %swap3A_429 = arith.constant 0 : index
      %swap3A_430 = arith.constant 0 : index
      %swap3A_431 = vector.load %arg9[%swap3A_429, %swap3A_430] : memref<16x512xf32, #tpu.memory_space<vmem>>, vector<16x512xf32>
      tpu.vector_store %arg9[%swap3A_429, %swap3A_430], %broadcast_in_dim3A_428 {strides = array<i32>} : memref<16x512xf32, #tpu.memory_space<vmem>>, vector<16x512xf32>,
    } else {
    }
    %get3A = arith.constant 0 : index
    %get3A_2 = arith.constant 0 : index
    %get3A_3 = vector.load %arg2[%get3A, %get3A_2] : memref<512x8xf32, #tpu.memory_space<vmem>>, vector<512x8xf32>
    %get3A_4 = arith.constant 0 : index
    %get3A_5 = arith.constant 0 : index
    %get3A_6 = vector.load %arg1[%get3A_4, %get3A_5] : memref<512x256xf32, #tpu.memory_space<vmem>>, vector<512x256xf32>
    %get3A_7 = arith.constant 0 : index
    %get3A_8 = arith.constant 0 : index
    %get3A_9 = vector.load %arg6[%get3A_7, %get3A_8] : memref<8x256xf32, #tpu.memory_space<vmem>>, vector<8x256xf32>
    %dot_general3A = arith.constant dense<0.000000e+00> : vector<512x256xf32>
    %dot_general3A_10 = tpu.matmul %get3A_3, %get3A_9, %dot_general3A {dimension_numbers = #tpu.dot_dimension_numbers<[1], [0], [0], [1], [0, 0, 1, 1], [], []>, transpose_lhs_hint = false} : vector<512x8xf32>, vector<8x256xf32>, vector<512x256xf32> -> vector<512x256xf32>
    %add3A = arith.addf %get3A_6, %dot_general3A_10 : vector<512x256xf32>
    %max3A = arith.constant 0.000000e+00 : f32
    %max3A_11 = vector.broadcast %max3A : f32 to vector<512x256xf32>
    %max3A_12 = arith.maximumf %add3A, %max3A_11 : vector<512x256xf32>
    %convert_element_type3A_13 = arith.truncf %max3A_12 : vector<512x256xf32> to vector<512x256xbf16>
    %get3A_14 = arith.constant 0 : index
    %get3A_15 = arith.constant 0 : index
    %get3A_16 = vector.load %arg7[%get3A_14, %get3A_15] : memref<256x512xf32, #tpu.memory_space<vmem>>, vector<256x512xf32>
    %convert_element_type3A_17 = arith.truncf %get3A_16 : vector<256x512xf32> to vector<256x512xbf16>
    %dot_general3A_18 = arith.constant dense<0.000000e+00> : vector<512x512xf32>
    %dot_general3A_19 = tpu.matmul %convert_element_type3A_13, %convert_element_type3A_17, %dot_general3A_18 {dimension_numbers = #tpu.dot_dimension_numbers<[1], [0], [0], [1], [0, 0, 1, 1], [], []>, transpose_lhs_hint = false} : vector<512x256xbf16>, vector<256x512xbf16>, vector<512x512xf32> -> vector<512x512xf32>
    %get3A_20 = arith.constant 0 : index
    %get3A_21 = arith.constant 0 : index
    %get3A_22 = vector.load %arg8[%get3A_20, %get3A_21] : memref<1x512xf32, #tpu.memory_space<vmem>>, vector<1x512xf32>
    %add3A_23 = vector.broadcast %get3A_22 : vector<1x512xf32> to vector<512x512xf32>
    %add3A_24 = arith.addf %dot_general3A_19, %add3A_23 : vector<512x512xf32>
    %get3A_25 = arith.constant 0 : index
    %get3A_26 = arith.constant 0 : index
    %get3A_27 = arith.constant 0 : index
    %get3A_28 = vector.load %arg3[%get3A_25, %get3A_26, %get3A_27] : memref<1x512x1xi32, #tpu.memory_space<vmem>>, vector<1x512x1xi32>
    %get3A_29 = vector.shape_cast %get3A_28 : vector<1x512x1xi32> to vector<512x1xi32>
    %get3A_30 = arith.constant 0 : index
    %get3A_31 = arith.constant 0 : index
    %get3A_32 = vector.load %arg4[%get3A_30, %get3A_31] : memref<80x128xi32, #tpu.memory_space<vmem>>, vector<80x128xi32>
    %broadcast_in_dim3A = arith.constant 0 : i32
    %broadcast_in_dim3A_33 = vector.broadcast %broadcast_in_dim3A : i32 to vector<512x1xi32>
    %lt3A = arith.constant 1 : i32
    %lt3A_34 = vector.broadcast %lt3A : i32 to vector<80x128xi32>
    %lt3A_35 = arith.cmpi slt, %get3A_32, %lt3A_34 : vector<80x128xi32>
    %convert_element_type3A_36 = arith.extui %lt3A_35 : vector<80x128xi1> to vector<80x128xi32>
    %reduce_sum3A = vector.shape_cast %convert_element_type3A_36 : vector<80x128xi32> to vector<1x80x128xi32>
    %reduce_sum3A_37 = arith.constant dense<0> : vector<1xi32>
    %reduce_sum3A_38 = vector.multi_reduction <add>, %reduce_sum3A, %reduce_sum3A_37 [1, 2] : vector<1x80x128xi32> to vector<1xi32>
    %reduce_sum3A_39 = vector.shape_cast %reduce_sum3A_38 : vector<1xi32> to vector<1x1x1xi32>
    %reduce_sum3A_40 = vector.extract %reduce_sum3A_39[0, 0, 0] : i32 from vector<1x1x1xi32>
    %ge3A = vector.broadcast %reduce_sum3A_40 : i32 to vector<512x1xi32>
    %ge3A_41 = arith.cmpi sge, %get3A_29, %ge3A : vector<512x1xi32>
    %convert_element_type3A_42 = arith.extui %ge3A_41 : vector<512x1xi1> to vector<512x1xi32>
    %add3A_43 = arith.addi %broadcast_in_dim3A_33, %convert_element_type3A_42 : vector<512x1xi32>
    %lt3A_44 = arith.constant 2 : i32
    %lt3A_45 = vector.broadcast %lt3A_44 : i32 to vector<80x128xi32>
    %lt3A_46 = arith.cmpi slt, %get3A_32, %lt3A_45 : vector<80x128xi32>
    %convert_element_type3A_47 = arith.extui %lt3A_46 : vector<80x128xi1> to vector<80x128xi32>
    %reduce_sum3A_48 = vector.shape_cast %convert_element_type3A_47 : vector<80x128xi32> to vector<1x80x128xi32>
    %reduce_sum3A_49 = arith.constant dense<0> : vector<1xi32>
    %reduce_sum3A_50 = vector.multi_reduction <add>, %reduce_sum3A_48, %reduce_sum3A_49 [1, 2] : vector<1x80x128xi32> to vector<1xi32>
    %reduce_sum3A_51 = vector.shape_cast %reduce_sum3A_50 : vector<1xi32> to vector<1x1x1xi32>
    %reduce_sum3A_52 = vector.extract %reduce_sum3A_51[0, 0, 0] : i32 from vector<1x1x1xi32>
    %ge3A_53 = vector.broadcast %reduce_sum3A_52 : i32 to vector<512x1xi32>
    %ge3A_54 = arith.cmpi sge, %get3A_29, %ge3A_53 : vector<512x1xi32>
    %convert_element_type3A_55 = arith.extui %ge3A_54 : vector<512x1xi1> to vector<512x1xi32>
    %add3A_56 = arith.addi %add3A_43, %convert_element_type3A_55 : vector<512x1xi32>
    %lt3A_57 = arith.constant 3 : i32
    %lt3A_58 = vector.broadcast %lt3A_57 : i32 to vector<80x128xi32>
    %lt3A_59 = arith.cmpi slt, %get3A_32, %lt3A_58 : vector<80x128xi32>
    %convert_element_type3A_60 = arith.extui %lt3A_59 : vector<80x128xi1> to vector<80x128xi32>
    %reduce_sum3A_61 = vector.shape_cast %convert_element_type3A_60 : vector<80x128xi32> to vector<1x80x128xi32>
    %reduce_sum3A_62 = arith.constant dense<0> : vector<1xi32>
    %reduce_sum3A_63 = vector.multi_reduction <add>, %reduce_sum3A_61, %reduce_sum3A_62 [1, 2] : vector<1x80x128xi32> to vector<1xi32>
    %reduce_sum3A_64 = vector.shape_cast %reduce_sum3A_63 : vector<1xi32> to vector<1x1x1xi32>
    %reduce_sum3A_65 = vector.extract %reduce_sum3A_64[0, 0, 0] : i32 from vector<1x1x1xi32>
    %ge3A_66 = vector.broadcast %reduce_sum3A_65 : i32 to vector<512x1xi32>
    %ge3A_67 = arith.cmpi sge, %get3A_29, %ge3A_66 : vector<512x1xi32>
    %convert_element_type3A_68 = arith.extui %ge3A_67 : vector<512x1xi1> to vector<512x1xi32>
    %add3A_69 = arith.addi %add3A_56, %convert_element_type3A_68 : vector<512x1xi32>
    %lt3A_70 = arith.constant 4 : i32
    %lt3A_71 = vector.broadcast %lt3A_70 : i32 to vector<80x128xi32>
    %lt3A_72 = arith.cmpi slt, %get3A_32, %lt3A_71 : vector<80x128xi32>
    %convert_element_type3A_73 = arith.extui %lt3A_72 : vector<80x128xi1> to vector<80x128xi32>
    %reduce_sum3A_74 = vector.shape_cast %convert_element_type3A_73 : vector<80x128xi32> to vector<1x80x128xi32>
    %reduce_sum3A_75 = arith.constant dense<0> : vector<1xi32>
    %reduce_sum3A_76 = vector.multi_reduction <add>, %reduce_sum3A_74, %reduce_sum3A_75 [1, 2] : vector<1x80x128xi32> to vector<1xi32>
    %reduce_sum3A_77 = vector.shape_cast %reduce_sum3A_76 : vector<1xi32> to vector<1x1x1xi32>
    %reduce_sum3A_78 = vector.extract %reduce_sum3A_77[0, 0, 0] : i32 from vector<1x1x1xi32>
    %ge3A_79 = vector.broadcast %reduce_sum3A_78 : i32 to vector<512x1xi32>
    %ge3A_80 = arith.cmpi sge, %get3A_29, %ge3A_79 : vector<512x1xi32>
    %convert_element_type3A_81 = arith.extui %ge3A_80 : vector<512x1xi1> to vector<512x1xi32>
    %add3A_82 = arith.addi %add3A_69, %convert_element_type3A_81 : vector<512x1xi32>
    %lt3A_83 = arith.constant 5 : i32
    %lt3A_84 = vector.broadcast %lt3A_83 : i32 to vector<80x128xi32>
    %lt3A_85 = arith.cmpi slt, %get3A_32, %lt3A_84 : vector<80x128xi32>
    %convert_element_type3A_86 = arith.extui %lt3A_85 : vector<80x128xi1> to vector<80x128xi32>
    %reduce_sum3A_87 = vector.shape_cast %convert_element_type3A_86 : vector<80x128xi32> to vector<1x80x128xi32>
    %reduce_sum3A_88 = arith.constant dense<0> : vector<1xi32>
    %reduce_sum3A_89 = vector.multi_reduction <add>, %reduce_sum3A_87, %reduce_sum3A_88 [1, 2] : vector<1x80x128xi32> to vector<1xi32>
    %reduce_sum3A_90 = vector.shape_cast %reduce_sum3A_89 : vector<1xi32> to vector<1x1x1xi32>
    %reduce_sum3A_91 = vector.extract %reduce_sum3A_90[0, 0, 0] : i32 from vector<1x1x1xi32>
    %ge3A_92 = vector.broadcast %reduce_sum3A_91 : i32 to vector<512x1xi32>
    %ge3A_93 = arith.cmpi sge, %get3A_29, %ge3A_92 : vector<512x1xi32>
    %convert_element_type3A_94 = arith.extui %ge3A_93 : vector<512x1xi1> to vector<512x1xi32>
    %add3A_95 = arith.addi %add3A_82, %convert_element_type3A_94 : vector<512x1xi32>
    %lt3A_96 = arith.constant 6 : i32
    %lt3A_97 = vector.broadcast %lt3A_96 : i32 to vector<80x128xi32>
    %lt3A_98 = arith.cmpi slt, %get3A_32, %lt3A_97 : vector<80x128xi32>
    %convert_element_type3A_99 = arith.extui %lt3A_98 : vector<80x128xi1> to vector<80x128xi32>
    %reduce_sum3A_100 = vector.shape_cast %convert_element_type3A_99 : vector<80x128xi32> to vector<1x80x128xi32>
    %reduce_sum3A_101 = arith.constant dense<0> : vector<1xi32>
    %reduce_sum3A_102 = vector.multi_reduction <add>, %reduce_sum3A_100, %reduce_sum3A_101 [1, 2] : vector<1x80x128xi32> to vector<1xi32>
    %reduce_sum3A_103 = vector.shape_cast %reduce_sum3A_102 : vector<1xi32> to vector<1x1x1xi32>
    %reduce_sum3A_104 = vector.extract %reduce_sum3A_103[0, 0, 0] : i32 from vector<1x1x1xi32>
    %ge3A_105 = vector.broadcast %reduce_sum3A_104 : i32 to vector<512x1xi32>
    %ge3A_106 = arith.cmpi sge, %get3A_29, %ge3A_105 : vector<512x1xi32>
    %convert_element_type3A_107 = arith.extui %ge3A_106 : vector<512x1xi1> to vector<512x1xi32>
    %add3A_108 = arith.addi %add3A_95, %convert_element_type3A_107 : vector<512x1xi32>
    %lt3A_109 = arith.constant 7 : i32
    %lt3A_110 = vector.broadcast %lt3A_109 : i32 to vector<80x128xi32>
    %lt3A_111 = arith.cmpi slt, %get3A_32, %lt3A_110 : vector<80x128xi32>
    %convert_element_type3A_112 = arith.extui %lt3A_111 : vector<80x128xi1> to vector<80x128xi32>
    %reduce_sum3A_113 = vector.shape_cast %convert_element_type3A_112 : vector<80x128xi32> to vector<1x80x128xi32>
    %reduce_sum3A_114 = arith.constant dense<0> : vector<1xi32>
    %reduce_sum3A_115 = vector.multi_reduction <add>, %reduce_sum3A_113, %reduce_sum3A_114 [1, 2] : vector<1x80x128xi32> to vector<1xi32>
    %reduce_sum3A_116 = vector.shape_cast %reduce_sum3A_115 : vector<1xi32> to vector<1x1x1xi32>
    %reduce_sum3A_117 = vector.extract %reduce_sum3A_116[0, 0, 0] : i32 from vector<1x1x1xi32>
    %ge3A_118 = vector.broadcast %reduce_sum3A_117 : i32 to vector<512x1xi32>
    %ge3A_119 = arith.cmpi sge, %get3A_29, %ge3A_118 : vector<512x1xi32>
    %convert_element_type3A_120 = arith.extui %ge3A_119 : vector<512x1xi1> to vector<512x1xi32>
    %add3A_121 = arith.addi %add3A_108, %convert_element_type3A_120 : vector<512x1xi32>
    %lt3A_122 = arith.constant 8 : i32
    %lt3A_123 = vector.broadcast %lt3A_122 : i32 to vector<80x128xi32>
    %lt3A_124 = arith.cmpi slt, %get3A_32, %lt3A_123 : vector<80x128xi32>
    %convert_element_type3A_125 = arith.extui %lt3A_124 : vector<80x128xi1> to vector<80x128xi32>
    %reduce_sum3A_126 = vector.shape_cast %convert_element_type3A_125 : vector<80x128xi32> to vector<1x80x128xi32>
    %reduce_sum3A_127 = arith.constant dense<0> : vector<1xi32>
    %reduce_sum3A_128 = vector.multi_reduction <add>, %reduce_sum3A_126, %reduce_sum3A_127 [1, 2] : vector<1x80x128xi32> to vector<1xi32>
    %reduce_sum3A_129 = vector.shape_cast %reduce_sum3A_128 : vector<1xi32> to vector<1x1x1xi32>
    %reduce_sum3A_130 = vector.extract %reduce_sum3A_129[0, 0, 0] : i32 from vector<1x1x1xi32>
    %ge3A_131 = vector.broadcast %reduce_sum3A_130 : i32 to vector<512x1xi32>
    %ge3A_132 = arith.cmpi sge, %get3A_29, %ge3A_131 : vector<512x1xi32>
    %convert_element_type3A_133 = arith.extui %ge3A_132 : vector<512x1xi1> to vector<512x1xi32>
    %add3A_134 = arith.addi %add3A_121, %convert_element_type3A_133 : vector<512x1xi32>
    %lt3A_135 = arith.constant 9 : i32
    %lt3A_136 = vector.broadcast %lt3A_135 : i32 to vector<80x128xi32>
    %lt3A_137 = arith.cmpi slt, %get3A_32, %lt3A_136 : vector<80x128xi32>
    %convert_element_type3A_138 = arith.extui %lt3A_137 : vector<80x128xi1> to vector<80x128xi32>
    %reduce_sum3A_139 = vector.shape_cast %convert_element_type3A_138 : vector<80x128xi32> to vector<1x80x128xi32>
    %reduce_sum3A_140 = arith.constant dense<0> : vector<1xi32>
    %reduce_sum3A_141 = vector.multi_reduction <add>, %reduce_sum3A_139, %reduce_sum3A_140 [1, 2] : vector<1x80x128xi32> to vector<1xi32>
    %reduce_sum3A_142 = vector.shape_cast %reduce_sum3A_141 : vector<1xi32> to vector<1x1x1xi32>
    %reduce_sum3A_143 = vector.extract %reduce_sum3A_142[0, 0, 0] : i32 from vector<1x1x1xi32>
    %ge3A_144 = vector.broadcast %reduce_sum3A_143 : i32 to vector<512x1xi32>
    %ge3A_145 = arith.cmpi sge, %get3A_29, %ge3A_144 : vector<512x1xi32>
    %convert_element_type3A_146 = arith.extui %ge3A_145 : vector<512x1xi1> to vector<512x1xi32>
    %add3A_147 = arith.addi %add3A_134, %convert_element_type3A_146 : vector<512x1xi32>
    %lt3A_148 = arith.constant 10 : i32
    %lt3A_149 = vector.broadcast %lt3A_148 : i32 to vector<80x128xi32>
    %lt3A_150 = arith.cmpi slt, %get3A_32, %lt3A_149 : vector<80x128xi32>
    %convert_element_type3A_151 = arith.extui %lt3A_150 : vector<80x128xi1> to vector<80x128xi32>
    %reduce_sum3A_152 = vector.shape_cast %convert_element_type3A_151 : vector<80x128xi32> to vector<1x80x128xi32>
    %reduce_sum3A_153 = arith.constant dense<0> : vector<1xi32>
    %reduce_sum3A_154 = vector.multi_reduction <add>, %reduce_sum3A_152, %reduce_sum3A_153 [1, 2] : vector<1x80x128xi32> to vector<1xi32>
    %reduce_sum3A_155 = vector.shape_cast %reduce_sum3A_154 : vector<1xi32> to vector<1x1x1xi32>
    %reduce_sum3A_156 = vector.extract %reduce_sum3A_155[0, 0, 0] : i32 from vector<1x1x1xi32>
    %ge3A_157 = vector.broadcast %reduce_sum3A_156 : i32 to vector<512x1xi32>
    %ge3A_158 = arith.cmpi sge, %get3A_29, %ge3A_157 : vector<512x1xi32>
    %convert_element_type3A_159 = arith.extui %ge3A_158 : vector<512x1xi1> to vector<512x1xi32>
    %add3A_160 = arith.addi %add3A_147, %convert_element_type3A_159 : vector<512x1xi32>
    %lt3A_161 = arith.constant 11 : i32
    %lt3A_162 = vector.broadcast %lt3A_161 : i32 to vector<80x128xi32>
    %lt3A_163 = arith.cmpi slt, %get3A_32, %lt3A_162 : vector<80x128xi32>
    %convert_element_type3A_164 = arith.extui %lt3A_163 : vector<80x128xi1> to vector<80x128xi32>
    %reduce_sum3A_165 = vector.shape_cast %convert_element_type3A_164 : vector<80x128xi32> to vector<1x80x128xi32>
    %reduce_sum3A_166 = arith.constant dense<0> : vector<1xi32>
    %reduce_sum3A_167 = vector.multi_reduction <add>, %reduce_sum3A_165, %reduce_sum3A_166 [1, 2] : vector<1x80x128xi32> to vector<1xi32>
    %reduce_sum3A_168 = vector.shape_cast %reduce_sum3A_167 : vector<1xi32> to vector<1x1x1xi32>
    %reduce_sum3A_169 = vector.extract %reduce_sum3A_168[0, 0, 0] : i32 from vector<1x1x1xi32>
    %ge3A_170 = vector.broadcast %reduce_sum3A_169 : i32 to vector<512x1xi32>
    %ge3A_171 = arith.cmpi sge, %get3A_29, %ge3A_170 : vector<512x1xi32>
    %convert_element_type3A_172 = arith.extui %ge3A_171 : vector<512x1xi1> to vector<512x1xi32>
    %add3A_173 = arith.addi %add3A_160, %convert_element_type3A_172 : vector<512x1xi32>
    %lt3A_174 = arith.constant 12 : i32
    %lt3A_175 = vector.broadcast %lt3A_174 : i32 to vector<80x128xi32>
    %lt3A_176 = arith.cmpi slt, %get3A_32, %lt3A_175 : vector<80x128xi32>
    %convert_element_type3A_177 = arith.extui %lt3A_176 : vector<80x128xi1> to vector<80x128xi32>
    %reduce_sum3A_178 = vector.shape_cast %convert_element_type3A_177 : vector<80x128xi32> to vector<1x80x128xi32>
    %reduce_sum3A_179 = arith.constant dense<0> : vector<1xi32>
    %reduce_sum3A_180 = vector.multi_reduction <add>, %reduce_sum3A_178, %reduce_sum3A_179 [1, 2] : vector<1x80x128xi32> to vector<1xi32>
    %reduce_sum3A_181 = vector.shape_cast %reduce_sum3A_180 : vector<1xi32> to vector<1x1x1xi32>
    %reduce_sum3A_182 = vector.extract %reduce_sum3A_181[0, 0, 0] : i32 from vector<1x1x1xi32>
    %ge3A_183 = vector.broadcast %reduce_sum3A_182 : i32 to vector<512x1xi32>
    %ge3A_184 = arith.cmpi sge, %get3A_29, %ge3A_183 : vector<512x1xi32>
    %convert_element_type3A_185 = arith.extui %ge3A_184 : vector<512x1xi1> to vector<512x1xi32>
    %add3A_186 = arith.addi %add3A_173, %convert_element_type3A_185 : vector<512x1xi32>
    %lt3A_187 = arith.constant 13 : i32
    %lt3A_188 = vector.broadcast %lt3A_187 : i32 to vector<80x128xi32>
    %lt3A_189 = arith.cmpi slt, %get3A_32, %lt3A_188 : vector<80x128xi32>
    %convert_element_type3A_190 = arith.extui %lt3A_189 : vector<80x128xi1> to vector<80x128xi32>
    %reduce_sum3A_191 = vector.shape_cast %convert_element_type3A_190 : vector<80x128xi32> to vector<1x80x128xi32>
    %reduce_sum3A_192 = arith.constant dense<0> : vector<1xi32>
    %reduce_sum3A_193 = vector.multi_reduction <add>, %reduce_sum3A_191, %reduce_sum3A_192 [1, 2] : vector<1x80x128xi32> to vector<1xi32>
    %reduce_sum3A_194 = vector.shape_cast %reduce_sum3A_193 : vector<1xi32> to vector<1x1x1xi32>
    %reduce_sum3A_195 = vector.extract %reduce_sum3A_194[0, 0, 0] : i32 from vector<1x1x1xi32>
    %ge3A_196 = vector.broadcast %reduce_sum3A_195 : i32 to vector<512x1xi32>
    %ge3A_197 = arith.cmpi sge, %get3A_29, %ge3A_196 : vector<512x1xi32>
    %convert_element_type3A_198 = arith.extui %ge3A_197 : vector<512x1xi1> to vector<512x1xi32>
    %add3A_199 = arith.addi %add3A_186, %convert_element_type3A_198 : vector<512x1xi32>
    %lt3A_200 = arith.constant 14 : i32
    %lt3A_201 = vector.broadcast %lt3A_200 : i32 to vector<80x128xi32>
    %lt3A_202 = arith.cmpi slt, %get3A_32, %lt3A_201 : vector<80x128xi32>
    %convert_element_type3A_203 = arith.extui %lt3A_202 : vector<80x128xi1> to vector<80x128xi32>
    %reduce_sum3A_204 = vector.shape_cast %convert_element_type3A_203 : vector<80x128xi32> to vector<1x80x128xi32>
    %reduce_sum3A_205 = arith.constant dense<0> : vector<1xi32>
    %reduce_sum3A_206 = vector.multi_reduction <add>, %reduce_sum3A_204, %reduce_sum3A_205 [1, 2] : vector<1x80x128xi32> to vector<1xi32>
    %reduce_sum3A_207 = vector.shape_cast %reduce_sum3A_206 : vector<1xi32> to vector<1x1x1xi32>
    %reduce_sum3A_208 = vector.extract %reduce_sum3A_207[0, 0, 0] : i32 from vector<1x1x1xi32>
    %ge3A_209 = vector.broadcast %reduce_sum3A_208 : i32 to vector<512x1xi32>
    %ge3A_210 = arith.cmpi sge, %get3A_29, %ge3A_209 : vector<512x1xi32>
    %convert_element_type3A_211 = arith.extui %ge3A_210 : vector<512x1xi1> to vector<512x1xi32>
    %add3A_212 = arith.addi %add3A_199, %convert_element_type3A_211 : vector<512x1xi32>
    %lt3A_213 = arith.constant 15 : i32
    %lt3A_214 = vector.broadcast %lt3A_213 : i32 to vector<80x128xi32>
    %lt3A_215 = arith.cmpi slt, %get3A_32, %lt3A_214 : vector<80x128xi32>
    %convert_element_type3A_216 = arith.extui %lt3A_215 : vector<80x128xi1> to vector<80x128xi32>
    %reduce_sum3A_217 = vector.shape_cast %convert_element_type3A_216 : vector<80x128xi32> to vector<1x80x128xi32>
    %reduce_sum3A_218 = arith.constant dense<0> : vector<1xi32>
    %reduce_sum3A_219 = vector.multi_reduction <add>, %reduce_sum3A_217, %reduce_sum3A_218 [1, 2] : vector<1x80x128xi32> to vector<1xi32>
    %reduce_sum3A_220 = vector.shape_cast %reduce_sum3A_219 : vector<1xi32> to vector<1x1x1xi32>
    %reduce_sum3A_221 = vector.extract %reduce_sum3A_220[0, 0, 0] : i32 from vector<1x1x1xi32>
    %ge3A_222 = vector.broadcast %reduce_sum3A_221 : i32 to vector<512x1xi32>
    %ge3A_223 = arith.cmpi sge, %get3A_29, %ge3A_222 : vector<512x1xi32>
    %convert_element_type3A_224 = arith.extui %ge3A_223 : vector<512x1xi1> to vector<512x1xi32>
    %add3A_225 = arith.addi %add3A_212, %convert_element_type3A_224 : vector<512x1xi32>
    %convert_element_type3A_226 = arith.truncf %add3A_24 : vector<512x512xf32> to vector<512x512xbf16>
    %get3A_227 = arith.constant 0 : index
    %get3A_228 = arith.constant 0 : index
    %get3A_229 = vector.load %arg9[%get3A_227, %get3A_228] : memref<16x512xf32, #tpu.memory_space<vmem>>, vector<16x512xf32>
    %eq3A_230 = arith.constant 0 : i32
    %eq3A_231 = vector.broadcast %eq3A_230 : i32 to vector<512x1xi32>
    %eq3A_232 = arith.cmpi eq, %add3A_225, %eq3A_231 : vector<512x1xi32>
    %jit3A = arith.constant 0xFF80 : bf16
    %broadcast_in_dim3A_233 = vector.shape_cast %eq3A_232 : vector<512x1xi1> to vector<512x1xi1>
    %broadcast_in_dim3A_234 = vector.broadcast %broadcast_in_dim3A_233 : vector<512x1xi1> to vector<512x512xi1>
    %broadcast_in_dim3A_235 = vector.broadcast %jit3A : bf16 to vector<512x512xbf16>
    %select_n3A = arith.select %broadcast_in_dim3A_234, %convert_element_type3A_226, %broadcast_in_dim3A_235 : vector<512x512xi1>, vector<512x512xbf16>
    %reduce_max3A = arith.constant dense<0xFF80> : vector<512xbf16>
    %reduce_max3A_236 = vector.multi_reduction <maximumf>, %select_n3A, %reduce_max3A [0] : vector<512x512xbf16> to vector<512xbf16>
    %broadcast_in_dim3A_237 = vector.shape_cast %reduce_max3A_236 : vector<512xbf16> to vector<1x512xbf16>
    %convert_element_type3A_238 = arith.extf %broadcast_in_dim3A_237 : vector<1x512xbf16> to vector<1x512xf32>
    %eq3A_239 = arith.constant 1 : i32
    %eq3A_240 = vector.broadcast %eq3A_239 : i32 to vector<512x1xi32>
    %eq3A_241 = arith.cmpi eq, %add3A_225, %eq3A_240 : vector<512x1xi32>
    %jit3A_242 = arith.constant 0xFF80 : bf16
    %broadcast_in_dim3A_243 = vector.shape_cast %eq3A_241 : vector<512x1xi1> to vector<512x1xi1>
    %broadcast_in_dim3A_244 = vector.broadcast %broadcast_in_dim3A_243 : vector<512x1xi1> to vector<512x512xi1>
    %broadcast_in_dim3A_245 = vector.broadcast %jit3A_242 : bf16 to vector<512x512xbf16>
    %select_n3A_246 = arith.select %broadcast_in_dim3A_244, %convert_element_type3A_226, %broadcast_in_dim3A_245 : vector<512x512xi1>, vector<512x512xbf16>
    %reduce_max3A_247 = arith.constant dense<0xFF80> : vector<512xbf16>
    %reduce_max3A_248 = vector.multi_reduction <maximumf>, %select_n3A_246, %reduce_max3A_247 [0] : vector<512x512xbf16> to vector<512xbf16>
    %broadcast_in_dim3A_249 = vector.shape_cast %reduce_max3A_248 : vector<512xbf16> to vector<1x512xbf16>
    %convert_element_type3A_250 = arith.extf %broadcast_in_dim3A_249 : vector<1x512xbf16> to vector<1x512xf32>
    %eq3A_251 = arith.constant 2 : i32
    %eq3A_252 = vector.broadcast %eq3A_251 : i32 to vector<512x1xi32>
    %eq3A_253 = arith.cmpi eq, %add3A_225, %eq3A_252 : vector<512x1xi32>
    %jit3A_254 = arith.constant 0xFF80 : bf16
    %broadcast_in_dim3A_255 = vector.shape_cast %eq3A_253 : vector<512x1xi1> to vector<512x1xi1>
    %broadcast_in_dim3A_256 = vector.broadcast %broadcast_in_dim3A_255 : vector<512x1xi1> to vector<512x512xi1>
    %broadcast_in_dim3A_257 = vector.broadcast %jit3A_254 : bf16 to vector<512x512xbf16>
    %select_n3A_258 = arith.select %broadcast_in_dim3A_256, %convert_element_type3A_226, %broadcast_in_dim3A_257 : vector<512x512xi1>, vector<512x512xbf16>
    %reduce_max3A_259 = arith.constant dense<0xFF80> : vector<512xbf16>
    %reduce_max3A_260 = vector.multi_reduction <maximumf>, %select_n3A_258, %reduce_max3A_259 [0] : vector<512x512xbf16> to vector<512xbf16>
    %broadcast_in_dim3A_261 = vector.shape_cast %reduce_max3A_260 : vector<512xbf16> to vector<1x512xbf16>
    %convert_element_type3A_262 = arith.extf %broadcast_in_dim3A_261 : vector<1x512xbf16> to vector<1x512xf32>
    %eq3A_263 = arith.constant 3 : i32
    %eq3A_264 = vector.broadcast %eq3A_263 : i32 to vector<512x1xi32>
    %eq3A_265 = arith.cmpi eq, %add3A_225, %eq3A_264 : vector<512x1xi32>
    %jit3A_266 = arith.constant 0xFF80 : bf16
    %broadcast_in_dim3A_267 = vector.shape_cast %eq3A_265 : vector<512x1xi1> to vector<512x1xi1>
    %broadcast_in_dim3A_268 = vector.broadcast %broadcast_in_dim3A_267 : vector<512x1xi1> to vector<512x512xi1>
    %broadcast_in_dim3A_269 = vector.broadcast %jit3A_266 : bf16 to vector<512x512xbf16>
    %select_n3A_270 = arith.select %broadcast_in_dim3A_268, %convert_element_type3A_226, %broadcast_in_dim3A_269 : vector<512x512xi1>, vector<512x512xbf16>
    %reduce_max3A_271 = arith.constant dense<0xFF80> : vector<512xbf16>
    %reduce_max3A_272 = vector.multi_reduction <maximumf>, %select_n3A_270, %reduce_max3A_271 [0] : vector<512x512xbf16> to vector<512xbf16>
    %broadcast_in_dim3A_273 = vector.shape_cast %reduce_max3A_272 : vector<512xbf16> to vector<1x512xbf16>
    %convert_element_type3A_274 = arith.extf %broadcast_in_dim3A_273 : vector<1x512xbf16> to vector<1x512xf32>
    %eq3A_275 = arith.constant 4 : i32
    %eq3A_276 = vector.broadcast %eq3A_275 : i32 to vector<512x1xi32>
    %eq3A_277 = arith.cmpi eq, %add3A_225, %eq3A_276 : vector<512x1xi32>
    %jit3A_278 = arith.constant 0xFF80 : bf16
    %broadcast_in_dim3A_279 = vector.shape_cast %eq3A_277 : vector<512x1xi1> to vector<512x1xi1>
    %broadcast_in_dim3A_280 = vector.broadcast %broadcast_in_dim3A_279 : vector<512x1xi1> to vector<512x512xi1>
    %broadcast_in_dim3A_281 = vector.broadcast %jit3A_278 : bf16 to vector<512x512xbf16>
    %select_n3A_282 = arith.select %broadcast_in_dim3A_280, %convert_element_type3A_226, %broadcast_in_dim3A_281 : vector<512x512xi1>, vector<512x512xbf16>
    %reduce_max3A_283 = arith.constant dense<0xFF80> : vector<512xbf16>
    %reduce_max3A_284 = vector.multi_reduction <maximumf>, %select_n3A_282, %reduce_max3A_283 [0] : vector<512x512xbf16> to vector<512xbf16>
    %broadcast_in_dim3A_285 = vector.shape_cast %reduce_max3A_284 : vector<512xbf16> to vector<1x512xbf16>
    %convert_element_type3A_286 = arith.extf %broadcast_in_dim3A_285 : vector<1x512xbf16> to vector<1x512xf32>
    %eq3A_287 = arith.constant 5 : i32
    %eq3A_288 = vector.broadcast %eq3A_287 : i32 to vector<512x1xi32>
    %eq3A_289 = arith.cmpi eq, %add3A_225, %eq3A_288 : vector<512x1xi32>
    %jit3A_290 = arith.constant 0xFF80 : bf16
    %broadcast_in_dim3A_291 = vector.shape_cast %eq3A_289 : vector<512x1xi1> to vector<512x1xi1>
    %broadcast_in_dim3A_292 = vector.broadcast %broadcast_in_dim3A_291 : vector<512x1xi1> to vector<512x512xi1>
    %broadcast_in_dim3A_293 = vector.broadcast %jit3A_290 : bf16 to vector<512x512xbf16>
    %select_n3A_294 = arith.select %broadcast_in_dim3A_292, %convert_element_type3A_226, %broadcast_in_dim3A_293 : vector<512x512xi1>, vector<512x512xbf16>
    %reduce_max3A_295 = arith.constant dense<0xFF80> : vector<512xbf16>
    %reduce_max3A_296 = vector.multi_reduction <maximumf>, %select_n3A_294, %reduce_max3A_295 [0] : vector<512x512xbf16> to vector<512xbf16>
    %broadcast_in_dim3A_297 = vector.shape_cast %reduce_max3A_296 : vector<512xbf16> to vector<1x512xbf16>
    %convert_element_type3A_298 = arith.extf %broadcast_in_dim3A_297 : vector<1x512xbf16> to vector<1x512xf32>
    %eq3A_299 = arith.constant 6 : i32
    %eq3A_300 = vector.broadcast %eq3A_299 : i32 to vector<512x1xi32>
    %eq3A_301 = arith.cmpi eq, %add3A_225, %eq3A_300 : vector<512x1xi32>
    %jit3A_302 = arith.constant 0xFF80 : bf16
    %broadcast_in_dim3A_303 = vector.shape_cast %eq3A_301 : vector<512x1xi1> to vector<512x1xi1>
    %broadcast_in_dim3A_304 = vector.broadcast %broadcast_in_dim3A_303 : vector<512x1xi1> to vector<512x512xi1>
    %broadcast_in_dim3A_305 = vector.broadcast %jit3A_302 : bf16 to vector<512x512xbf16>
    %select_n3A_306 = arith.select %broadcast_in_dim3A_304, %convert_element_type3A_226, %broadcast_in_dim3A_305 : vector<512x512xi1>, vector<512x512xbf16>
    %reduce_max3A_307 = arith.constant dense<0xFF80> : vector<512xbf16>
    %reduce_max3A_308 = vector.multi_reduction <maximumf>, %select_n3A_306, %reduce_max3A_307 [0] : vector<512x512xbf16> to vector<512xbf16>
    %broadcast_in_dim3A_309 = vector.shape_cast %reduce_max3A_308 : vector<512xbf16> to vector<1x512xbf16>
    %convert_element_type3A_310 = arith.extf %broadcast_in_dim3A_309 : vector<1x512xbf16> to vector<1x512xf32>
    %eq3A_311 = arith.constant 7 : i32
    %eq3A_312 = vector.broadcast %eq3A_311 : i32 to vector<512x1xi32>
    %eq3A_313 = arith.cmpi eq, %add3A_225, %eq3A_312 : vector<512x1xi32>
    %jit3A_314 = arith.constant 0xFF80 : bf16
    %broadcast_in_dim3A_315 = vector.shape_cast %eq3A_313 : vector<512x1xi1> to vector<512x1xi1>
    %broadcast_in_dim3A_316 = vector.broadcast %broadcast_in_dim3A_315 : vector<512x1xi1> to vector<512x512xi1>
    %broadcast_in_dim3A_317 = vector.broadcast %jit3A_314 : bf16 to vector<512x512xbf16>
    %select_n3A_318 = arith.select %broadcast_in_dim3A_316, %convert_element_type3A_226, %broadcast_in_dim3A_317 : vector<512x512xi1>, vector<512x512xbf16>
    %reduce_max3A_319 = arith.constant dense<0xFF80> : vector<512xbf16>
    %reduce_max3A_320 = vector.multi_reduction <maximumf>, %select_n3A_318, %reduce_max3A_319 [0] : vector<512x512xbf16> to vector<512xbf16>
    %broadcast_in_dim3A_321 = vector.shape_cast %reduce_max3A_320 : vector<512xbf16> to vector<1x512xbf16>
    %convert_element_type3A_322 = arith.extf %broadcast_in_dim3A_321 : vector<1x512xbf16> to vector<1x512xf32>
    %eq3A_323 = arith.constant 8 : i32
    %eq3A_324 = vector.broadcast %eq3A_323 : i32 to vector<512x1xi32>
    %eq3A_325 = arith.cmpi eq, %add3A_225, %eq3A_324 : vector<512x1xi32>
    %jit3A_326 = arith.constant 0xFF80 : bf16
    %broadcast_in_dim3A_327 = vector.shape_cast %eq3A_325 : vector<512x1xi1> to vector<512x1xi1>
    %broadcast_in_dim3A_328 = vector.broadcast %broadcast_in_dim3A_327 : vector<512x1xi1> to vector<512x512xi1>
    %broadcast_in_dim3A_329 = vector.broadcast %jit3A_326 : bf16 to vector<512x512xbf16>
    %select_n3A_330 = arith.select %broadcast_in_dim3A_328, %convert_element_type3A_226, %broadcast_in_dim3A_329 : vector<512x512xi1>, vector<512x512xbf16>
    %reduce_max3A_331 = arith.constant dense<0xFF80> : vector<512xbf16>
    %reduce_max3A_332 = vector.multi_reduction <maximumf>, %select_n3A_330, %reduce_max3A_331 [0] : vector<512x512xbf16> to vector<512xbf16>
    %broadcast_in_dim3A_333 = vector.shape_cast %reduce_max3A_332 : vector<512xbf16> to vector<1x512xbf16>
    %convert_element_type3A_334 = arith.extf %broadcast_in_dim3A_333 : vector<1x512xbf16> to vector<1x512xf32>
    %eq3A_335 = arith.constant 9 : i32
    %eq3A_336 = vector.broadcast %eq3A_335 : i32 to vector<512x1xi32>
    %eq3A_337 = arith.cmpi eq, %add3A_225, %eq3A_336 : vector<512x1xi32>
    %jit3A_338 = arith.constant 0xFF80 : bf16
    %broadcast_in_dim3A_339 = vector.shape_cast %eq3A_337 : vector<512x1xi1> to vector<512x1xi1>
    %broadcast_in_dim3A_340 = vector.broadcast %broadcast_in_dim3A_339 : vector<512x1xi1> to vector<512x512xi1>
    %broadcast_in_dim3A_341 = vector.broadcast %jit3A_338 : bf16 to vector<512x512xbf16>
    %select_n3A_342 = arith.select %broadcast_in_dim3A_340, %convert_element_type3A_226, %broadcast_in_dim3A_341 : vector<512x512xi1>, vector<512x512xbf16>
    %reduce_max3A_343 = arith.constant dense<0xFF80> : vector<512xbf16>
    %reduce_max3A_344 = vector.multi_reduction <maximumf>, %select_n3A_342, %reduce_max3A_343 [0] : vector<512x512xbf16> to vector<512xbf16>
    %broadcast_in_dim3A_345 = vector.shape_cast %reduce_max3A_344 : vector<512xbf16> to vector<1x512xbf16>
    %convert_element_type3A_346 = arith.extf %broadcast_in_dim3A_345 : vector<1x512xbf16> to vector<1x512xf32>
    %eq3A_347 = arith.constant 10 : i32
    %eq3A_348 = vector.broadcast %eq3A_347 : i32 to vector<512x1xi32>
    %eq3A_349 = arith.cmpi eq, %add3A_225, %eq3A_348 : vector<512x1xi32>
    %jit3A_350 = arith.constant 0xFF80 : bf16
    %broadcast_in_dim3A_351 = vector.shape_cast %eq3A_349 : vector<512x1xi1> to vector<512x1xi1>
    %broadcast_in_dim3A_352 = vector.broadcast %broadcast_in_dim3A_351 : vector<512x1xi1> to vector<512x512xi1>
    %broadcast_in_dim3A_353 = vector.broadcast %jit3A_350 : bf16 to vector<512x512xbf16>
    %select_n3A_354 = arith.select %broadcast_in_dim3A_352, %convert_element_type3A_226, %broadcast_in_dim3A_353 : vector<512x512xi1>, vector<512x512xbf16>
    %reduce_max3A_355 = arith.constant dense<0xFF80> : vector<512xbf16>
    %reduce_max3A_356 = vector.multi_reduction <maximumf>, %select_n3A_354, %reduce_max3A_355 [0] : vector<512x512xbf16> to vector<512xbf16>
    %broadcast_in_dim3A_357 = vector.shape_cast %reduce_max3A_356 : vector<512xbf16> to vector<1x512xbf16>
    %convert_element_type3A_358 = arith.extf %broadcast_in_dim3A_357 : vector<1x512xbf16> to vector<1x512xf32>
    %eq3A_359 = arith.constant 11 : i32
    %eq3A_360 = vector.broadcast %eq3A_359 : i32 to vector<512x1xi32>
    %eq3A_361 = arith.cmpi eq, %add3A_225, %eq3A_360 : vector<512x1xi32>
    %jit3A_362 = arith.constant 0xFF80 : bf16
    %broadcast_in_dim3A_363 = vector.shape_cast %eq3A_361 : vector<512x1xi1> to vector<512x1xi1>
    %broadcast_in_dim3A_364 = vector.broadcast %broadcast_in_dim3A_363 : vector<512x1xi1> to vector<512x512xi1>
    %broadcast_in_dim3A_365 = vector.broadcast %jit3A_362 : bf16 to vector<512x512xbf16>
    %select_n3A_366 = arith.select %broadcast_in_dim3A_364, %convert_element_type3A_226, %broadcast_in_dim3A_365 : vector<512x512xi1>, vector<512x512xbf16>
    %reduce_max3A_367 = arith.constant dense<0xFF80> : vector<512xbf16>
    %reduce_max3A_368 = vector.multi_reduction <maximumf>, %select_n3A_366, %reduce_max3A_367 [0] : vector<512x512xbf16> to vector<512xbf16>
    %broadcast_in_dim3A_369 = vector.shape_cast %reduce_max3A_368 : vector<512xbf16> to vector<1x512xbf16>
    %convert_element_type3A_370 = arith.extf %broadcast_in_dim3A_369 : vector<1x512xbf16> to vector<1x512xf32>
    %eq3A_371 = arith.constant 12 : i32
    %eq3A_372 = vector.broadcast %eq3A_371 : i32 to vector<512x1xi32>
    %eq3A_373 = arith.cmpi eq, %add3A_225, %eq3A_372 : vector<512x1xi32>
    %jit3A_374 = arith.constant 0xFF80 : bf16
    %broadcast_in_dim3A_375 = vector.shape_cast %eq3A_373 : vector<512x1xi1> to vector<512x1xi1>
    %broadcast_in_dim3A_376 = vector.broadcast %broadcast_in_dim3A_375 : vector<512x1xi1> to vector<512x512xi1>
    %broadcast_in_dim3A_377 = vector.broadcast %jit3A_374 : bf16 to vector<512x512xbf16>
    %select_n3A_378 = arith.select %broadcast_in_dim3A_376, %convert_element_type3A_226, %broadcast_in_dim3A_377 : vector<512x512xi1>, vector<512x512xbf16>
    %reduce_max3A_379 = arith.constant dense<0xFF80> : vector<512xbf16>
    %reduce_max3A_380 = vector.multi_reduction <maximumf>, %select_n3A_378, %reduce_max3A_379 [0] : vector<512x512xbf16> to vector<512xbf16>
    %broadcast_in_dim3A_381 = vector.shape_cast %reduce_max3A_380 : vector<512xbf16> to vector<1x512xbf16>
    %convert_element_type3A_382 = arith.extf %broadcast_in_dim3A_381 : vector<1x512xbf16> to vector<1x512xf32>
    %eq3A_383 = arith.constant 13 : i32
    %eq3A_384 = vector.broadcast %eq3A_383 : i32 to vector<512x1xi32>
    %eq3A_385 = arith.cmpi eq, %add3A_225, %eq3A_384 : vector<512x1xi32>
    %jit3A_386 = arith.constant 0xFF80 : bf16
    %broadcast_in_dim3A_387 = vector.shape_cast %eq3A_385 : vector<512x1xi1> to vector<512x1xi1>
    %broadcast_in_dim3A_388 = vector.broadcast %broadcast_in_dim3A_387 : vector<512x1xi1> to vector<512x512xi1>
    %broadcast_in_dim3A_389 = vector.broadcast %jit3A_386 : bf16 to vector<512x512xbf16>
    %select_n3A_390 = arith.select %broadcast_in_dim3A_388, %convert_element_type3A_226, %broadcast_in_dim3A_389 : vector<512x512xi1>, vector<512x512xbf16>
    %reduce_max3A_391 = arith.constant dense<0xFF80> : vector<512xbf16>
    %reduce_max3A_392 = vector.multi_reduction <maximumf>, %select_n3A_390, %reduce_max3A_391 [0] : vector<512x512xbf16> to vector<512xbf16>
    %broadcast_in_dim3A_393 = vector.shape_cast %reduce_max3A_392 : vector<512xbf16> to vector<1x512xbf16>
    %convert_element_type3A_394 = arith.extf %broadcast_in_dim3A_393 : vector<1x512xbf16> to vector<1x512xf32>
    %eq3A_395 = arith.constant 14 : i32
    %eq3A_396 = vector.broadcast %eq3A_395 : i32 to vector<512x1xi32>
    %eq3A_397 = arith.cmpi eq, %add3A_225, %eq3A_396 : vector<512x1xi32>
    %jit3A_398 = arith.constant 0xFF80 : bf16
    %broadcast_in_dim3A_399 = vector.shape_cast %eq3A_397 : vector<512x1xi1> to vector<512x1xi1>
    %broadcast_in_dim3A_400 = vector.broadcast %broadcast_in_dim3A_399 : vector<512x1xi1> to vector<512x512xi1>
    %broadcast_in_dim3A_401 = vector.broadcast %jit3A_398 : bf16 to vector<512x512xbf16>
    %select_n3A_402 = arith.select %broadcast_in_dim3A_400, %convert_element_type3A_226, %broadcast_in_dim3A_401 : vector<512x512xi1>, vector<512x512xbf16>
    %reduce_max3A_403 = arith.constant dense<0xFF80> : vector<512xbf16>
    %reduce_max3A_404 = vector.multi_reduction <maximumf>, %select_n3A_402, %reduce_max3A_403 [0] : vector<512x512xbf16> to vector<512xbf16>
    %broadcast_in_dim3A_405 = vector.shape_cast %reduce_max3A_404 : vector<512xbf16> to vector<1x512xbf16>
    %convert_element_type3A_406 = arith.extf %broadcast_in_dim3A_405 : vector<1x512xbf16> to vector<1x512xf32>
    %eq3A_407 = arith.constant 15 : i32
    %eq3A_408 = vector.broadcast %eq3A_407 : i32 to vector<512x1xi32>
    %eq3A_409 = arith.cmpi eq, %add3A_225, %eq3A_408 : vector<512x1xi32>
    %jit3A_410 = arith.constant 0xFF80 : bf16
    %broadcast_in_dim3A_411 = vector.shape_cast %eq3A_409 : vector<512x1xi1> to vector<512x1xi1>
    %broadcast_in_dim3A_412 = vector.broadcast %broadcast_in_dim3A_411 : vector<512x1xi1> to vector<512x512xi1>
    %broadcast_in_dim3A_413 = vector.broadcast %jit3A_410 : bf16 to vector<512x512xbf16>
    %select_n3A_414 = arith.select %broadcast_in_dim3A_412, %convert_element_type3A_226, %broadcast_in_dim3A_413 : vector<512x512xi1>, vector<512x512xbf16>
    %reduce_max3A_415 = arith.constant dense<0xFF80> : vector<512xbf16>
    %reduce_max3A_416 = vector.multi_reduction <maximumf>, %select_n3A_414, %reduce_max3A_415 [0] : vector<512x512xbf16> to vector<512xbf16>
    %broadcast_in_dim3A_417 = vector.shape_cast %reduce_max3A_416 : vector<512xbf16> to vector<1x512xbf16>
    %convert_element_type3A_418 = arith.extf %broadcast_in_dim3A_417 : vector<1x512xbf16> to vector<1x512xf32>
    %concatenate3A = tpu.concatenate %convert_element_type3A_238, %convert_element_type3A_250, %convert_element_type3A_262, %convert_element_type3A_274, %convert_element_type3A_286, %convert_element_type3A_298, %convert_element_type3A_310, %convert_element_type3A_322, %convert_element_type3A_334, %convert_element_type3A_346, %convert_element_type3A_358, %convert_element_type3A_370, %convert_element_type3A_382, %convert_element_type3A_394, %convert_element_type3A_406, %convert_element_type3A_418 in 0 : vector<1x512xf32>, vector<1x512xf32>, vector<1x512xf32>, vector<1x512xf32>, vector<1x512xf32>, vector<1x512xf32>, vector<1x512xf32>, vector<1x512xf32>, vector<1x512xf32>, vector<1x512xf32>, vector<1x512xf32>, vector<1x512xf32>, vector<1x512xf32>, vector<1x512xf32>, vector<1x512xf32>, vector<1x512xf32> -> vector<16x512xf32>
    %max3A_419 = arith.maximumf %get3A_229, %concatenate3A : vector<16x512xf32>
    %swap3A = arith.constant 0 : index
    %swap3A_420 = arith.constant 0 : index
    %swap3A_421 = vector.load %arg9[%swap3A, %swap3A_420] : memref<16x512xf32, #tpu.memory_space<vmem>>, vector<16x512xf32>
    tpu.vector_store %arg9[%swap3A, %swap3A_420], %max3A_419 {strides = array<i32>} : memref<16x512xf32, #tpu.memory_space<vmem>>, vector<16x512xf32>,
    %eq3A_422 = arith.constant 624 : i32
    %eq3A_423 = arith.cmpi eq, %arg0, %eq3A_422 : i32
    %convert_element_type3A_424 = arith.extui %eq3A_423 : i1 to i32
    %cond3A_425 = arith.constant 0 : i32
    %cond3A_426 = arith.cmpi ne, %convert_element_type3A_424, %cond3A_425 : i32
    scf.if %cond3A_426 {
      %get3A_427 = arith.constant 0 : index
      %get3A_428 = arith.constant 0 : index
      %get3A_429 = vector.load %arg5[%get3A_427, %get3A_428] : memref<80x128xi32, #tpu.memory_space<vmem>>, vector<80x128xi32>
      %get3A_430 = arith.constant 0 : index
      %get3A_431 = arith.constant 0 : index
      %get3A_432 = vector.load %arg9[%get3A_430, %get3A_431] : memref<16x512xf32, #tpu.memory_space<vmem>>, vector<16x512xf32>
      %eq3A_433 = arith.constant 0 : i32
      %eq3A_434 = vector.broadcast %eq3A_433 : i32 to vector<80x128xi32>
      %eq3A_435 = arith.cmpi eq, %get3A_32, %eq3A_434 : vector<80x128xi32>
      %convert_element_type3A_436 = arith.extui %eq3A_435 : vector<80x128xi1> to vector<80x128xi32>
      %mul3A = arith.muli %get3A_429, %convert_element_type3A_436 : vector<80x128xi32>
      %reduce_sum3A_437 = vector.shape_cast %mul3A : vector<80x128xi32> to vector<1x80x128xi32>
      %reduce_sum3A_438 = arith.constant dense<0> : vector<1xi32>
      %reduce_sum3A_439 = vector.multi_reduction <add>, %reduce_sum3A_437, %reduce_sum3A_438 [1, 2] : vector<1x80x128xi32> to vector<1xi32>
      %reduce_sum3A_440 = vector.shape_cast %reduce_sum3A_439 : vector<1xi32> to vector<1x1x1xi32>
      %reduce_sum3A_441 = vector.extract %reduce_sum3A_440[0, 0, 0] : i32 from vector<1x1x1xi32>
      %gt3A = arith.constant 0 : i32
      %gt3A_442 = arith.cmpi sgt, %reduce_sum3A_441, %gt3A : i32
      %jit3A_443 = arith.constant 0.000000e+00 : f32
      %jit3A_444 = arith.constant 0xFF800000 : f32
      %select_n3A_445 = arith.select %gt3A_442, %jit3A_443, %jit3A_444 : f32
      %reshape3A = vector.broadcast %select_n3A_445 : f32 to vector<1x1xf32>
      %eq3A_446 = arith.constant 1 : i32
      %eq3A_447 = vector.broadcast %eq3A_446 : i32 to vector<80x128xi32>
      %eq3A_448 = arith.cmpi eq, %get3A_32, %eq3A_447 : vector<80x128xi32>
      %convert_element_type3A_449 = arith.extui %eq3A_448 : vector<80x128xi1> to vector<80x128xi32>
      %mul3A_450 = arith.muli %get3A_429, %convert_element_type3A_449 : vector<80x128xi32>
      %reduce_sum3A_451 = vector.shape_cast %mul3A_450 : vector<80x128xi32> to vector<1x80x128xi32>
      %reduce_sum3A_452 = arith.constant dense<0> : vector<1xi32>
      %reduce_sum3A_453 = vector.multi_reduction <add>, %reduce_sum3A_451, %reduce_sum3A_452 [1, 2] : vector<1x80x128xi32> to vector<1xi32>
      %reduce_sum3A_454 = vector.shape_cast %reduce_sum3A_453 : vector<1xi32> to vector<1x1x1xi32>
      %reduce_sum3A_455 = vector.extract %reduce_sum3A_454[0, 0, 0] : i32 from vector<1x1x1xi32>
      %gt3A_456 = arith.constant 0 : i32
      %gt3A_457 = arith.cmpi sgt, %reduce_sum3A_455, %gt3A_456 : i32
      %jit3A_458 = arith.constant 0.000000e+00 : f32
      %jit3A_459 = arith.constant 0xFF800000 : f32
      %select_n3A_460 = arith.select %gt3A_457, %jit3A_458, %jit3A_459 : f32
      %reshape3A_461 = vector.broadcast %select_n3A_460 : f32 to vector<1x1xf32>
      %eq3A_462 = arith.constant 2 : i32
      %eq3A_463 = vector.broadcast %eq3A_462 : i32 to vector<80x128xi32>
      %eq3A_464 = arith.cmpi eq, %get3A_32, %eq3A_463 : vector<80x128xi32>
      %convert_element_type3A_465 = arith.extui %eq3A_464 : vector<80x128xi1> to vector<80x128xi32>
      %mul3A_466 = arith.muli %get3A_429, %convert_element_type3A_465 : vector<80x128xi32>
      %reduce_sum3A_467 = vector.shape_cast %mul3A_466 : vector<80x128xi32> to vector<1x80x128xi32>
      %reduce_sum3A_468 = arith.constant dense<0> : vector<1xi32>
      %reduce_sum3A_469 = vector.multi_reduction <add>, %reduce_sum3A_467, %reduce_sum3A_468 [1, 2] : vector<1x80x128xi32> to vector<1xi32>
      %reduce_sum3A_470 = vector.shape_cast %reduce_sum3A_469 : vector<1xi32> to vector<1x1x1xi32>
      %reduce_sum3A_471 = vector.extract %reduce_sum3A_470[0, 0, 0] : i32 from vector<1x1x1xi32>
      %gt3A_472 = arith.constant 0 : i32
      %gt3A_473 = arith.cmpi sgt, %reduce_sum3A_471, %gt3A_472 : i32
      %jit3A_474 = arith.constant 0.000000e+00 : f32
      %jit3A_475 = arith.constant 0xFF800000 : f32
      %select_n3A_476 = arith.select %gt3A_473, %jit3A_474, %jit3A_475 : f32
      %reshape3A_477 = vector.broadcast %select_n3A_476 : f32 to vector<1x1xf32>
      %eq3A_478 = arith.constant 3 : i32
      %eq3A_479 = vector.broadcast %eq3A_478 : i32 to vector<80x128xi32>
      %eq3A_480 = arith.cmpi eq, %get3A_32, %eq3A_479 : vector<80x128xi32>
      %convert_element_type3A_481 = arith.extui %eq3A_480 : vector<80x128xi1> to vector<80x128xi32>
      %mul3A_482 = arith.muli %get3A_429, %convert_element_type3A_481 : vector<80x128xi32>
      %reduce_sum3A_483 = vector.shape_cast %mul3A_482 : vector<80x128xi32> to vector<1x80x128xi32>
      %reduce_sum3A_484 = arith.constant dense<0> : vector<1xi32>
      %reduce_sum3A_485 = vector.multi_reduction <add>, %reduce_sum3A_483, %reduce_sum3A_484 [1, 2] : vector<1x80x128xi32> to vector<1xi32>
      %reduce_sum3A_486 = vector.shape_cast %reduce_sum3A_485 : vector<1xi32> to vector<1x1x1xi32>
      %reduce_sum3A_487 = vector.extract %reduce_sum3A_486[0, 0, 0] : i32 from vector<1x1x1xi32>
      %gt3A_488 = arith.constant 0 : i32
      %gt3A_489 = arith.cmpi sgt, %reduce_sum3A_487, %gt3A_488 : i32
      %jit3A_490 = arith.constant 0.000000e+00 : f32
      %jit3A_491 = arith.constant 0xFF800000 : f32
      %select_n3A_492 = arith.select %gt3A_489, %jit3A_490, %jit3A_491 : f32
      %reshape3A_493 = vector.broadcast %select_n3A_492 : f32 to vector<1x1xf32>
      %eq3A_494 = arith.constant 4 : i32
      %eq3A_495 = vector.broadcast %eq3A_494 : i32 to vector<80x128xi32>
      %eq3A_496 = arith.cmpi eq, %get3A_32, %eq3A_495 : vector<80x128xi32>
      %convert_element_type3A_497 = arith.extui %eq3A_496 : vector<80x128xi1> to vector<80x128xi32>
      %mul3A_498 = arith.muli %get3A_429, %convert_element_type3A_497 : vector<80x128xi32>
      %reduce_sum3A_499 = vector.shape_cast %mul3A_498 : vector<80x128xi32> to vector<1x80x128xi32>
      %reduce_sum3A_500 = arith.constant dense<0> : vector<1xi32>
      %reduce_sum3A_501 = vector.multi_reduction <add>, %reduce_sum3A_499, %reduce_sum3A_500 [1, 2] : vector<1x80x128xi32> to vector<1xi32>
      %reduce_sum3A_502 = vector.shape_cast %reduce_sum3A_501 : vector<1xi32> to vector<1x1x1xi32>
      %reduce_sum3A_503 = vector.extract %reduce_sum3A_502[0, 0, 0] : i32 from vector<1x1x1xi32>
      %gt3A_504 = arith.constant 0 : i32
      %gt3A_505 = arith.cmpi sgt, %reduce_sum3A_503, %gt3A_504 : i32
      %jit3A_506 = arith.constant 0.000000e+00 : f32
      %jit3A_507 = arith.constant 0xFF800000 : f32
      %select_n3A_508 = arith.select %gt3A_505, %jit3A_506, %jit3A_507 : f32
      %reshape3A_509 = vector.broadcast %select_n3A_508 : f32 to vector<1x1xf32>
      %eq3A_510 = arith.constant 5 : i32
      %eq3A_511 = vector.broadcast %eq3A_510 : i32 to vector<80x128xi32>
      %eq3A_512 = arith.cmpi eq, %get3A_32, %eq3A_511 : vector<80x128xi32>
      %convert_element_type3A_513 = arith.extui %eq3A_512 : vector<80x128xi1> to vector<80x128xi32>
      %mul3A_514 = arith.muli %get3A_429, %convert_element_type3A_513 : vector<80x128xi32>
      %reduce_sum3A_515 = vector.shape_cast %mul3A_514 : vector<80x128xi32> to vector<1x80x128xi32>
      %reduce_sum3A_516 = arith.constant dense<0> : vector<1xi32>
      %reduce_sum3A_517 = vector.multi_reduction <add>, %reduce_sum3A_515, %reduce_sum3A_516 [1, 2] : vector<1x80x128xi32> to vector<1xi32>
      %reduce_sum3A_518 = vector.shape_cast %reduce_sum3A_517 : vector<1xi32> to vector<1x1x1xi32>
      %reduce_sum3A_519 = vector.extract %reduce_sum3A_518[0, 0, 0] : i32 from vector<1x1x1xi32>
      %gt3A_520 = arith.constant 0 : i32
      %gt3A_521 = arith.cmpi sgt, %reduce_sum3A_519, %gt3A_520 : i32
      %jit3A_522 = arith.constant 0.000000e+00 : f32
      %jit3A_523 = arith.constant 0xFF800000 : f32
      %select_n3A_524 = arith.select %gt3A_521, %jit3A_522, %jit3A_523 : f32
      %reshape3A_525 = vector.broadcast %select_n3A_524 : f32 to vector<1x1xf32>
      %eq3A_526 = arith.constant 6 : i32
      %eq3A_527 = vector.broadcast %eq3A_526 : i32 to vector<80x128xi32>
      %eq3A_528 = arith.cmpi eq, %get3A_32, %eq3A_527 : vector<80x128xi32>
      %convert_element_type3A_529 = arith.extui %eq3A_528 : vector<80x128xi1> to vector<80x128xi32>
      %mul3A_530 = arith.muli %get3A_429, %convert_element_type3A_529 : vector<80x128xi32>
      %reduce_sum3A_531 = vector.shape_cast %mul3A_530 : vector<80x128xi32> to vector<1x80x128xi32>
      %reduce_sum3A_532 = arith.constant dense<0> : vector<1xi32>
      %reduce_sum3A_533 = vector.multi_reduction <add>, %reduce_sum3A_531, %reduce_sum3A_532 [1, 2] : vector<1x80x128xi32> to vector<1xi32>
      %reduce_sum3A_534 = vector.shape_cast %reduce_sum3A_533 : vector<1xi32> to vector<1x1x1xi32>
      %reduce_sum3A_535 = vector.extract %reduce_sum3A_534[0, 0, 0] : i32 from vector<1x1x1xi32>
      %gt3A_536 = arith.constant 0 : i32
      %gt3A_537 = arith.cmpi sgt, %reduce_sum3A_535, %gt3A_536 : i32
      %jit3A_538 = arith.constant 0.000000e+00 : f32
      %jit3A_539 = arith.constant 0xFF800000 : f32
      %select_n3A_540 = arith.select %gt3A_537, %jit3A_538, %jit3A_539 : f32
      %reshape3A_541 = vector.broadcast %select_n3A_540 : f32 to vector<1x1xf32>
      %eq3A_542 = arith.constant 7 : i32
      %eq3A_543 = vector.broadcast %eq3A_542 : i32 to vector<80x128xi32>
      %eq3A_544 = arith.cmpi eq, %get3A_32, %eq3A_543 : vector<80x128xi32>
      %convert_element_type3A_545 = arith.extui %eq3A_544 : vector<80x128xi1> to vector<80x128xi32>
      %mul3A_546 = arith.muli %get3A_429, %convert_element_type3A_545 : vector<80x128xi32>
      %reduce_sum3A_547 = vector.shape_cast %mul3A_546 : vector<80x128xi32> to vector<1x80x128xi32>
      %reduce_sum3A_548 = arith.constant dense<0> : vector<1xi32>
      %reduce_sum3A_549 = vector.multi_reduction <add>, %reduce_sum3A_547, %reduce_sum3A_548 [1, 2] : vector<1x80x128xi32> to vector<1xi32>
      %reduce_sum3A_550 = vector.shape_cast %reduce_sum3A_549 : vector<1xi32> to vector<1x1x1xi32>
      %reduce_sum3A_551 = vector.extract %reduce_sum3A_550[0, 0, 0] : i32 from vector<1x1x1xi32>
      %gt3A_552 = arith.constant 0 : i32
      %gt3A_553 = arith.cmpi sgt, %reduce_sum3A_551, %gt3A_552 : i32
      %jit3A_554 = arith.constant 0.000000e+00 : f32
      %jit3A_555 = arith.constant 0xFF800000 : f32
      %select_n3A_556 = arith.select %gt3A_553, %jit3A_554, %jit3A_555 : f32
      %reshape3A_557 = vector.broadcast %select_n3A_556 : f32 to vector<1x1xf32>
      %eq3A_558 = arith.constant 8 : i32
      %eq3A_559 = vector.broadcast %eq3A_558 : i32 to vector<80x128xi32>
      %eq3A_560 = arith.cmpi eq, %get3A_32, %eq3A_559 : vector<80x128xi32>
      %convert_element_type3A_561 = arith.extui %eq3A_560 : vector<80x128xi1> to vector<80x128xi32>
      %mul3A_562 = arith.muli %get3A_429, %convert_element_type3A_561 : vector<80x128xi32>
      %reduce_sum3A_563 = vector.shape_cast %mul3A_562 : vector<80x128xi32> to vector<1x80x128xi32>
      %reduce_sum3A_564 = arith.constant dense<0> : vector<1xi32>
      %reduce_sum3A_565 = vector.multi_reduction <add>, %reduce_sum3A_563, %reduce_sum3A_564 [1, 2] : vector<1x80x128xi32> to vector<1xi32>
      %reduce_sum3A_566 = vector.shape_cast %reduce_sum3A_565 : vector<1xi32> to vector<1x1x1xi32>
      %reduce_sum3A_567 = vector.extract %reduce_sum3A_566[0, 0, 0] : i32 from vector<1x1x1xi32>
      %gt3A_568 = arith.constant 0 : i32
      %gt3A_569 = arith.cmpi sgt, %reduce_sum3A_567, %gt3A_568 : i32
      %jit3A_570 = arith.constant 0.000000e+00 : f32
      %jit3A_571 = arith.constant 0xFF800000 : f32
      %select_n3A_572 = arith.select %gt3A_569, %jit3A_570, %jit3A_571 : f32
      %reshape3A_573 = vector.broadcast %select_n3A_572 : f32 to vector<1x1xf32>
      %eq3A_574 = arith.constant 9 : i32
      %eq3A_575 = vector.broadcast %eq3A_574 : i32 to vector<80x128xi32>
      %eq3A_576 = arith.cmpi eq, %get3A_32, %eq3A_575 : vector<80x128xi32>
      %convert_element_type3A_577 = arith.extui %eq3A_576 : vector<80x128xi1> to vector<80x128xi32>
      %mul3A_578 = arith.muli %get3A_429, %convert_element_type3A_577 : vector<80x128xi32>
      %reduce_sum3A_579 = vector.shape_cast %mul3A_578 : vector<80x128xi32> to vector<1x80x128xi32>
      %reduce_sum3A_580 = arith.constant dense<0> : vector<1xi32>
      %reduce_sum3A_581 = vector.multi_reduction <add>, %reduce_sum3A_579, %reduce_sum3A_580 [1, 2] : vector<1x80x128xi32> to vector<1xi32>
      %reduce_sum3A_582 = vector.shape_cast %reduce_sum3A_581 : vector<1xi32> to vector<1x1x1xi32>
      %reduce_sum3A_583 = vector.extract %reduce_sum3A_582[0, 0, 0] : i32 from vector<1x1x1xi32>
      %gt3A_584 = arith.constant 0 : i32
      %gt3A_585 = arith.cmpi sgt, %reduce_sum3A_583, %gt3A_584 : i32
      %jit3A_586 = arith.constant 0.000000e+00 : f32
      %jit3A_587 = arith.constant 0xFF800000 : f32
      %select_n3A_588 = arith.select %gt3A_585, %jit3A_586, %jit3A_587 : f32
      %reshape3A_589 = vector.broadcast %select_n3A_588 : f32 to vector<1x1xf32>
      %eq3A_590 = arith.constant 10 : i32
      %eq3A_591 = vector.broadcast %eq3A_590 : i32 to vector<80x128xi32>
      %eq3A_592 = arith.cmpi eq, %get3A_32, %eq3A_591 : vector<80x128xi32>
      %convert_element_type3A_593 = arith.extui %eq3A_592 : vector<80x128xi1> to vector<80x128xi32>
      %mul3A_594 = arith.muli %get3A_429, %convert_element_type3A_593 : vector<80x128xi32>
      %reduce_sum3A_595 = vector.shape_cast %mul3A_594 : vector<80x128xi32> to vector<1x80x128xi32>
      %reduce_sum3A_596 = arith.constant dense<0> : vector<1xi32>
      %reduce_sum3A_597 = vector.multi_reduction <add>, %reduce_sum3A_595, %reduce_sum3A_596 [1, 2] : vector<1x80x128xi32> to vector<1xi32>
      %reduce_sum3A_598 = vector.shape_cast %reduce_sum3A_597 : vector<1xi32> to vector<1x1x1xi32>
      %reduce_sum3A_599 = vector.extract %reduce_sum3A_598[0, 0, 0] : i32 from vector<1x1x1xi32>
      %gt3A_600 = arith.constant 0 : i32
      %gt3A_601 = arith.cmpi sgt, %reduce_sum3A_599, %gt3A_600 : i32
      %jit3A_602 = arith.constant 0.000000e+00 : f32
      %jit3A_603 = arith.constant 0xFF800000 : f32
      %select_n3A_604 = arith.select %gt3A_601, %jit3A_602, %jit3A_603 : f32
      %reshape3A_605 = vector.broadcast %select_n3A_604 : f32 to vector<1x1xf32>
      %eq3A_606 = arith.constant 11 : i32
      %eq3A_607 = vector.broadcast %eq3A_606 : i32 to vector<80x128xi32>
      %eq3A_608 = arith.cmpi eq, %get3A_32, %eq3A_607 : vector<80x128xi32>
      %convert_element_type3A_609 = arith.extui %eq3A_608 : vector<80x128xi1> to vector<80x128xi32>
      %mul3A_610 = arith.muli %get3A_429, %convert_element_type3A_609 : vector<80x128xi32>
      %reduce_sum3A_611 = vector.shape_cast %mul3A_610 : vector<80x128xi32> to vector<1x80x128xi32>
      %reduce_sum3A_612 = arith.constant dense<0> : vector<1xi32>
      %reduce_sum3A_613 = vector.multi_reduction <add>, %reduce_sum3A_611, %reduce_sum3A_612 [1, 2] : vector<1x80x128xi32> to vector<1xi32>
      %reduce_sum3A_614 = vector.shape_cast %reduce_sum3A_613 : vector<1xi32> to vector<1x1x1xi32>
      %reduce_sum3A_615 = vector.extract %reduce_sum3A_614[0, 0, 0] : i32 from vector<1x1x1xi32>
      %gt3A_616 = arith.constant 0 : i32
      %gt3A_617 = arith.cmpi sgt, %reduce_sum3A_615, %gt3A_616 : i32
      %jit3A_618 = arith.constant 0.000000e+00 : f32
      %jit3A_619 = arith.constant 0xFF800000 : f32
      %select_n3A_620 = arith.select %gt3A_617, %jit3A_618, %jit3A_619 : f32
      %reshape3A_621 = vector.broadcast %select_n3A_620 : f32 to vector<1x1xf32>
      %eq3A_622 = arith.constant 12 : i32
      %eq3A_623 = vector.broadcast %eq3A_622 : i32 to vector<80x128xi32>
      %eq3A_624 = arith.cmpi eq, %get3A_32, %eq3A_623 : vector<80x128xi32>
      %convert_element_type3A_625 = arith.extui %eq3A_624 : vector<80x128xi1> to vector<80x128xi32>
      %mul3A_626 = arith.muli %get3A_429, %convert_element_type3A_625 : vector<80x128xi32>
      %reduce_sum3A_627 = vector.shape_cast %mul3A_626 : vector<80x128xi32> to vector<1x80x128xi32>
      %reduce_sum3A_628 = arith.constant dense<0> : vector<1xi32>
      %reduce_sum3A_629 = vector.multi_reduction <add>, %reduce_sum3A_627, %reduce_sum3A_628 [1, 2] : vector<1x80x128xi32> to vector<1xi32>
      %reduce_sum3A_630 = vector.shape_cast %reduce_sum3A_629 : vector<1xi32> to vector<1x1x1xi32>
      %reduce_sum3A_631 = vector.extract %reduce_sum3A_630[0, 0, 0] : i32 from vector<1x1x1xi32>
      %gt3A_632 = arith.constant 0 : i32
      %gt3A_633 = arith.cmpi sgt, %reduce_sum3A_631, %gt3A_632 : i32
      %jit3A_634 = arith.constant 0.000000e+00 : f32
      %jit3A_635 = arith.constant 0xFF800000 : f32
      %select_n3A_636 = arith.select %gt3A_633, %jit3A_634, %jit3A_635 : f32
      %reshape3A_637 = vector.broadcast %select_n3A_636 : f32 to vector<1x1xf32>
      %eq3A_638 = arith.constant 13 : i32
      %eq3A_639 = vector.broadcast %eq3A_638 : i32 to vector<80x128xi32>
      %eq3A_640 = arith.cmpi eq, %get3A_32, %eq3A_639 : vector<80x128xi32>
      %convert_element_type3A_641 = arith.extui %eq3A_640 : vector<80x128xi1> to vector<80x128xi32>
      %mul3A_642 = arith.muli %get3A_429, %convert_element_type3A_641 : vector<80x128xi32>
      %reduce_sum3A_643 = vector.shape_cast %mul3A_642 : vector<80x128xi32> to vector<1x80x128xi32>
      %reduce_sum3A_644 = arith.constant dense<0> : vector<1xi32>
      %reduce_sum3A_645 = vector.multi_reduction <add>, %reduce_sum3A_643, %reduce_sum3A_644 [1, 2] : vector<1x80x128xi32> to vector<1xi32>
      %reduce_sum3A_646 = vector.shape_cast %reduce_sum3A_645 : vector<1xi32> to vector<1x1x1xi32>
      %reduce_sum3A_647 = vector.extract %reduce_sum3A_646[0, 0, 0] : i32 from vector<1x1x1xi32>
      %gt3A_648 = arith.constant 0 : i32
      %gt3A_649 = arith.cmpi sgt, %reduce_sum3A_647, %gt3A_648 : i32
      %jit3A_650 = arith.constant 0.000000e+00 : f32
      %jit3A_651 = arith.constant 0xFF800000 : f32
      %select_n3A_652 = arith.select %gt3A_649, %jit3A_650, %jit3A_651 : f32
      %reshape3A_653 = vector.broadcast %select_n3A_652 : f32 to vector<1x1xf32>
      %eq3A_654 = arith.constant 14 : i32
      %eq3A_655 = vector.broadcast %eq3A_654 : i32 to vector<80x128xi32>
      %eq3A_656 = arith.cmpi eq, %get3A_32, %eq3A_655 : vector<80x128xi32>
      %convert_element_type3A_657 = arith.extui %eq3A_656 : vector<80x128xi1> to vector<80x128xi32>
      %mul3A_658 = arith.muli %get3A_429, %convert_element_type3A_657 : vector<80x128xi32>
      %reduce_sum3A_659 = vector.shape_cast %mul3A_658 : vector<80x128xi32> to vector<1x80x128xi32>
      %reduce_sum3A_660 = arith.constant dense<0> : vector<1xi32>
      %reduce_sum3A_661 = vector.multi_reduction <add>, %reduce_sum3A_659, %reduce_sum3A_660 [1, 2] : vector<1x80x128xi32> to vector<1xi32>
      %reduce_sum3A_662 = vector.shape_cast %reduce_sum3A_661 : vector<1xi32> to vector<1x1x1xi32>
      %reduce_sum3A_663 = vector.extract %reduce_sum3A_662[0, 0, 0] : i32 from vector<1x1x1xi32>
      %gt3A_664 = arith.constant 0 : i32
      %gt3A_665 = arith.cmpi sgt, %reduce_sum3A_663, %gt3A_664 : i32
      %jit3A_666 = arith.constant 0.000000e+00 : f32
      %jit3A_667 = arith.constant 0xFF800000 : f32
      %select_n3A_668 = arith.select %gt3A_665, %jit3A_666, %jit3A_667 : f32
      %reshape3A_669 = vector.broadcast %select_n3A_668 : f32 to vector<1x1xf32>
      %eq3A_670 = arith.constant 15 : i32
      %eq3A_671 = vector.broadcast %eq3A_670 : i32 to vector<80x128xi32>
      %eq3A_672 = arith.cmpi eq, %get3A_32, %eq3A_671 : vector<80x128xi32>
      %convert_element_type3A_673 = arith.extui %eq3A_672 : vector<80x128xi1> to vector<80x128xi32>
      %mul3A_674 = arith.muli %get3A_429, %convert_element_type3A_673 : vector<80x128xi32>
      %reduce_sum3A_675 = vector.shape_cast %mul3A_674 : vector<80x128xi32> to vector<1x80x128xi32>
      %reduce_sum3A_676 = arith.constant dense<0> : vector<1xi32>
      %reduce_sum3A_677 = vector.multi_reduction <add>, %reduce_sum3A_675, %reduce_sum3A_676 [1, 2] : vector<1x80x128xi32> to vector<1xi32>
      %reduce_sum3A_678 = vector.shape_cast %reduce_sum3A_677 : vector<1xi32> to vector<1x1x1xi32>
      %reduce_sum3A_679 = vector.extract %reduce_sum3A_678[0, 0, 0] : i32 from vector<1x1x1xi32>
      %gt3A_680 = arith.constant 0 : i32
      %gt3A_681 = arith.cmpi sgt, %reduce_sum3A_679, %gt3A_680 : i32
      %jit3A_682 = arith.constant 0.000000e+00 : f32
      %jit3A_683 = arith.constant 0xFF800000 : f32
      %select_n3A_684 = arith.select %gt3A_681, %jit3A_682, %jit3A_683 : f32
      %reshape3A_685 = vector.broadcast %select_n3A_684 : f32 to vector<1x1xf32>
      %concatenate3A_686 = tpu.concatenate %reshape3A, %reshape3A_461, %reshape3A_477, %reshape3A_493, %reshape3A_509, %reshape3A_525, %reshape3A_541, %reshape3A_557, %reshape3A_573, %reshape3A_589, %reshape3A_605, %reshape3A_621, %reshape3A_637, %reshape3A_653, %reshape3A_669, %reshape3A_685 in 0 : vector<1x1xf32>, vector<1x1xf32>, vector<1x1xf32>, vector<1x1xf32>, vector<1x1xf32>, vector<1x1xf32>, vector<1x1xf32>, vector<1x1xf32>, vector<1x1xf32>, vector<1x1xf32>, vector<1x1xf32>, vector<1x1xf32>, vector<1x1xf32>, vector<1x1xf32>, vector<1x1xf32>, vector<1x1xf32> -> vector<16x1xf32>
      %max3A_687 = vector.broadcast %concatenate3A_686 : vector<16x1xf32> to vector<16x512xf32>
      %max3A_688 = arith.maximumf %get3A_432, %max3A_687 : vector<16x512xf32>
      %is_finite3A = tpu.weird %max3A_688 : vector<16x512xf32> -> vector<16x512xi1>
      %is_finite3A_689 = arith.constant dense<true> : vector<16x512xi1>
      %is_finite3A_690 = arith.xori %is_finite3A, %is_finite3A_689 : vector<16x512xi1>
      %jit3A_691 = arith.constant 0.000000e+00 : f32
      %broadcast_in_dim3A_692 = vector.broadcast %jit3A_691 : f32 to vector<16x512xf32>
      %select_n3A_693 = arith.select %is_finite3A_690, %max3A_688, %broadcast_in_dim3A_692 : vector<16x512xi1>, vector<16x512xf32>
      %swap3A_694 = arith.constant 0 : index
      %swap3A_695 = arith.constant 0 : index
      %swap3A_696 = vector.load %arg9[%swap3A_694, %swap3A_695] : memref<16x512xf32, #tpu.memory_space<vmem>>, vector<16x512xf32>
      tpu.vector_store %arg9[%swap3A_694, %swap3A_695], %select_n3A_693 {strides = array<i32>} : memref<16x512xf32, #tpu.memory_space<vmem>>, vector<16x512xf32>,
    } else {
    }
    return
  }
  func.func @transform_0(%arg0: i32) -> (i32, i32) {
    %c0_i32 = arith.constant 0 : i32
    %c0_i32_0 = arith.constant 0 : i32
    return %arg0, %c0_i32 : i32, i32
  }
  func.func @transform_1(%arg0: i32) -> (i32, i32) {
    %c0_i32 = arith.constant 0 : i32
    %c0_i32_0 = arith.constant 0 : i32
    return %arg0, %c0_i32 : i32, i32
  }
  func.func @transform_2(%arg0: i32) -> (i32, i32, i32) {
    %c0_i32 = arith.constant 0 : i32
    %c0_i32_0 = arith.constant 0 : i32
    %c0_i32_1 = arith.constant 0 : i32
    return %arg0, %c0_i32, %c0_i32_0 : i32, i32, i32
  }
  func.func @transform_3(%arg0: i32) -> (i32, i32) {
    %c0_i32 = arith.constant 0 : i32
    %c0_i32_0 = arith.constant 0 : i32
    %c0_i32_1 = arith.constant 0 : i32
    return %c0_i32, %c0_i32_0 : i32, i32
  }
  func.func @transform_4(%arg0: i32) -> (i32, i32) {
    %c0_i32 = arith.constant 0 : i32
    %c0_i32_0 = arith.constant 0 : i32
    %c0_i32_1 = arith.constant 0 : i32
    return %c0_i32, %c0_i32_0 : i32, i32
  }
  func.func @transform_5(%arg0: i32) -> (i32, i32) {
    %c0_i32 = arith.constant 0 : i32
    %c0_i32_0 = arith.constant 0 : i32
    %c0_i32_1 = arith.constant 0 : i32
    return %c0_i32, %c0_i32_0 : i32, i32
  }
  func.func @transform_6(%arg0: i32) -> (i32, i32) {
    %c0_i32 = arith.constant 0 : i32
    %c0_i32_0 = arith.constant 0 : i32
    %c0_i32_1 = arith.constant 0 : i32
    return %c0_i32, %c0_i32_0 : i32, i32
  }
  func.func @transform_7(%arg0: i32) -> (i32, i32) {
    %c0_i32 = arith.constant 0 : i32
    %c0_i32_0 = arith.constant 0 : i32
    %c0_i32_1 = arith.constant 0 : i32
    return %c0_i32, %c0_i32_0 : i32, i32
  }
  func.func @transform_8(%arg0: i32) -> (i32, i32) {
    %c0_i32 = arith.constant 0 : i32
    %c0_i32_0 = arith.constant 0 : i32
    %c0_i32_1 = arith.constant 0 : i32
    return %c0_i32, %c0_i32_0 : i32, i32
  }
}

</mosaic_0001>

<sc_bundles>
// kernel: kernel.11.cloned.1.call-start
scs
__scs_entry_jumppad:
0x0: {  	(pc) =	sbr.rel $0x88, $3  }
0x1: {  	(tag) =	ssettag $0x0;
	lr =	simm.s32 $0x1  }
0x2: {  	[smem:$0x3F96] =	sst lr;
	_ =	strace $0xD0000000  }
0x3: {  	_ = 	snop  }
0x4: {  	_ = 	snop  }
0x5: {  	_ = 	snop  }
0x6: {  	_ = 	snop  }
0x7: {  	_ = 	snop  }
__scs_overlays_trampoline_lowered:
0x8: {  	[smem:$0x3FA5] =	sst s0  }
0x9: {  	[smem:$0x3FA6] =	sst s1  }
0xa: {  	[smem:$0x3FA7] =	sst s2  }
0xb: {  	[smem:$0x3FA8] =	sst s3  }
0xc: {  	[smem:$0x3FA9] =	sst s4  }
0xd: {  	[smem:$0x3FAA] =	sst s5  }
0xe: {  	[smem:$0x3FAB] =	sst s6  }
0xf: {  	[smem:$0x3FAC] =	sst s7  }
0x10: {  	[smem:$0x3FAD] =	sst s8  }
0x11: {  	[smem:$0x3FAE] =	sst s9;
	s0 =	simm.s32 @!p0 $0x0  }
0x12: {  	s1 =	sld [smem:$0x3F94];
	s0 =	simm.s32 @p0 $0x1  }
0x13: {  	[smem:$0x3FAF] =	sst s0;
	s0 =	simm.s32 @!p1 $0x0  }
0x14: {  	s2 =	sld [smem:$0x3F93];
	s0 =	simm.s32 @p1 $0x1  }
0x15: {  	[smem:$0x3FB0] =	sst s0;
	s0 =	simm.s32 @!p2 $0x0  }
0x16: {  	s3 =	sld [smem:$0x3FDB];
	s0 =	simm.s32 @p2 $0x1  }
0x17: {  	s4 =	simm.s32 $0x1BF5;
	[smem:$0x3FB2] =	sst s0  }
0x18: {  	s0 =	sld [smem:$0x3F95];
	_ =	swait.ge [sflag:s4], $0x0  }
0x19: {  	s7 =	sld [smem:$0x3F96]  }
0x1a: {  	s8 =	sadd.s32 $0xFFFFE003, lr  }
0x1b: {  	s9 =	sadd.s32 $0xFFFFFEF7, lr;
	s5 =	simm.s32 $0xFFFFFFFF;
	p2 =	slt.u32 s8, $0xFFFFF086  }
0x1c: {  	p1 =	slt.u32 s9, $0xF7A;
	s5 =	simm.s32 @!p2 $0x0  }
0x1d: {  	s5 =	simm.s32 @p1 $0x1;
	p0 =	seq.s32 s7, s2  }
0x1e: {  	s7 =	smul.u32 @!p0 $0xF7A, s2;
	p2 =	seq.s32 @!p0 s5, $0x0  }
0x1f: {  	s9 =	smul.u32 $0xF7A, s1;
	s8 =	simm.s32 @!p0 $0x1BF5;
	p2 =	por !p2, p0  }
0x20: {  	[sflag:s8] =	ssyncset.s32 @!p0 $0xFFFFF086;
	s6 =	sadd.s32 @!p0 s3, s7;
	s7 =	simm.s32 @!p0 $0x108  }
0x21: {  	s3 =	sadd.s32 s3, s9;
	s6 =	sadd.s32 @!p0 $0x88, s6;
	s7 =	simm.s32 @p2 $0x1082  }
0x22: {  	[simem:s7], [sflag:s8] =	dma.local @!p0 [hbm:s6], $0xF7A  }
0x23: {  	s9 =	sor.u32 $0xD0000000, s2;
	s6 =	simm.s32 $0x108;
	_ =	swait.ge @!p0 [sflag:s8], $0x0  }
0x24: {  	s3 =	sadd.s32 $0x88, s3;
	s6 =	simm.s32 @!p1 $0x1082;
	[sflag:s4] =	ssyncset.s32 $0xFFFFF086  }
0x25: {  	[simem:s6], [sflag:s4] =	dma.local [hbm:s3], $0xF7A  }
0x26: {  	[smem:$0x3F96] =	sst s1;
	(tag) =	ssettag s2;
	_ =	strace s9  }
0x27: {  	s1 =	sld [smem:$0x3FA6]  }
0x28: {  	s2 =	sld [smem:$0x3FA7]  }
0x29: {  	s4 =	sld [smem:$0x3FA9]  }
0x2a: {  	p0 =	seq.s32 s5, $0x0;
	s5 =	sld [smem:$0x3FAA]  }
0x2b: {  	s6 =	sld [smem:$0x3FAB]  }
0x2c: {  	s7 =	sld [smem:$0x3FAC]  }
0x2d: {  	s3 =	simm.s32 $0x108;
	s8 =	sld [smem:$0x3FAD]  }
0x2e: {  	s3 =	simm.s32 @!p0 $0x1082;
	s9 =	sld [smem:$0x3FAE]  }
0x2f: {  	lr =	sadd.s32 s0, s3;
	s0 =	sld [smem:$0x3FA5]  }
0x30: {  	s3 =	sld [smem:$0x3FA8]  }
0x31: {  	[smem:$0x3FB1] =	sst s10  }
0x32: {  	s10 =	sld [smem:$0x3FAF];
	_ =	sdelay $0x3  }
0x33: {  	p0 =	seq.s32 s10, $0x1;
	s10 =	sld [smem:$0x3FB1];
	_ =	sdelay $0x3  }
0x34: {  	[smem:$0x3FB1] =	sst s10  }
0x35: {  	s10 =	sld [smem:$0x3FB0];
	_ =	sdelay $0x3  }
0x36: {  	p1 =	seq.s32 s10, $0x1;
	s10 =	sld [smem:$0x3FB1];
	_ =	sdelay $0x3  }
0x37: {  	[smem:$0x3FB1] =	sst s10  }
0x38: {  	s10 =	sld [smem:$0x3FB2]  }
0x39: {  	_ = 	snop;
	(pc) =	sbr.ind lr, $3  }
0x3a: {  	_ = 	snop  }
0x3b: {  	_ = 	snop  }
0x3c: {  	p2 =	seq.s32 s10, $0x1;
	s10 =	sld [smem:$0x3FB1]  }
0x3d: {  	_ =	shalt  }
0x3e: {  	_ =	shalt  }
0x3f: {  	_ =	shalt  }
0x40: {  	_ =	shalt  }
0x41: {  	_ =	shalt  }
0x42: {  	_ =	shalt  }
0x43: {  	_ =	shalt  }
0x44: {  	_ =	shalt  }
0x45: {  	_ =	shalt  }
0x46: {  	_ =	shalt  }
0x47: {  	_ =	shalt  }
0x48: {  	_ =	shalt  }
0x49: {  	_ =	shalt  }
0x4a: {  	_ =	shalt  }
0x4b: {  	_ =	shalt  }
0x4c: {  	_ =	shalt  }
0x4d: {  	_ =	shalt  }
0x4e: {  	_ =	shalt  }
0x4f: {  	_ =	shalt  }
0x50: {  	_ =	shalt  }
0x51: {  	_ =	shalt  }
0x52: {  	_ =	shalt  }
0x53: {  	_ =	shalt  }
0x54: {  	_ =	shalt  }
0x55: {  	_ =	shalt  }
0x56: {  	_ =	shalt  }
0x57: {  	_ =	shalt  }
0x58: {  	_ =	shalt  }
0x59: {  	_ =	shalt  }
0x5a: {  	_ =	shalt  }
0x5b: {  	_ =	shalt  }
0x5c: {  	_ =	shalt  }
0x5d: {  	_ =	shalt  }
0x5e: {  	_ =	shalt  }
0x5f: {  	_ =	shalt  }
0x60: {  	_ =	shalt  }
0x61: {  	_ =	shalt  }
0x62: {  	_ =	shalt  }
0x63: {  	_ =	shalt  }
0x64: {  	_ =	shalt  }
0x65: {  	_ =	shalt  }
0x66: {  	_ =	shalt  }
0x67: {  	_ =	shalt  }
0x68: {  	_ =	shalt  }
0x69: {  	_ =	shalt  }
0x6a: {  	_ =	shalt  }
0x6b: {  	_ =	shalt  }
0x6c: {  	_ =	shalt  }
0x6d: {  	_ =	shalt  }
0x6e: {  	_ =	shalt  }
0x6f: {  	_ =	shalt  }
0x70: {  	_ =	shalt  }
0x71: {  	_ =	shalt  }
0x72: {  	_ =	shalt  }
0x73: {  	_ =	shalt  }
0x74: {  	_ =	shalt  }
0x75: {  	_ =	shalt  }
0x76: {  	_ =	shalt  }
0x77: {  	_ =	shalt  }
0x78: {  	_ =	shalt  }
0x79: {  	_ =	shalt  }
0x7a: {  	_ =	shalt  }
0x7b: {  	_ =	shalt  }
0x7c: {  	_ =	shalt  }
0x7d: {  	_ =	shalt  }
0x7e: {  	_ =	shalt  }
0x7f: {  	_ =	shalt  }
0x80: {  	_ =	shalt  }
0x81: {  	_ =	shalt  }
0x82: {  	_ =	shalt  }
0x83: {  	_ =	shalt  }
0x84: {  	_ =	shalt  }
0x85: {  	_ =	shalt  }
0x86: {  	_ =	shalt  }
0x87: {  	_ =	shalt  }
.Lfunc_end0:
.L_simem_size_0:
called_computation.1_lowered:
.L_overlay_start_0:
0x88: {  	s2 =	sld [smem:$0x3FD9]  }
0x89: {  	s3 =	sld [smem:$0x3FFE];
	_ =	sdelay $0x1  }
0x8a: {  	s1 =	srdreg.scid  }
0x8b: {  	s0 =	sand.u32 $0x1, s1  }
0x8c: {  	s16 =	sshll.u32 s0, $0xA;
	s2 =	sadd.s32 s3, s2  }
0x8d: {  	s2 =	sadd.s32 s2, s16  }
0x8e: {  	[smem:$0x3FBD] =	sst s2  }
0x8f: {  	_ = 	snop  }
0x90: {  	(tm) =	ssettm $0x1  }
0x91: {  	s17 =	sld [smem:$0x3FFB];
	_ =	sdelay $0x3  }
0x92: {  	_ =	strace s17  }
0x93: {  	s2 =	sld [smem:$0x3FFC];
	_ =	sdelay $0x3  }
0x94: {  	_ =	strace s2  }
0x95: {  	s2 =	sld [smem:$0x3FFD];
	_ =	sdelay $0x3  }
0x96: {  	_ =	strace s2  }
0x97: {  	_ =	strace $0x8FFFFFFF  }
0x98: {  	s18 =	sld [smem:$0x3FDB];
	_ =	sdelay $0x1  }
0x99: {  	s19 =	simm.s32 $_scs_section_size  }
0x9a: {  	s4 =	simm.s32 $_size__tile_overlayer_lowered;
	s5 =	simm.s32 $_tile_overlayer_lowered  }
0x9b: {  	s22 =	simm.s32 $0x1BFF;
	s21 =	sshll.u32 s5, $0x1;
	s2 =	sadd.s32 s19, s18  }
0x9c: {  	s6 =	simm.s32 $0x0;
	s20 =	sshll.u32 s4, $0x1;
	s4 =	sadd.s32 s21, s2  }
0x9d: {  	[timem:s6], [sflag:s22] =	dma.local [hbm:s4], s20  }
0x9e: {  	_ =	swait.ge [sflag:s22], s20  }
0x9f: {  	s3 =	ssub.s32 $0x0, s20;
	[sflag:s22] =	ssyncset.done $0x0  }
0xa0: {  	[sflag:s22] =	ssyncadd.s32 s3;
	_ =	sdelay $0x1  }
0xa1: {  	s23 =	simm.s32 $0x1B8B  }
0xa2: {  	_ =	swait.ge [sflag:s23], $0x1  }
0xa3: {  	[sflag:s23] =	ssyncset.done $0x0  }
0xa4: {  	s25 =	simm.s32 $0x1B8E;
	s24 =	sld [smem:$0x3FFE];
	[sflag:s23] =	ssyncadd.s32 $0xFFFFFFFF  }
0xa5: {  	s26 =	simm.s32 $execute0_lowered;
	[smem:$0x3FD2] =	sst s25  }
0xa6: {  	s4 =	sshll.u32 s26, $0x1;
	_ =	strace $0x80000049;
	[dreg:$0x1] =	wrdreg $0xFFFFFFFF  }
0xa7: {  	s28 =	simm.s32 $_size_execute0_lowered;
	s2 =	sadd.s32 s2, s4;
	[dreg:$0x0] =	wrdreg $0x0  }
0xa8: {  	s4 =	sshll.u32 s28, $0x1;
	[dreg:$0x2] =	wrdreg s2  }
0xa9: {  	[dreg:$0x3] =	wrdreg s4  }
0xaa: {  	[dreg:$0x4] =	wrdreg $0xC0  }
0xab: {  	_ =	task [dreg:s6], $0x5FFFF  }
0xac: {  	[dreg:$0x1] =	wrdreg $0xFFFFFFFF  }
0xad: {  	[dreg:$0x0] =	wrdreg $0x60  }
0xae: {  	[dreg:$0x2] =	wrdreg s24  }
0xaf: {  	[dreg:$0x3] =	wrdreg $0x9  }
0xb0: {  	_ =	task.clear_ibuf [dreg:s6], $0x4FFFF;
	_ =	strace $0x90000049  }
0xb1: {  	s29 =	simm.s32 $0x9;
	_ =	strace $0x8000004B  }
0xb2: {  	_ =	swait.ge [sflag:s29], $0x1  }
0xb3: {  	[sflag:s29] =	ssyncadd.s32 $0xFFFFFFFF  }
0xb4: {  	_ =	strace $0x9000004B  }
0xb5: {  	_ =	sfence  }
0xb6: {  	s30 =	sld [smem:$0x0];
	_ =	sdelay $0x2  }
0xb7: {  	s31 =	sshll.u32 s1, $0xD;
	s1 =	sshrl.u32 s1, $0x2  }
0xb8: {  	s3 =	sand.u32 $0x4000, s31;
	s1 =	sadd.s32 s1, s30  }
0xb9: {  	s0 =	sor.u32 s3, s0;
	s1 =	sshll.u32 s1, $0x11  }
0xba: {  	s0 =	sor.u32 s1, s0  }
0xbb: {  	s0 =	sadd.s32 $0x8F2B, s0  }
0xbc: {  	[sflag:s0] =	ssyncadd.remote.s32 $0x1  }
0xbd: {  	_ =	sfence.sel $0xFFFF  }
0xbe: {  	[dreg:$0x0] =	wrdreg $0xFFFFFFFF;
	(pc) =	sbr.abs _section_cstart, $3  }
0xbf: {  	[dreg:$0x1] =	wrdreg $0xFFFFFFFF  }
0xc0: {  	_ =	task.clear_ibuf [dreg:s6], $0x2FFFF;
	_ =	strace $0x9FFFFFFF  }
0xc1: {  	(tm) =	ssettm $0x7FFFFFFF  }
tec
execute0_lowered:
.L_overlay_start_1:
0x0: {  	(tag) =	ssettag $0x1  }
0x1: {  	s0 =	rddreg [dreg:$0x0]  }
0x2: {  	s1 =	srdreg.scid;
	s2 =	stileid.u32  }
0x3: {  	s3 =	simm.s32 $0x0;
	s1 =	sand.u32 $0x1, s1;
	s2 =	sshll.u32 s2, $0x1  }
0x4: {  	s10 =	simm.s32 $0x1;
	s19 =	simm.s32 $0x80;
	s2 =	sor.u32 s1, s2  }
0x5: {  	[smem:$0x7FF] =	sst s3;
	s1 =	ssub.s32 $0x2, s1;
	s5 =	smul.u32 $0x140, s2  }
0x6: {  	s3 =	sadd.s32 $0x548800, s0;
	s2 =	smul.u32 $0x1400, s2;
	s7 =	sshrl.u32 s1, $0x1  }
0x7: {  	s4 =	sadd.s32 $0x2200, s0;
	_ =	strace $0x8000004A;
	s1 =	ssub.s32 s1, s7  }
0x8: {  	s6 =	sshrl.u32 s5, $0x3;
	s2 =	sadd.s32 s2, s0;
	s31 =	smax.u32 s1, $0x1  }
0x9: {  	s6 =	sadd.s32 s6, s0;
	s0 =	sadd.s32 $0x25E8, s0;
	[dreg:$0x5] =	wrdreg s31  }
0xa: {  	s13 =	simm.s32 $0x7F00;
	s29 =	sadd.s32 $0x15E00, s2;
	[dreg:$0x2] =	wrdreg s0  }
0xb: {  	v1 =	vlaneseq.u32;
	s14 =	simm.s32 $0x2;
	v2 =	vimm.f32 $-Inf;
	[dreg:$0x3] =	wrdreg s29;
	s30 =	sadd.s32 $0x3DE00, s6  }
0xc: {  	s15 =	simm.s32 $0xFF00;
	v3 =	vimm.s32 $0x0;
	v4 =	vmul.u32 $0x80, v1;
	v0 =	vmov s5;
	s1 =	simm.s32 $0x0;
	[dreg:$0x4] =	wrdreg s30  }
.LBB2_1:
0xd: {  	[dreg:$0x6] =	wrdreg s1;
	s0 =	simm.s32 $0x0;
	s1 =	simm.s32 $0x200  }
.LBB2_2:
0xe: {  	p0 =	sne.s32 s1, $0x27E00;
	[tilespmem:s0+$0xFF70] =	vst v2  }
0xf: {  	[tilespmem:s0+$0xFF00] =	vst v2  }
0x10: {  	[tilespmem:s0+$0xFF10] =	vst v2  }
.Ltmp0:
0x11: {  	[tilespmem:s0+$0xFF20] =	vst v2;
	(pc) =	sbr.rel @p0 .LBB2_2-.Ltmp0, $4  }
0x12: {  	[tilespmem:s0+$0xFF30] =	vst v2  }
0x13: {  	[tilespmem:s0+$0xFF40] =	vst v2  }
0x14: {  	[tilespmem:s0+$0xFF50] =	vst v2  }
0x15: {  	[tilespmem:s0+$0xFF60] =	vst v2;
	s0 =	sshra.s32 s1, $0x2;
	s1 =	sadd.s32 $0x200, s1  }
0x16: {  	[tilespmem:s0+$0xFF70] =	vst v2  }
0x17: {  	[tilespmem:s0+$0xFF00] =	vst v2  }
0x18: {  	[tilespmem:s0+$0xFF10] =	vst v2  }
0x19: {  	[tilespmem:s0+$0xFF20] =	vst v2  }
0x1a: {  	[tilespmem:s0+$0xFF30] =	vst v2  }
0x1b: {  	[tilespmem:s0+$0xFF40] =	vst v2  }
0x1c: {  	[tilespmem:s0+$0xFF50] =	vst v2  }
0x1d: {  	[tilespmem:s0+$0xFF60] =	vst v2;
	s0 =	simm.s32 $0x40;
	s1 =	simm.s32 $0x0  }
.LBB2_4:
0x1e: {  	p0 =	sne.s32 s0, $0x7EC0;
	[tilespmem:s1+$0x3F00] =	vst v3;
	s1 =	smov.u32 s0;
	s0 =	sadd.s32 $0x40, s0  }
.Ltmp1:
0x1f: {  	(pc) =	sbr.rel @p0 .LBB2_4-.Ltmp1, $2  }
0x20: {  	_ =	sdelay $0x2  }
0x21: {  	s1 =	sshra.s32 s1, $0x2  }
.Ltmp2:
0x22: {  	(pc) =	sbr.rel .LBB2_6-.Ltmp2, $4  }
0x23: {  	[tilespmem:s1+$0x3F00] =	vst v3;
	s2 =	simm.s32 $0x0;
	s0 =	rddreg [dreg:$0x2];
	s31 =	simm.s32 $0x1F80  }
0x24: {  	[tilespmem:s2], [sflag:$0x1] =	stream.linear.gather [hbm4b:s4+s2], $0x1F40, $0x38;
	[tilespmem:$0x1A080] =	vst v63  }
0x25: {  	s20 =	simm.s32 $0x70;
	s21 =	simm.s32 $0x1FB0;
	s22 =	simm.s32 $0x0  }
0x26: {  	[tilespmem:s31], [sflag:$0x2] =	stream.linear.gather [hbm4b:s0+s2], $0x1F40, $0x38;
	[tilespmem:$0x1A080] =	vst v63  }
.LBB2_36:
0x27: {  	s22 =	sadd.s32 $0x1, s22  }
0x28: {  	p0 =	sne.s32 s22, $0x14  }
.Ltmp3:
0x29: {  	_ = 	snop;
	(pc) =	sbr.rel @!p0 .LBB2_37-.Ltmp3, $2  }
0x2a: {  	_ =	sdelay $0x2  }
0x2b: {  	s20 =	sadd.s32 $0x3E80, s20;
	s21 =	sadd.s32 $0x3E80, s21  }
.LBB2_6:
0x2c: {  	_ =	swait.ge [sflag:s10], $0x1F40  }
0x2d: {  	[sflag:s10] =	ssyncset.done $0x0  }
0x2e: {  	s0 =	simm.s32 $0x40;
	[sflag:s10] =	ssyncadd.s32 $0xFFFFE0C0  }
0x2f: {  	v5 =	vld [tilespmem:s0+$0xFFFFFFC0];
	_ =	sdelay $0x4  }
0x30: {  	v5 =	vsub.s32 v5, v0  }
0x31: {  	s1 =	sadd.s32 $0xFFFFFF90, s20;
	vm0 =	vlt.u32 v5, $0x140;
	v5 =	vshll.u32 v5, $0x13  }
0x32: {  	v5 =	vor.u32 s1, v5;
	v6 =	vmpcnt.ones.xlane vm0  }
0x33: {  	s9 =	simm.s32 $0x0;
	v5 =	vor.u32 v1, v5  }
0x34: {  	[tilespmem:s9+$0x3F00] =	vst.msk vm0, v5;
	(v2sf) =	vpush v6, $0x0  }
0x35: {  	v5 =	vld [tilespmem:s0+$0xFFFFFFD0];
	_ =	sdelay $0x4  }
0x36: {  	v5 =	vsub.s32 v5, v0  }
0x37: {  	vm0 =	vlt.u32 v5, $0x140  }
0x38: {  	v6 =	vmpcnt.ones.xlane vm0;
	_ =	sdelay $0x1  }
0x39: {  	(v2sf) =	vpush v6, $0x0;
	_ =	sdelay $0x3  }
0x3a: {  	s11 =	sadd.s32 $0xFFFFFFA0, s20;
	v5 =	vshll.u32 v5, $0x13  }
0x3b: {  	v5 =	vor.u32 s11, v5;
	s12 =	spop (v2sf)  }
0x3c: {  	v5 =	vor.u32 v1, v5;
	s1 =	sadd.s32 $0x0, s12  }
0x3d: {  	[tilespmem:s1+$0x3F00] =	vst.msk vm0, v5  }
0x3e: {  	v5 =	vld [tilespmem:s0+$0xFFFFFFE0];
	_ =	sdelay $0x4  }
0x3f: {  	v5 =	vsub.s32 v5, v0  }
0x40: {  	s2 =	sadd.s32 $0xFFFFFFB0, s20;
	vm0 =	vlt.u32 v5, $0x140;
	v5 =	vshll.u32 v5, $0x13  }
0x41: {  	v5 =	vor.u32 s2, v5;
	v6 =	vmpcnt.ones.xlane vm0;
	s16 =	spop (v2sf)  }
0x42: {  	s1 =	sadd.s32 s1, s16;
	v5 =	vor.u32 v1, v5  }
0x43: {  	[tilespmem:s1+$0x3F00] =	vst.msk vm0, v5;
	(v2sf) =	vpush v6, $0x0  }
0x44: {  	v5 =	vld [tilespmem:s0+$0xFFFFFFF0];
	_ =	sdelay $0x4  }
0x45: {  	v5 =	vsub.s32 v5, v0  }
0x46: {  	vm0 =	vlt.u32 v5, $0x140  }
0x47: {  	v6 =	vmpcnt.ones.xlane vm0;
	_ =	sdelay $0x1  }
0x48: {  	(v2sf) =	vpush v6, $0x0;
	_ =	sdelay $0x3  }
0x49: {  	s17 =	sadd.s32 $0xFFFFFFC0, s20;
	v5 =	vshll.u32 v5, $0x13  }
0x4a: {  	v5 =	vor.u32 s17, v5;
	s18 =	spop (v2sf)  }
0x4b: {  	v5 =	vor.u32 v1, v5;
	s1 =	sadd.s32 s1, s18  }
0x4c: {  	[tilespmem:s1+$0x3F00] =	vst.msk vm0, v5  }
0x4d: {  	v5 =	vld [tilespmem:s0+$0x0];
	_ =	sdelay $0x4  }
0x4e: {  	v5 =	vsub.s32 v5, v0  }
0x4f: {  	s23 =	sadd.s32 $0xFFFFFFD0, s20;
	vm0 =	vlt.u32 v5, $0x140;
	v5 =	vshll.u32 v5, $0x13  }
0x50: {  	v5 =	vor.u32 s23, v5;
	v6 =	vmpcnt.ones.xlane vm0;
	s24 =	spop (v2sf)  }
0x51: {  	s1 =	sadd.s32 s1, s24;
	v5 =	vor.u32 v1, v5  }
0x52: {  	[tilespmem:s1+$0x3F00] =	vst.msk vm0, v5;
	(v2sf) =	vpush v6, $0x0  }
0x53: {  	v5 =	vld [tilespmem:s0+$0x10];
	_ =	sdelay $0x4  }
0x54: {  	v5 =	vsub.s32 v5, v0  }
0x55: {  	vm0 =	vlt.u32 v5, $0x140  }
0x56: {  	v6 =	vmpcnt.ones.xlane vm0;
	_ =	sdelay $0x1  }
0x57: {  	(v2sf) =	vpush v6, $0x0;
	_ =	sdelay $0x3  }
0x58: {  	s25 =	sadd.s32 $0xFFFFFFE0, s20;
	v5 =	vshll.u32 v5, $0x13  }
0x59: {  	v5 =	vor.u32 s25, v5;
	s26 =	spop (v2sf)  }
0x5a: {  	v5 =	vor.u32 v1, v5;
	s1 =	sadd.s32 s1, s26  }
0x5b: {  	[tilespmem:s1+$0x3F00] =	vst.msk vm0, v5  }
0x5c: {  	v5 =	vld [tilespmem:s0+$0x20];
	_ =	sdelay $0x4  }
0x5d: {  	v5 =	vsub.s32 v5, v0  }
0x5e: {  	s28 =	sadd.s32 $0xFFFFFFF0, s20;
	vm0 =	vlt.u32 v5, $0x140;
	v5 =	vshll.u32 v5, $0x13  }
0x5f: {  	v5 =	vor.u32 s28, v5;
	v6 =	vmpcnt.ones.xlane vm0;
	s29 =	spop (v2sf)  }
0x60: {  	s1 =	sadd.s32 s1, s29;
	v5 =	vor.u32 v1, v5  }
0x61: {  	[tilespmem:s1+$0x3F00] =	vst.msk vm0, v5;
	(v2sf) =	vpush v6, $0x0  }
0x62: {  	v5 =	vld [tilespmem:s0+$0x30];
	_ =	sdelay $0x4  }
0x63: {  	v5 =	vsub.s32 v5, v0  }
0x64: {  	vm0 =	vlt.u32 v5, $0x140  }
0x65: {  	v6 =	vmpcnt.ones.xlane vm0;
	_ =	sdelay $0x1  }
0x66: {  	(v2sf) =	vpush v6, $0x0;
	_ =	sdelay $0x3  }
0x67: {  	v5 =	vshll.u32 v5, $0x13  }
0x68: {  	v5 =	vor.u32 s20, v5;
	s30 =	spop (v2sf)  }
0x69: {  	v5 =	vor.u32 v1, v5;
	s1 =	sadd.s32 s1, s30  }
0x6a: {  	s25 =	simm.s32 $0xC0;
	[tilespmem:s1+$0x3F00] =	vst.msk vm0, v5  }
0x6b: {  	v5 =	vld [tilespmem:s25+$0xFFFFFFC0];
	_ =	sdelay $0x4  }
0x6c: {  	s24 =	sadd.s32 $0x80, s20;
	v5 =	vsub.s32 v5, v0  }
0x6d: {  	s31 =	sadd.s32 $0xFFFFFF90, s24;
	vm0 =	vlt.u32 v5, $0x140;
	v5 =	vshll.u32 v5, $0x13  }
0x6e: {  	s23 =	smul.u32 $0x3E80, s22;
	s0 =	simm.s32 $0x8;
	v6 =	vor.u32 s31, v5;
	v5 =	vmpcnt.ones.xlane vm0;
	s2 =	spop (v2sf)  }
.LBB2_7:
0x6f: {  	s0 =	sadd.s32 $0x8, s0;
	v6 =	vor.u32 v1, v6;
	s1 =	sadd.s32 s1, s2  }
0x70: {  	p0 =	slt.u32 s0, $0x1E8;
	[tilespmem:s1+$0x3F00] =	vst.msk vm0, v6;
	(v2sf) =	vpush v5, $0x0  }
0x71: {  	v5 =	vld [tilespmem:s25+$0xFFFFFFD0];
	_ =	sdelay $0x4  }
0x72: {  	v5 =	vsub.s32 v5, v0  }
0x73: {  	s2 =	sadd.s32 $0xFFFFFFA0, s24;
	vm0 =	vlt.u32 v5, $0x140;
	v5 =	vshll.u32 v5, $0x13  }
0x74: {  	v5 =	vor.u32 s2, v5;
	v6 =	vmpcnt.ones.xlane vm0;
	_ =	sdelay $0x1  }
0x75: {  	(v2sf) =	vpush v6, $0x0;
	_ =	sdelay $0x4  }
0x76: {  	s2 =	spop (v2sf)  }
0x77: {  	v5 =	vor.u32 v1, v5;
	s1 =	sadd.s32 s1, s2  }
0x78: {  	[tilespmem:s1+$0x3F00] =	vst.msk vm0, v5  }
0x79: {  	v5 =	vld [tilespmem:s25+$0xFFFFFFE0];
	_ =	sdelay $0x4  }
0x7a: {  	v5 =	vsub.s32 v5, v0  }
0x7b: {  	s2 =	sadd.s32 $0xFFFFFFB0, s24;
	vm0 =	vlt.u32 v5, $0x140;
	v5 =	vshll.u32 v5, $0x13  }
0x7c: {  	v5 =	vor.u32 s2, v5;
	v6 =	vmpcnt.ones.xlane vm0;
	s2 =	spop (v2sf)  }
0x7d: {  	s1 =	sadd.s32 s1, s2;
	v5 =	vor.u32 v1, v5  }
0x7e: {  	[tilespmem:s1+$0x3F00] =	vst.msk vm0, v5;
	(v2sf) =	vpush v6, $0x0  }
0x7f: {  	v5 =	vld [tilespmem:s25+$0xFFFFFFF0];
	_ =	sdelay $0x4  }
0x80: {  	v5 =	vsub.s32 v5, v0  }
0x81: {  	s2 =	sadd.s32 $0xFFFFFFC0, s24;
	vm0 =	vlt.u32 v5, $0x140;
	v5 =	vshll.u32 v5, $0x13  }
0x82: {  	v5 =	vor.u32 s2, v5;
	v6 =	vmpcnt.ones.xlane vm0;
	_ =	sdelay $0x1  }
0x83: {  	(v2sf) =	vpush v6, $0x0;
	_ =	sdelay $0x4  }
0x84: {  	s2 =	spop (v2sf)  }
0x85: {  	v5 =	vor.u32 v1, v5;
	s1 =	sadd.s32 s1, s2  }
0x86: {  	[tilespmem:s1+$0x3F00] =	vst.msk vm0, v5  }
0x87: {  	v5 =	vld [tilespmem:s25+$0x0];
	_ =	sdelay $0x4  }
0x88: {  	v5 =	vsub.s32 v5, v0  }
0x89: {  	s2 =	sadd.s32 $0xFFFFFFD0, s24;
	vm0 =	vlt.u32 v5, $0x140;
	v5 =	vshll.u32 v5, $0x13  }
0x8a: {  	v5 =	vor.u32 s2, v5;
	v6 =	vmpcnt.ones.xlane vm0;
	s2 =	spop (v2sf)  }
0x8b: {  	s1 =	sadd.s32 s1, s2;
	v5 =	vor.u32 v1, v5  }
0x8c: {  	[tilespmem:s1+$0x3F00] =	vst.msk vm0, v5;
	(v2sf) =	vpush v6, $0x0  }
0x8d: {  	v5 =	vld [tilespmem:s25+$0x10];
	_ =	sdelay $0x4  }
0x8e: {  	v5 =	vsub.s32 v5, v0  }
0x8f: {  	s2 =	sadd.s32 $0xFFFFFFE0, s24;
	vm0 =	vlt.u32 v5, $0x140;
	v5 =	vshll.u32 v5, $0x13  }
0x90: {  	v5 =	vor.u32 s2, v5;
	v6 =	vmpcnt.ones.xlane vm0;
	_ =	sdelay $0x1  }
0x91: {  	(v2sf) =	vpush v6, $0x0;
	_ =	sdelay $0x4  }
0x92: {  	s2 =	spop (v2sf)  }
0x93: {  	v5 =	vor.u32 v1, v5;
	s1 =	sadd.s32 s1, s2  }
0x94: {  	[tilespmem:s1+$0x3F00] =	vst.msk vm0, v5  }
0x95: {  	v5 =	vld [tilespmem:s25+$0x20];
	_ =	sdelay $0x4  }
0x96: {  	v5 =	vsub.s32 v5, v0  }
0x97: {  	s2 =	sadd.s32 $0xFFFFFFF0, s24;
	vm0 =	vlt.u32 v5, $0x140;
	v5 =	vshll.u32 v5, $0x13  }
0x98: {  	v5 =	vor.u32 s2, v5;
	v6 =	vmpcnt.ones.xlane vm0;
	s2 =	spop (v2sf)  }
0x99: {  	s1 =	sadd.s32 s1, s2;
	v5 =	vor.u32 v1, v5  }
0x9a: {  	[tilespmem:s1+$0x3F00] =	vst.msk vm0, v5;
	(v2sf) =	vpush v6, $0x0  }
0x9b: {  	v5 =	vld [tilespmem:s25+$0x30];
	_ =	sdelay $0x4  }
0x9c: {  	v5 =	vsub.s32 v5, v0  }
0x9d: {  	vm0 =	vlt.u32 v5, $0x140;
	v5 =	vshll.u32 v5, $0x13  }
0x9e: {  	v5 =	vor.u32 s24, v5;
	v6 =	vmpcnt.ones.xlane vm0;
	_ =	sdelay $0x1  }
0x9f: {  	(v2sf) =	vpush v6, $0x0;
	_ =	sdelay $0x4  }
0xa0: {  	s2 =	spop (v2sf)  }
0xa1: {  	v5 =	vor.u32 v1, v5;
	s1 =	sadd.s32 s1, s2  }
0xa2: {  	s25 =	sadd.s32 $0x80, s25;
	[tilespmem:s1+$0x3F00] =	vst.msk vm0, v5  }
0xa3: {  	v5 =	vld [tilespmem:s25+$0xFFFFFFC0];
	_ =	sdelay $0x2  }
.Ltmp4:
0xa4: {  	(pc) =	sbr.rel @p0 .LBB2_7-.Ltmp4, $4  }
0xa5: {  	_ = 	snop  }
0xa6: {  	s24 =	sadd.s32 $0x80, s24;
	v5 =	vsub.s32 v5, v0  }
0xa7: {  	s2 =	sadd.s32 $0xFFFFFF90, s24;
	vm0 =	vlt.u32 v5, $0x140;
	v5 =	vshll.u32 v5, $0x13  }
0xa8: {  	v6 =	vor.u32 s2, v5;
	v5 =	vmpcnt.ones.xlane vm0;
	s2 =	spop (v2sf)  }
0xa9: {  	v6 =	vor.u32 v1, v6;
	s28 =	sadd.s32 s1, s2  }
0xaa: {  	[tilespmem:s28+$0x3F00] =	vst.msk vm0, v6;
	(v2sf) =	vpush v5, $0x0  }
0xab: {  	v5 =	vld [tilespmem:s25+$0xFFFFFFD0];
	_ =	sdelay $0x4  }
0xac: {  	v5 =	vsub.s32 v5, v0  }
0xad: {  	vm5 =	vlt.u32 v5, $0x140  }
0xae: {  	v6 =	vmpcnt.ones.xlane vm5;
	_ =	sdelay $0x1  }
0xaf: {  	(v2sf) =	vpush v6, $0x0;
	_ =	sdelay $0x3  }
0xb0: {  	s0 =	sadd.s32 $0xFFFFFFA0, s24;
	v5 =	vshll.u32 v5, $0x13  }
0xb1: {  	v5 =	vor.u32 s0, v5;
	s29 =	spop (v2sf)  }
0xb2: {  	v5 =	vor.u32 v1, v5;
	s1 =	sadd.s32 s28, s29  }
0xb3: {  	[tilespmem:s1+$0x3F00] =	vst.msk vm5, v5  }
0xb4: {  	v5 =	vld [tilespmem:s25+$0xFFFFFFE0];
	_ =	sdelay $0x4  }
0xb5: {  	v5 =	vsub.s32 v5, v0  }
0xb6: {  	s26 =	sadd.s32 $0xFFFFFFB0, s24;
	vm6 =	vlt.u32 v5, $0x140;
	v5 =	vshll.u32 v5, $0x13  }
0xb7: {  	v5 =	vor.u32 s26, v5;
	v6 =	vmpcnt.ones.xlane vm6;
	s0 =	spop (v2sf)  }
0xb8: {  	s1 =	sadd.s32 s1, s0;
	v5 =	vor.u32 v1, v5  }
0xb9: {  	[tilespmem:s1+$0x3F00] =	vst.msk vm6, v5;
	(v2sf) =	vpush v6, $0x0  }
0xba: {  	v5 =	vld [tilespmem:s25+$0xFFFFFFF0];
	_ =	sdelay $0x4  }
0xbb: {  	v5 =	vsub.s32 v5, v0  }
0xbc: {  	vm7 =	vlt.u32 v5, $0x140  }
0xbd: {  	v6 =	vmpcnt.ones.xlane vm7;
	_ =	sdelay $0x1  }
0xbe: {  	(v2sf) =	vpush v6, $0x0;
	_ =	sdelay $0x3  }
0xbf: {  	s31 =	sadd.s32 $0xFFFFFFC0, s24;
	v5 =	vshll.u32 v5, $0x13  }
0xc0: {  	v5 =	vor.u32 s31, v5;
	s30 =	spop (v2sf)  }
0xc1: {  	v5 =	vor.u32 v1, v5;
	s5 =	sadd.s32 s1, s30  }
0xc2: {  	[tilespmem:s5+$0x3F00] =	vst.msk vm7, v5  }
0xc3: {  	v5 =	vld [tilespmem:s25+$0x0];
	_ =	sdelay $0x4  }
0xc4: {  	v5 =	vsub.s32 v5, v0  }
0xc5: {  	s6 =	sadd.s32 $0xFFFFFFD0, s24;
	vm8 =	vlt.u32 v5, $0x140;
	v5 =	vshll.u32 v5, $0x13  }
0xc6: {  	v5 =	vor.u32 s6, v5;
	v6 =	vmpcnt.ones.xlane vm8;
	s1 =	spop (v2sf)  }
0xc7: {  	s2 =	sadd.s32 s5, s1;
	v5 =	vor.u32 v1, v5  }
0xc8: {  	[tilespmem:s2+$0x3F00] =	vst.msk vm8, v5;
	(v2sf) =	vpush v6, $0x0  }
0xc9: {  	v5 =	vld [tilespmem:s25+$0x10];
	_ =	sdelay $0x4  }
0xca: {  	v5 =	vsub.s32 v5, v0  }
0xcb: {  	vm9 =	vlt.u32 v5, $0x140  }
0xcc: {  	v6 =	vmpcnt.ones.xlane vm9;
	_ =	sdelay $0x1  }
0xcd: {  	(v2sf) =	vpush v6, $0x0;
	_ =	sdelay $0x3  }
0xce: {  	s5 =	sadd.s32 $0xFFFFFFE0, s24;
	v5 =	vshll.u32 v5, $0x13  }
0xcf: {  	v5 =	vor.u32 s5, v5;
	s9 =	spop (v2sf)  }
0xd0: {  	v5 =	vor.u32 v1, v5;
	s2 =	sadd.s32 s2, s9  }
0xd1: {  	[tilespmem:s2+$0x3F00] =	vst.msk vm9, v5  }
0xd2: {  	v5 =	vld [tilespmem:s25+$0x20];
	_ =	sdelay $0x4  }
0xd3: {  	v5 =	vsub.s32 v5, v0  }
0xd4: {  	s7 =	sadd.s32 $0xFFFFFFF0, s24;
	vm10 =	vlt.u32 v5, $0x140;
	v5 =	vshll.u32 v5, $0x13  }
0xd5: {  	v5 =	vor.u32 s7, v5;
	v6 =	vmpcnt.ones.xlane vm10;
	s17 =	spop (v2sf)  }
0xd6: {  	s8 =	sadd.s32 s2, s17;
	v5 =	vor.u32 v1, v5  }
0xd7: {  	[tilespmem:s8+$0x3F00] =	vst.msk vm10, v5;
	(v2sf) =	vpush v6, $0x0  }
0xd8: {  	v5 =	vld [tilespmem:s25+$0x30];
	_ =	sdelay $0x4  }
0xd9: {  	v5 =	vsub.s32 v5, v0  }
0xda: {  	vm11 =	vlt.u32 v5, $0x140  }
0xdb: {  	v6 =	vmpcnt.ones.xlane vm11;
	_ =	sdelay $0x1  }
0xdc: {  	(v2sf) =	vpush v6, $0x0;
	_ =	sdelay $0x3  }
0xdd: {  	v5 =	vshll.u32 v5, $0x13  }
0xde: {  	v5 =	vor.u32 s24, v5;
	s2 =	spop (v2sf)  }
0xdf: {  	v5 =	vor.u32 v1, v5;
	s6 =	sadd.s32 s8, s2  }
0xe0: {  	[tilespmem:s6+$0x3F00] =	vst.msk vm11, v5  }
0xe1: {  	v5 =	vld [tilespmem:$0x1F00];
	_ =	sdelay $0x4  }
0xe2: {  	v5 =	vsub.s32 v5, v0  }
0xe3: {  	s7 =	sadd.s32 $0x1F00, s23;
	vm12 =	vlt.u32 v5, $0x140;
	v5 =	vshll.u32 v5, $0x13  }
0xe4: {  	s5 =	spop (v2sf);
	v5 =	vor.u32 s7, v5;
	v6 =	vmpcnt.ones.xlane vm12  }
0xe5: {  	s11 =	sadd.s32 s6, s5;
	v5 =	vor.u32 v1, v5  }
0xe6: {  	[tilespmem:s11+$0x3F00] =	vst.msk vm12, v5;
	(v2sf) =	vpush v6, $0x0  }
0xe7: {  	v5 =	vld [tilespmem:$0x1F10];
	_ =	sdelay $0x4  }
0xe8: {  	v5 =	vsub.s32 v5, v0  }
0xe9: {  	vm13 =	vlt.u32 v5, $0x140  }
0xea: {  	v6 =	vmpcnt.ones.xlane vm13;
	_ =	sdelay $0x1  }
0xeb: {  	(v2sf) =	vpush v6, $0x0;
	_ =	sdelay $0x3  }
0xec: {  	s8 =	sadd.s32 $0x1F10, s23;
	v5 =	vshll.u32 v5, $0x13  }
0xed: {  	v5 =	vor.u32 s8, v5;
	s6 =	spop (v2sf)  }
0xee: {  	v5 =	vor.u32 v1, v5;
	s12 =	sadd.s32 s11, s6  }
0xef: {  	[tilespmem:s12+$0x3F00] =	vst.msk vm13, v5  }
0xf0: {  	v5 =	vld [tilespmem:$0x1F20];
	_ =	sdelay $0x4  }
0xf1: {  	v5 =	vsub.s32 v5, v0  }
0xf2: {  	s11 =	sadd.s32 $0x1F20, s23;
	v6 =	vshll.u32 v5, $0x13  }
0xf3: {  	s7 =	spop (v2sf);
	v6 =	vor.u32 s11, v6  }
0xf4: {  	vm14 =	vlt.u32 v5, $0x140;
	s16 =	sadd.s32 s12, s7;
	v5 =	vor.u32 v1, v6  }
0xf5: {  	[tilespmem:s16+$0x3F00] =	vst.msk vm14, v5  }
0xf6: {  	v5 =	vld [tilespmem:$0x1F30];
	_ =	sdelay $0x4  }
0xf7: {  	v5 =	vsub.s32 v5, v0  }
0xf8: {  	v6 =	vmpcnt.ones.xlane vm14;
	vm15 =	vlt.u32 v5, $0x140  }
0xf9: {  	v7 =	vmpcnt.ones.xlane vm15  }
0xfa: {  	(v2sf) =	vpush v6, $0x0  }
0xfb: {  	(v2sf) =	vpush v7, $0x0;
	_ =	sdelay $0xc  }
0xfc: {  	p0 =	seq.s32 s22, $0x13;
	s12 =	sadd.s32 $0x1F30, s23;
	v5 =	vshll.u32 v5, $0x13  }
0xfd: {  	v5 =	vor.u32 s12, v5;
	s12 =	sshrl.u32 @!p0 s23, $0x3;
	s8 =	spop (v2sf)  }
0xfe: {  	v5 =	vor.u32 v1, v5;
	s24 =	sadd.s32 @!p0 s4, s12;
	s11 =	sadd.s32 s16, s8;
	s16 =	spop (v2sf)  }
0xff: {  	s12 =	simm.s32 @!p0 $0x0;
	[tilespmem:s11+$0x3F00] =	vst.msk vm15, v5;
	s25 =	sadd.s32 s11, s16;
	s11 =	sadd.s32 @!p0 $0x7D0, s24  }
0x100: {  	[tilespmem:s12], [sflag:$0x1] =	stream.linear.gather @!p0 [hbm4b:s11+s12], $0x1F40, $0x38;
	[tilespmem:$0x1A080] =	vst v63  }
0x101: {  	s18 =	sadd.s32 $0x7F, s25  }
0x102: {  	s26 =	sand.u32 $0x7F, s18  }
0x103: {  	s31 =	sshra.s32 s18, $0x1F;
	p2 =	slt.s32 s18, $0x1;
	p1 =	sne.s32 s26, $0x0  }
0x104: {  	s12 =	sshrl.u32 s31, $0x19;
	p1 =	por !p2, !p1  }
0x105: {  	s11 =	sadd.s32 s12, s18;
	s12 =	simm.s32 $0x1;
	p1 =	por !p1, !p1  }
0x106: {  	s11 =	sshra.s32 s11, $0x7;
	s12 =	simm.s32 @!p1 $0x0  }
0x107: {  	s26 =	ssub.s32 s11, s12  }
0x108: {  	p1 =	slt.s32 s26, $0x1  }
.Ltmp5:
0x109: {  	_ = 	snop;
	(pc) =	sbr.rel @p1 .LBB2_21-.Ltmp5, $1  }
0x10a: {  	_ =	sdelay $0x3  }
0x10b: {  	s12 =	simm.s32 $0x3F40  }
0x10c: {  	v8 =	vld [tilespmem:s12+$0x30]  }
0x10d: {  	s19 =	sshll.u32 s26, $0x3;
	v9 =	vld [tilespmem:s12+$0xFFFFFFD0]  }
0x10e: {  	v10 =	vld [tilespmem:s12+$0xFFFFFFE0];
	p1 =	sgt.s32 s19, $0x8  }
.Ltmp6:
0x10f: {  	v7 =	vld [tilespmem:s12+$0xFFFFFFF0];
	(pc) =	sbr.rel @!p1 .LBB2_11-.Ltmp6, $4  }
0x110: {  	v5 =	vld [tilespmem:s12+$0x0]  }
0x111: {  	s18 =	simm.s32 $0x5F40;
	v6 =	vld [tilespmem:s12+$0x10];
	v11 =	vand.u32 $0x7FFFF, v8  }
0x112: {  	v12 =	vand.u32 $0x7FFFF, v9;
	v8 =	vld [tilespmem:s12+$0x20];
	[tilespmem:s18+$0x30] =	vst v11  }
0x113: {  	s31 =	simm.s32 $0x0;
	s11 =	simm.s32 $0x8;
	v9 =	vld [tilespmem:s12+$0xFFFFFFC0];
	v10 =	vand.u32 $0x7FFFF, v10;
	s12 =	simm.s32 $0x3FC0;
	[tilespmem:s18+$0xFFFFFFD0] =	vst v12  }
.LBB2_10:
0x114: {  	v11 =	vld [tilespmem:s12+$0x30];
	s11 =	sadd.s32 $0x8, s11;
	[tilespmem:s18+$0xFFFFFFE0] =	vst v10;
	v7 =	vand.u32 $0x7FFFF, v7  }
0x115: {  	v10 =	vld [tilespmem:s12+$0xFFFFFFD0];
	p1 =	slt.s32 s11, s19;
	[tilespmem:s18+$0xFFFFFFF0] =	vst v7;
	v5 =	vand.u32 $0x7FFFF, v5  }
0x116: {  	v12 =	vld [tilespmem:s12+$0xFFFFFFE0];
	[tilespmem:s18+$0x0] =	vst v5;
	v5 =	vand.u32 $0x7FFFF, v6  }
.Ltmp7:
0x117: {  	v7 =	vld [tilespmem:s12+$0xFFFFFFF0];
	[tilespmem:s18+$0x10] =	vst v5;
	v6 =	vand.u32 $0x7FFFF, v8;
	(pc) =	sbr.rel @p1 .LBB2_10-.Ltmp7, $4  }
0x118: {  	v5 =	vld [tilespmem:s12+$0x0];
	v8 =	vand.u32 $0x7FFFF, v9;
	[tilespmem:s18+$0x20] =	vst v6  }
0x119: {  	v6 =	vld [tilespmem:s12+$0x10];
	v9 =	vand.u32 $0x7FFFF, v11;
	[tilespmem:s18+$0xFFFFFFC0] =	vst v8;
	s18 =	sadd.s32 $0x80, s18  }
0x11a: {  	v10 =	vand.u32 $0x7FFFF, v10;
	v8 =	vld [tilespmem:s12+$0x20];
	[tilespmem:s18+$0x30] =	vst v9  }
0x11b: {  	v9 =	vld [tilespmem:s12+$0xFFFFFFC0];
	[tilespmem:s18+$0xFFFFFFD0] =	vst v10;
	v10 =	vand.u32 $0x7FFFF, v12;
	s12 =	sadd.s32 $0x80, s12  }
.LBB2_11:
0x11c: {  	[tilespmem:s18+$0xFFFFFFE0] =	vst v10;
	v7 =	vand.u32 $0x7FFFF, v7;
	s6 =	sadd.s32 s7, s6  }
0x11d: {  	[tilespmem:s18+$0xFFFFFFF0] =	vst v7;
	v5 =	vand.u32 $0x7FFFF, v5;
	s6 =	sadd.s32 s8, s6  }
0x11e: {  	[tilespmem:s18+$0x0] =	vst v5;
	v5 =	vand.u32 $0x7FFFF, v6;
	s6 =	sadd.s32 s16, s6  }
0x11f: {  	[tilespmem:s18+$0x10] =	vst v5;
	v5 =	vand.u32 $0x7FFFF, v8;
	s6 =	sadd.s32 s29, s6  }
0x120: {  	v6 =	vand.u32 $0x7FFFF, v9;
	[tilespmem:s18+$0x20] =	vst v5;
	s0 =	sadd.s32 s0, s6  }
0x121: {  	s19 =	simm.s32 $0x80;
	s11 =	simm.s32 $0x5F00;
	[tilespmem:s18+$0xFFFFFFC0] =	vst v6;
	s0 =	sadd.s32 s30, s0  }
0x122: {  	[tilespmem:s13], [sflag:$0x3] =	stream.indirect.gather [hbm4b:s3+s19], $0x80, s11, s19, $0xb8;
	[tilespmem:$0x1A080] =	vst v63  }
0x123: {  	s0 =	sadd.s32 s1, s0  }
.Ltmp8:
0x124: {  	s0 =	sadd.s32 s9, s0;
	(pc) =	sbr.rel .LBB2_12-.Ltmp8, $4  }
0x125: {  	s0 =	sadd.s32 s17, s0  }
0x126: {  	s0 =	sadd.s32 s2, s0  }
0x127: {  	s0 =	sadd.s32 s5, s0  }
0x128: {  	s29 =	simm.s32 $0x3F00;
	s28 =	sadd.s32 s28, s0  }
.LBB2_19:
0x129: {  	[tilespmem:s2+$0xFF70] =	vst v5  }
.LBB2_20:
0x12a: {  	p1 =	sne.s32 s30, s26  }
.Ltmp9:
0x12b: {  	_ = 	snop;
	(pc) =	sbr.rel @!p1 .LBB2_21-.Ltmp9, $2  }
0x12c: {  	_ =	sdelay $0x2  }
0x12d: {  	s28 =	sadd.s32 $0xFFFFFF80, s28;
	s29 =	sadd.s32 $0x80, s29;
	s31 =	smov.u32 s30  }
.LBB2_12:
0x12e: {  	s30 =	sadd.s32 $0x1, s31  }
0x12f: {  	s0 =	sand.u32 $0x1, s31;
	p2 =	sge.s32 s30, s26  }
0x130: {  	p1 =	sne.s32 @!p2 s0, $0x0  }
0x131: {  	p1 =	por p1, p2  }
0x132: {  	s1 =	sshll.u32 @!p1 s30, $0x9  }
0x133: {  	s1 =	sshra.s32 @!p1 s1, $0x2  }
0x134: {  	s2 =	simm.s32 @!p1 $0x80;
	s5 =	simm.s32 @!p1 $0xBF00;
	s1 =	sadd.s32 @!p1 $0x5F00, s1  }
0x135: {  	[tilespmem:s5], [sflag:$0x4] =	stream.indirect.gather @!p1 [hbm4b:s3+s2], $0x80, s1, s2, $0xb8;
	[tilespmem:$0x1A080] =	vst v63  }
0x136: {  	p1 =	seq.s32 s0, $0x1  }
0x137: {  	p2 =	por !p1, p2  }
0x138: {  	s1 =	sshll.u32 @!p2 s30, $0x9  }
0x139: {  	s1 =	sshra.s32 @!p2 s1, $0x2  }
0x13a: {  	s2 =	simm.s32 @!p2 $0x80;
	s5 =	simm.s32 @!p2 $0x7F00;
	s1 =	sadd.s32 @!p2 $0x5F00, s1  }
0x13b: {  	[tilespmem:s5], [sflag:$0x3] =	stream.indirect.gather @!p2 [hbm4b:s3+s2], $0x80, s1, s2, $0xb8;
	[tilespmem:$0x1A080] =	vst v63  }
0x13c: {  	p2 =	sne.s32 s0, $0x0  }
0x13d: {  	s0 =	sshll.u32 @!p2 s31, $0x7  }
0x13e: {  	s0 =	ssub.s32 @!p2 s25, s0  }
0x13f: {  	p3 =	sgt.s32 s28, $0x1;
	s2 =	smov.u32 s28;
	p4 =	slt.s32 @!p2 s0, $0x1  }
0x140: {  	s2 =	simm.s32 @!p3 $0x1;
	p3 =	por p2, p4  }
.Ltmp10:
0x141: {  	_ = 	snop;
	(pc) =	sbr.rel @p3 .LBB2_16-.Ltmp10, $4  }
0x142: {  	s1 =	simm.s32 @!p2 $0x3  }
0x143: {  	_ =	swait.ge @!p2 [sflag:s1], $0x4000  }
0x144: {  	[sflag:s1] =	ssyncset.done @!p2 $0x0  }
0x145: {  	s0 =	smin.u32 s2, $0x80;
	[sflag:s1] =	ssyncadd.s32 @!p2 $0xFFFFC000;
	s1 =	simm.s32 @!p2 $0x7F40  }
0x146: {  	v5 =	vld [tilespmem:s29+$0x0];
	_ =	sdelay $0x4  }
0x147: {  	(v2sf) =	vpush v5, $0x0;
	_ =	sdelay $0xe  }
0x148: {  	s2 =	spop (v2sf)  }
0x149: {  	s2 =	sshra.s32 s2, $0xC  }
0x14a: {  	v5 =	vld [tilespmem:s1+$0xFFFFFFC0];
	s2 =	sand.u32 $0xFFFFFF80, s2  }
0x14b: {  	v6 =	vld [tilespmem:s2+$0xFF00];
	_ =	sdelay $0x4  }
0x14c: {  	v5 =	vmax.f32 v6, v5  }
0x14d: {  	[tilespmem:s2+$0xFF00] =	vst v5;
	v5 =	vld [tilespmem:s2+$0xFF10]  }
0x14e: {  	v6 =	vld [tilespmem:s1+$0xFFFFFFD0];
	_ =	sdelay $0x4  }
0x14f: {  	v5 =	vmax.f32 v5, v6  }
0x150: {  	[tilespmem:s2+$0xFF10] =	vst v5;
	v5 =	vld [tilespmem:s2+$0xFF20]  }
0x151: {  	v6 =	vld [tilespmem:s1+$0xFFFFFFE0];
	_ =	sdelay $0x4  }
0x152: {  	v5 =	vmax.f32 v5, v6  }
0x153: {  	[tilespmem:s2+$0xFF20] =	vst v5;
	v5 =	vld [tilespmem:s2+$0xFF30]  }
0x154: {  	v6 =	vld [tilespmem:s1+$0xFFFFFFF0];
	_ =	sdelay $0x4  }
0x155: {  	v5 =	vmax.f32 v5, v6  }
0x156: {  	[tilespmem:s2+$0xFF30] =	vst v5;
	v5 =	vld [tilespmem:s2+$0xFF40]  }
0x157: {  	v6 =	vld [tilespmem:s1+$0x0];
	_ =	sdelay $0x4  }
0x158: {  	v5 =	vmax.f32 v5, v6  }
0x159: {  	[tilespmem:s2+$0xFF40] =	vst v5;
	v5 =	vld [tilespmem:s2+$0xFF50]  }
0x15a: {  	v6 =	vld [tilespmem:s1+$0x10];
	_ =	sdelay $0x4  }
0x15b: {  	v5 =	vmax.f32 v5, v6  }
0x15c: {  	[tilespmem:s2+$0xFF50] =	vst v5;
	v5 =	vld [tilespmem:s2+$0xFF60]  }
0x15d: {  	v6 =	vld [tilespmem:s1+$0x20];
	_ =	sdelay $0x4  }
0x15e: {  	v5 =	vmax.f32 v5, v6  }
0x15f: {  	[tilespmem:s2+$0xFF60] =	vst v5;
	v5 =	vld [tilespmem:s2+$0xFF70]  }
0x160: {  	p2 =	sne.s32 s0, $0x1;
	v6 =	vld [tilespmem:s1+$0x30]  }
.Ltmp11:
0x161: {  	_ = 	snop;
	(pc) =	sbr.rel @!p2 .LBB2_15-.Ltmp11, $2  }
0x162: {  	_ =	sdelay $0x2  }
0x163: {  	s5 =	sadd.s32 $0xFFFFFFFF, s0;
	s6 =	smov.u32 s29;
	v5 =	vmax.f32 v5, v6  }
.LBB2_14:
0x164: {  	p2 =	sne.s32 s5, $0x1;
	[tilespmem:s2+$0xFF70] =	vst v5;
	s6 =	sadd.s32 $0x1, s6;
	s1 =	sadd.s32 $0x80, s1  }
0x165: {  	s5 =	sadd.s32 $0xFFFFFFFF, s5;
	v5 =	vld [tilespmem:s6+$0x0];
	_ =	sdelay $0x4  }
0x166: {  	(v2sf) =	vpush v5, $0x0;
	_ =	sdelay $0xe  }
0x167: {  	s2 =	spop (v2sf)  }
0x168: {  	s2 =	sshra.s32 s2, $0xC  }
0x169: {  	s2 =	sand.u32 $0xFFFFFF80, s2;
	v5 =	vld [tilespmem:s1+$0xFFFFFFC0]  }
0x16a: {  	v6 =	vld [tilespmem:s2+$0xFF00];
	_ =	sdelay $0x4  }
0x16b: {  	v5 =	vmax.f32 v6, v5  }
0x16c: {  	[tilespmem:s2+$0xFF00] =	vst v5;
	v5 =	vld [tilespmem:s2+$0xFF10]  }
0x16d: {  	v6 =	vld [tilespmem:s1+$0xFFFFFFD0];
	_ =	sdelay $0x4  }
0x16e: {  	v5 =	vmax.f32 v5, v6  }
0x16f: {  	[tilespmem:s2+$0xFF10] =	vst v5;
	v5 =	vld [tilespmem:s2+$0xFF20]  }
0x170: {  	v6 =	vld [tilespmem:s1+$0xFFFFFFE0];
	_ =	sdelay $0x4  }
0x171: {  	v5 =	vmax.f32 v5, v6  }
0x172: {  	[tilespmem:s2+$0xFF20] =	vst v5;
	v5 =	vld [tilespmem:s2+$0xFF30]  }
0x173: {  	v6 =	vld [tilespmem:s1+$0xFFFFFFF0];
	_ =	sdelay $0x4  }
0x174: {  	v5 =	vmax.f32 v5, v6  }
0x175: {  	[tilespmem:s2+$0xFF30] =	vst v5;
	v5 =	vld [tilespmem:s2+$0xFF40]  }
0x176: {  	v6 =	vld [tilespmem:s1+$0x0];
	_ =	sdelay $0x4  }
0x177: {  	v5 =	vmax.f32 v5, v6  }
0x178: {  	[tilespmem:s2+$0xFF40] =	vst v5;
	v5 =	vld [tilespmem:s2+$0xFF50]  }
0x179: {  	v6 =	vld [tilespmem:s1+$0x10];
	_ =	sdelay $0x4  }
0x17a: {  	v5 =	vmax.f32 v5, v6  }
0x17b: {  	[tilespmem:s2+$0xFF50] =	vst v5;
	v5 =	vld [tilespmem:s2+$0xFF60]  }
0x17c: {  	v6 =	vld [tilespmem:s1+$0x20];
	_ =	sdelay $0x4  }
0x17d: {  	v5 =	vmax.f32 v5, v6  }
0x17e: {  	[tilespmem:s2+$0xFF60] =	vst v5;
	v5 =	vld [tilespmem:s2+$0xFF70]  }
0x17f: {  	v6 =	vld [tilespmem:s1+$0x30]  }
.Ltmp12:
0x180: {  	(pc) =	sbr.rel @p2 .LBB2_14-.Ltmp12, $2  }
0x181: {  	_ =	sdelay $0x2  }
0x182: {  	v5 =	vmax.f32 v5, v6  }
.LBB2_15:
0x183: {  	[tilespmem:s2+$0xFF70] =	vst v5  }
.LBB2_16:
0x184: {  	s1 =	sshll.u32 @p1 s31, $0x7  }
0x185: {  	s1 =	ssub.s32 @p1 s25, s1  }
0x186: {  	p2 =	slt.s32 @p1 s1, $0x1  }
0x187: {  	p2 =	por !p1, p2  }
.Ltmp13:
0x188: {  	_ = 	snop;
	(pc) =	sbr.rel @p2 .LBB2_20-.Ltmp13, $4  }
0x189: {  	s2 =	simm.s32 @p1 $0x4  }
0x18a: {  	_ =	swait.ge @p1 [sflag:s2], $0x4000  }
0x18b: {  	[sflag:s2] =	ssyncset.done @p1 $0x0  }
0x18c: {  	s1 =	simm.s32 @p1 $0xBF40;
	[sflag:s2] =	ssyncadd.s32 @p1 $0xFFFFC000  }
0x18d: {  	v5 =	vld [tilespmem:s29+$0x0];
	_ =	sdelay $0x4  }
0x18e: {  	(v2sf) =	vpush v5, $0x0;
	_ =	sdelay $0xe  }
0x18f: {  	s2 =	spop (v2sf)  }
0x190: {  	s2 =	sshra.s32 s2, $0xC  }
0x191: {  	v5 =	vld [tilespmem:s1+$0xFFFFFFC0];
	s2 =	sand.u32 $0xFFFFFF80, s2  }
0x192: {  	v6 =	vld [tilespmem:s2+$0xFF00];
	_ =	sdelay $0x4  }
0x193: {  	v5 =	vmax.f32 v6, v5  }
0x194: {  	[tilespmem:s2+$0xFF00] =	vst v5;
	v5 =	vld [tilespmem:s2+$0xFF10]  }
0x195: {  	v6 =	vld [tilespmem:s1+$0xFFFFFFD0];
	_ =	sdelay $0x4  }
0x196: {  	v5 =	vmax.f32 v5, v6  }
0x197: {  	[tilespmem:s2+$0xFF10] =	vst v5;
	v5 =	vld [tilespmem:s2+$0xFF20]  }
0x198: {  	v6 =	vld [tilespmem:s1+$0xFFFFFFE0];
	_ =	sdelay $0x4  }
0x199: {  	v5 =	vmax.f32 v5, v6  }
0x19a: {  	[tilespmem:s2+$0xFF20] =	vst v5;
	v5 =	vld [tilespmem:s2+$0xFF30]  }
0x19b: {  	v6 =	vld [tilespmem:s1+$0xFFFFFFF0];
	_ =	sdelay $0x4  }
0x19c: {  	v5 =	vmax.f32 v5, v6  }
0x19d: {  	[tilespmem:s2+$0xFF30] =	vst v5;
	v5 =	vld [tilespmem:s2+$0xFF40]  }
0x19e: {  	v6 =	vld [tilespmem:s1+$0x0];
	_ =	sdelay $0x4  }
0x19f: {  	v5 =	vmax.f32 v5, v6  }
0x1a0: {  	[tilespmem:s2+$0xFF40] =	vst v5;
	v5 =	vld [tilespmem:s2+$0xFF50]  }
0x1a1: {  	v6 =	vld [tilespmem:s1+$0x10];
	_ =	sdelay $0x4  }
0x1a2: {  	v5 =	vmax.f32 v5, v6  }
0x1a3: {  	[tilespmem:s2+$0xFF50] =	vst v5;
	v5 =	vld [tilespmem:s2+$0xFF60]  }
0x1a4: {  	v6 =	vld [tilespmem:s1+$0x20];
	_ =	sdelay $0x4  }
0x1a5: {  	v5 =	vmax.f32 v5, v6  }
0x1a6: {  	[tilespmem:s2+$0xFF60] =	vst v5;
	v5 =	vld [tilespmem:s2+$0xFF70]  }
0x1a7: {  	p1 =	sne.s32 s0, $0x1;
	v6 =	vld [tilespmem:s1+$0x30]  }
.Ltmp14:
0x1a8: {  	_ = 	snop;
	(pc) =	sbr.rel @!p1 .LBB2_19-.Ltmp14, $2  }
0x1a9: {  	_ =	sdelay $0x2  }
0x1aa: {  	s0 =	sadd.s32 $0xFFFFFFFF, s0;
	s5 =	smov.u32 s29;
	v5 =	vmax.f32 v5, v6  }
.LBB2_18:
0x1ab: {  	p1 =	sne.s32 s0, $0x1;
	[tilespmem:s2+$0xFF70] =	vst v5;
	s5 =	sadd.s32 $0x1, s5;
	s1 =	sadd.s32 $0x80, s1  }
0x1ac: {  	s0 =	sadd.s32 $0xFFFFFFFF, s0;
	v5 =	vld [tilespmem:s5+$0x0];
	_ =	sdelay $0x4  }
0x1ad: {  	(v2sf) =	vpush v5, $0x0;
	_ =	sdelay $0xe  }
0x1ae: {  	s2 =	spop (v2sf)  }
0x1af: {  	s2 =	sshra.s32 s2, $0xC  }
0x1b0: {  	s2 =	sand.u32 $0xFFFFFF80, s2;
	v5 =	vld [tilespmem:s1+$0xFFFFFFC0]  }
0x1b1: {  	v6 =	vld [tilespmem:s2+$0xFF00];
	_ =	sdelay $0x4  }
0x1b2: {  	v5 =	vmax.f32 v6, v5  }
0x1b3: {  	[tilespmem:s2+$0xFF00] =	vst v5;
	v5 =	vld [tilespmem:s2+$0xFF10]  }
0x1b4: {  	v6 =	vld [tilespmem:s1+$0xFFFFFFD0];
	_ =	sdelay $0x4  }
0x1b5: {  	v5 =	vmax.f32 v5, v6  }
0x1b6: {  	[tilespmem:s2+$0xFF10] =	vst v5;
	v5 =	vld [tilespmem:s2+$0xFF20]  }
0x1b7: {  	v6 =	vld [tilespmem:s1+$0xFFFFFFE0];
	_ =	sdelay $0x4  }
0x1b8: {  	v5 =	vmax.f32 v5, v6  }
0x1b9: {  	[tilespmem:s2+$0xFF20] =	vst v5;
	v5 =	vld [tilespmem:s2+$0xFF30]  }
0x1ba: {  	v6 =	vld [tilespmem:s1+$0xFFFFFFF0];
	_ =	sdelay $0x4  }
0x1bb: {  	v5 =	vmax.f32 v5, v6  }
0x1bc: {  	[tilespmem:s2+$0xFF30] =	vst v5;
	v5 =	vld [tilespmem:s2+$0xFF40]  }
0x1bd: {  	v6 =	vld [tilespmem:s1+$0x0];
	_ =	sdelay $0x4  }
0x1be: {  	v5 =	vmax.f32 v5, v6  }
0x1bf: {  	[tilespmem:s2+$0xFF40] =	vst v5;
	v5 =	vld [tilespmem:s2+$0xFF50]  }
0x1c0: {  	v6 =	vld [tilespmem:s1+$0x10];
	_ =	sdelay $0x4  }
0x1c1: {  	v5 =	vmax.f32 v5, v6  }
0x1c2: {  	[tilespmem:s2+$0xFF50] =	vst v5;
	v5 =	vld [tilespmem:s2+$0xFF60]  }
0x1c3: {  	v6 =	vld [tilespmem:s1+$0x20];
	_ =	sdelay $0x4  }
0x1c4: {  	v5 =	vmax.f32 v5, v6  }
0x1c5: {  	[tilespmem:s2+$0xFF60] =	vst v5;
	v5 =	vld [tilespmem:s2+$0xFF70]  }
0x1c6: {  	v6 =	vld [tilespmem:s1+$0x30]  }
.Ltmp15:
0x1c7: {  	(pc) =	sbr.rel @p1 .LBB2_18-.Ltmp15, $2  }
0x1c8: {  	_ =	sdelay $0x2  }
0x1c9: {  	v5 =	vmax.f32 v5, v6  }
.Ltmp16:
0x1ca: {  	_ = 	snop;
	(pc) =	sbr.rel .LBB2_19-.Ltmp16, $1  }
0x1cb: {  	_ =	sdelay $0x3  }
.LBB2_21:
0x1cc: {  	_ =	swait.ge [sflag:s14], $0x1F40  }
0x1cd: {  	[sflag:s14] =	ssyncset.done $0x0  }
0x1ce: {  	s0 =	simm.s32 $0x1FC0;
	[sflag:s14] =	ssyncadd.s32 $0xFFFFE0C0  }
0x1cf: {  	v5 =	vld [tilespmem:s0+$0xFFFFFFC0];
	_ =	sdelay $0x4  }
0x1d0: {  	v5 =	vsub.s32 v5, v0  }
0x1d1: {  	s1 =	sadd.s32 $0xFFFFFF90, s21;
	vm0 =	vlt.u32 v5, $0x140;
	v5 =	vshll.u32 v5, $0x13  }
0x1d2: {  	v5 =	vor.u32 s1, v5;
	v6 =	vmpcnt.ones.xlane vm0  }
0x1d3: {  	s7 =	simm.s32 $0x0;
	v5 =	vor.u32 v1, v5  }
0x1d4: {  	[tilespmem:s7+$0x3F00] =	vst.msk vm0, v5;
	(v2sf) =	vpush v6, $0x0  }
0x1d5: {  	v5 =	vld [tilespmem:s0+$0xFFFFFFD0];
	_ =	sdelay $0x4  }
0x1d6: {  	v5 =	vsub.s32 v5, v0  }
0x1d7: {  	vm0 =	vlt.u32 v5, $0x140  }
0x1d8: {  	v6 =	vmpcnt.ones.xlane vm0;
	_ =	sdelay $0x1  }
0x1d9: {  	(v2sf) =	vpush v6, $0x0;
	_ =	sdelay $0x3  }
0x1da: {  	s8 =	sadd.s32 $0xFFFFFFA0, s21;
	v5 =	vshll.u32 v5, $0x13  }
0x1db: {  	v5 =	vor.u32 s8, v5;
	s9 =	spop (v2sf)  }
0x1dc: {  	v5 =	vor.u32 v1, v5;
	s1 =	sadd.s32 $0x0, s9  }
0x1dd: {  	[tilespmem:s1+$0x3F00] =	vst.msk vm0, v5  }
0x1de: {  	v5 =	vld [tilespmem:s0+$0xFFFFFFE0];
	_ =	sdelay $0x4  }
0x1df: {  	v5 =	vsub.s32 v5, v0  }
0x1e0: {  	s2 =	sadd.s32 $0xFFFFFFB0, s21;
	vm0 =	vlt.u32 v5, $0x140;
	v5 =	vshll.u32 v5, $0x13  }
0x1e1: {  	v5 =	vor.u32 s2, v5;
	v6 =	vmpcnt.ones.xlane vm0;
	s11 =	spop (v2sf)  }
0x1e2: {  	s1 =	sadd.s32 s1, s11;
	v5 =	vor.u32 v1, v5  }
0x1e3: {  	[tilespmem:s1+$0x3F00] =	vst.msk vm0, v5;
	(v2sf) =	vpush v6, $0x0  }
0x1e4: {  	v5 =	vld [tilespmem:s0+$0xFFFFFFF0];
	_ =	sdelay $0x4  }
0x1e5: {  	v5 =	vsub.s32 v5, v0  }
0x1e6: {  	vm0 =	vlt.u32 v5, $0x140  }
0x1e7: {  	v6 =	vmpcnt.ones.xlane vm0;
	_ =	sdelay $0x1  }
0x1e8: {  	(v2sf) =	vpush v6, $0x0;
	_ =	sdelay $0x3  }
0x1e9: {  	s12 =	sadd.s32 $0xFFFFFFC0, s21;
	v5 =	vshll.u32 v5, $0x13  }
0x1ea: {  	v5 =	vor.u32 s12, v5;
	s16 =	spop (v2sf)  }
0x1eb: {  	v5 =	vor.u32 v1, v5;
	s1 =	sadd.s32 s1, s16  }
0x1ec: {  	[tilespmem:s1+$0x3F00] =	vst.msk vm0, v5  }
0x1ed: {  	v5 =	vld [tilespmem:s0+$0x0];
	_ =	sdelay $0x4  }
0x1ee: {  	v5 =	vsub.s32 v5, v0  }
0x1ef: {  	s17 =	sadd.s32 $0xFFFFFFD0, s21;
	vm0 =	vlt.u32 v5, $0x140;
	v5 =	vshll.u32 v5, $0x13  }
0x1f0: {  	v5 =	vor.u32 s17, v5;
	v6 =	vmpcnt.ones.xlane vm0;
	s18 =	spop (v2sf)  }
0x1f1: {  	s1 =	sadd.s32 s1, s18;
	v5 =	vor.u32 v1, v5  }
0x1f2: {  	[tilespmem:s1+$0x3F00] =	vst.msk vm0, v5;
	(v2sf) =	vpush v6, $0x0  }
0x1f3: {  	v5 =	vld [tilespmem:s0+$0x10];
	_ =	sdelay $0x4  }
0x1f4: {  	v5 =	vsub.s32 v5, v0  }
0x1f5: {  	vm0 =	vlt.u32 v5, $0x140  }
0x1f6: {  	v6 =	vmpcnt.ones.xlane vm0;
	_ =	sdelay $0x1  }
0x1f7: {  	(v2sf) =	vpush v6, $0x0;
	_ =	sdelay $0x3  }
0x1f8: {  	s25 =	sadd.s32 $0xFFFFFFE0, s21;
	v5 =	vshll.u32 v5, $0x13  }
0x1f9: {  	v5 =	vor.u32 s25, v5;
	s26 =	spop (v2sf)  }
0x1fa: {  	v5 =	vor.u32 v1, v5;
	s1 =	sadd.s32 s1, s26  }
0x1fb: {  	[tilespmem:s1+$0x3F00] =	vst.msk vm0, v5  }
0x1fc: {  	v5 =	vld [tilespmem:s0+$0x20];
	_ =	sdelay $0x4  }
0x1fd: {  	v5 =	vsub.s32 v5, v0  }
0x1fe: {  	s28 =	sadd.s32 $0xFFFFFFF0, s21;
	vm0 =	vlt.u32 v5, $0x140;
	v5 =	vshll.u32 v5, $0x13  }
0x1ff: {  	v5 =	vor.u32 s28, v5;
	v6 =	vmpcnt.ones.xlane vm0;
	s29 =	spop (v2sf)  }
0x200: {  	s1 =	sadd.s32 s1, s29;
	v5 =	vor.u32 v1, v5  }
0x201: {  	[tilespmem:s1+$0x3F00] =	vst.msk vm0, v5;
	(v2sf) =	vpush v6, $0x0  }
0x202: {  	v5 =	vld [tilespmem:s0+$0x30];
	_ =	sdelay $0x4  }
0x203: {  	v5 =	vsub.s32 v5, v0  }
0x204: {  	vm0 =	vlt.u32 v5, $0x140  }
0x205: {  	v6 =	vmpcnt.ones.xlane vm0;
	_ =	sdelay $0x1  }
0x206: {  	(v2sf) =	vpush v6, $0x0;
	_ =	sdelay $0x3  }
0x207: {  	v5 =	vshll.u32 v5, $0x13  }
0x208: {  	v5 =	vor.u32 s21, v5;
	s30 =	spop (v2sf)  }
0x209: {  	v5 =	vor.u32 v1, v5;
	s1 =	sadd.s32 s1, s30  }
0x20a: {  	s26 =	simm.s32 $0x2040;
	[tilespmem:s1+$0x3F00] =	vst.msk vm0, v5  }
0x20b: {  	v5 =	vld [tilespmem:s26+$0xFFFFFFC0];
	_ =	sdelay $0x4  }
0x20c: {  	s25 =	sadd.s32 $0x80, s21;
	v5 =	vsub.s32 v5, v0  }
0x20d: {  	s31 =	sadd.s32 $0xFFFFFF90, s25;
	vm0 =	vlt.u32 v5, $0x140;
	v5 =	vshll.u32 v5, $0x13  }
0x20e: {  	s0 =	simm.s32 $0x8;
	v6 =	vor.u32 s31, v5;
	v5 =	vmpcnt.ones.xlane vm0;
	s2 =	spop (v2sf)  }
.LBB2_22:
0x20f: {  	s0 =	sadd.s32 $0x8, s0;
	v6 =	vor.u32 v1, v6;
	s1 =	sadd.s32 s1, s2  }
0x210: {  	p1 =	slt.u32 s0, $0x1E8;
	[tilespmem:s1+$0x3F00] =	vst.msk vm0, v6;
	(v2sf) =	vpush v5, $0x0  }
0x211: {  	v5 =	vld [tilespmem:s26+$0xFFFFFFD0];
	_ =	sdelay $0x4  }
0x212: {  	v5 =	vsub.s32 v5, v0  }
0x213: {  	s2 =	sadd.s32 $0xFFFFFFA0, s25;
	vm0 =	vlt.u32 v5, $0x140;
	v5 =	vshll.u32 v5, $0x13  }
0x214: {  	v5 =	vor.u32 s2, v5;
	v6 =	vmpcnt.ones.xlane vm0;
	_ =	sdelay $0x1  }
0x215: {  	(v2sf) =	vpush v6, $0x0;
	_ =	sdelay $0x4  }
0x216: {  	s2 =	spop (v2sf)  }
0x217: {  	v5 =	vor.u32 v1, v5;
	s1 =	sadd.s32 s1, s2  }
0x218: {  	[tilespmem:s1+$0x3F00] =	vst.msk vm0, v5  }
0x219: {  	v5 =	vld [tilespmem:s26+$0xFFFFFFE0];
	_ =	sdelay $0x4  }
0x21a: {  	v5 =	vsub.s32 v5, v0  }
0x21b: {  	s2 =	sadd.s32 $0xFFFFFFB0, s25;
	vm0 =	vlt.u32 v5, $0x140;
	v5 =	vshll.u32 v5, $0x13  }
0x21c: {  	v5 =	vor.u32 s2, v5;
	v6 =	vmpcnt.ones.xlane vm0;
	s2 =	spop (v2sf)  }
0x21d: {  	s1 =	sadd.s32 s1, s2;
	v5 =	vor.u32 v1, v5  }
0x21e: {  	[tilespmem:s1+$0x3F00] =	vst.msk vm0, v5;
	(v2sf) =	vpush v6, $0x0  }
0x21f: {  	v5 =	vld [tilespmem:s26+$0xFFFFFFF0];
	_ =	sdelay $0x4  }
0x220: {  	v5 =	vsub.s32 v5, v0  }
0x221: {  	s2 =	sadd.s32 $0xFFFFFFC0, s25;
	vm0 =	vlt.u32 v5, $0x140;
	v5 =	vshll.u32 v5, $0x13  }
0x222: {  	v5 =	vor.u32 s2, v5;
	v6 =	vmpcnt.ones.xlane vm0;
	_ =	sdelay $0x1  }
0x223: {  	(v2sf) =	vpush v6, $0x0;
	_ =	sdelay $0x4  }
0x224: {  	s2 =	spop (v2sf)  }
0x225: {  	v5 =	vor.u32 v1, v5;
	s1 =	sadd.s32 s1, s2  }
0x226: {  	[tilespmem:s1+$0x3F00] =	vst.msk vm0, v5  }
0x227: {  	v5 =	vld [tilespmem:s26+$0x0];
	_ =	sdelay $0x4  }
0x228: {  	v5 =	vsub.s32 v5, v0  }
0x229: {  	s2 =	sadd.s32 $0xFFFFFFD0, s25;
	vm0 =	vlt.u32 v5, $0x140;
	v5 =	vshll.u32 v5, $0x13  }
0x22a: {  	v5 =	vor.u32 s2, v5;
	v6 =	vmpcnt.ones.xlane vm0;
	s2 =	spop (v2sf)  }
0x22b: {  	s1 =	sadd.s32 s1, s2;
	v5 =	vor.u32 v1, v5  }
0x22c: {  	[tilespmem:s1+$0x3F00] =	vst.msk vm0, v5;
	(v2sf) =	vpush v6, $0x0  }
0x22d: {  	v5 =	vld [tilespmem:s26+$0x10];
	_ =	sdelay $0x4  }
0x22e: {  	v5 =	vsub.s32 v5, v0  }
0x22f: {  	s2 =	sadd.s32 $0xFFFFFFE0, s25;
	vm0 =	vlt.u32 v5, $0x140;
	v5 =	vshll.u32 v5, $0x13  }
0x230: {  	v5 =	vor.u32 s2, v5;
	v6 =	vmpcnt.ones.xlane vm0;
	_ =	sdelay $0x1  }
0x231: {  	(v2sf) =	vpush v6, $0x0;
	_ =	sdelay $0x4  }
0x232: {  	s2 =	spop (v2sf)  }
0x233: {  	v5 =	vor.u32 v1, v5;
	s1 =	sadd.s32 s1, s2  }
0x234: {  	[tilespmem:s1+$0x3F00] =	vst.msk vm0, v5  }
0x235: {  	v5 =	vld [tilespmem:s26+$0x20];
	_ =	sdelay $0x4  }
0x236: {  	v5 =	vsub.s32 v5, v0  }
0x237: {  	s2 =	sadd.s32 $0xFFFFFFF0, s25;
	vm0 =	vlt.u32 v5, $0x140;
	v5 =	vshll.u32 v5, $0x13  }
0x238: {  	v5 =	vor.u32 s2, v5;
	v6 =	vmpcnt.ones.xlane vm0;
	s2 =	spop (v2sf)  }
0x239: {  	s1 =	sadd.s32 s1, s2;
	v5 =	vor.u32 v1, v5  }
0x23a: {  	[tilespmem:s1+$0x3F00] =	vst.msk vm0, v5;
	(v2sf) =	vpush v6, $0x0  }
0x23b: {  	v5 =	vld [tilespmem:s26+$0x30];
	_ =	sdelay $0x4  }
0x23c: {  	v5 =	vsub.s32 v5, v0  }
0x23d: {  	vm0 =	vlt.u32 v5, $0x140;
	v5 =	vshll.u32 v5, $0x13  }
0x23e: {  	v5 =	vor.u32 s25, v5;
	v6 =	vmpcnt.ones.xlane vm0;
	_ =	sdelay $0x1  }
0x23f: {  	(v2sf) =	vpush v6, $0x0;
	_ =	sdelay $0x4  }
0x240: {  	s2 =	spop (v2sf)  }
0x241: {  	v5 =	vor.u32 v1, v5;
	s1 =	sadd.s32 s1, s2  }
0x242: {  	s26 =	sadd.s32 $0x80, s26;
	[tilespmem:s1+$0x3F00] =	vst.msk vm0, v5  }
0x243: {  	v5 =	vld [tilespmem:s26+$0xFFFFFFC0];
	_ =	sdelay $0x2  }
.Ltmp17:
0x244: {  	(pc) =	sbr.rel @p1 .LBB2_22-.Ltmp17, $4  }
0x245: {  	_ = 	snop  }
0x246: {  	s25 =	sadd.s32 $0x80, s25;
	v5 =	vsub.s32 v5, v0  }
0x247: {  	s2 =	sadd.s32 $0xFFFFFF90, s25;
	vm0 =	vlt.u32 v5, $0x140;
	v5 =	vshll.u32 v5, $0x13  }
0x248: {  	v6 =	vor.u32 s2, v5;
	v5 =	vmpcnt.ones.xlane vm0;
	s2 =	spop (v2sf)  }
0x249: {  	v6 =	vor.u32 v1, v6;
	s28 =	sadd.s32 s1, s2  }
0x24a: {  	[tilespmem:s28+$0x3F00] =	vst.msk vm0, v6;
	(v2sf) =	vpush v5, $0x0  }
0x24b: {  	v5 =	vld [tilespmem:s26+$0xFFFFFFD0];
	_ =	sdelay $0x4  }
0x24c: {  	v5 =	vsub.s32 v5, v0  }
0x24d: {  	vm5 =	vlt.u32 v5, $0x140  }
0x24e: {  	v6 =	vmpcnt.ones.xlane vm5;
	_ =	sdelay $0x1  }
0x24f: {  	(v2sf) =	vpush v6, $0x0;
	_ =	sdelay $0x3  }
0x250: {  	s0 =	sadd.s32 $0xFFFFFFA0, s25;
	v5 =	vshll.u32 v5, $0x13  }
0x251: {  	v5 =	vor.u32 s0, v5;
	s30 =	spop (v2sf)  }
0x252: {  	v5 =	vor.u32 v1, v5;
	s1 =	sadd.s32 s28, s30  }
0x253: {  	[tilespmem:s1+$0x3F00] =	vst.msk vm5, v5  }
0x254: {  	v5 =	vld [tilespmem:s26+$0xFFFFFFE0];
	_ =	sdelay $0x4  }
0x255: {  	v5 =	vsub.s32 v5, v0  }
0x256: {  	s18 =	sadd.s32 $0xFFFFFFB0, s25;
	vm6 =	vlt.u32 v5, $0x140;
	v5 =	vshll.u32 v5, $0x13  }
0x257: {  	v5 =	vor.u32 s18, v5;
	v6 =	vmpcnt.ones.xlane vm6;
	s0 =	spop (v2sf)  }
0x258: {  	s1 =	sadd.s32 s1, s0;
	v5 =	vor.u32 v1, v5  }
0x259: {  	[tilespmem:s1+$0x3F00] =	vst.msk vm6, v5;
	(v2sf) =	vpush v6, $0x0  }
0x25a: {  	v5 =	vld [tilespmem:s26+$0xFFFFFFF0];
	_ =	sdelay $0x4  }
0x25b: {  	v5 =	vsub.s32 v5, v0  }
0x25c: {  	vm7 =	vlt.u32 v5, $0x140  }
0x25d: {  	v6 =	vmpcnt.ones.xlane vm7;
	_ =	sdelay $0x1  }
0x25e: {  	(v2sf) =	vpush v6, $0x0;
	_ =	sdelay $0x3  }
0x25f: {  	s29 =	sadd.s32 $0xFFFFFFC0, s25;
	v5 =	vshll.u32 v5, $0x13  }
0x260: {  	v5 =	vor.u32 s29, v5;
	s31 =	spop (v2sf)  }
0x261: {  	v5 =	vor.u32 v1, v5;
	s5 =	sadd.s32 s1, s31  }
0x262: {  	[tilespmem:s5+$0x3F00] =	vst.msk vm7, v5  }
0x263: {  	v5 =	vld [tilespmem:s26+$0x0];
	_ =	sdelay $0x4  }
0x264: {  	v5 =	vsub.s32 v5, v0  }
0x265: {  	s6 =	sadd.s32 $0xFFFFFFD0, s25;
	vm8 =	vlt.u32 v5, $0x140;
	v5 =	vshll.u32 v5, $0x13  }
0x266: {  	v5 =	vor.u32 s6, v5;
	v6 =	vmpcnt.ones.xlane vm8;
	s1 =	spop (v2sf)  }
0x267: {  	s2 =	sadd.s32 s5, s1;
	v5 =	vor.u32 v1, v5  }
0x268: {  	[tilespmem:s2+$0x3F00] =	vst.msk vm8, v5;
	(v2sf) =	vpush v6, $0x0  }
0x269: {  	v5 =	vld [tilespmem:s26+$0x10];
	_ =	sdelay $0x4  }
0x26a: {  	v5 =	vsub.s32 v5, v0  }
0x26b: {  	vm9 =	vlt.u32 v5, $0x140  }
0x26c: {  	v6 =	vmpcnt.ones.xlane vm9;
	_ =	sdelay $0x1  }
0x26d: {  	(v2sf) =	vpush v6, $0x0;
	_ =	sdelay $0x3  }
0x26e: {  	s5 =	sadd.s32 $0xFFFFFFE0, s25;
	v5 =	vshll.u32 v5, $0x13  }
0x26f: {  	v5 =	vor.u32 s5, v5;
	s9 =	spop (v2sf)  }
0x270: {  	v5 =	vor.u32 v1, v5;
	s2 =	sadd.s32 s2, s9  }
0x271: {  	[tilespmem:s2+$0x3F00] =	vst.msk vm9, v5  }
0x272: {  	v5 =	vld [tilespmem:s26+$0x20];
	_ =	sdelay $0x4  }
0x273: {  	v5 =	vsub.s32 v5, v0  }
0x274: {  	s7 =	sadd.s32 $0xFFFFFFF0, s25;
	vm10 =	vlt.u32 v5, $0x140;
	v5 =	vshll.u32 v5, $0x13  }
0x275: {  	v5 =	vor.u32 s7, v5;
	v6 =	vmpcnt.ones.xlane vm10;
	s17 =	spop (v2sf)  }
0x276: {  	s8 =	sadd.s32 s2, s17;
	v5 =	vor.u32 v1, v5  }
0x277: {  	[tilespmem:s8+$0x3F00] =	vst.msk vm10, v5;
	(v2sf) =	vpush v6, $0x0  }
0x278: {  	v5 =	vld [tilespmem:s26+$0x30];
	_ =	sdelay $0x4  }
0x279: {  	v5 =	vsub.s32 v5, v0  }
0x27a: {  	vm11 =	vlt.u32 v5, $0x140  }
0x27b: {  	v6 =	vmpcnt.ones.xlane vm11;
	_ =	sdelay $0x1  }
0x27c: {  	(v2sf) =	vpush v6, $0x0;
	_ =	sdelay $0x3  }
0x27d: {  	v5 =	vshll.u32 v5, $0x13  }
0x27e: {  	v5 =	vor.u32 s25, v5;
	s2 =	spop (v2sf)  }
0x27f: {  	v5 =	vor.u32 v1, v5;
	s6 =	sadd.s32 s8, s2  }
0x280: {  	[tilespmem:s6+$0x3F00] =	vst.msk vm11, v5  }
0x281: {  	v5 =	vld [tilespmem:$0x3E80];
	_ =	sdelay $0x4  }
0x282: {  	v5 =	vsub.s32 v5, v0  }
0x283: {  	s7 =	sadd.s32 $0x3E40, s23;
	vm12 =	vlt.u32 v5, $0x140;
	v5 =	vshll.u32 v5, $0x13  }
0x284: {  	s5 =	spop (v2sf);
	v5 =	vor.u32 s7, v5;
	v6 =	vmpcnt.ones.xlane vm12  }
0x285: {  	s11 =	sadd.s32 s6, s5;
	v5 =	vor.u32 v1, v5  }
0x286: {  	[tilespmem:s11+$0x3F00] =	vst.msk vm12, v5;
	(v2sf) =	vpush v6, $0x0  }
0x287: {  	v5 =	vld [tilespmem:$0x3E90];
	_ =	sdelay $0x4  }
0x288: {  	v5 =	vsub.s32 v5, v0  }
0x289: {  	vm13 =	vlt.u32 v5, $0x140  }
0x28a: {  	v6 =	vmpcnt.ones.xlane vm13;
	_ =	sdelay $0x1  }
0x28b: {  	(v2sf) =	vpush v6, $0x0;
	_ =	sdelay $0x3  }
0x28c: {  	s8 =	sadd.s32 $0x3E50, s23;
	v5 =	vshll.u32 v5, $0x13  }
0x28d: {  	v5 =	vor.u32 s8, v5;
	s6 =	spop (v2sf)  }
0x28e: {  	v5 =	vor.u32 v1, v5;
	s12 =	sadd.s32 s11, s6  }
0x28f: {  	[tilespmem:s12+$0x3F00] =	vst.msk vm13, v5  }
0x290: {  	v5 =	vld [tilespmem:$0x3EA0];
	_ =	sdelay $0x4  }
0x291: {  	v5 =	vsub.s32 v5, v0  }
0x292: {  	s11 =	sadd.s32 $0x3E60, s23;
	v6 =	vshll.u32 v5, $0x13  }
0x293: {  	s7 =	spop (v2sf);
	v6 =	vor.u32 s11, v6  }
0x294: {  	vm14 =	vlt.u32 v5, $0x140;
	s8 =	sadd.s32 s12, s7;
	v5 =	vor.u32 v1, v6  }
0x295: {  	[tilespmem:s8+$0x3F00] =	vst.msk vm14, v5  }
0x296: {  	v5 =	vld [tilespmem:$0x3EB0];
	_ =	sdelay $0x4  }
0x297: {  	v5 =	vsub.s32 v5, v0  }
0x298: {  	v6 =	vmpcnt.ones.xlane vm14;
	vm15 =	vlt.u32 v5, $0x140  }
0x299: {  	v7 =	vmpcnt.ones.xlane vm15  }
0x29a: {  	(v2sf) =	vpush v6, $0x0  }
0x29b: {  	(v2sf) =	vpush v7, $0x0;
	_ =	sdelay $0xc  }
0x29c: {  	s16 =	sadd.s32 $0x3E70, s23;
	v5 =	vshll.u32 v5, $0x13  }
0x29d: {  	v5 =	vor.u32 s16, v5;
	s25 =	spop (v2sf)  }
0x29e: {  	s11 =	sadd.s32 @!p0 $0xBB8, s24;
	v5 =	vor.u32 v1, v5;
	s12 =	sadd.s32 s8, s25;
	s8 =	spop (v2sf)  }
0x29f: {  	s16 =	simm.s32 @!p0 $0x1F80;
	[tilespmem:s12+$0x3F00] =	vst.msk vm15, v5;
	s23 =	sadd.s32 s12, s8;
	s12 =	simm.s32 @!p0 $0x0  }
0x2a0: {  	[tilespmem:s16], [sflag:$0x2] =	stream.linear.gather @!p0 [hbm4b:s11+s12], $0x1F40, $0x38;
	[tilespmem:$0x1A080] =	vst v63  }
0x2a1: {  	s18 =	sadd.s32 $0x7F, s23  }
0x2a2: {  	s24 =	sand.u32 $0x7F, s18  }
0x2a3: {  	s26 =	sshra.s32 s18, $0x1F;
	p6 =	slt.s32 s18, $0x1;
	p1 =	sne.s32 s24, $0x0  }
0x2a4: {  	s29 =	sshrl.u32 s26, $0x19;
	p0 =	por !p6, !p1  }
0x2a5: {  	s12 =	simm.s32 $0x1;
	s11 =	sadd.s32 s29, s18;
	p0 =	por !p0, !p0  }
0x2a6: {  	s11 =	sshra.s32 s11, $0x7;
	s12 =	simm.s32 @!p0 $0x0  }
0x2a7: {  	s24 =	ssub.s32 s11, s12  }
0x2a8: {  	p0 =	slt.s32 s24, $0x1  }
.Ltmp18:
0x2a9: {  	_ = 	snop;
	(pc) =	sbr.rel @p0 .LBB2_36-.Ltmp18, $1  }
0x2aa: {  	_ =	sdelay $0x3  }
0x2ab: {  	s12 =	simm.s32 $0x3F40  }
0x2ac: {  	v8 =	vld [tilespmem:s12+$0x30]  }
0x2ad: {  	s18 =	sshll.u32 s24, $0x3;
	v9 =	vld [tilespmem:s12+$0xFFFFFFD0]  }
0x2ae: {  	v10 =	vld [tilespmem:s12+$0xFFFFFFE0];
	p0 =	sgt.s32 s18, $0x8  }
.Ltmp19:
0x2af: {  	v7 =	vld [tilespmem:s12+$0xFFFFFFF0];
	(pc) =	sbr.rel @!p0 .LBB2_26-.Ltmp19, $4  }
0x2b0: {  	v5 =	vld [tilespmem:s12+$0x0]  }
0x2b1: {  	s16 =	simm.s32 $0x5F40;
	v6 =	vld [tilespmem:s12+$0x10];
	v11 =	vand.u32 $0x7FFFF, v8  }
0x2b2: {  	v12 =	vand.u32 $0x7FFFF, v9;
	v8 =	vld [tilespmem:s12+$0x20];
	[tilespmem:s16+$0x30] =	vst v11  }
0x2b3: {  	s29 =	simm.s32 $0x0;
	s11 =	simm.s32 $0x8;
	v9 =	vld [tilespmem:s12+$0xFFFFFFC0];
	v10 =	vand.u32 $0x7FFFF, v10;
	s12 =	simm.s32 $0x3FC0;
	[tilespmem:s16+$0xFFFFFFD0] =	vst v12  }
.LBB2_25:
0x2b4: {  	v11 =	vld [tilespmem:s12+$0x30];
	s11 =	sadd.s32 $0x8, s11;
	[tilespmem:s16+$0xFFFFFFE0] =	vst v10;
	v7 =	vand.u32 $0x7FFFF, v7  }
0x2b5: {  	v10 =	vld [tilespmem:s12+$0xFFFFFFD0];
	p0 =	slt.s32 s11, s18;
	[tilespmem:s16+$0xFFFFFFF0] =	vst v7;
	v5 =	vand.u32 $0x7FFFF, v5  }
0x2b6: {  	v12 =	vld [tilespmem:s12+$0xFFFFFFE0];
	[tilespmem:s16+$0x0] =	vst v5;
	v5 =	vand.u32 $0x7FFFF, v6  }
.Ltmp20:
0x2b7: {  	v7 =	vld [tilespmem:s12+$0xFFFFFFF0];
	[tilespmem:s16+$0x10] =	vst v5;
	v6 =	vand.u32 $0x7FFFF, v8;
	(pc) =	sbr.rel @p0 .LBB2_25-.Ltmp20, $4  }
0x2b8: {  	v5 =	vld [tilespmem:s12+$0x0];
	v8 =	vand.u32 $0x7FFFF, v9;
	[tilespmem:s16+$0x20] =	vst v6  }
0x2b9: {  	v6 =	vld [tilespmem:s12+$0x10];
	v9 =	vand.u32 $0x7FFFF, v11;
	[tilespmem:s16+$0xFFFFFFC0] =	vst v8;
	s16 =	sadd.s32 $0x80, s16  }
0x2ba: {  	v10 =	vand.u32 $0x7FFFF, v10;
	v8 =	vld [tilespmem:s12+$0x20];
	[tilespmem:s16+$0x30] =	vst v9  }
0x2bb: {  	v9 =	vld [tilespmem:s12+$0xFFFFFFC0];
	[tilespmem:s16+$0xFFFFFFD0] =	vst v10;
	v10 =	vand.u32 $0x7FFFF, v12;
	s12 =	sadd.s32 $0x80, s12  }
.LBB2_26:
0x2bc: {  	[tilespmem:s16+$0xFFFFFFE0] =	vst v10;
	v7 =	vand.u32 $0x7FFFF, v7;
	s6 =	sadd.s32 s7, s6  }
0x2bd: {  	[tilespmem:s16+$0xFFFFFFF0] =	vst v7;
	v5 =	vand.u32 $0x7FFFF, v5;
	s6 =	sadd.s32 s25, s6  }
0x2be: {  	[tilespmem:s16+$0x0] =	vst v5;
	v5 =	vand.u32 $0x7FFFF, v6;
	s6 =	sadd.s32 s8, s6  }
0x2bf: {  	[tilespmem:s16+$0x10] =	vst v5;
	v5 =	vand.u32 $0x7FFFF, v8;
	s6 =	sadd.s32 s30, s6  }
0x2c0: {  	v6 =	vand.u32 $0x7FFFF, v9;
	[tilespmem:s16+$0x20] =	vst v5;
	s0 =	sadd.s32 s0, s6  }
0x2c1: {  	s11 =	simm.s32 $0x5F00;
	[tilespmem:s16+$0xFFFFFFC0] =	vst v6;
	s0 =	sadd.s32 s31, s0  }
0x2c2: {  	[tilespmem:s13], [sflag:$0x3] =	stream.indirect.gather [hbm4b:s3+s19], $0x80, s11, s19, $0xb8;
	[tilespmem:$0x1A080] =	vst v63  }
0x2c3: {  	s0 =	sadd.s32 s1, s0  }
.Ltmp21:
0x2c4: {  	s0 =	sadd.s32 s9, s0;
	(pc) =	sbr.rel .LBB2_27-.Ltmp21, $4  }
0x2c5: {  	s0 =	sadd.s32 s17, s0  }
0x2c6: {  	s0 =	sadd.s32 s2, s0  }
0x2c7: {  	s0 =	sadd.s32 s5, s0  }
0x2c8: {  	s26 =	simm.s32 $0x3F00;
	s25 =	sadd.s32 s28, s0  }
.LBB2_34:
0x2c9: {  	[tilespmem:s2+$0xFF70] =	vst v5  }
.LBB2_35:
0x2ca: {  	p0 =	sne.s32 s28, s24  }
.Ltmp22:
0x2cb: {  	_ = 	snop;
	(pc) =	sbr.rel @!p0 .LBB2_36-.Ltmp22, $2  }
0x2cc: {  	_ =	sdelay $0x2  }
0x2cd: {  	s25 =	sadd.s32 $0xFFFFFF80, s25;
	s26 =	sadd.s32 $0x80, s26;
	s29 =	smov.u32 s28  }
.LBB2_27:
0x2ce: {  	s28 =	sadd.s32 $0x1, s29  }
0x2cf: {  	s0 =	sand.u32 $0x1, s29;
	p1 =	sge.s32 s28, s24  }
0x2d0: {  	p0 =	sne.s32 @!p1 s0, $0x0  }
0x2d1: {  	p0 =	por p0, p1  }
0x2d2: {  	s1 =	sshll.u32 @!p0 s28, $0x9  }
0x2d3: {  	s1 =	sshra.s32 @!p0 s1, $0x2  }
0x2d4: {  	s2 =	simm.s32 @!p0 $0x80;
	s5 =	simm.s32 @!p0 $0xBF00;
	s1 =	sadd.s32 @!p0 $0x5F00, s1  }
0x2d5: {  	[tilespmem:s5], [sflag:$0x4] =	stream.indirect.gather @!p0 [hbm4b:s3+s2], $0x80, s1, s2, $0xb8;
	[tilespmem:$0x1A080] =	vst v63  }
0x2d6: {  	p0 =	seq.s32 s0, $0x1  }
0x2d7: {  	p1 =	por !p0, p1  }
0x2d8: {  	s1 =	sshll.u32 @!p1 s28, $0x9  }
0x2d9: {  	s1 =	sshra.s32 @!p1 s1, $0x2  }
0x2da: {  	s2 =	simm.s32 @!p1 $0x80;
	s5 =	simm.s32 @!p1 $0x7F00;
	s1 =	sadd.s32 @!p1 $0x5F00, s1  }
0x2db: {  	[tilespmem:s5], [sflag:$0x3] =	stream.indirect.gather @!p1 [hbm4b:s3+s2], $0x80, s1, s2, $0xb8;
	[tilespmem:$0x1A080] =	vst v63  }
0x2dc: {  	p1 =	sne.s32 s0, $0x0  }
0x2dd: {  	s0 =	sshll.u32 @!p1 s29, $0x7  }
0x2de: {  	s0 =	ssub.s32 @!p1 s23, s0  }
0x2df: {  	p2 =	sgt.s32 s25, $0x1;
	s2 =	smov.u32 s25;
	p3 =	slt.s32 @!p1 s0, $0x1  }
0x2e0: {  	s2 =	simm.s32 @!p2 $0x1;
	p2 =	por p1, p3  }
.Ltmp23:
0x2e1: {  	_ = 	snop;
	(pc) =	sbr.rel @p2 .LBB2_31-.Ltmp23, $4  }
0x2e2: {  	s1 =	simm.s32 @!p1 $0x3  }
0x2e3: {  	_ =	swait.ge @!p1 [sflag:s1], $0x4000  }
0x2e4: {  	[sflag:s1] =	ssyncset.done @!p1 $0x0  }
0x2e5: {  	s0 =	smin.u32 s2, $0x80;
	[sflag:s1] =	ssyncadd.s32 @!p1 $0xFFFFC000;
	s1 =	simm.s32 @!p1 $0x7F40  }
0x2e6: {  	v5 =	vld [tilespmem:s26+$0x0];
	_ =	sdelay $0x4  }
0x2e7: {  	(v2sf) =	vpush v5, $0x0;
	_ =	sdelay $0xe  }
0x2e8: {  	s2 =	spop (v2sf)  }
0x2e9: {  	s2 =	sshra.s32 s2, $0xC  }
0x2ea: {  	v5 =	vld [tilespmem:s1+$0xFFFFFFC0];
	s2 =	sand.u32 $0xFFFFFF80, s2  }
0x2eb: {  	v6 =	vld [tilespmem:s2+$0xFF00];
	_ =	sdelay $0x4  }
0x2ec: {  	v5 =	vmax.f32 v6, v5  }
0x2ed: {  	[tilespmem:s2+$0xFF00] =	vst v5;
	v5 =	vld [tilespmem:s2+$0xFF10]  }
0x2ee: {  	v6 =	vld [tilespmem:s1+$0xFFFFFFD0];
	_ =	sdelay $0x4  }
0x2ef: {  	v5 =	vmax.f32 v5, v6  }
0x2f0: {  	[tilespmem:s2+$0xFF10] =	vst v5;
	v5 =	vld [tilespmem:s2+$0xFF20]  }
0x2f1: {  	v6 =	vld [tilespmem:s1+$0xFFFFFFE0];
	_ =	sdelay $0x4  }
0x2f2: {  	v5 =	vmax.f32 v5, v6  }
0x2f3: {  	[tilespmem:s2+$0xFF20] =	vst v5;
	v5 =	vld [tilespmem:s2+$0xFF30]  }
0x2f4: {  	v6 =	vld [tilespmem:s1+$0xFFFFFFF0];
	_ =	sdelay $0x4  }
0x2f5: {  	v5 =	vmax.f32 v5, v6  }
0x2f6: {  	[tilespmem:s2+$0xFF30] =	vst v5;
	v5 =	vld [tilespmem:s2+$0xFF40]  }
0x2f7: {  	v6 =	vld [tilespmem:s1+$0x0];
	_ =	sdelay $0x4  }
0x2f8: {  	v5 =	vmax.f32 v5, v6  }
0x2f9: {  	[tilespmem:s2+$0xFF40] =	vst v5;
	v5 =	vld [tilespmem:s2+$0xFF50]  }
0x2fa: {  	v6 =	vld [tilespmem:s1+$0x10];
	_ =	sdelay $0x4  }
0x2fb: {  	v5 =	vmax.f32 v5, v6  }
0x2fc: {  	[tilespmem:s2+$0xFF50] =	vst v5;
	v5 =	vld [tilespmem:s2+$0xFF60]  }
0x2fd: {  	v6 =	vld [tilespmem:s1+$0x20];
	_ =	sdelay $0x4  }
0x2fe: {  	v5 =	vmax.f32 v5, v6  }
0x2ff: {  	[tilespmem:s2+$0xFF60] =	vst v5;
	v5 =	vld [tilespmem:s2+$0xFF70]  }
0x300: {  	p1 =	sne.s32 s0, $0x1;
	v6 =	vld [tilespmem:s1+$0x30]  }
.Ltmp24:
0x301: {  	_ = 	snop;
	(pc) =	sbr.rel @!p1 .LBB2_30-.Ltmp24, $2  }
0x302: {  	_ =	sdelay $0x2  }
0x303: {  	s5 =	sadd.s32 $0xFFFFFFFF, s0;
	s6 =	smov.u32 s26;
	v5 =	vmax.f32 v5, v6  }
.LBB2_29:
0x304: {  	p1 =	sne.s32 s5, $0x1;
	[tilespmem:s2+$0xFF70] =	vst v5;
	s6 =	sadd.s32 $0x1, s6;
	s1 =	sadd.s32 $0x80, s1  }
0x305: {  	s5 =	sadd.s32 $0xFFFFFFFF, s5;
	v5 =	vld [tilespmem:s6+$0x0];
	_ =	sdelay $0x4  }
0x306: {  	(v2sf) =	vpush v5, $0x0;
	_ =	sdelay $0xe  }
0x307: {  	s2 =	spop (v2sf)  }
0x308: {  	s2 =	sshra.s32 s2, $0xC  }
0x309: {  	s2 =	sand.u32 $0xFFFFFF80, s2;
	v5 =	vld [tilespmem:s1+$0xFFFFFFC0]  }
0x30a: {  	v6 =	vld [tilespmem:s2+$0xFF00];
	_ =	sdelay $0x4  }
0x30b: {  	v5 =	vmax.f32 v6, v5  }
0x30c: {  	[tilespmem:s2+$0xFF00] =	vst v5;
	v5 =	vld [tilespmem:s2+$0xFF10]  }
0x30d: {  	v6 =	vld [tilespmem:s1+$0xFFFFFFD0];
	_ =	sdelay $0x4  }
0x30e: {  	v5 =	vmax.f32 v5, v6  }
0x30f: {  	[tilespmem:s2+$0xFF10] =	vst v5;
	v5 =	vld [tilespmem:s2+$0xFF20]  }
0x310: {  	v6 =	vld [tilespmem:s1+$0xFFFFFFE0];
	_ =	sdelay $0x4  }
0x311: {  	v5 =	vmax.f32 v5, v6  }
0x312: {  	[tilespmem:s2+$0xFF20] =	vst v5;
	v5 =	vld [tilespmem:s2+$0xFF30]  }
0x313: {  	v6 =	vld [tilespmem:s1+$0xFFFFFFF0];
	_ =	sdelay $0x4  }
0x314: {  	v5 =	vmax.f32 v5, v6  }
0x315: {  	[tilespmem:s2+$0xFF30] =	vst v5;
	v5 =	vld [tilespmem:s2+$0xFF40]  }
0x316: {  	v6 =	vld [tilespmem:s1+$0x0];
	_ =	sdelay $0x4  }
0x317: {  	v5 =	vmax.f32 v5, v6  }
0x318: {  	[tilespmem:s2+$0xFF40] =	vst v5;
	v5 =	vld [tilespmem:s2+$0xFF50]  }
0x319: {  	v6 =	vld [tilespmem:s1+$0x10];
	_ =	sdelay $0x4  }
0x31a: {  	v5 =	vmax.f32 v5, v6  }
0x31b: {  	[tilespmem:s2+$0xFF50] =	vst v5;
	v5 =	vld [tilespmem:s2+$0xFF60]  }
0x31c: {  	v6 =	vld [tilespmem:s1+$0x20];
	_ =	sdelay $0x4  }
0x31d: {  	v5 =	vmax.f32 v5, v6  }
0x31e: {  	[tilespmem:s2+$0xFF60] =	vst v5;
	v5 =	vld [tilespmem:s2+$0xFF70]  }
0x31f: {  	v6 =	vld [tilespmem:s1+$0x30]  }
.Ltmp25:
0x320: {  	(pc) =	sbr.rel @p1 .LBB2_29-.Ltmp25, $2  }
0x321: {  	_ =	sdelay $0x2  }
0x322: {  	v5 =	vmax.f32 v5, v6  }
.LBB2_30:
0x323: {  	[tilespmem:s2+$0xFF70] =	vst v5  }
.LBB2_31:
0x324: {  	s1 =	sshll.u32 @p0 s29, $0x7  }
0x325: {  	s1 =	ssub.s32 @p0 s23, s1  }
0x326: {  	p1 =	slt.s32 @p0 s1, $0x1  }
0x327: {  	p1 =	por !p0, p1  }
.Ltmp26:
0x328: {  	_ = 	snop;
	(pc) =	sbr.rel @p1 .LBB2_35-.Ltmp26, $4  }
0x329: {  	s2 =	simm.s32 @p0 $0x4  }
0x32a: {  	_ =	swait.ge @p0 [sflag:s2], $0x4000  }
0x32b: {  	[sflag:s2] =	ssyncset.done @p0 $0x0  }
0x32c: {  	s1 =	simm.s32 @p0 $0xBF40;
	[sflag:s2] =	ssyncadd.s32 @p0 $0xFFFFC000  }
0x32d: {  	v5 =	vld [tilespmem:s26+$0x0];
	_ =	sdelay $0x4  }
0x32e: {  	(v2sf) =	vpush v5, $0x0;
	_ =	sdelay $0xe  }
0x32f: {  	s2 =	spop (v2sf)  }
0x330: {  	s2 =	sshra.s32 s2, $0xC  }
0x331: {  	v5 =	vld [tilespmem:s1+$0xFFFFFFC0];
	s2 =	sand.u32 $0xFFFFFF80, s2  }
0x332: {  	v6 =	vld [tilespmem:s2+$0xFF00];
	_ =	sdelay $0x4  }
0x333: {  	v5 =	vmax.f32 v6, v5  }
0x334: {  	[tilespmem:s2+$0xFF00] =	vst v5;
	v5 =	vld [tilespmem:s2+$0xFF10]  }
0x335: {  	v6 =	vld [tilespmem:s1+$0xFFFFFFD0];
	_ =	sdelay $0x4  }
0x336: {  	v5 =	vmax.f32 v5, v6  }
0x337: {  	[tilespmem:s2+$0xFF10] =	vst v5;
	v5 =	vld [tilespmem:s2+$0xFF20]  }
0x338: {  	v6 =	vld [tilespmem:s1+$0xFFFFFFE0];
	_ =	sdelay $0x4  }
0x339: {  	v5 =	vmax.f32 v5, v6  }
0x33a: {  	[tilespmem:s2+$0xFF20] =	vst v5;
	v5 =	vld [tilespmem:s2+$0xFF30]  }
0x33b: {  	v6 =	vld [tilespmem:s1+$0xFFFFFFF0];
	_ =	sdelay $0x4  }
0x33c: {  	v5 =	vmax.f32 v5, v6  }
0x33d: {  	[tilespmem:s2+$0xFF30] =	vst v5;
	v5 =	vld [tilespmem:s2+$0xFF40]  }
0x33e: {  	v6 =	vld [tilespmem:s1+$0x0];
	_ =	sdelay $0x4  }
0x33f: {  	v5 =	vmax.f32 v5, v6  }
0x340: {  	[tilespmem:s2+$0xFF40] =	vst v5;
	v5 =	vld [tilespmem:s2+$0xFF50]  }
0x341: {  	v6 =	vld [tilespmem:s1+$0x10];
	_ =	sdelay $0x4  }
0x342: {  	v5 =	vmax.f32 v5, v6  }
0x343: {  	[tilespmem:s2+$0xFF50] =	vst v5;
	v5 =	vld [tilespmem:s2+$0xFF60]  }
0x344: {  	v6 =	vld [tilespmem:s1+$0x20];
	_ =	sdelay $0x4  }
0x345: {  	v5 =	vmax.f32 v5, v6  }
0x346: {  	[tilespmem:s2+$0xFF60] =	vst v5;
	v5 =	vld [tilespmem:s2+$0xFF70]  }
0x347: {  	p0 =	sne.s32 s0, $0x1;
	v6 =	vld [tilespmem:s1+$0x30]  }
.Ltmp27:
0x348: {  	_ = 	snop;
	(pc) =	sbr.rel @!p0 .LBB2_34-.Ltmp27, $2  }
0x349: {  	_ =	sdelay $0x2  }
0x34a: {  	s0 =	sadd.s32 $0xFFFFFFFF, s0;
	s5 =	smov.u32 s26;
	v5 =	vmax.f32 v5, v6  }
.LBB2_33:
0x34b: {  	p0 =	sne.s32 s0, $0x1;
	[tilespmem:s2+$0xFF70] =	vst v5;
	s5 =	sadd.s32 $0x1, s5;
	s1 =	sadd.s32 $0x80, s1  }
0x34c: {  	s0 =	sadd.s32 $0xFFFFFFFF, s0;
	v5 =	vld [tilespmem:s5+$0x0];
	_ =	sdelay $0x4  }
0x34d: {  	(v2sf) =	vpush v5, $0x0;
	_ =	sdelay $0xe  }
0x34e: {  	s2 =	spop (v2sf)  }
0x34f: {  	s2 =	sshra.s32 s2, $0xC  }
0x350: {  	s2 =	sand.u32 $0xFFFFFF80, s2;
	v5 =	vld [tilespmem:s1+$0xFFFFFFC0]  }
0x351: {  	v6 =	vld [tilespmem:s2+$0xFF00];
	_ =	sdelay $0x4  }
0x352: {  	v5 =	vmax.f32 v6, v5  }
0x353: {  	[tilespmem:s2+$0xFF00] =	vst v5;
	v5 =	vld [tilespmem:s2+$0xFF10]  }
0x354: {  	v6 =	vld [tilespmem:s1+$0xFFFFFFD0];
	_ =	sdelay $0x4  }
0x355: {  	v5 =	vmax.f32 v5, v6  }
0x356: {  	[tilespmem:s2+$0xFF10] =	vst v5;
	v5 =	vld [tilespmem:s2+$0xFF20]  }
0x357: {  	v6 =	vld [tilespmem:s1+$0xFFFFFFE0];
	_ =	sdelay $0x4  }
0x358: {  	v5 =	vmax.f32 v5, v6  }
0x359: {  	[tilespmem:s2+$0xFF20] =	vst v5;
	v5 =	vld [tilespmem:s2+$0xFF30]  }
0x35a: {  	v6 =	vld [tilespmem:s1+$0xFFFFFFF0];
	_ =	sdelay $0x4  }
0x35b: {  	v5 =	vmax.f32 v5, v6  }
0x35c: {  	[tilespmem:s2+$0xFF30] =	vst v5;
	v5 =	vld [tilespmem:s2+$0xFF40]  }
0x35d: {  	v6 =	vld [tilespmem:s1+$0x0];
	_ =	sdelay $0x4  }
0x35e: {  	v5 =	vmax.f32 v5, v6  }
0x35f: {  	[tilespmem:s2+$0xFF40] =	vst v5;
	v5 =	vld [tilespmem:s2+$0xFF50]  }
0x360: {  	v6 =	vld [tilespmem:s1+$0x10];
	_ =	sdelay $0x4  }
0x361: {  	v5 =	vmax.f32 v5, v6  }
0x362: {  	[tilespmem:s2+$0xFF50] =	vst v5;
	v5 =	vld [tilespmem:s2+$0xFF60]  }
0x363: {  	v6 =	vld [tilespmem:s1+$0x20];
	_ =	sdelay $0x4  }
0x364: {  	v5 =	vmax.f32 v5, v6  }
0x365: {  	[tilespmem:s2+$0xFF60] =	vst v5;
	v5 =	vld [tilespmem:s2+$0xFF70]  }
0x366: {  	v6 =	vld [tilespmem:s1+$0x30]  }
.Ltmp28:
0x367: {  	(pc) =	sbr.rel @p0 .LBB2_33-.Ltmp28, $2  }
0x368: {  	_ =	sdelay $0x2  }
0x369: {  	v5 =	vmax.f32 v5, v6  }
.Ltmp29:
0x36a: {  	_ = 	snop;
	(pc) =	sbr.rel .LBB2_34-.Ltmp29, $1  }
0x36b: {  	_ =	sdelay $0x3  }
.LBB2_37:
0x36c: {  	s0 =	simm.s32 $0x0  }
0x36d: {  	v5 =	vmov s0  }
0x36e: {  	v5 =	vshll.u32 v5, $0x7  }
0x36f: {  	v5 =	vor.u32 v4, v5;
	_ =	sdelay $0x4  }
0x370: {  	s31 =	simm.s32 $0x10;
	v5 =	vld.idx.msk [tilespmem:v5+s15+$0x0], $0xffff  }
0x371: {  	v6 =	vmov s31  }
0x372: {  	v6 =	vshll.u32 v6, $0x7  }
0x373: {  	v6 =	vor.u32 v4, v6;
	_ =	sdelay $0x1  }
0x374: {  	vm0 =	veq.f32 v5, $-Inf  }
0x375: {  	s0 =	simm.s32 $0x19F00;
	v5 =	vsel vm0, $0x1, v3  }
0x376: {  	[tilespmem:s0+$0x0] =	vst v5  }
0x377: {  	s1 =	simm.s32 $0x20;
	v5 =	vld.idx.msk [tilespmem:v6+s15+$0x0], $0xffff  }
0x378: {  	v6 =	vmov s1;
	s1 =	simm.s32 $0x30  }
.LBB2_38:
0x379: {  	p0 =	sne.s32 s1, $0x130;
	v6 =	vshll.u32 v6, $0x7  }
0x37a: {  	v6 =	vor.u32 v4, v6;
	_ =	sdelay $0x1  }
0x37b: {  	vm0 =	veq.f32 v5, $-Inf  }
.Ltmp30:
0x37c: {  	s0 =	sadd.s32 $0x10, s0;
	v5 =	vsel vm0, $0x1, v3;
	(pc) =	sbr.rel @p0 .LBB2_38-.Ltmp30, $3  }
0x37d: {  	[tilespmem:s0+$0x0] =	vst v5  }
0x37e: {  	v5 =	vld.idx.msk [tilespmem:v6+s15+$0x0], $0xffff;
	_ =	sdelay $0x1  }
0x37f: {  	v6 =	vmov s1;
	s1 =	sadd.s32 $0x10, s1  }
0x380: {  	v6 =	vshll.u32 v6, $0x7  }
0x381: {  	v6 =	vor.u32 v4, v6;
	_ =	sdelay $0x1  }
0x382: {  	vm0 =	veq.f32 v5, $-Inf  }
0x383: {  	s0 =	sadd.s32 $0x10, s0;
	v5 =	vsel vm0, $0x1, v3  }
0x384: {  	[tilespmem:s0+$0x0] =	vst v5  }
0x385: {  	v5 =	vld.idx.msk [tilespmem:v6+s15+$0x0], $0xffff;
	_ =	sdelay $0x4  }
0x386: {  	vm0 =	veq.f32 v5, $-Inf  }
0x387: {  	s0 =	sadd.s32 $0x10, s0;
	v5 =	vsel vm0, $0x1, v3  }
0x388: {  	[tilespmem:s0+$0x0] =	vst v5;
	s0 =	simm.s32 $0x0  }
0x389: {  	v7 =	vld [tilespmem:s0+$0xFF00]  }
0x38a: {  	v10 =	vld [tilespmem:s0+$0xFF10]  }
0x38b: {  	v9 =	vld [tilespmem:s0+$0xFF20]  }
0x38c: {  	v8 =	vld [tilespmem:s0+$0xFF30]  }
0x38d: {  	v5 =	vld [tilespmem:s0+$0xFF40]  }
0x38e: {  	v6 =	vld [tilespmem:s0+$0xFF50];
	vm0 =	veq.f32 v7, $-Inf  }
0x38f: {  	s1 =	simm.s32 $0x200;
	v11 =	vsel vm0, $0x0, v7;
	vm0 =	veq.f32 v10, $-Inf;
	v7 =	vld [tilespmem:s0+$0xFF60]  }
.LBB2_40:
0x390: {  	s2 =	sshra.s32 s1, $0x2;
	p0 =	sne.s32 s1, $0x27E00;
	[tilespmem:s0+$0xFF00] =	vst v11;
	v10 =	vsel vm0, $0x0, v10;
	vm0 =	veq.f32 v9, $-Inf;
	v11 =	vld [tilespmem:s0+$0xFF70]  }
0x391: {  	v12 =	vld [tilespmem:s2+$0xFF00];
	[tilespmem:s0+$0xFF10] =	vst v10;
	v9 =	vsel vm0, $0x0, v9;
	vm0 =	veq.f32 v8, $-Inf  }
0x392: {  	v10 =	vld [tilespmem:s2+$0xFF10];
	[tilespmem:s0+$0xFF20] =	vst v9;
	v8 =	vsel vm0, $0x0, v8;
	vm0 =	veq.f32 v5, $-Inf  }
.Ltmp31:
0x393: {  	v9 =	vld [tilespmem:s2+$0xFF20];
	[tilespmem:s0+$0xFF30] =	vst v8;
	v5 =	vsel vm0, $0x0, v5;
	vm0 =	veq.f32 v6, $-Inf;
	(pc) =	sbr.rel @p0 .LBB2_40-.Ltmp31, $4  }
0x394: {  	v8 =	vld [tilespmem:s2+$0xFF30];
	[tilespmem:s0+$0xFF40] =	vst v5;
	v6 =	vsel vm0, $0x0, v6;
	vm0 =	veq.f32 v7, $-Inf  }
0x395: {  	v5 =	vld [tilespmem:s2+$0xFF40];
	[tilespmem:s0+$0xFF50] =	vst v6;
	v7 =	vsel vm0, $0x0, v7;
	vm0 =	veq.f32 v11, $-Inf  }
0x396: {  	vm1 =	veq.f32 v12, $-Inf;
	v6 =	vld [tilespmem:s2+$0xFF50];
	[tilespmem:s0+$0xFF60] =	vst v7;
	v13 =	vsel vm0, $0x0, v11  }
0x397: {  	s1 =	sadd.s32 $0x200, s1;
	v11 =	vsel vm1, $0x0, v12;
	vm0 =	veq.f32 v10, $-Inf;
	v7 =	vld [tilespmem:s2+$0xFF60];
	[tilespmem:s0+$0xFF70] =	vst v13;
	s0 =	smov.u32 s2  }
0x398: {  	[tilespmem:s0+$0xFF00] =	vst v11;
	v10 =	vsel vm0, $0x0, v10;
	vm10 =	veq.f32 v9, $-Inf;
	v63 =	vld [tilespmem:s0+$0xFF70]  }
0x399: {  	[tilespmem:s0+$0xFF10] =	vst v10;
	v9 =	vsel vm10, $0x0, v9;
	vm11 =	veq.f32 v8, $-Inf  }
0x39a: {  	[tilespmem:s0+$0xFF20] =	vst v9;
	v8 =	vsel vm11, $0x0, v8;
	vm12 =	veq.f32 v5, $-Inf  }
0x39b: {  	[tilespmem:s0+$0xFF30] =	vst v8;
	v5 =	vsel vm12, $0x0, v5;
	vm13 =	veq.f32 v6, $-Inf  }
0x39c: {  	[tilespmem:s0+$0xFF40] =	vst v5;
	v5 =	vsel vm13, $0x0, v6;
	vm14 =	veq.f32 v7, $-Inf  }
0x39d: {  	[tilespmem:s0+$0xFF50] =	vst v5;
	v5 =	vsel vm14, $0x0, v7;
	vm15 =	veq.f32 v63, $-Inf  }
0x39e: {  	[tilespmem:s0+$0xFF60] =	vst v5;
	v5 =	vsel vm15, $0x0, v63  }
0x39f: {  	s28 =	simm.s32 $0x0;
	s1 =	rddreg [dreg:$0x3];
	s2 =	simm.s32 $0x5;
	[tilespmem:s0+$0xFF70] =	vst v5  }
0x3a0: {  	[hbm4b:s1+s28] =	stream.linear.scatter [tilespmem:s15], [sflag:$0x5], $0xA000, $0x38;
	[tilespmem:$0x1A080] =	vst v63  }
0x3a1: {  	_ =	swait.ge [sflag:s2], $0xA000  }
0x3a2: {  	[sflag:s2] =	ssyncset.done $0x0  }
0x3a3: {  	s5 =	simm.s32 $0x19F00;
	s29 =	rddreg [dreg:$0x4];
	[sflag:s2] =	ssyncadd.s32 $0xFFFF6000  }
0x3a4: {  	[hbm4b:s29+s28] =	stream.linear.scatter [tilespmem:s5], [sflag:$0x5], $0x140, $0x38;
	[tilespmem:$0x1A080] =	vst v63  }
0x3a5: {  	_ =	swait.ge [sflag:s2], $0x140  }
0x3a6: {  	s30 =	rddreg [dreg:$0x6]  }
0x3a7: {  	s31 =	rddreg [dreg:$0x5];
	s1 =	sadd.s32 $0x1, s30  }
0x3a8: {  	p0 =	sne.s32 s1, s31  }
.Ltmp32:
0x3a9: {  	_ = 	snop;
	(pc) =	sbr.rel @p0 .LBB2_1-.Ltmp32, $3  }
0x3aa: {  	_ =	sdelay $0x1  }
0x3ab: {  	[sflag:s2] =	ssyncset.done $0x0  }
0x3ac: {  	[sflag:s2] =	ssyncadd.s32 $0xFFFFFEC0  }
0x3ad: {  	_ =	sfence.sel $0x180000  }
0x3ae: {  	[bflag:$0x0] =	sbarrier.arrive $0xFFFF  }
0x3af: {  	_ =	strace $0x9000004A  }
0x3b0: {  	s0 =	stileid.u32;
	[bflag:$0x2] =	sbarrier.arrive $0xFFFF  }
0x3b1: {  	p0 =	sne.s32 s0, $0x0;
	s0 =	rddreg [dreg:$0x1]  }
0x3b2: {  	s0 =	sadd.s32 @!p0 $0x100000, s0  }
0x3b3: {  	[sflag:s0] =	ssyncadd.tile.s32 @!p0 $0x1;
	_ =	shalt  }
.Lfunc_end2:
_tile_overlayer_lowered:
.L_overlay_start_2:
0x3b4: {  	(tag) =	ssettag $0x2  }
0x3b5: {  	s0 =	rddreg [dreg:$0x0];
	s2 =	stileid.u32  }
0x3b6: {  	s1 =	rddreg [dreg:$0x1];
	p0 =	sne.s32 s2, $0x0  }
0x3b7: {  	s3 =	rddreg [dreg:$0x2];
	[bflag:$0x3] =	sbarrier.arrive $0xFFFF;
	s2 =	simm.s32 @!p0 $0x1C05  }
0x3b8: {  	[timem:s3], [sflag:s2] =	dma.local @!p0 [hbm:s0], s1  }
0x3b9: {  	s0 =	simm.s32 @!p0 $0x5  }
0x3ba: {  	_ =	swait.ge @!p0 [sflag:s0], s1  }
0x3bb: {  	s1 =	ssub.s32 @!p0 $0x0, s1;
	[sflag:s0] =	ssyncset.done @!p0 $0x0  }
0x3bc: {  	[sflag:s0] =	ssyncadd.s32 @!p0 s1  }
0x3bd: {  	[bflag:$0x3] =	sbarrier.arrive $0xFFFF  }
0x3be: {  	_ =	shalt  }

// kernel: kernel.14.cloned.1.call-start
scs
__scs_entry_jumppad:
0x0: {  	(pc) =	sbr.rel $0x88, $3  }
0x1: {  	(tag) =	ssettag $0x0;
	lr =	simm.s32 $0x1  }
0x2: {  	[smem:$0x3F96] =	sst lr;
	_ =	strace $0xD0000000  }
0x3: {  	_ = 	snop  }
0x4: {  	_ = 	snop  }
0x5: {  	_ = 	snop  }
0x6: {  	_ = 	snop  }
0x7: {  	_ = 	snop  }
__scs_overlays_trampoline_lowered:
0x8: {  	[smem:$0x3FA5] =	sst s0  }
0x9: {  	[smem:$0x3FA6] =	sst s1  }
0xa: {  	[smem:$0x3FA7] =	sst s2  }
0xb: {  	[smem:$0x3FA8] =	sst s3  }
0xc: {  	[smem:$0x3FA9] =	sst s4  }
0xd: {  	[smem:$0x3FAA] =	sst s5  }
0xe: {  	[smem:$0x3FAB] =	sst s6  }
0xf: {  	[smem:$0x3FAC] =	sst s7  }
0x10: {  	[smem:$0x3FAD] =	sst s8  }
0x11: {  	[smem:$0x3FAE] =	sst s9;
	s0 =	simm.s32 @!p0 $0x0  }
0x12: {  	s1 =	sld [smem:$0x3F94];
	s0 =	simm.s32 @p0 $0x1  }
0x13: {  	[smem:$0x3FAF] =	sst s0;
	s0 =	simm.s32 @!p1 $0x0  }
0x14: {  	s2 =	sld [smem:$0x3F93];
	s0 =	simm.s32 @p1 $0x1  }
0x15: {  	[smem:$0x3FB0] =	sst s0;
	s0 =	simm.s32 @!p2 $0x0  }
0x16: {  	s3 =	sld [smem:$0x3FDB];
	s0 =	simm.s32 @p2 $0x1  }
0x17: {  	s4 =	simm.s32 $0x1BF5;
	[smem:$0x3FB2] =	sst s0  }
0x18: {  	s0 =	sld [smem:$0x3F95];
	_ =	swait.ge [sflag:s4], $0x0  }
0x19: {  	s7 =	sld [smem:$0x3F96]  }
0x1a: {  	s8 =	sadd.s32 $0xFFFFE003, lr  }
0x1b: {  	s9 =	sadd.s32 $0xFFFFFEF7, lr;
	s5 =	simm.s32 $0xFFFFFFFF;
	p2 =	slt.u32 s8, $0xFFFFF086  }
0x1c: {  	p1 =	slt.u32 s9, $0xF7A;
	s5 =	simm.s32 @!p2 $0x0  }
0x1d: {  	s5 =	simm.s32 @p1 $0x1;
	p0 =	seq.s32 s7, s2  }
0x1e: {  	s7 =	smul.u32 @!p0 $0xF7A, s2;
	p2 =	seq.s32 @!p0 s5, $0x0  }
0x1f: {  	s9 =	smul.u32 $0xF7A, s1;
	s8 =	simm.s32 @!p0 $0x1BF5;
	p2 =	por !p2, p0  }
0x20: {  	[sflag:s8] =	ssyncset.s32 @!p0 $0xFFFFF086;
	s6 =	sadd.s32 @!p0 s3, s7;
	s7 =	simm.s32 @!p0 $0x108  }
0x21: {  	s3 =	sadd.s32 s3, s9;
	s6 =	sadd.s32 @!p0 $0x88, s6;
	s7 =	simm.s32 @p2 $0x1082  }
0x22: {  	[simem:s7], [sflag:s8] =	dma.local @!p0 [hbm:s6], $0xF7A  }
0x23: {  	s9 =	sor.u32 $0xD0000000, s2;
	s6 =	simm.s32 $0x108;
	_ =	swait.ge @!p0 [sflag:s8], $0x0  }
0x24: {  	s3 =	sadd.s32 $0x88, s3;
	s6 =	simm.s32 @!p1 $0x1082;
	[sflag:s4] =	ssyncset.s32 $0xFFFFF086  }
0x25: {  	[simem:s6], [sflag:s4] =	dma.local [hbm:s3], $0xF7A  }
0x26: {  	[smem:$0x3F96] =	sst s1;
	(tag) =	ssettag s2;
	_ =	strace s9  }
0x27: {  	s1 =	sld [smem:$0x3FA6]  }
0x28: {  	s2 =	sld [smem:$0x3FA7]  }
0x29: {  	s4 =	sld [smem:$0x3FA9]  }
0x2a: {  	p0 =	seq.s32 s5, $0x0;
	s5 =	sld [smem:$0x3FAA]  }
0x2b: {  	s6 =	sld [smem:$0x3FAB]  }
0x2c: {  	s7 =	sld [smem:$0x3FAC]  }
0x2d: {  	s3 =	simm.s32 $0x108;
	s8 =	sld [smem:$0x3FAD]  }
0x2e: {  	s3 =	simm.s32 @!p0 $0x1082;
	s9 =	sld [smem:$0x3FAE]  }
0x2f: {  	lr =	sadd.s32 s0, s3;
	s0 =	sld [smem:$0x3FA5]  }
0x30: {  	s3 =	sld [smem:$0x3FA8]  }
0x31: {  	[smem:$0x3FB1] =	sst s10  }
0x32: {  	s10 =	sld [smem:$0x3FAF];
	_ =	sdelay $0x3  }
0x33: {  	p0 =	seq.s32 s10, $0x1;
	s10 =	sld [smem:$0x3FB1];
	_ =	sdelay $0x3  }
0x34: {  	[smem:$0x3FB1] =	sst s10  }
0x35: {  	s10 =	sld [smem:$0x3FB0];
	_ =	sdelay $0x3  }
0x36: {  	p1 =	seq.s32 s10, $0x1;
	s10 =	sld [smem:$0x3FB1];
	_ =	sdelay $0x3  }
0x37: {  	[smem:$0x3FB1] =	sst s10  }
0x38: {  	s10 =	sld [smem:$0x3FB2]  }
0x39: {  	_ = 	snop;
	(pc) =	sbr.ind lr, $3  }
0x3a: {  	_ = 	snop  }
0x3b: {  	_ = 	snop  }
0x3c: {  	p2 =	seq.s32 s10, $0x1;
	s10 =	sld [smem:$0x3FB1]  }
0x3d: {  	_ =	shalt  }
0x3e: {  	_ =	shalt  }
0x3f: {  	_ =	shalt  }
0x40: {  	_ =	shalt  }
0x41: {  	_ =	shalt  }
0x42: {  	_ =	shalt  }
0x43: {  	_ =	shalt  }
0x44: {  	_ =	shalt  }
0x45: {  	_ =	shalt  }
0x46: {  	_ =	shalt  }
0x47: {  	_ =	shalt  }
0x48: {  	_ =	shalt  }
0x49: {  	_ =	shalt  }
0x4a: {  	_ =	shalt  }
0x4b: {  	_ =	shalt  }
0x4c: {  	_ =	shalt  }
0x4d: {  	_ =	shalt  }
0x4e: {  	_ =	shalt  }
0x4f: {  	_ =	shalt  }
0x50: {  	_ =	shalt  }
0x51: {  	_ =	shalt  }
0x52: {  	_ =	shalt  }
0x53: {  	_ =	shalt  }
0x54: {  	_ =	shalt  }
0x55: {  	_ =	shalt  }
0x56: {  	_ =	shalt  }
0x57: {  	_ =	shalt  }
0x58: {  	_ =	shalt  }
0x59: {  	_ =	shalt  }
0x5a: {  	_ =	shalt  }
0x5b: {  	_ =	shalt  }
0x5c: {  	_ =	shalt  }
0x5d: {  	_ =	shalt  }
0x5e: {  	_ =	shalt  }
0x5f: {  	_ =	shalt  }
0x60: {  	_ =	shalt  }
0x61: {  	_ =	shalt  }
0x62: {  	_ =	shalt  }
0x63: {  	_ =	shalt  }
0x64: {  	_ =	shalt  }
0x65: {  	_ =	shalt  }
0x66: {  	_ =	shalt  }
0x67: {  	_ =	shalt  }
0x68: {  	_ =	shalt  }
0x69: {  	_ =	shalt  }
0x6a: {  	_ =	shalt  }
0x6b: {  	_ =	shalt  }
0x6c: {  	_ =	shalt  }
0x6d: {  	_ =	shalt  }
0x6e: {  	_ =	shalt  }
0x6f: {  	_ =	shalt  }
0x70: {  	_ =	shalt  }
0x71: {  	_ =	shalt  }
0x72: {  	_ =	shalt  }
0x73: {  	_ =	shalt  }
0x74: {  	_ =	shalt  }
0x75: {  	_ =	shalt  }
0x76: {  	_ =	shalt  }
0x77: {  	_ =	shalt  }
0x78: {  	_ =	shalt  }
0x79: {  	_ =	shalt  }
0x7a: {  	_ =	shalt  }
0x7b: {  	_ =	shalt  }
0x7c: {  	_ =	shalt  }
0x7d: {  	_ =	shalt  }
0x7e: {  	_ =	shalt  }
0x7f: {  	_ =	shalt  }
0x80: {  	_ =	shalt  }
0x81: {  	_ =	shalt  }
0x82: {  	_ =	shalt  }
0x83: {  	_ =	shalt  }
0x84: {  	_ =	shalt  }
0x85: {  	_ =	shalt  }
0x86: {  	_ =	shalt  }
0x87: {  	_ =	shalt  }
.Lfunc_end0:
.L_simem_size_0:
called_computation.2_lowered:
.L_overlay_start_0:
0x88: {  	s2 =	sld [smem:$0x3FD9]  }
0x89: {  	s3 =	sld [smem:$0x3FFE];
	_ =	sdelay $0x1  }
0x8a: {  	s1 =	srdreg.scid  }
0x8b: {  	s0 =	sand.u32 $0x1, s1  }
0x8c: {  	s16 =	sshll.u32 s0, $0xA;
	s2 =	sadd.s32 s3, s2  }
0x8d: {  	s2 =	sadd.s32 s2, s16  }
0x8e: {  	[smem:$0x3FBD] =	sst s2  }
0x8f: {  	_ = 	snop  }
0x90: {  	(tm) =	ssettm $0x1  }
0x91: {  	s17 =	sld [smem:$0x3FFB];
	_ =	sdelay $0x3  }
0x92: {  	_ =	strace s17  }
0x93: {  	s2 =	sld [smem:$0x3FFC];
	_ =	sdelay $0x3  }
0x94: {  	_ =	strace s2  }
0x95: {  	s2 =	sld [smem:$0x3FFD];
	_ =	sdelay $0x3  }
0x96: {  	_ =	strace s2  }
0x97: {  	_ =	strace $0x8FFFFFFF  }
0x98: {  	s18 =	sld [smem:$0x3FDB];
	_ =	sdelay $0x1  }
0x99: {  	s19 =	simm.s32 $_scs_section_size  }
0x9a: {  	s4 =	simm.s32 $_size__tile_overlayer_lowered;
	s5 =	simm.s32 $_tile_overlayer_lowered  }
0x9b: {  	s22 =	simm.s32 $0x1BFF;
	s21 =	sshll.u32 s5, $0x1;
	s2 =	sadd.s32 s19, s18  }
0x9c: {  	s6 =	simm.s32 $0x0;
	s20 =	sshll.u32 s4, $0x1;
	s4 =	sadd.s32 s21, s2  }
0x9d: {  	[timem:s6], [sflag:s22] =	dma.local [hbm:s4], s20  }
0x9e: {  	_ =	swait.ge [sflag:s22], s20  }
0x9f: {  	s3 =	ssub.s32 $0x0, s20;
	[sflag:s22] =	ssyncset.done $0x0  }
0xa0: {  	[sflag:s22] =	ssyncadd.s32 s3;
	_ =	sdelay $0x1  }
0xa1: {  	s23 =	simm.s32 $0x1B8B  }
0xa2: {  	_ =	swait.ge [sflag:s23], $0x1  }
0xa3: {  	[sflag:s23] =	ssyncset.done $0x0  }
0xa4: {  	s25 =	simm.s32 $0x1B8E;
	s24 =	sld [smem:$0x3FFE];
	[sflag:s23] =	ssyncadd.s32 $0xFFFFFFFF  }
0xa5: {  	s26 =	simm.s32 $execute0_lowered;
	[smem:$0x3FD2] =	sst s25  }
0xa6: {  	s4 =	sshll.u32 s26, $0x1;
	_ =	strace $0x8000004C;
	[dreg:$0x1] =	wrdreg $0xFFFFFFFF  }
0xa7: {  	s28 =	simm.s32 $_size_execute0_lowered;
	s2 =	sadd.s32 s2, s4;
	[dreg:$0x0] =	wrdreg $0x0  }
0xa8: {  	s4 =	sshll.u32 s28, $0x1;
	[dreg:$0x2] =	wrdreg s2  }
0xa9: {  	[dreg:$0x3] =	wrdreg s4  }
0xaa: {  	[dreg:$0x4] =	wrdreg $0xC0  }
0xab: {  	_ =	task [dreg:s6], $0x5FFFF  }
0xac: {  	[dreg:$0x1] =	wrdreg $0xFFFFFFFF  }
0xad: {  	[dreg:$0x0] =	wrdreg $0x60  }
0xae: {  	[dreg:$0x2] =	wrdreg s24  }
0xaf: {  	[dreg:$0x3] =	wrdreg $0x9  }
0xb0: {  	_ =	task.clear_ibuf [dreg:s6], $0x4FFFF;
	_ =	strace $0x9000004C  }
0xb1: {  	s29 =	simm.s32 $0x9;
	_ =	strace $0x8000004E  }
0xb2: {  	_ =	swait.ge [sflag:s29], $0x1  }
0xb3: {  	[sflag:s29] =	ssyncadd.s32 $0xFFFFFFFF  }
0xb4: {  	_ =	strace $0x9000004E  }
0xb5: {  	_ =	sfence  }
0xb6: {  	s30 =	sld [smem:$0x0];
	_ =	sdelay $0x2  }
0xb7: {  	s31 =	sshll.u32 s1, $0xD;
	s1 =	sshrl.u32 s1, $0x2  }
0xb8: {  	s3 =	sand.u32 $0x4000, s31;
	s1 =	sadd.s32 s1, s30  }
0xb9: {  	s0 =	sor.u32 s3, s0;
	s1 =	sshll.u32 s1, $0x11  }
0xba: {  	s0 =	sor.u32 s1, s0  }
0xbb: {  	s0 =	sadd.s32 $0x8F2B, s0  }
0xbc: {  	[sflag:s0] =	ssyncadd.remote.s32 $0x1  }
0xbd: {  	_ =	sfence.sel $0xFFFF  }
0xbe: {  	[dreg:$0x0] =	wrdreg $0xFFFFFFFF;
	(pc) =	sbr.abs _section_cstart, $3  }
0xbf: {  	[dreg:$0x1] =	wrdreg $0xFFFFFFFF  }
0xc0: {  	_ =	task.clear_ibuf [dreg:s6], $0x2FFFF;
	_ =	strace $0x9FFFFFFF  }
0xc1: {  	(tm) =	ssettm $0x7FFFFFFF  }
tec
execute0_lowered:
.L_overlay_start_1:
0x0: {  	(tag) =	ssettag $0x1  }
0x1: {  	s4 =	rddreg [dreg:$0x0]  }
0x2: {  	s0 =	rddreg [dreg:$0x1];
	s2 =	simm.s32 $0x0;
	s3 =	srdreg.scid  }
0x3: {  	s1 =	stileid.u32;
	s10 =	simm.s32 $0x1080;
	s11 =	simm.s32 $0x1880  }
0x4: {  	s12 =	simm.s32 $0x2080;
	s13 =	simm.s32 $0x2880;
	s14 =	simm.s32 $0x3080  }
0x5: {  	s15 =	simm.s32 $0x3880;
	s16 =	simm.s32 $0x4080;
	s17 =	simm.s32 $0x4880  }
0x6: {  	s18 =	simm.s32 $0x1;
	s19 =	simm.s32 $0x0;
	s6 =	smul.u32 $0x4E20, s1  }
0x7: {  	[smem:$0x7FF] =	sst s2;
	s5 =	sand.u32 $0x1, s3;
	s8 =	smul.u32 $0x9C400, s1  }
0x8: {  	s3 =	sadd.s32 $0x548800, s4;
	s7 =	smul.u32 $0x2710, s5;
	s9 =	ssub.s32 $0x2, s5  }
0x9: {  	_ =	strace $0x8000004D;
	s5 =	smul.u32 $0x4E200, s5;
	s31 =	sshrl.u32 s9, $0x1  }
0xa: {  	s8 =	sadd.s32 s8, s4;
	s6 =	sadd.s32 s7, s6;
	s7 =	ssub.s32 s9, s31  }
0xb: {  	v2 =	vlaneseq.u32;
	s5 =	sadd.s32 s5, s8;
	s8 =	simm.s32 $0x80;
	s6 =	sshrl.u32 s6, $0x3  }
0xc: {  	vm0 =	vmmov $0xffff;
	v1 =	vshrl.u32 v2, $0x3;
	s9 =	simm.s32 $0x880;
	s5 =	sadd.s32 $0x598800, s5;
	s6 =	sadd.s32 s6, s4  }
0xd: {  	v0 =	vand.u32 $0x7, v2;
	v2 =	vor.u32 $0x8, v2;
	v1 =	vmul.u32 $0x8, v1;
	s4 =	smax.u32 s7, $0x1;
	s7 =	simm.s32 $0x2;
	s6 =	sadd.s32 $0xC000, s6  }
.LBB2_1:
0xe: {  	s20 =	smov.u32 s5;
	s21 =	simm.s32 $0x0  }
.LBB2_2:
0xf: {  	s22 =	sadd.s32 s21, s6  }
0x10: {  	[tilespmem:s2], [sflag:$0x2] =	stream.linear.gather [hbm4b:s22+s2], $0x50, $0x38;
	[tilespmem:$0x5080] =	vst v63  }
0x11: {  	_ =	swait.ge [sflag:s7], $0x50  }
0x12: {  	[sflag:s7] =	ssyncset.done $0x0  }
0x13: {  	[sflag:s7] =	ssyncadd.s32 $0xFFFFFFB0  }
0x14: {  	v3 =	vld [tilespmem:$0x0];
	_ =	sdelay $0x4  }
0x15: {  	v4 =	vshll.u32 v3, $0x1  }
0x16: {  	v3 =	vand.u32 $0x7, v3;
	v4 =	vand.u32 $0xFFFFFFF0, v4  }
0x17: {  	v3 =	vor.u32 v3, v4  }
0x18: {  	v4 =	vperm.xlane v3, v0;
	_ =	sdelay $0x1  }
0x19: {  	v3 =	vperm.xlane v3, v2;
	v4 =	vadd.s32 v1, v4;
	_ =	sdelay $0x1  }
0x1a: {  	v3 =	vadd.s32 v1, v3;
	_ =	sdelay $0x2  }
0x1b: {  	[tilespmem:s8], [sflag:$0x1] =	stream.indirect_vreg.gather [hbm4b:s3+s2], $0x80, v4, vm0, $0xb8;
	[tilespmem:$0x5080] =	vst v63  }
0x1c: {  	_ = 	snop  }
0x1d: {  	[tilespmem:s9], [sflag:$0x1] =	stream.indirect_vreg.gather [hbm4b:s3+s2], $0x80, v3, vm0, $0xb8;
	[tilespmem:$0x5080] =	vst v63  }
0x1e: {  	v3 =	vld [tilespmem:$0x10];
	_ =	sdelay $0x4  }
0x1f: {  	v60 =	vshll.u32 v3, $0x1  }
0x20: {  	v3 =	vand.u32 $0x7, v3;
	v4 =	vand.u32 $0xFFFFFFF0, v60  }
0x21: {  	v3 =	vor.u32 v3, v4  }
0x22: {  	v4 =	vperm.xlane v3, v0;
	_ =	sdelay $0x1  }
0x23: {  	v3 =	vperm.xlane v3, v2;
	v4 =	vadd.s32 v1, v4;
	_ =	sdelay $0x1  }
0x24: {  	v3 =	vadd.s32 v1, v3;
	_ =	sdelay $0x2  }
0x25: {  	[tilespmem:s10], [sflag:$0x1] =	stream.indirect_vreg.gather [hbm4b:s3+s2], $0x80, v4, vm0, $0xb8;
	[tilespmem:$0x5080] =	vst v63  }
0x26: {  	_ = 	snop  }
0x27: {  	[tilespmem:s11], [sflag:$0x1] =	stream.indirect_vreg.gather [hbm4b:s3+s2], $0x80, v3, vm0, $0xb8;
	[tilespmem:$0x5080] =	vst v63  }
0x28: {  	v3 =	vld [tilespmem:$0x20];
	_ =	sdelay $0x4  }
0x29: {  	v61 =	vshll.u32 v3, $0x1  }
0x2a: {  	v3 =	vand.u32 $0x7, v3;
	v4 =	vand.u32 $0xFFFFFFF0, v61  }
0x2b: {  	v3 =	vor.u32 v3, v4  }
0x2c: {  	v4 =	vperm.xlane v3, v0;
	_ =	sdelay $0x1  }
0x2d: {  	v3 =	vperm.xlane v3, v2;
	v4 =	vadd.s32 v1, v4;
	_ =	sdelay $0x1  }
0x2e: {  	v3 =	vadd.s32 v1, v3;
	_ =	sdelay $0x2  }
0x2f: {  	[tilespmem:s12], [sflag:$0x1] =	stream.indirect_vreg.gather [hbm4b:s3+s2], $0x80, v4, vm0, $0xb8;
	[tilespmem:$0x5080] =	vst v63  }
0x30: {  	_ = 	snop  }
0x31: {  	[tilespmem:s13], [sflag:$0x1] =	stream.indirect_vreg.gather [hbm4b:s3+s2], $0x80, v3, vm0, $0xb8;
	[tilespmem:$0x5080] =	vst v63  }
0x32: {  	v3 =	vld [tilespmem:$0x30];
	_ =	sdelay $0x4  }
0x33: {  	v62 =	vshll.u32 v3, $0x1  }
0x34: {  	v3 =	vand.u32 $0x7, v3;
	v4 =	vand.u32 $0xFFFFFFF0, v62  }
0x35: {  	v3 =	vor.u32 v3, v4  }
0x36: {  	v4 =	vperm.xlane v3, v0;
	_ =	sdelay $0x1  }
0x37: {  	v3 =	vperm.xlane v3, v2;
	v4 =	vadd.s32 v1, v4;
	_ =	sdelay $0x1  }
0x38: {  	v3 =	vadd.s32 v1, v3;
	_ =	sdelay $0x2  }
0x39: {  	[tilespmem:s14], [sflag:$0x1] =	stream.indirect_vreg.gather [hbm4b:s3+s2], $0x80, v4, vm0, $0xb8;
	[tilespmem:$0x5080] =	vst v63  }
0x3a: {  	_ = 	snop  }
0x3b: {  	[tilespmem:s15], [sflag:$0x1] =	stream.indirect_vreg.gather [hbm4b:s3+s2], $0x80, v3, vm0, $0xb8;
	[tilespmem:$0x5080] =	vst v63  }
0x3c: {  	v3 =	vld [tilespmem:$0x40];
	_ =	sdelay $0x4  }
0x3d: {  	v63 =	vshll.u32 v3, $0x1  }
0x3e: {  	v3 =	vand.u32 $0x7, v3;
	v4 =	vand.u32 $0xFFFFFFF0, v63  }
0x3f: {  	v3 =	vor.u32 v3, v4  }
0x40: {  	v4 =	vperm.xlane v3, v0;
	_ =	sdelay $0x1  }
0x41: {  	v3 =	vperm.xlane v3, v2;
	v4 =	vadd.s32 v1, v4;
	_ =	sdelay $0x1  }
0x42: {  	v3 =	vadd.s32 v1, v3;
	_ =	sdelay $0x2  }
0x43: {  	[tilespmem:s16], [sflag:$0x1] =	stream.indirect_vreg.gather [hbm4b:s3+s2], $0x80, v4, vm0, $0xb8;
	[tilespmem:$0x5080] =	vst v63  }
0x44: {  	_ = 	snop  }
0x45: {  	[tilespmem:s17], [sflag:$0x1] =	stream.indirect_vreg.gather [hbm4b:s3+s2], $0x80, v3, vm0, $0xb8;
	[tilespmem:$0x5080] =	vst v63  }
0x46: {  	_ =	swait.ge [sflag:s18], $0x5000  }
0x47: {  	p0 =	sne.s32 s21, $0x4D8;
	[sflag:s18] =	ssyncset.done $0x0  }
.Ltmp0:
0x48: {  	[sflag:s18] =	ssyncadd.s32 $0xFFFFB000;
	(pc) =	sbr.rel @p0 .LBB2_2-.Ltmp0, $4  }
0x49: {  	[hbm4b:s20+s2] =	stream.linear.scatter [tilespmem:s8], [sflag:$0x2], $0x5000, $0x38;
	[tilespmem:$0x5080] =	vst v63  }
0x4a: {  	_ =	swait.ge [sflag:s7], $0x5000  }
0x4b: {  	[sflag:s7] =	ssyncset.done $0x0  }
0x4c: {  	s21 =	sadd.s32 $0xA, s21;
	s20 =	sadd.s32 $0xA00, s20;
	[sflag:s7] =	ssyncadd.s32 $0xFFFFB000  }
0x4d: {  	s19 =	sadd.s32 $0x1, s19  }
0x4e: {  	p0 =	sne.s32 s19, s4  }
.Ltmp1:
0x4f: {  	_ = 	snop;
	(pc) =	sbr.rel @p0 .LBB2_1-.Ltmp1, $1  }
0x50: {  	_ =	sdelay $0x3  }
0x51: {  	_ =	sfence.sel $0x180000  }
0x52: {  	[bflag:$0x0] =	sbarrier.arrive $0xFFFF  }
0x53: {  	p0 =	sne.s32 s1, $0x0;
	_ =	strace $0x9000004D  }
0x54: {  	s0 =	sadd.s32 @!p0 $0x100000, s0;
	[bflag:$0x2] =	sbarrier.arrive $0xFFFF  }
0x55: {  	[sflag:s0] =	ssyncadd.tile.s32 @!p0 $0x1;
	_ =	shalt  }
.Lfunc_end2:
_tile_overlayer_lowered:
.L_overlay_start_2:
0x56: {  	(tag) =	ssettag $0x2  }
0x57: {  	s0 =	rddreg [dreg:$0x0];
	s2 =	stileid.u32  }
0x58: {  	s1 =	rddreg [dreg:$0x1];
	p0 =	sne.s32 s2, $0x0  }
0x59: {  	s3 =	rddreg [dreg:$0x2];
	[bflag:$0x3] =	sbarrier.arrive $0xFFFF;
	s2 =	simm.s32 @!p0 $0x1C02  }
0x5a: {  	[timem:s3], [sflag:s2] =	dma.local @!p0 [hbm:s0], s1  }
0x5b: {  	s0 =	simm.s32 @!p0 $0x2  }
0x5c: {  	_ =	swait.ge @!p0 [sflag:s0], s1  }
0x5d: {  	s1 =	ssub.s32 @!p0 $0x0, s1;
	[sflag:s0] =	ssyncset.done @!p0 $0x0  }
0x5e: {  	[sflag:s0] =	ssyncadd.s32 @!p0 s1  }
0x5f: {  	[bflag:$0x3] =	sbarrier.arrive $0xFFFF  }
0x60: {  	_ =	shalt  }

// kernel: kernel.8.cloned.1.call-start
scs
__scs_entry_jumppad:
0x0: {  	(pc) =	sbr.rel $0x88, $3  }
0x1: {  	(tag) =	ssettag $0x0;
	lr =	simm.s32 $0x1  }
0x2: {  	[smem:$0x3F96] =	sst lr;
	_ =	strace $0xD0000000  }
0x3: {  	_ = 	snop  }
0x4: {  	_ = 	snop  }
0x5: {  	_ = 	snop  }
0x6: {  	_ = 	snop  }
0x7: {  	_ = 	snop  }
__scs_overlays_trampoline_lowered:
0x8: {  	[smem:$0x3FA5] =	sst s0  }
0x9: {  	[smem:$0x3FA6] =	sst s1  }
0xa: {  	[smem:$0x3FA7] =	sst s2  }
0xb: {  	[smem:$0x3FA8] =	sst s3  }
0xc: {  	[smem:$0x3FA9] =	sst s4  }
0xd: {  	[smem:$0x3FAA] =	sst s5  }
0xe: {  	[smem:$0x3FAB] =	sst s6  }
0xf: {  	[smem:$0x3FAC] =	sst s7  }
0x10: {  	[smem:$0x3FAD] =	sst s8  }
0x11: {  	[smem:$0x3FAE] =	sst s9;
	s0 =	simm.s32 @!p0 $0x0  }
0x12: {  	s1 =	sld [smem:$0x3F94];
	s0 =	simm.s32 @p0 $0x1  }
0x13: {  	[smem:$0x3FAF] =	sst s0;
	s0 =	simm.s32 @!p1 $0x0  }
0x14: {  	s2 =	sld [smem:$0x3F93];
	s0 =	simm.s32 @p1 $0x1  }
0x15: {  	[smem:$0x3FB0] =	sst s0;
	s0 =	simm.s32 @!p2 $0x0  }
0x16: {  	s3 =	sld [smem:$0x3FDB];
	s0 =	simm.s32 @p2 $0x1  }
0x17: {  	s4 =	simm.s32 $0x1BF5;
	[smem:$0x3FB2] =	sst s0  }
0x18: {  	s0 =	sld [smem:$0x3F95];
	_ =	swait.ge [sflag:s4], $0x0  }
0x19: {  	s7 =	sld [smem:$0x3F96]  }
0x1a: {  	s8 =	sadd.s32 $0xFFFFE003, lr  }
0x1b: {  	s9 =	sadd.s32 $0xFFFFFEF7, lr;
	s5 =	simm.s32 $0xFFFFFFFF;
	p2 =	slt.u32 s8, $0xFFFFF086  }
0x1c: {  	p1 =	slt.u32 s9, $0xF7A;
	s5 =	simm.s32 @!p2 $0x0  }
0x1d: {  	s5 =	simm.s32 @p1 $0x1;
	p0 =	seq.s32 s7, s2  }
0x1e: {  	s7 =	smul.u32 @!p0 $0xF7A, s2;
	p2 =	seq.s32 @!p0 s5, $0x0  }
0x1f: {  	s9 =	smul.u32 $0xF7A, s1;
	s8 =	simm.s32 @!p0 $0x1BF5;
	p2 =	por !p2, p0  }
0x20: {  	[sflag:s8] =	ssyncset.s32 @!p0 $0xFFFFF086;
	s6 =	sadd.s32 @!p0 s3, s7;
	s7 =	simm.s32 @!p0 $0x108  }
0x21: {  	s3 =	sadd.s32 s3, s9;
	s6 =	sadd.s32 @!p0 $0x88, s6;
	s7 =	simm.s32 @p2 $0x1082  }
0x22: {  	[simem:s7], [sflag:s8] =	dma.local @!p0 [hbm:s6], $0xF7A  }
0x23: {  	s9 =	sor.u32 $0xD0000000, s2;
	s6 =	simm.s32 $0x108;
	_ =	swait.ge @!p0 [sflag:s8], $0x0  }
0x24: {  	s3 =	sadd.s32 $0x88, s3;
	s6 =	simm.s32 @!p1 $0x1082;
	[sflag:s4] =	ssyncset.s32 $0xFFFFF086  }
0x25: {  	[simem:s6], [sflag:s4] =	dma.local [hbm:s3], $0xF7A  }
0x26: {  	[smem:$0x3F96] =	sst s1;
	(tag) =	ssettag s2;
	_ =	strace s9  }
0x27: {  	s1 =	sld [smem:$0x3FA6]  }
0x28: {  	s2 =	sld [smem:$0x3FA7]  }
0x29: {  	s4 =	sld [smem:$0x3FA9]  }
0x2a: {  	p0 =	seq.s32 s5, $0x0;
	s5 =	sld [smem:$0x3FAA]  }
0x2b: {  	s6 =	sld [smem:$0x3FAB]  }
0x2c: {  	s7 =	sld [smem:$0x3FAC]  }
0x2d: {  	s3 =	simm.s32 $0x108;
	s8 =	sld [smem:$0x3FAD]  }
0x2e: {  	s3 =	simm.s32 @!p0 $0x1082;
	s9 =	sld [smem:$0x3FAE]  }
0x2f: {  	lr =	sadd.s32 s0, s3;
	s0 =	sld [smem:$0x3FA5]  }
0x30: {  	s3 =	sld [smem:$0x3FA8]  }
0x31: {  	[smem:$0x3FB1] =	sst s10  }
0x32: {  	s10 =	sld [smem:$0x3FAF];
	_ =	sdelay $0x3  }
0x33: {  	p0 =	seq.s32 s10, $0x1;
	s10 =	sld [smem:$0x3FB1];
	_ =	sdelay $0x3  }
0x34: {  	[smem:$0x3FB1] =	sst s10  }
0x35: {  	s10 =	sld [smem:$0x3FB0];
	_ =	sdelay $0x3  }
0x36: {  	p1 =	seq.s32 s10, $0x1;
	s10 =	sld [smem:$0x3FB1];
	_ =	sdelay $0x3  }
0x37: {  	[smem:$0x3FB1] =	sst s10  }
0x38: {  	s10 =	sld [smem:$0x3FB2]  }
0x39: {  	_ = 	snop;
	(pc) =	sbr.ind lr, $3  }
0x3a: {  	_ = 	snop  }
0x3b: {  	_ = 	snop  }
0x3c: {  	p2 =	seq.s32 s10, $0x1;
	s10 =	sld [smem:$0x3FB1]  }
0x3d: {  	_ =	shalt  }
0x3e: {  	_ =	shalt  }
0x3f: {  	_ =	shalt  }
0x40: {  	_ =	shalt  }
0x41: {  	_ =	shalt  }
0x42: {  	_ =	shalt  }
0x43: {  	_ =	shalt  }
0x44: {  	_ =	shalt  }
0x45: {  	_ =	shalt  }
0x46: {  	_ =	shalt  }
0x47: {  	_ =	shalt  }
0x48: {  	_ =	shalt  }
0x49: {  	_ =	shalt  }
0x4a: {  	_ =	shalt  }
0x4b: {  	_ =	shalt  }
0x4c: {  	_ =	shalt  }
0x4d: {  	_ =	shalt  }
0x4e: {  	_ =	shalt  }
0x4f: {  	_ =	shalt  }
0x50: {  	_ =	shalt  }
0x51: {  	_ =	shalt  }
0x52: {  	_ =	shalt  }
0x53: {  	_ =	shalt  }
0x54: {  	_ =	shalt  }
0x55: {  	_ =	shalt  }
0x56: {  	_ =	shalt  }
0x57: {  	_ =	shalt  }
0x58: {  	_ =	shalt  }
0x59: {  	_ =	shalt  }
0x5a: {  	_ =	shalt  }
0x5b: {  	_ =	shalt  }
0x5c: {  	_ =	shalt  }
0x5d: {  	_ =	shalt  }
0x5e: {  	_ =	shalt  }
0x5f: {  	_ =	shalt  }
0x60: {  	_ =	shalt  }
0x61: {  	_ =	shalt  }
0x62: {  	_ =	shalt  }
0x63: {  	_ =	shalt  }
0x64: {  	_ =	shalt  }
0x65: {  	_ =	shalt  }
0x66: {  	_ =	shalt  }
0x67: {  	_ =	shalt  }
0x68: {  	_ =	shalt  }
0x69: {  	_ =	shalt  }
0x6a: {  	_ =	shalt  }
0x6b: {  	_ =	shalt  }
0x6c: {  	_ =	shalt  }
0x6d: {  	_ =	shalt  }
0x6e: {  	_ =	shalt  }
0x6f: {  	_ =	shalt  }
0x70: {  	_ =	shalt  }
0x71: {  	_ =	shalt  }
0x72: {  	_ =	shalt  }
0x73: {  	_ =	shalt  }
0x74: {  	_ =	shalt  }
0x75: {  	_ =	shalt  }
0x76: {  	_ =	shalt  }
0x77: {  	_ =	shalt  }
0x78: {  	_ =	shalt  }
0x79: {  	_ =	shalt  }
0x7a: {  	_ =	shalt  }
0x7b: {  	_ =	shalt  }
0x7c: {  	_ =	shalt  }
0x7d: {  	_ =	shalt  }
0x7e: {  	_ =	shalt  }
0x7f: {  	_ =	shalt  }
0x80: {  	_ =	shalt  }
0x81: {  	_ =	shalt  }
0x82: {  	_ =	shalt  }
0x83: {  	_ =	shalt  }
0x84: {  	_ =	shalt  }
0x85: {  	_ =	shalt  }
0x86: {  	_ =	shalt  }
0x87: {  	_ =	shalt  }
.Lfunc_end0:
.L_simem_size_0:
called_computation_lowered:
.L_overlay_start_0:
0x88: {  	s2 =	sld [smem:$0x3FD9]  }
0x89: {  	s3 =	sld [smem:$0x3FFE];
	_ =	sdelay $0x1  }
0x8a: {  	s1 =	srdreg.scid  }
0x8b: {  	s0 =	sand.u32 $0x1, s1  }
0x8c: {  	s16 =	sshll.u32 s0, $0xA;
	s2 =	sadd.s32 s3, s2  }
0x8d: {  	s2 =	sadd.s32 s2, s16  }
0x8e: {  	[smem:$0x3FBD] =	sst s2  }
0x8f: {  	_ = 	snop  }
0x90: {  	(tm) =	ssettm $0x1  }
0x91: {  	s17 =	sld [smem:$0x3FFB];
	_ =	sdelay $0x3  }
0x92: {  	_ =	strace s17  }
0x93: {  	s2 =	sld [smem:$0x3FFC];
	_ =	sdelay $0x3  }
0x94: {  	_ =	strace s2  }
0x95: {  	s2 =	sld [smem:$0x3FFD];
	_ =	sdelay $0x3  }
0x96: {  	_ =	strace s2  }
0x97: {  	_ =	strace $0x8FFFFFFF  }
0x98: {  	s18 =	sld [smem:$0x3FDB];
	_ =	sdelay $0x1  }
0x99: {  	s19 =	simm.s32 $_scs_section_size  }
0x9a: {  	s4 =	simm.s32 $_size__tile_overlayer_lowered;
	s5 =	simm.s32 $_tile_overlayer_lowered  }
0x9b: {  	s22 =	simm.s32 $0x1BFF;
	s21 =	sshll.u32 s5, $0x1;
	s2 =	sadd.s32 s19, s18  }
0x9c: {  	s6 =	simm.s32 $0x0;
	s20 =	sshll.u32 s4, $0x1;
	s4 =	sadd.s32 s21, s2  }
0x9d: {  	[timem:s6], [sflag:s22] =	dma.local [hbm:s4], s20  }
0x9e: {  	_ =	swait.ge [sflag:s22], s20  }
0x9f: {  	s3 =	ssub.s32 $0x0, s20;
	[sflag:s22] =	ssyncset.done $0x0  }
0xa0: {  	[sflag:s22] =	ssyncadd.s32 s3;
	_ =	sdelay $0x1  }
0xa1: {  	s23 =	simm.s32 $0x1B8B  }
0xa2: {  	_ =	swait.ge [sflag:s23], $0x1  }
0xa3: {  	[sflag:s23] =	ssyncset.done $0x0  }
0xa4: {  	s25 =	simm.s32 $0x1B8E;
	s24 =	sld [smem:$0x3FFE];
	[sflag:s23] =	ssyncadd.s32 $0xFFFFFFFF  }
0xa5: {  	s26 =	simm.s32 $execute0_lowered;
	[smem:$0x3FD2] =	sst s25  }
0xa6: {  	s4 =	sshll.u32 s26, $0x1;
	_ =	strace $0x80000046;
	[dreg:$0x1] =	wrdreg $0xFFFFFFFF  }
0xa7: {  	s28 =	simm.s32 $_size_execute0_lowered;
	s2 =	sadd.s32 s2, s4;
	[dreg:$0x0] =	wrdreg $0x0  }
0xa8: {  	s4 =	sshll.u32 s28, $0x1;
	[dreg:$0x2] =	wrdreg s2  }
0xa9: {  	[dreg:$0x3] =	wrdreg s4  }
0xaa: {  	[dreg:$0x4] =	wrdreg $0xC0  }
0xab: {  	_ =	task [dreg:s6], $0x5FFFF  }
0xac: {  	[dreg:$0x1] =	wrdreg $0xFFFFFFFF  }
0xad: {  	[dreg:$0x0] =	wrdreg $0x60  }
0xae: {  	[dreg:$0x2] =	wrdreg s24  }
0xaf: {  	[dreg:$0x3] =	wrdreg $0x9  }
0xb0: {  	_ =	task.clear_ibuf [dreg:s6], $0x4FFFF;
	_ =	strace $0x90000046  }
0xb1: {  	s29 =	simm.s32 $0x9;
	_ =	strace $0x80000048  }
0xb2: {  	_ =	swait.ge [sflag:s29], $0x1  }
0xb3: {  	[sflag:s29] =	ssyncadd.s32 $0xFFFFFFFF  }
0xb4: {  	_ =	strace $0x90000048  }
0xb5: {  	_ =	sfence  }
0xb6: {  	s30 =	sld [smem:$0x0];
	_ =	sdelay $0x2  }
0xb7: {  	s31 =	sshll.u32 s1, $0xD;
	s1 =	sshrl.u32 s1, $0x2  }
0xb8: {  	s3 =	sand.u32 $0x4000, s31;
	s1 =	sadd.s32 s1, s30  }
0xb9: {  	s0 =	sor.u32 s3, s0;
	s1 =	sshll.u32 s1, $0x11  }
0xba: {  	s0 =	sor.u32 s1, s0  }
0xbb: {  	s0 =	sadd.s32 $0x8F2B, s0  }
0xbc: {  	[sflag:s0] =	ssyncadd.remote.s32 $0x1  }
0xbd: {  	_ =	sfence.sel $0xFFFF  }
0xbe: {  	[dreg:$0x0] =	wrdreg $0xFFFFFFFF;
	(pc) =	sbr.abs _section_cstart, $3  }
0xbf: {  	[dreg:$0x1] =	wrdreg $0xFFFFFFFF  }
0xc0: {  	_ =	task.clear_ibuf [dreg:s6], $0x2FFFF;
	_ =	strace $0x9FFFFFFF  }
0xc1: {  	(tm) =	ssettm $0x7FFFFFFF  }
tec
execute0_lowered:
.L_overlay_start_1:
0x0: {  	(tag) =	ssettag $0x1  }
0x1: {  	s6 =	rddreg [dreg:$0x0]  }
0x2: {  	s0 =	rddreg [dreg:$0x1];
	s1 =	simm.s32 $0x0;
	s2 =	srdreg.scid  }
0x3: {  	s11 =	simm.s32 $0x0;
	[smem:$0x7FF] =	sst s1;
	s7 =	sand.u32 $0x1, s2  }
0x4: {  	s3 =	sadd.s32 $0x15E00, s6;
	s2 =	stileid.u32;
	s4 =	sadd.s32 $0xC000, s6  }
0x5: {  	v0 =	vlaneseq.u32;
	s5 =	sadd.s32 $0x2200, s6;
	s6 =	sadd.s32 $0x18600, s6;
	s8 =	ssub.s32 $0x2, s7  }
0x6: {  	v0 =	vmul.u32 $0x8, v0;
	_ =	strace $0x80000047;
	s10 =	sshll.u32 s2, $0x1;
	s9 =	sshrl.u32 s8, $0x1  }
0x7: {  	s7 =	sor.u32 s7, s10;
	s10 =	simm.s32 $0x13980;
	s8 =	ssub.s32 s8, s9  }
0x8: {  	v1 =	vimm.f32 $0.0e+00;
	v2 =	vor.u32 $0x1, v0;
	v3 =	vor.u32 $0x2, v0;
	s7 =	smul.u32 $0x2710, s7;
	s9 =	simm.s32 $0x1;
	s8 =	smax.u32 s8, $0x1  }
.LBB2_1:
0x9: {  	[tilespmem:s1], [sflag:$0x1] =	stream.linear.gather [hbm4b:s3+s1], $0x13880, $0x38;
	[tilespmem:$0x13C00] =	vst v63  }
0xa: {  	_ =	swait.ge [sflag:s9], $0x13880  }
0xb: {  	[sflag:s9] =	ssyncset.done $0x0  }
0xc: {  	[sflag:s9] =	ssyncadd.s32 $0xFFFEC780  }
0xd: {  	[tilespmem:$0x13980] =	vst v1  }
0xe: {  	[tilespmem:$0x13990] =	vst v1  }
0xf: {  	[tilespmem:$0x139A0] =	vst v1  }
0x10: {  	[tilespmem:$0x139B0] =	vst v1  }
0x11: {  	[tilespmem:$0x139C0] =	vst v1  }
0x12: {  	[tilespmem:$0x139D0] =	vst v1  }
0x13: {  	[tilespmem:$0x139E0] =	vst v1  }
0x14: {  	[tilespmem:$0x139F0] =	vst v1  }
0x15: {  	[tilespmem:$0x13A00] =	vst v1  }
0x16: {  	[tilespmem:$0x13A10] =	vst v1  }
0x17: {  	[tilespmem:$0x13A20] =	vst v1  }
0x18: {  	[tilespmem:$0x13A30] =	vst v1  }
0x19: {  	[tilespmem:$0x13A40] =	vst v1  }
0x1a: {  	[tilespmem:$0x13A50] =	vst v1  }
0x1b: {  	[tilespmem:$0x13A60] =	vst v1  }
0x1c: {  	[tilespmem:$0x13A70] =	vst v1  }
0x1d: {  	[tilespmem:$0x13A80] =	vst v1  }
0x1e: {  	[tilespmem:$0x13A90] =	vst v1  }
0x1f: {  	[tilespmem:$0x13AA0] =	vst v1  }
0x20: {  	[tilespmem:$0x13AB0] =	vst v1  }
0x21: {  	[tilespmem:$0x13AC0] =	vst v1  }
0x22: {  	[tilespmem:$0x13AD0] =	vst v1  }
0x23: {  	[tilespmem:$0x13AE0] =	vst v1  }
0x24: {  	[tilespmem:$0x13AF0] =	vst v1  }
0x25: {  	[tilespmem:$0x13B00] =	vst v1  }
0x26: {  	[tilespmem:$0x13B10] =	vst v1  }
0x27: {  	[tilespmem:$0x13B20] =	vst v1  }
0x28: {  	[tilespmem:$0x13B30] =	vst v1  }
0x29: {  	[tilespmem:$0x13B40] =	vst v1  }
0x2a: {  	[tilespmem:$0x13B50] =	vst v1  }
0x2b: {  	[tilespmem:$0x13B60] =	vst v1  }
0x2c: {  	[tilespmem:$0x13B70] =	vst v1  }
0x2d: {  	[tilespmem:$0x13B80] =	vst v1  }
0x2e: {  	[tilespmem:$0x13B90] =	vst v1  }
0x2f: {  	[tilespmem:$0x13BA0] =	vst v1  }
0x30: {  	[tilespmem:$0x13BB0] =	vst v1  }
0x31: {  	[tilespmem:$0x13BC0] =	vst v1  }
0x32: {  	[tilespmem:$0x13BD0] =	vst v1  }
0x33: {  	[tilespmem:$0x13BE0] =	vst v1  }
0x34: {  	s12 =	simm.s32 $0x0;
	[tilespmem:$0x13BF0] =	vst v1  }
.LBB2_2:
0x35: {  	s13 =	smul.u32 $0x50, s12;
	_ =	sdelay $0x1  }
0x36: {  	s13 =	sadd.s32 s7, s13  }
0x37: {  	s15 =	sshrl.u32 s13, $0x3  }
0x38: {  	s17 =	simm.s32 $0x0;
	s14 =	simm.s32 $0x13880;
	s16 =	sadd.s32 s4, s15  }
0x39: {  	[tilespmem:s14], [sflag:$0x1] =	stream.linear.gather [hbm4b:s16+s17], $0x50, $0x38;
	[tilespmem:$0x13C00] =	vst v63  }
0x3a: {  	_ =	swait.ge [sflag:s9], $0x50  }
0x3b: {  	[sflag:s9] =	ssyncset.done $0x0  }
0x3c: {  	s31 =	sadd.s32 s5, s15;
	s15 =	simm.s32 $0x13900;
	[sflag:s9] =	ssyncadd.s32 $0xFFFFFFB0  }
0x3d: {  	[tilespmem:s15], [sflag:$0x1] =	stream.linear.gather [hbm4b:s31+s17], $0x50, $0x38;
	[tilespmem:$0x13C00] =	vst v63  }
0x3e: {  	_ =	swait.ge [sflag:s9], $0x50  }
0x3f: {  	[sflag:s9] =	ssyncset.done $0x0  }
0x40: {  	[sflag:s9] =	ssyncadd.s32 $0xFFFFFFB0  }
0x41: {  	v4 =	vld [tilespmem:s14+$0x0]  }
0x42: {  	v5 =	vld [tilespmem:s15+$0x0];
	_ =	sdelay $0x3  }
0x43: {  	v4 =	vshll.u32 v4, $0x3  }
0x44: {  	v5 =	vshll.u32 v5, $0x3;
	_ =	sdelay $0x1  }
0x45: {  	v6 =	vmov s17  }
0x46: {  	v6 =	vshrl.u32 v6, $0x7  }
0x47: {  	v6 =	vshll.u32 v6, $0x7;
	v7 =	vld.idx.msk [tilespmem:v4+s1+$0x0], $0xffff  }
0x48: {  	v9 =	vbroadcast v6, $0x0;
	v8 =	vld.idx.msk [tilespmem:v5+s1+$0x0], $0xffff;
	_ =	sdelay $0x1  }
0x49: {  	v6 =	vor.u32 v0, v9  }
0x4a: {  	v10 =	vor.u32 $0x1, v4  }
0x4b: {  	v11 =	vor.u32 $0x1, v5  }
0x4c: {  	v7 =	vsub.f32 v7, v8;
	_ =	sdelay $0x1  }
0x4d: {  	[tilespmem:v6+s10+$0x0] =	vst.idx.msk $0xffff, v7  }
0x4e: {  	v6 =	vld.idx.msk [tilespmem:v10+s1+$0x0], $0xffff  }
0x4f: {  	v7 =	vld.idx.msk [tilespmem:v11+s1+$0x0], $0xffff;
	_ =	sdelay $0x1  }
0x50: {  	v8 =	vor.u32 v2, v9  }
0x51: {  	v4 =	vor.u32 $0x2, v4  }
0x52: {  	v63 =	vor.u32 $0x2, v5  }
0x53: {  	v5 =	vsub.f32 v6, v7;
	_ =	sdelay $0x1  }
0x54: {  	[tilespmem:v8+s10+$0x0] =	vst.idx.msk $0xffff, v5  }
0x55: {  	v5 =	vld.idx.msk [tilespmem:v4+s1+$0x0], $0xffff  }
0x56: {  	v6 =	vld.idx.msk [tilespmem:v63+s1+$0x0], $0xffff  }
0x57: {  	s16 =	simm.s32 $0x80;
	v4 =	vor.u32 v3, v9  }
.LBB2_3:
0x58: {  	_ =	sdelay $0x2  }
0x59: {  	p0 =	sne.s32 s16, $0x200;
	s14 =	sadd.s32 $0x10, s14;
	s15 =	sadd.s32 $0x10, s15;
	v5 =	vsub.f32 v5, v6  }
0x5a: {  	s17 =	smov.u32 s16;
	s16 =	sadd.s32 $0x80, s16  }
0x5b: {  	[tilespmem:v4+s10+$0x0] =	vst.idx.msk $0xffff, v5  }
0x5c: {  	v4 =	vld [tilespmem:s14+$0x0]  }
0x5d: {  	v5 =	vld [tilespmem:s15+$0x0];
	_ =	sdelay $0x3  }
0x5e: {  	v4 =	vshll.u32 v4, $0x3  }
0x5f: {  	v5 =	vshll.u32 v5, $0x3;
	_ =	sdelay $0x2  }
0x60: {  	v6 =	vmov s17  }
0x61: {  	v6 =	vshrl.u32 v6, $0x7;
	v7 =	vld.idx.msk [tilespmem:v4+s1+$0x0], $0xffff  }
0x62: {  	v6 =	vshll.u32 v6, $0x7;
	v8 =	vld.idx.msk [tilespmem:v5+s1+$0x0], $0xffff  }
0x63: {  	v9 =	vbroadcast v6, $0x0;
	_ =	sdelay $0x1  }
0x64: {  	v6 =	vor.u32 v0, v9  }
0x65: {  	v10 =	vor.u32 $0x1, v4;
	v11 =	vor.u32 $0x1, v5;
	_ =	sdelay $0x1  }
0x66: {  	v7 =	vsub.f32 v7, v8;
	_ =	sdelay $0x1  }
0x67: {  	[tilespmem:v6+s10+$0x0] =	vst.idx.msk $0xffff, v7  }
0x68: {  	v6 =	vld.idx.msk [tilespmem:v10+s1+$0x0], $0xffff  }
0x69: {  	v7 =	vld.idx.msk [tilespmem:v11+s1+$0x0], $0xffff;
	_ =	sdelay $0x1  }
0x6a: {  	v8 =	vor.u32 v2, v9;
	_ =	sdelay $0x1  }
0x6b: {  	v4 =	vor.u32 $0x2, v4;
	v10 =	vor.u32 $0x2, v5;
	_ =	sdelay $0x1  }
0x6c: {  	v5 =	vsub.f32 v6, v7  }
.Ltmp0:
0x6d: {  	(pc) =	sbr.rel @p0 .LBB2_3-.Ltmp0, $4  }
0x6e: {  	[tilespmem:v8+s10+$0x0] =	vst.idx.msk $0xffff, v5  }
0x6f: {  	v5 =	vld.idx.msk [tilespmem:v4+s1+$0x0], $0xffff  }
0x70: {  	v6 =	vld.idx.msk [tilespmem:v10+s1+$0x0], $0xffff  }
0x71: {  	v4 =	vor.u32 v3, v9  }
0x72: {  	_ =	sdelay $0x2  }
0x73: {  	s12 =	sadd.s32 $0x1, s12;
	v5 =	vsub.f32 v5, v6  }
0x74: {  	p0 =	sne.s32 s12, $0x7D  }
.Ltmp1:
0x75: {  	s13 =	sadd.s32 s6, s13;
	[tilespmem:v4+s10+$0x0] =	vst.idx.msk $0xffff, v5;
	(pc) =	sbr.rel @p0 .LBB2_2-.Ltmp1, $4  }
0x76: {  	[hbm4b:s13+s1] =	stream.linear.scatter [tilespmem:s10], [sflag:$0x1], $0x280, $0x38;
	[tilespmem:$0x13C00] =	vst v63  }
0x77: {  	_ =	swait.ge [sflag:s9], $0x280  }
0x78: {  	[sflag:s9] =	ssyncset.done $0x0  }
0x79: {  	[sflag:s9] =	ssyncadd.s32 $0xFFFFFD80  }
0x7a: {  	s11 =	sadd.s32 $0x1, s11  }
0x7b: {  	p0 =	sne.s32 s11, s8  }
.Ltmp2:
0x7c: {  	_ = 	snop;
	(pc) =	sbr.rel @p0 .LBB2_1-.Ltmp2, $1  }
0x7d: {  	_ =	sdelay $0x3  }
0x7e: {  	_ =	sfence.sel $0x180000  }
0x7f: {  	[bflag:$0x0] =	sbarrier.arrive $0xFFFF  }
0x80: {  	p0 =	sne.s32 s2, $0x0;
	_ =	strace $0x90000047  }
0x81: {  	s0 =	sadd.s32 @!p0 $0x100000, s0;
	[bflag:$0x2] =	sbarrier.arrive $0xFFFF  }
0x82: {  	[sflag:s0] =	ssyncadd.tile.s32 @!p0 $0x1;
	_ =	shalt  }
.Lfunc_end2:
_tile_overlayer_lowered:
.L_overlay_start_2:
0x83: {  	(tag) =	ssettag $0x2  }
0x84: {  	s0 =	rddreg [dreg:$0x0];
	s2 =	stileid.u32  }
0x85: {  	s1 =	rddreg [dreg:$0x1];
	p0 =	sne.s32 s2, $0x0  }
0x86: {  	s3 =	rddreg [dreg:$0x2];
	[bflag:$0x3] =	sbarrier.arrive $0xFFFF;
	s2 =	simm.s32 @!p0 $0x1C01  }
0x87: {  	[timem:s3], [sflag:s2] =	dma.local @!p0 [hbm:s0], s1  }
0x88: {  	s0 =	simm.s32 @!p0 $0x1  }
0x89: {  	_ =	swait.ge @!p0 [sflag:s0], s1  }
0x8a: {  	s1 =	ssub.s32 @!p0 $0x0, s1;
	[sflag:s0] =	ssyncset.done @!p0 $0x0  }
0x8b: {  	[sflag:s0] =	ssyncadd.s32 @!p0 s1  }
0x8c: {  	[bflag:$0x3] =	sbarrier.arrive $0xFFFF  }
0x8d: {  	_ =	shalt  }

</sc_bundles>
